<compile_context>
chip_gen: v7x
topology: tpu7x:2x2x1
jax: 0.10.2.dev20260603
libtpu: 0.0.44.dev20260713+nightly
codegen_flags: <defaults>
</compile_context>

<pallas_src>
import jax
import jax.numpy as jnp
from jax import lax
from jax.experimental import pallas as pl
from jax.experimental.pallas import tpu as pltpu
from jax.experimental.pallas import tpu_sc as plsc

B = 16384
NE = 1000000
NR = 1000
D = 64
W = 2 * D
L = 16
NC = 2
NS = 16
NW = NC * NS
BPW = B // NW
CHUNK = 128
NCHUNK = BPW // CHUNK

EB = 32768
GRID = (NE + EB - 1) // EB
FR = GRID * (EB // 2)


def _format_tc(x_ref, o_ref):
    for m in range(EB // 256):
        xa = x_ref[:, m * 256:m * 256 + 128]
        xb = x_ref[:, m * 256 + 128:m * 256 + 256]
        x2 = jnp.concatenate([xa, xb], axis=0)
        o_ref[m * 128:(m + 1) * 128, :] = jnp.transpose(x2)


def _score_sc(ph_hbm, pr_hbm, pt_hbm, nh_hbm, nt_hbm, ent_hbm, rel_hbm,
              pos_hbm, neg_hbm,
              phv, prv, ptv, nhv, ntv,
              phh, pth, nhh, nth,
              ph_rows, pt_rows, nh_rows, nt_rows, r_rows,
              pos_v, neg_v, sem):
    wid = lax.axis_index("s") * NC + lax.axis_index("c")
    lane = lax.iota(jnp.int32, L)

    def chunk_body(c, chunk_carry):
        base = wid * BPW + c * CHUNK
        sl = pl.ds(base, CHUNK)
        pltpu.sync_copy(ph_hbm.at[sl], phv)
        pltpu.sync_copy(pr_hbm.at[sl], prv)
        pltpu.sync_copy(pt_hbm.at[sl], ptv)
        pltpu.sync_copy(nh_hbm.at[sl], nhv)
        pltpu.sync_copy(nt_hbm.at[sl], ntv)

        def rowmap(i, carry):
            ds16 = pl.ds(i * L, L)
            phh[ds16] = ((phv[ds16] >> 8) << 7) + (phv[ds16] & 127)
            pth[ds16] = ((ptv[ds16] >> 8) << 7) + (ptv[ds16] & 127)
            nhh[ds16] = ((nhv[ds16] >> 8) << 7) + (nhv[ds16] & 127)
            nth[ds16] = ((ntv[ds16] >> 8) << 7) + (ntv[ds16] & 127)
            return carry

        lax.fori_loop(0, CHUNK // L, rowmap, 0)

        g1 = pltpu.async_copy(ent_hbm.at[phh], ph_rows, sem)
        g2 = pltpu.async_copy(ent_hbm.at[pth], pt_rows, sem)
        g3 = pltpu.async_copy(ent_hbm.at[nhh], nh_rows, sem)
        g4 = pltpu.async_copy(ent_hbm.at[nth], nt_rows, sem)
        g5 = pltpu.async_copy(rel_hbm.at[prv], r_rows, sem)
        g1.wait(); g2.wait(); g3.wait(); g4.wait(); g5.wait()

        def body(g, carry):
            ds16 = pl.ds(g * L, L)
            rowidx = g * L + lane
            phi = phv[ds16]
            pti = ptv[ds16]
            nhi = nhv[ds16]
            nti = ntv[ds16]
            phb = ((phi >> 7) & 1) * D
            ptb = ((pti >> 7) & 1) * D
            nhb = ((nhi >> 7) & 1) * D
            ntb = ((nti >> 7) & 1) * D
            pacc = jnp.zeros((L,), jnp.float32)
            nacc = jnp.zeros((L,), jnp.float32)
            for d in range(D):
                rcol = (lane + d) & (D - 1)
                r = plsc.load_gather(r_rows, [rowidx, rcol])
                ph = plsc.load_gather(ph_rows, [rowidx, rcol + phb])
                pt = plsc.load_gather(pt_rows, [rowidx, rcol + ptb])
                nh = plsc.load_gather(nh_rows, [rowidx, rcol + nhb])
                nt = plsc.load_gather(nt_rows, [rowidx, rcol + ntb])
                pacc = pacc + jnp.abs(ph + r - pt)
                nacc = nacc + jnp.abs(nh + r - nt)
            pos_v[pl.ds(g * L, L)] = pacc
            neg_v[pl.ds(g * L, L)] = nacc
            return carry

        lax.fori_loop(0, CHUNK // L, body, 0)
        pltpu.sync_copy(pos_v, pos_hbm.at[sl])
        pltpu.sync_copy(neg_v, neg_hbm.at[sl])
        return chunk_carry

    lax.fori_loop(0, NCHUNK, chunk_body, 0)


@jax.jit
def kernel(pos_samples, neg_samples, entity_table, relation_table):
    ph = pos_samples[:, 0].astype(jnp.int32)
    pr = pos_samples[:, 1].astype(jnp.int32)
    pt = pos_samples[:, 2].astype(jnp.int32)
    nh = neg_samples[:, 0].astype(jnp.int32)
    nt = neg_samples[:, 2].astype(jnp.int32)
    entT = entity_table.T
    relp = jnp.pad(relation_table, ((0, 0), (0, W - D)))

    fmt = pl.pallas_call(
        _format_tc,
        grid=(GRID,),
        in_specs=[pl.BlockSpec((D, EB), lambda j: (0, j))],
        out_specs=pl.BlockSpec((EB // 2, W), lambda j: (j, 0)),
        out_shape=jax.ShapeDtypeStruct((FR, W), jnp.float32),
        compiler_params=pltpu.CompilerParams(
            dimension_semantics=("arbitrary",)),
    )(entT)

    mesh = plsc.VectorSubcoreMesh(core_axis_name="c", subcore_axis_name="s")
    params = pltpu.CompilerParams(
        needs_layout_passes=False, use_tc_tiling_on_sc=True)

    score = pl.kernel(
        _score_sc,
        out_type=(
            jax.ShapeDtypeStruct((B,), jnp.float32),
            jax.ShapeDtypeStruct((B,), jnp.float32),
        ),
        mesh=mesh,
        compiler_params=params,
        scratch_types=[
            pltpu.VMEM((CHUNK,), jnp.int32),
            pltpu.VMEM((CHUNK,), jnp.int32),
            pltpu.VMEM((CHUNK,), jnp.int32),
            pltpu.VMEM((CHUNK,), jnp.int32),
            pltpu.VMEM((CHUNK,), jnp.int32),
            pltpu.VMEM((CHUNK,), jnp.int32),
            pltpu.VMEM((CHUNK,), jnp.int32),
            pltpu.VMEM((CHUNK,), jnp.int32),
            pltpu.VMEM((CHUNK,), jnp.int32),
            pltpu.VMEM((CHUNK, W), jnp.float32),
            pltpu.VMEM((CHUNK, W), jnp.float32),
            pltpu.VMEM((CHUNK, W), jnp.float32),
            pltpu.VMEM((CHUNK, W), jnp.float32),
            pltpu.VMEM((CHUNK, W), jnp.float32),
            pltpu.VMEM((CHUNK,), jnp.float32),
            pltpu.VMEM((CHUNK,), jnp.float32),
            pltpu.SemaphoreType.DMA,
        ],
    )
    return score(ph, pr, pt, nh, nt, fmt, relp)

# --- scband reference (transcript-rebuilt; emitter-appended) ---
"""Pipeline reference for scband-trans-e-120259085105 (READ-ONLY COPY).

The authoritative reference and input builder live on the scoring server;
editing this copy changes nothing except your own understanding.
"""

import jax, jax.numpy as jnp
import numpy as np

B = 16384
NE = 1000000
NR = 1000
D = 64


def setup_inputs(seed: int = 0) -> dict:
    key = jax.random.key(seed)
    k1, k2, k3, k4, k5, k6, k7 = jax.random.split(key, 7)
    pos_head = jax.random.randint(k1, (B,), 0, NE)
    pos_rel = jax.random.randint(k2, (B,), 0, NR)
    pos_tail = jax.random.randint(k3, (B,), 0, NE)
    pos_samples = jnp.stack([pos_head, pos_rel, pos_tail], axis=1).astype(jnp.int64)
    neg_head = jax.random.randint(k4, (B,), 0, NE)
    neg_tail = jax.random.randint(k5, (B,), 0, NE)
    neg_samples = jnp.stack([neg_head, pos_rel, neg_tail], axis=1).astype(jnp.int64)
    entity_table = jax.random.normal(k6, (NE, D), dtype=jnp.float32)
    relation_table = jax.random.normal(k7, (NR, D), dtype=jnp.float32)
    return {
        "pos_samples": pos_samples,
        "neg_samples": neg_samples,
        "entity_table": entity_table,
        "relation_table": relation_table,
    }


def reference(pos_samples, neg_samples, entity_table, relation_table):
    pos_head = pos_samples[:, 0]
    pos_rel = pos_samples[:, 1]
    pos_tail = pos_samples[:, 2]
    neg_head = neg_samples[:, 0]
    neg_tail = neg_samples[:, 2]

    pos_head_emb = jnp.take(entity_table, pos_head, axis=0)
    pos_tail_emb = jnp.take(entity_table, pos_tail, axis=0)
    neg_head_emb = jnp.take(entity_table, neg_head, axis=0)
    neg_tail_emb = jnp.take(entity_table, neg_tail, axis=0)
    rel_emb = jnp.take(relation_table, pos_rel, axis=0)

    # L1 norm (p=1) along dim=1, matching torch.norm(..., p=1, dim=1)
    pos_score = jnp.sum(jnp.abs(pos_head_emb + rel_emb - pos_tail_emb), axis=1)
    neg_score = jnp.sum(jnp.abs(neg_head_emb + rel_emb - neg_tail_emb), axis=1)
    return (pos_score, neg_score)

if __name__ == "__main__":
    import jax
    _d = setup_inputs()
    print(jax.jit(kernel)(*tuple(_d.values())))

</pallas_src>

<mosaic_0001>
#map = affine_map<(d0, d1) -> (0)>
#map1 = affine_map<(d0, d1) -> (0, 0)>
module attributes {stable_mosaic.version = 14 : i64} {
  func.func @_score_sc(%arg0: i32, %arg1: i32, %arg2: memref<16384xi32, #tpu.memory_space<hbm>>, %arg3: memref<16384xi32, #tpu.memory_space<hbm>>, %arg4: memref<16384xi32, #tpu.memory_space<hbm>>, %arg5: memref<16384xi32, #tpu.memory_space<hbm>>, %arg6: memref<16384xi32, #tpu.memory_space<hbm>>, %arg7: memref<507904x128xf32, #tpu.memory_space<hbm>>, %arg8: memref<1000x128xf32, #tpu.memory_space<hbm>>, %arg9: memref<16384xf32, #tpu.memory_space<hbm>>, %arg10: memref<16384xf32, #tpu.memory_space<hbm>>, %arg11: memref<128xi32, #tpu.memory_space<vmem>>, %arg12: memref<128xi32, #tpu.memory_space<vmem>>, %arg13: memref<128xi32, #tpu.memory_space<vmem>>, %arg14: memref<128xi32, #tpu.memory_space<vmem>>, %arg15: memref<128xi32, #tpu.memory_space<vmem>>, %arg16: memref<128xi32, #tpu.memory_space<vmem>>, %arg17: memref<128xi32, #tpu.memory_space<vmem>>, %arg18: memref<128xi32, #tpu.memory_space<vmem>>, %arg19: memref<128xi32, #tpu.memory_space<vmem>>, %arg20: memref<128x128xf32, #tpu.memory_space<vmem>>, %arg21: memref<128x128xf32, #tpu.memory_space<vmem>>, %arg22: memref<128x128xf32, #tpu.memory_space<vmem>>, %arg23: memref<128x128xf32, #tpu.memory_space<vmem>>, %arg24: memref<128x128xf32, #tpu.memory_space<vmem>>, %arg25: memref<128xf32, #tpu.memory_space<vmem>>, %arg26: memref<128xf32, #tpu.memory_space<vmem>>, %arg27: memref<!tpu.dma_semaphore, #tpu.memory_space<semaphore_mem>>) attributes {dimension_semantics = [#tpu.dimension_semantics<core_parallel>, #tpu.dimension_semantics<subcore_parallel>], iteration_bounds = array<i64: 2, 16>, scalar_prefetch = 0 : i64, scratch_operands = 17 : i64, tpu.core_type = #tpu.core_type<sc_vector_subcore>, window_params = [{transform_indices = #map}, {transform_indices = #map}, {transform_indices = #map}, {transform_indices = #map}, {transform_indices = #map}, {transform_indices = #map1}, {transform_indices = #map1}, {transform_indices = #map}, {transform_indices = #map}]} {
    %mul3A = arith.constant 2 : i32
    %mul3A_0 = arith.muli %arg1, %mul3A : i32
    %add3A = arith.addi %mul3A_0, %arg0 : i32
    %iota3A = tpu.iota {dimensions = array<i32: 0>} : vector<16xi32>
    %scan3A = arith.constant 0 : i32
    %scan3A_1 = arith.constant 0 : i32
    %scan3A_2 = arith.constant 4 : i32
    %scan3A_3 = arith.addi %scan3A_1, %scan3A_2 : i32
    %scan3A_4 = arith.constant 1 : i32
    scf.for %scan3A_6 = %scan3A_1 to %scan3A_3 step %scan3A_4  : i32 {
      %mul3A_7 = arith.constant 512 : i32
      %mul3A_8 = arith.muli %add3A, %mul3A_7 : i32
      %mul3A_9 = arith.constant 128 : i32
      %mul3A_10 = arith.muli %scan3A_6, %mul3A_9 : i32
      %add3A_11 = arith.addi %mul3A_8, %mul3A_10 : i32
      "tpu.region"() ({
        %run_scoped3A = tpu.sem_alloc : memref<!tpu.dma_semaphore, #tpu.memory_space<semaphore_mem>>
        %dma_start3A_52 = tpu.memref_slice %arg2[%add3A_11] : memref<16384xi32, #tpu.memory_space<hbm>> -> memref<128xi32, #tpu.memory_space<hbm>>
        %dma_start3A_53 = tpu.memref_slice %arg2[%add3A_11] : memref<16384xi32, #tpu.memory_space<hbm>> -> memref<128xi32, #tpu.memory_space<hbm>>
        tpu.enqueue_dma source(%dma_start3A_53 : memref<128xi32, #tpu.memory_space<hbm>>) target(%arg11 : memref<128xi32, #tpu.memory_space<vmem>>) target_semaphore(%run_scoped3A : memref<!tpu.dma_semaphore, #tpu.memory_space<semaphore_mem>>)
        %dma_wait3A_54 = tpu.memref_slice %arg2[%add3A_11] : memref<16384xi32, #tpu.memory_space<hbm>> -> memref<128xi32, #tpu.memory_space<hbm>>
        %dma_wait3A_55 = tpu.memref_slice %arg2[%add3A_11] : memref<16384xi32, #tpu.memory_space<hbm>> -> memref<128xi32, #tpu.memory_space<hbm>>
        tpu.wait_dma2 semaphore(%run_scoped3A : memref<!tpu.dma_semaphore, #tpu.memory_space<semaphore_mem>>) src(%dma_wait3A_55 : memref<128xi32, #tpu.memory_space<hbm>>) dst(%arg11 : memref<128xi32, #tpu.memory_space<vmem>>)
        tpu.yield
      }) : () -> ()
      "tpu.region"() ({
        %run_scoped3A = tpu.sem_alloc : memref<!tpu.dma_semaphore, #tpu.memory_space<semaphore_mem>>
        %dma_start3A_52 = tpu.memref_slice %arg3[%add3A_11] : memref<16384xi32, #tpu.memory_space<hbm>> -> memref<128xi32, #tpu.memory_space<hbm>>
        %dma_start3A_53 = tpu.memref_slice %arg3[%add3A_11] : memref<16384xi32, #tpu.memory_space<hbm>> -> memref<128xi32, #tpu.memory_space<hbm>>
        tpu.enqueue_dma source(%dma_start3A_53 : memref<128xi32, #tpu.memory_space<hbm>>) target(%arg12 : memref<128xi32, #tpu.memory_space<vmem>>) target_semaphore(%run_scoped3A : memref<!tpu.dma_semaphore, #tpu.memory_space<semaphore_mem>>)
        %dma_wait3A_54 = tpu.memref_slice %arg3[%add3A_11] : memref<16384xi32, #tpu.memory_space<hbm>> -> memref<128xi32, #tpu.memory_space<hbm>>
        %dma_wait3A_55 = tpu.memref_slice %arg3[%add3A_11] : memref<16384xi32, #tpu.memory_space<hbm>> -> memref<128xi32, #tpu.memory_space<hbm>>
        tpu.wait_dma2 semaphore(%run_scoped3A : memref<!tpu.dma_semaphore, #tpu.memory_space<semaphore_mem>>) src(%dma_wait3A_55 : memref<128xi32, #tpu.memory_space<hbm>>) dst(%arg12 : memref<128xi32, #tpu.memory_space<vmem>>)
        tpu.yield
      }) : () -> ()
      "tpu.region"() ({
        %run_scoped3A = tpu.sem_alloc : memref<!tpu.dma_semaphore, #tpu.memory_space<semaphore_mem>>
        %dma_start3A_52 = tpu.memref_slice %arg4[%add3A_11] : memref<16384xi32, #tpu.memory_space<hbm>> -> memref<128xi32, #tpu.memory_space<hbm>>
        %dma_start3A_53 = tpu.memref_slice %arg4[%add3A_11] : memref<16384xi32, #tpu.memory_space<hbm>> -> memref<128xi32, #tpu.memory_space<hbm>>
        tpu.enqueue_dma source(%dma_start3A_53 : memref<128xi32, #tpu.memory_space<hbm>>) target(%arg13 : memref<128xi32, #tpu.memory_space<vmem>>) target_semaphore(%run_scoped3A : memref<!tpu.dma_semaphore, #tpu.memory_space<semaphore_mem>>)
        %dma_wait3A_54 = tpu.memref_slice %arg4[%add3A_11] : memref<16384xi32, #tpu.memory_space<hbm>> -> memref<128xi32, #tpu.memory_space<hbm>>
        %dma_wait3A_55 = tpu.memref_slice %arg4[%add3A_11] : memref<16384xi32, #tpu.memory_space<hbm>> -> memref<128xi32, #tpu.memory_space<hbm>>
        tpu.wait_dma2 semaphore(%run_scoped3A : memref<!tpu.dma_semaphore, #tpu.memory_space<semaphore_mem>>) src(%dma_wait3A_55 : memref<128xi32, #tpu.memory_space<hbm>>) dst(%arg13 : memref<128xi32, #tpu.memory_space<vmem>>)
        tpu.yield
      }) : () -> ()
      "tpu.region"() ({
        %run_scoped3A = tpu.sem_alloc : memref<!tpu.dma_semaphore, #tpu.memory_space<semaphore_mem>>
        %dma_start3A_52 = tpu.memref_slice %arg5[%add3A_11] : memref<16384xi32, #tpu.memory_space<hbm>> -> memref<128xi32, #tpu.memory_space<hbm>>
        %dma_start3A_53 = tpu.memref_slice %arg5[%add3A_11] : memref<16384xi32, #tpu.memory_space<hbm>> -> memref<128xi32, #tpu.memory_space<hbm>>
        tpu.enqueue_dma source(%dma_start3A_53 : memref<128xi32, #tpu.memory_space<hbm>>) target(%arg14 : memref<128xi32, #tpu.memory_space<vmem>>) target_semaphore(%run_scoped3A : memref<!tpu.dma_semaphore, #tpu.memory_space<semaphore_mem>>)
        %dma_wait3A_54 = tpu.memref_slice %arg5[%add3A_11] : memref<16384xi32, #tpu.memory_space<hbm>> -> memref<128xi32, #tpu.memory_space<hbm>>
        %dma_wait3A_55 = tpu.memref_slice %arg5[%add3A_11] : memref<16384xi32, #tpu.memory_space<hbm>> -> memref<128xi32, #tpu.memory_space<hbm>>
        tpu.wait_dma2 semaphore(%run_scoped3A : memref<!tpu.dma_semaphore, #tpu.memory_space<semaphore_mem>>) src(%dma_wait3A_55 : memref<128xi32, #tpu.memory_space<hbm>>) dst(%arg14 : memref<128xi32, #tpu.memory_space<vmem>>)
        tpu.yield
      }) : () -> ()
      "tpu.region"() ({
        %run_scoped3A = tpu.sem_alloc : memref<!tpu.dma_semaphore, #tpu.memory_space<semaphore_mem>>
        %dma_start3A_52 = tpu.memref_slice %arg6[%add3A_11] : memref<16384xi32, #tpu.memory_space<hbm>> -> memref<128xi32, #tpu.memory_space<hbm>>
        %dma_start3A_53 = tpu.memref_slice %arg6[%add3A_11] : memref<16384xi32, #tpu.memory_space<hbm>> -> memref<128xi32, #tpu.memory_space<hbm>>
        tpu.enqueue_dma source(%dma_start3A_53 : memref<128xi32, #tpu.memory_space<hbm>>) target(%arg15 : memref<128xi32, #tpu.memory_space<vmem>>) target_semaphore(%run_scoped3A : memref<!tpu.dma_semaphore, #tpu.memory_space<semaphore_mem>>)
        %dma_wait3A_54 = tpu.memref_slice %arg6[%add3A_11] : memref<16384xi32, #tpu.memory_space<hbm>> -> memref<128xi32, #tpu.memory_space<hbm>>
        %dma_wait3A_55 = tpu.memref_slice %arg6[%add3A_11] : memref<16384xi32, #tpu.memory_space<hbm>> -> memref<128xi32, #tpu.memory_space<hbm>>
        tpu.wait_dma2 semaphore(%run_scoped3A : memref<!tpu.dma_semaphore, #tpu.memory_space<semaphore_mem>>) src(%dma_wait3A_55 : memref<128xi32, #tpu.memory_space<hbm>>) dst(%arg15 : memref<128xi32, #tpu.memory_space<vmem>>)
        tpu.yield
      }) : () -> ()
      %scan3A_12 = arith.constant 0 : i32
      %scan3A_13 = arith.constant 0 : i32
      %scan3A_14 = arith.constant 8 : i32
      %scan3A_15 = arith.addi %scan3A_13, %scan3A_14 : i32
      %scan3A_16 = arith.constant 1 : i32
      scf.for %scan3A_52 = %scan3A_13 to %scan3A_15 step %scan3A_16  : i32 {
        %mul3A_53 = arith.constant 16 : i32
        %mul3A_54 = arith.muli %scan3A_52, %mul3A_53 : i32
        %get3A = arith.index_cast %mul3A_54 : i32 to index
        %get3A_55 = tpu.vector_load %arg11[%get3A] {strides = array<i32>} : memref<128xi32, #tpu.memory_space<vmem>>, vector<16xi32>,
        %shift_right_arithmetic3A = arith.constant 8 : i32
        %shift_right_arithmetic3A_56 = vector.broadcast %shift_right_arithmetic3A : i32 to vector<16xi32>
        %shift_right_arithmetic3A_57 = arith.shrsi %get3A_55, %shift_right_arithmetic3A_56 : vector<16xi32>
        %shift_left3A = arith.constant 7 : i32
        %shift_left3A_58 = vector.broadcast %shift_left3A : i32 to vector<16xi32>
        %shift_left3A_59 = arith.shli %shift_right_arithmetic3A_57, %shift_left3A_58 : vector<16xi32>
        %get3A_60 = arith.index_cast %mul3A_54 : i32 to index
        %get3A_61 = tpu.vector_load %arg11[%get3A_60] {strides = array<i32>} : memref<128xi32, #tpu.memory_space<vmem>>, vector<16xi32>,
        %and3A = arith.constant 127 : i32
        %and3A_62 = vector.broadcast %and3A : i32 to vector<16xi32>
        %and3A_63 = arith.andi %get3A_61, %and3A_62 : vector<16xi32>
        %add3A_64 = arith.addi %shift_left3A_59, %and3A_63 : vector<16xi32>
        %swap3A = arith.index_cast %mul3A_54 : i32 to index
        %swap3A_65 = tpu.vector_load %arg16[%swap3A] {strides = array<i32>} : memref<128xi32, #tpu.memory_space<vmem>>, vector<16xi32>,
        tpu.vector_store %arg16[%swap3A], %add3A_64 {strides = array<i32>} : memref<128xi32, #tpu.memory_space<vmem>>, vector<16xi32>,
        %get3A_66 = arith.index_cast %mul3A_54 : i32 to index
        %get3A_67 = tpu.vector_load %arg13[%get3A_66] {strides = array<i32>} : memref<128xi32, #tpu.memory_space<vmem>>, vector<16xi32>,
        %shift_right_arithmetic3A_68 = arith.constant 8 : i32
        %shift_right_arithmetic3A_69 = vector.broadcast %shift_right_arithmetic3A_68 : i32 to vector<16xi32>
        %shift_right_arithmetic3A_70 = arith.shrsi %get3A_67, %shift_right_arithmetic3A_69 : vector<16xi32>
        %shift_left3A_71 = arith.constant 7 : i32
        %shift_left3A_72 = vector.broadcast %shift_left3A_71 : i32 to vector<16xi32>
        %shift_left3A_73 = arith.shli %shift_right_arithmetic3A_70, %shift_left3A_72 : vector<16xi32>
        %get3A_74 = arith.index_cast %mul3A_54 : i32 to index
        %get3A_75 = tpu.vector_load %arg13[%get3A_74] {strides = array<i32>} : memref<128xi32, #tpu.memory_space<vmem>>, vector<16xi32>,
        %and3A_76 = arith.constant 127 : i32
        %and3A_77 = vector.broadcast %and3A_76 : i32 to vector<16xi32>
        %and3A_78 = arith.andi %get3A_75, %and3A_77 : vector<16xi32>
        %add3A_79 = arith.addi %shift_left3A_73, %and3A_78 : vector<16xi32>
        %swap3A_80 = arith.index_cast %mul3A_54 : i32 to index
        %swap3A_81 = tpu.vector_load %arg17[%swap3A_80] {strides = array<i32>} : memref<128xi32, #tpu.memory_space<vmem>>, vector<16xi32>,
        tpu.vector_store %arg17[%swap3A_80], %add3A_79 {strides = array<i32>} : memref<128xi32, #tpu.memory_space<vmem>>, vector<16xi32>,
        %get3A_82 = arith.index_cast %mul3A_54 : i32 to index
        %get3A_83 = tpu.vector_load %arg14[%get3A_82] {strides = array<i32>} : memref<128xi32, #tpu.memory_space<vmem>>, vector<16xi32>,
        %shift_right_arithmetic3A_84 = arith.constant 8 : i32
        %shift_right_arithmetic3A_85 = vector.broadcast %shift_right_arithmetic3A_84 : i32 to vector<16xi32>
        %shift_right_arithmetic3A_86 = arith.shrsi %get3A_83, %shift_right_arithmetic3A_85 : vector<16xi32>
        %shift_left3A_87 = arith.constant 7 : i32
        %shift_left3A_88 = vector.broadcast %shift_left3A_87 : i32 to vector<16xi32>
        %shift_left3A_89 = arith.shli %shift_right_arithmetic3A_86, %shift_left3A_88 : vector<16xi32>
        %get3A_90 = arith.index_cast %mul3A_54 : i32 to index
        %get3A_91 = tpu.vector_load %arg14[%get3A_90] {strides = array<i32>} : memref<128xi32, #tpu.memory_space<vmem>>, vector<16xi32>,
        %and3A_92 = arith.constant 127 : i32
        %and3A_93 = vector.broadcast %and3A_92 : i32 to vector<16xi32>
        %and3A_94 = arith.andi %get3A_91, %and3A_93 : vector<16xi32>
        %add3A_95 = arith.addi %shift_left3A_89, %and3A_94 : vector<16xi32>
        %swap3A_96 = arith.index_cast %mul3A_54 : i32 to index
        %swap3A_97 = tpu.vector_load %arg18[%swap3A_96] {strides = array<i32>} : memref<128xi32, #tpu.memory_space<vmem>>, vector<16xi32>,
        tpu.vector_store %arg18[%swap3A_96], %add3A_95 {strides = array<i32>} : memref<128xi32, #tpu.memory_space<vmem>>, vector<16xi32>,
        %get3A_98 = arith.index_cast %mul3A_54 : i32 to index
        %get3A_99 = tpu.vector_load %arg15[%get3A_98] {strides = array<i32>} : memref<128xi32, #tpu.memory_space<vmem>>, vector<16xi32>,
        %shift_right_arithmetic3A_100 = arith.constant 8 : i32
        %shift_right_arithmetic3A_101 = vector.broadcast %shift_right_arithmetic3A_100 : i32 to vector<16xi32>
        %shift_right_arithmetic3A_102 = arith.shrsi %get3A_99, %shift_right_arithmetic3A_101 : vector<16xi32>
        %shift_left3A_103 = arith.constant 7 : i32
        %shift_left3A_104 = vector.broadcast %shift_left3A_103 : i32 to vector<16xi32>
        %shift_left3A_105 = arith.shli %shift_right_arithmetic3A_102, %shift_left3A_104 : vector<16xi32>
        %get3A_106 = arith.index_cast %mul3A_54 : i32 to index
        %get3A_107 = tpu.vector_load %arg15[%get3A_106] {strides = array<i32>} : memref<128xi32, #tpu.memory_space<vmem>>, vector<16xi32>,
        %and3A_108 = arith.constant 127 : i32
        %and3A_109 = vector.broadcast %and3A_108 : i32 to vector<16xi32>
        %and3A_110 = arith.andi %get3A_107, %and3A_109 : vector<16xi32>
        %add3A_111 = arith.addi %shift_left3A_105, %and3A_110 : vector<16xi32>
        %swap3A_112 = arith.index_cast %mul3A_54 : i32 to index
        %swap3A_113 = tpu.vector_load %arg19[%swap3A_112] {strides = array<i32>} : memref<128xi32, #tpu.memory_space<vmem>>, vector<16xi32>,
        tpu.vector_store %arg19[%swap3A_112], %add3A_111 {strides = array<i32>} : memref<128xi32, #tpu.memory_space<vmem>>, vector<16xi32>,
      }
      %scan3A_17 = arith.constant 8 : i32
      %dma_start3A = arith.constant 0 : i32
      %dma_start3A_18 = arith.constant 0 : i32
      %dma_start3A_19 = tpu.memref_slice %arg7[%dma_start3A, %dma_start3A_18] : memref<507904x128xf32, #tpu.memory_space<hbm>> -> memref<507904x128xf32, #tpu.memory_space<hbm>>
      tpu.enqueue_indirect_dma source(%dma_start3A_19 : memref<507904x128xf32, #tpu.memory_space<hbm>>) target(%arg20 : memref<128x128xf32, #tpu.memory_space<vmem>>) offsets(%arg16 : memref<128xi32, #tpu.memory_space<vmem>>) semaphore(%arg27 : memref<!tpu.dma_semaphore, #tpu.memory_space<semaphore_mem>>)
      %dma_start3A_20 = arith.constant 0 : i32
      %dma_start3A_21 = arith.constant 0 : i32
      %dma_start3A_22 = tpu.memref_slice %arg7[%dma_start3A_20, %dma_start3A_21] : memref<507904x128xf32, #tpu.memory_space<hbm>> -> memref<507904x128xf32, #tpu.memory_space<hbm>>
      tpu.enqueue_indirect_dma source(%dma_start3A_22 : memref<507904x128xf32, #tpu.memory_space<hbm>>) target(%arg21 : memref<128x128xf32, #tpu.memory_space<vmem>>) offsets(%arg17 : memref<128xi32, #tpu.memory_space<vmem>>) semaphore(%arg27 : memref<!tpu.dma_semaphore, #tpu.memory_space<semaphore_mem>>)
      %dma_start3A_23 = arith.constant 0 : i32
      %dma_start3A_24 = arith.constant 0 : i32
      %dma_start3A_25 = tpu.memref_slice %arg7[%dma_start3A_23, %dma_start3A_24] : memref<507904x128xf32, #tpu.memory_space<hbm>> -> memref<507904x128xf32, #tpu.memory_space<hbm>>
      tpu.enqueue_indirect_dma source(%dma_start3A_25 : memref<507904x128xf32, #tpu.memory_space<hbm>>) target(%arg22 : memref<128x128xf32, #tpu.memory_space<vmem>>) offsets(%arg18 : memref<128xi32, #tpu.memory_space<vmem>>) semaphore(%arg27 : memref<!tpu.dma_semaphore, #tpu.memory_space<semaphore_mem>>)
      %dma_start3A_26 = arith.constant 0 : i32
      %dma_start3A_27 = arith.constant 0 : i32
      %dma_start3A_28 = tpu.memref_slice %arg7[%dma_start3A_26, %dma_start3A_27] : memref<507904x128xf32, #tpu.memory_space<hbm>> -> memref<507904x128xf32, #tpu.memory_space<hbm>>
      tpu.enqueue_indirect_dma source(%dma_start3A_28 : memref<507904x128xf32, #tpu.memory_space<hbm>>) target(%arg23 : memref<128x128xf32, #tpu.memory_space<vmem>>) offsets(%arg19 : memref<128xi32, #tpu.memory_space<vmem>>) semaphore(%arg27 : memref<!tpu.dma_semaphore, #tpu.memory_space<semaphore_mem>>)
      %dma_start3A_29 = arith.constant 0 : i32
      %dma_start3A_30 = arith.constant 0 : i32
      %dma_start3A_31 = tpu.memref_slice %arg8[%dma_start3A_29, %dma_start3A_30] : memref<1000x128xf32, #tpu.memory_space<hbm>> -> memref<1000x128xf32, #tpu.memory_space<hbm>>
      tpu.enqueue_indirect_dma source(%dma_start3A_31 : memref<1000x128xf32, #tpu.memory_space<hbm>>) target(%arg24 : memref<128x128xf32, #tpu.memory_space<vmem>>) offsets(%arg12 : memref<128xi32, #tpu.memory_space<vmem>>) semaphore(%arg27 : memref<!tpu.dma_semaphore, #tpu.memory_space<semaphore_mem>>)
      %dma_wait3A = arith.constant 0 : i32
      %dma_wait3A_32 = arith.constant 0 : i32
      %dma_wait3A_33 = tpu.memref_slice %arg7[%dma_wait3A, %dma_wait3A_32] : memref<507904x128xf32, #tpu.memory_space<hbm>> -> memref<507904x128xf32, #tpu.memory_space<hbm>>
      tpu.wait_indirect_dma semaphore(%arg27 : memref<!tpu.dma_semaphore, #tpu.memory_space<semaphore_mem>>) src(%dma_wait3A_33 : memref<507904x128xf32, #tpu.memory_space<hbm>>) dst(%arg20 : memref<128x128xf32, #tpu.memory_space<vmem>>)
      %dma_wait3A_34 = arith.constant 0 : i32
      %dma_wait3A_35 = arith.constant 0 : i32
      %dma_wait3A_36 = tpu.memref_slice %arg7[%dma_wait3A_34, %dma_wait3A_35] : memref<507904x128xf32, #tpu.memory_space<hbm>> -> memref<507904x128xf32, #tpu.memory_space<hbm>>
      tpu.wait_indirect_dma semaphore(%arg27 : memref<!tpu.dma_semaphore, #tpu.memory_space<semaphore_mem>>) src(%dma_wait3A_36 : memref<507904x128xf32, #tpu.memory_space<hbm>>) dst(%arg21 : memref<128x128xf32, #tpu.memory_space<vmem>>)
      %dma_wait3A_37 = arith.constant 0 : i32
      %dma_wait3A_38 = arith.constant 0 : i32
      %dma_wait3A_39 = tpu.memref_slice %arg7[%dma_wait3A_37, %dma_wait3A_38] : memref<507904x128xf32, #tpu.memory_space<hbm>> -> memref<507904x128xf32, #tpu.memory_space<hbm>>
      tpu.wait_indirect_dma semaphore(%arg27 : memref<!tpu.dma_semaphore, #tpu.memory_space<semaphore_mem>>) src(%dma_wait3A_39 : memref<507904x128xf32, #tpu.memory_space<hbm>>) dst(%arg22 : memref<128x128xf32, #tpu.memory_space<vmem>>)
      %dma_wait3A_40 = arith.constant 0 : i32
      %dma_wait3A_41 = arith.constant 0 : i32
      %dma_wait3A_42 = tpu.memref_slice %arg7[%dma_wait3A_40, %dma_wait3A_41] : memref<507904x128xf32, #tpu.memory_space<hbm>> -> memref<507904x128xf32, #tpu.memory_space<hbm>>
      tpu.wait_indirect_dma semaphore(%arg27 : memref<!tpu.dma_semaphore, #tpu.memory_space<semaphore_mem>>) src(%dma_wait3A_42 : memref<507904x128xf32, #tpu.memory_space<hbm>>) dst(%arg23 : memref<128x128xf32, #tpu.memory_space<vmem>>)
      %dma_wait3A_43 = arith.constant 0 : i32
      %dma_wait3A_44 = arith.constant 0 : i32
      %dma_wait3A_45 = tpu.memref_slice %arg8[%dma_wait3A_43, %dma_wait3A_44] : memref<1000x128xf32, #tpu.memory_space<hbm>> -> memref<1000x128xf32, #tpu.memory_space<hbm>>
      tpu.wait_indirect_dma semaphore(%arg27 : memref<!tpu.dma_semaphore, #tpu.memory_space<semaphore_mem>>) src(%dma_wait3A_45 : memref<1000x128xf32, #tpu.memory_space<hbm>>) dst(%arg24 : memref<128x128xf32, #tpu.memory_space<vmem>>)
      %scan3A_46 = arith.constant 0 : i32
      %scan3A_47 = arith.constant 0 : i32
      %scan3A_48 = arith.constant 8 : i32
      %scan3A_49 = arith.addi %scan3A_47, %scan3A_48 : i32
      %scan3A_50 = arith.constant 1 : i32
      scf.for %scan3A_52 = %scan3A_47 to %scan3A_49 step %scan3A_50  : i32 {
        %mul3A_53 = arith.constant 16 : i32
        %mul3A_54 = arith.muli %scan3A_52, %mul3A_53 : i32
        %mul3A_55 = arith.constant 16 : i32
        %mul3A_56 = arith.muli %scan3A_52, %mul3A_55 : i32
        %add3A_57 = vector.broadcast %mul3A_56 : i32 to vector<16xi32>
        %add3A_58 = arith.addi %add3A_57, %iota3A : vector<16xi32>
        %get3A = arith.index_cast %mul3A_54 : i32 to index
        %get3A_59 = tpu.vector_load %arg11[%get3A] {strides = array<i32>} : memref<128xi32, #tpu.memory_space<vmem>>, vector<16xi32>,
        %get3A_60 = arith.index_cast %mul3A_54 : i32 to index
        %get3A_61 = tpu.vector_load %arg13[%get3A_60] {strides = array<i32>} : memref<128xi32, #tpu.memory_space<vmem>>, vector<16xi32>,
        %get3A_62 = arith.index_cast %mul3A_54 : i32 to index
        %get3A_63 = tpu.vector_load %arg14[%get3A_62] {strides = array<i32>} : memref<128xi32, #tpu.memory_space<vmem>>, vector<16xi32>,
        %get3A_64 = arith.index_cast %mul3A_54 : i32 to index
        %get3A_65 = tpu.vector_load %arg15[%get3A_64] {strides = array<i32>} : memref<128xi32, #tpu.memory_space<vmem>>, vector<16xi32>,
        %shift_right_arithmetic3A = arith.constant 7 : i32
        %shift_right_arithmetic3A_66 = vector.broadcast %shift_right_arithmetic3A : i32 to vector<16xi32>
        %shift_right_arithmetic3A_67 = arith.shrsi %get3A_59, %shift_right_arithmetic3A_66 : vector<16xi32>
        %and3A = arith.constant 1 : i32
        %and3A_68 = vector.broadcast %and3A : i32 to vector<16xi32>
        %and3A_69 = arith.andi %shift_right_arithmetic3A_67, %and3A_68 : vector<16xi32>
        %mul3A_70 = arith.constant 64 : i32
        %mul3A_71 = vector.broadcast %mul3A_70 : i32 to vector<16xi32>
        %mul3A_72 = arith.muli %and3A_69, %mul3A_71 : vector<16xi32>
        %shift_right_arithmetic3A_73 = arith.constant 7 : i32
        %shift_right_arithmetic3A_74 = vector.broadcast %shift_right_arithmetic3A_73 : i32 to vector<16xi32>
        %shift_right_arithmetic3A_75 = arith.shrsi %get3A_61, %shift_right_arithmetic3A_74 : vector<16xi32>
        %and3A_76 = arith.constant 1 : i32
        %and3A_77 = vector.broadcast %and3A_76 : i32 to vector<16xi32>
        %and3A_78 = arith.andi %shift_right_arithmetic3A_75, %and3A_77 : vector<16xi32>
        %mul3A_79 = arith.constant 64 : i32
        %mul3A_80 = vector.broadcast %mul3A_79 : i32 to vector<16xi32>
        %mul3A_81 = arith.muli %and3A_78, %mul3A_80 : vector<16xi32>
        %shift_right_arithmetic3A_82 = arith.constant 7 : i32
        %shift_right_arithmetic3A_83 = vector.broadcast %shift_right_arithmetic3A_82 : i32 to vector<16xi32>
        %shift_right_arithmetic3A_84 = arith.shrsi %get3A_63, %shift_right_arithmetic3A_83 : vector<16xi32>
        %and3A_85 = arith.constant 1 : i32
        %and3A_86 = vector.broadcast %and3A_85 : i32 to vector<16xi32>
        %and3A_87 = arith.andi %shift_right_arithmetic3A_84, %and3A_86 : vector<16xi32>
        %mul3A_88 = arith.constant 64 : i32
        %mul3A_89 = vector.broadcast %mul3A_88 : i32 to vector<16xi32>
        %mul3A_90 = arith.muli %and3A_87, %mul3A_89 : vector<16xi32>
        %shift_right_arithmetic3A_91 = arith.constant 7 : i32
        %shift_right_arithmetic3A_92 = vector.broadcast %shift_right_arithmetic3A_91 : i32 to vector<16xi32>
        %shift_right_arithmetic3A_93 = arith.shrsi %get3A_65, %shift_right_arithmetic3A_92 : vector<16xi32>
        %and3A_94 = arith.constant 1 : i32
        %and3A_95 = vector.broadcast %and3A_94 : i32 to vector<16xi32>
        %and3A_96 = arith.andi %shift_right_arithmetic3A_93, %and3A_95 : vector<16xi32>
        %mul3A_97 = arith.constant 64 : i32
        %mul3A_98 = vector.broadcast %mul3A_97 : i32 to vector<16xi32>
        %mul3A_99 = arith.muli %and3A_96, %mul3A_98 : vector<16xi32>
        %broadcast_in_dim3A = arith.constant 0.000000e+00 : f32
        %broadcast_in_dim3A_100 = vector.broadcast %broadcast_in_dim3A : f32 to vector<16xf32>
        %broadcast_in_dim3A_101 = arith.constant 0.000000e+00 : f32
        %broadcast_in_dim3A_102 = vector.broadcast %broadcast_in_dim3A_101 : f32 to vector<16xf32>
        %add3A_103 = arith.constant 0 : i32
        %add3A_104 = vector.broadcast %add3A_103 : i32 to vector<16xi32>
        %add3A_105 = arith.addi %iota3A, %add3A_104 : vector<16xi32>
        %and3A_106 = arith.constant 63 : i32
        %and3A_107 = vector.broadcast %and3A_106 : i32 to vector<16xi32>
        %and3A_108 = arith.andi %add3A_105, %and3A_107 : vector<16xi32>
        %gather3A = tpu.vector_load_idx %arg24[%add3A_58, %and3A_108] : memref<128x128xf32, #tpu.memory_space<vmem>>[vector<16xi32>, vector<16xi32>], vector<16xf32>,
        %add3A_109 = arith.addi %and3A_108, %mul3A_72 : vector<16xi32>
        %gather3A_110 = tpu.vector_load_idx %arg20[%add3A_58, %add3A_109] : memref<128x128xf32, #tpu.memory_space<vmem>>[vector<16xi32>, vector<16xi32>], vector<16xf32>,
        %add3A_111 = arith.addi %and3A_108, %mul3A_81 : vector<16xi32>
        %gather3A_112 = tpu.vector_load_idx %arg21[%add3A_58, %add3A_111] : memref<128x128xf32, #tpu.memory_space<vmem>>[vector<16xi32>, vector<16xi32>], vector<16xf32>,
        %add3A_113 = arith.addi %and3A_108, %mul3A_90 : vector<16xi32>
        %gather3A_114 = tpu.vector_load_idx %arg22[%add3A_58, %add3A_113] : memref<128x128xf32, #tpu.memory_space<vmem>>[vector<16xi32>, vector<16xi32>], vector<16xf32>,
        %add3A_115 = arith.addi %and3A_108, %mul3A_99 : vector<16xi32>
        %gather3A_116 = tpu.vector_load_idx %arg23[%add3A_58, %add3A_115] : memref<128x128xf32, #tpu.memory_space<vmem>>[vector<16xi32>, vector<16xi32>], vector<16xf32>,
        %add3A_117 = arith.addf %gather3A_110, %gather3A : vector<16xf32>
        %sub3A = arith.subf %add3A_117, %gather3A_112 : vector<16xf32>
        %abs3A = math.absf %sub3A : vector<16xf32>
        %add3A_118 = arith.addf %broadcast_in_dim3A_100, %abs3A : vector<16xf32>
        %add3A_119 = arith.addf %gather3A_114, %gather3A : vector<16xf32>
        %sub3A_120 = arith.subf %add3A_119, %gather3A_116 : vector<16xf32>
        %abs3A_121 = math.absf %sub3A_120 : vector<16xf32>
        %add3A_122 = arith.addf %broadcast_in_dim3A_102, %abs3A_121 : vector<16xf32>
        %add3A_123 = arith.constant 1 : i32
        %add3A_124 = vector.broadcast %add3A_123 : i32 to vector<16xi32>
        %add3A_125 = arith.addi %iota3A, %add3A_124 : vector<16xi32>
        %and3A_126 = arith.constant 63 : i32
        %and3A_127 = vector.broadcast %and3A_126 : i32 to vector<16xi32>
        %and3A_128 = arith.andi %add3A_125, %and3A_127 : vector<16xi32>
        %gather3A_129 = tpu.vector_load_idx %arg24[%add3A_58, %and3A_128] : memref<128x128xf32, #tpu.memory_space<vmem>>[vector<16xi32>, vector<16xi32>], vector<16xf32>,
        %add3A_130 = arith.addi %and3A_128, %mul3A_72 : vector<16xi32>
        %gather3A_131 = tpu.vector_load_idx %arg20[%add3A_58, %add3A_130] : memref<128x128xf32, #tpu.memory_space<vmem>>[vector<16xi32>, vector<16xi32>], vector<16xf32>,
        %add3A_132 = arith.addi %and3A_128, %mul3A_81 : vector<16xi32>
        %gather3A_133 = tpu.vector_load_idx %arg21[%add3A_58, %add3A_132] : memref<128x128xf32, #tpu.memory_space<vmem>>[vector<16xi32>, vector<16xi32>], vector<16xf32>,
        %add3A_134 = arith.addi %and3A_128, %mul3A_90 : vector<16xi32>
        %gather3A_135 = tpu.vector_load_idx %arg22[%add3A_58, %add3A_134] : memref<128x128xf32, #tpu.memory_space<vmem>>[vector<16xi32>, vector<16xi32>], vector<16xf32>,
        %add3A_136 = arith.addi %and3A_128, %mul3A_99 : vector<16xi32>
        %gather3A_137 = tpu.vector_load_idx %arg23[%add3A_58, %add3A_136] : memref<128x128xf32, #tpu.memory_space<vmem>>[vector<16xi32>, vector<16xi32>], vector<16xf32>,
        %add3A_138 = arith.addf %gather3A_131, %gather3A_129 : vector<16xf32>
        %sub3A_139 = arith.subf %add3A_138, %gather3A_133 : vector<16xf32>
        %abs3A_140 = math.absf %sub3A_139 : vector<16xf32>
        %add3A_141 = arith.addf %add3A_118, %abs3A_140 : vector<16xf32>
        %add3A_142 = arith.addf %gather3A_135, %gather3A_129 : vector<16xf32>
        %sub3A_143 = arith.subf %add3A_142, %gather3A_137 : vector<16xf32>
        %abs3A_144 = math.absf %sub3A_143 : vector<16xf32>
        %add3A_145 = arith.addf %add3A_122, %abs3A_144 : vector<16xf32>
        %add3A_146 = arith.constant 2 : i32
        %add3A_147 = vector.broadcast %add3A_146 : i32 to vector<16xi32>
        %add3A_148 = arith.addi %iota3A, %add3A_147 : vector<16xi32>
        %and3A_149 = arith.constant 63 : i32
        %and3A_150 = vector.broadcast %and3A_149 : i32 to vector<16xi32>
        %and3A_151 = arith.andi %add3A_148, %and3A_150 : vector<16xi32>
        %gather3A_152 = tpu.vector_load_idx %arg24[%add3A_58, %and3A_151] : memref<128x128xf32, #tpu.memory_space<vmem>>[vector<16xi32>, vector<16xi32>], vector<16xf32>,
        %add3A_153 = arith.addi %and3A_151, %mul3A_72 : vector<16xi32>
        %gather3A_154 = tpu.vector_load_idx %arg20[%add3A_58, %add3A_153] : memref<128x128xf32, #tpu.memory_space<vmem>>[vector<16xi32>, vector<16xi32>], vector<16xf32>,
        %add3A_155 = arith.addi %and3A_151, %mul3A_81 : vector<16xi32>
        %gather3A_156 = tpu.vector_load_idx %arg21[%add3A_58, %add3A_155] : memref<128x128xf32, #tpu.memory_space<vmem>>[vector<16xi32>, vector<16xi32>], vector<16xf32>,
        %add3A_157 = arith.addi %and3A_151, %mul3A_90 : vector<16xi32>
        %gather3A_158 = tpu.vector_load_idx %arg22[%add3A_58, %add3A_157] : memref<128x128xf32, #tpu.memory_space<vmem>>[vector<16xi32>, vector<16xi32>], vector<16xf32>,
        %add3A_159 = arith.addi %and3A_151, %mul3A_99 : vector<16xi32>
        %gather3A_160 = tpu.vector_load_idx %arg23[%add3A_58, %add3A_159] : memref<128x128xf32, #tpu.memory_space<vmem>>[vector<16xi32>, vector<16xi32>], vector<16xf32>,
        %add3A_161 = arith.addf %gather3A_154, %gather3A_152 : vector<16xf32>
        %sub3A_162 = arith.subf %add3A_161, %gather3A_156 : vector<16xf32>
        %abs3A_163 = math.absf %sub3A_162 : vector<16xf32>
        %add3A_164 = arith.addf %add3A_141, %abs3A_163 : vector<16xf32>
        %add3A_165 = arith.addf %gather3A_158, %gather3A_152 : vector<16xf32>
        %sub3A_166 = arith.subf %add3A_165, %gather3A_160 : vector<16xf32>
        %abs3A_167 = math.absf %sub3A_166 : vector<16xf32>
        %add3A_168 = arith.addf %add3A_145, %abs3A_167 : vector<16xf32>
        %add3A_169 = arith.constant 3 : i32
        %add3A_170 = vector.broadcast %add3A_169 : i32 to vector<16xi32>
        %add3A_171 = arith.addi %iota3A, %add3A_170 : vector<16xi32>
        %and3A_172 = arith.constant 63 : i32
        %and3A_173 = vector.broadcast %and3A_172 : i32 to vector<16xi32>
        %and3A_174 = arith.andi %add3A_171, %and3A_173 : vector<16xi32>
        %gather3A_175 = tpu.vector_load_idx %arg24[%add3A_58, %and3A_174] : memref<128x128xf32, #tpu.memory_space<vmem>>[vector<16xi32>, vector<16xi32>], vector<16xf32>,
        %add3A_176 = arith.addi %and3A_174, %mul3A_72 : vector<16xi32>
        %gather3A_177 = tpu.vector_load_idx %arg20[%add3A_58, %add3A_176] : memref<128x128xf32, #tpu.memory_space<vmem>>[vector<16xi32>, vector<16xi32>], vector<16xf32>,
        %add3A_178 = arith.addi %and3A_174, %mul3A_81 : vector<16xi32>
        %gather3A_179 = tpu.vector_load_idx %arg21[%add3A_58, %add3A_178] : memref<128x128xf32, #tpu.memory_space<vmem>>[vector<16xi32>, vector<16xi32>], vector<16xf32>,
        %add3A_180 = arith.addi %and3A_174, %mul3A_90 : vector<16xi32>
        %gather3A_181 = tpu.vector_load_idx %arg22[%add3A_58, %add3A_180] : memref<128x128xf32, #tpu.memory_space<vmem>>[vector<16xi32>, vector<16xi32>], vector<16xf32>,
        %add3A_182 = arith.addi %and3A_174, %mul3A_99 : vector<16xi32>
        %gather3A_183 = tpu.vector_load_idx %arg23[%add3A_58, %add3A_182] : memref<128x128xf32, #tpu.memory_space<vmem>>[vector<16xi32>, vector<16xi32>], vector<16xf32>,
        %add3A_184 = arith.addf %gather3A_177, %gather3A_175 : vector<16xf32>
        %sub3A_185 = arith.subf %add3A_184, %gather3A_179 : vector<16xf32>
        %abs3A_186 = math.absf %sub3A_185 : vector<16xf32>
        %add3A_187 = arith.addf %add3A_164, %abs3A_186 : vector<16xf32>
        %add3A_188 = arith.addf %gather3A_181, %gather3A_175 : vector<16xf32>
        %sub3A_189 = arith.subf %add3A_188, %gather3A_183 : vector<16xf32>
        %abs3A_190 = math.absf %sub3A_189 : vector<16xf32>
        %add3A_191 = arith.addf %add3A_168, %abs3A_190 : vector<16xf32>
        %add3A_192 = arith.constant 4 : i32
        %add3A_193 = vector.broadcast %add3A_192 : i32 to vector<16xi32>
        %add3A_194 = arith.addi %iota3A, %add3A_193 : vector<16xi32>
        %and3A_195 = arith.constant 63 : i32
        %and3A_196 = vector.broadcast %and3A_195 : i32 to vector<16xi32>
        %and3A_197 = arith.andi %add3A_194, %and3A_196 : vector<16xi32>
        %gather3A_198 = tpu.vector_load_idx %arg24[%add3A_58, %and3A_197] : memref<128x128xf32, #tpu.memory_space<vmem>>[vector<16xi32>, vector<16xi32>], vector<16xf32>,
        %add3A_199 = arith.addi %and3A_197, %mul3A_72 : vector<16xi32>
        %gather3A_200 = tpu.vector_load_idx %arg20[%add3A_58, %add3A_199] : memref<128x128xf32, #tpu.memory_space<vmem>>[vector<16xi32>, vector<16xi32>], vector<16xf32>,
        %add3A_201 = arith.addi %and3A_197, %mul3A_81 : vector<16xi32>
        %gather3A_202 = tpu.vector_load_idx %arg21[%add3A_58, %add3A_201] : memref<128x128xf32, #tpu.memory_space<vmem>>[vector<16xi32>, vector<16xi32>], vector<16xf32>,
        %add3A_203 = arith.addi %and3A_197, %mul3A_90 : vector<16xi32>
        %gather3A_204 = tpu.vector_load_idx %arg22[%add3A_58, %add3A_203] : memref<128x128xf32, #tpu.memory_space<vmem>>[vector<16xi32>, vector<16xi32>], vector<16xf32>,
        %add3A_205 = arith.addi %and3A_197, %mul3A_99 : vector<16xi32>
        %gather3A_206 = tpu.vector_load_idx %arg23[%add3A_58, %add3A_205] : memref<128x128xf32, #tpu.memory_space<vmem>>[vector<16xi32>, vector<16xi32>], vector<16xf32>,
        %add3A_207 = arith.addf %gather3A_200, %gather3A_198 : vector<16xf32>
        %sub3A_208 = arith.subf %add3A_207, %gather3A_202 : vector<16xf32>
        %abs3A_209 = math.absf %sub3A_208 : vector<16xf32>
        %add3A_210 = arith.addf %add3A_187, %abs3A_209 : vector<16xf32>
        %add3A_211 = arith.addf %gather3A_204, %gather3A_198 : vector<16xf32>
        %sub3A_212 = arith.subf %add3A_211, %gather3A_206 : vector<16xf32>
        %abs3A_213 = math.absf %sub3A_212 : vector<16xf32>
        %add3A_214 = arith.addf %add3A_191, %abs3A_213 : vector<16xf32>
        %add3A_215 = arith.constant 5 : i32
        %add3A_216 = vector.broadcast %add3A_215 : i32 to vector<16xi32>
        %add3A_217 = arith.addi %iota3A, %add3A_216 : vector<16xi32>
        %and3A_218 = arith.constant 63 : i32
        %and3A_219 = vector.broadcast %and3A_218 : i32 to vector<16xi32>
        %and3A_220 = arith.andi %add3A_217, %and3A_219 : vector<16xi32>
        %gather3A_221 = tpu.vector_load_idx %arg24[%add3A_58, %and3A_220] : memref<128x128xf32, #tpu.memory_space<vmem>>[vector<16xi32>, vector<16xi32>], vector<16xf32>,
        %add3A_222 = arith.addi %and3A_220, %mul3A_72 : vector<16xi32>
        %gather3A_223 = tpu.vector_load_idx %arg20[%add3A_58, %add3A_222] : memref<128x128xf32, #tpu.memory_space<vmem>>[vector<16xi32>, vector<16xi32>], vector<16xf32>,
        %add3A_224 = arith.addi %and3A_220, %mul3A_81 : vector<16xi32>
        %gather3A_225 = tpu.vector_load_idx %arg21[%add3A_58, %add3A_224] : memref<128x128xf32, #tpu.memory_space<vmem>>[vector<16xi32>, vector<16xi32>], vector<16xf32>,
        %add3A_226 = arith.addi %and3A_220, %mul3A_90 : vector<16xi32>
        %gather3A_227 = tpu.vector_load_idx %arg22[%add3A_58, %add3A_226] : memref<128x128xf32, #tpu.memory_space<vmem>>[vector<16xi32>, vector<16xi32>], vector<16xf32>,
        %add3A_228 = arith.addi %and3A_220, %mul3A_99 : vector<16xi32>
        %gather3A_229 = tpu.vector_load_idx %arg23[%add3A_58, %add3A_228] : memref<128x128xf32, #tpu.memory_space<vmem>>[vector<16xi32>, vector<16xi32>], vector<16xf32>,
        %add3A_230 = arith.addf %gather3A_223, %gather3A_221 : vector<16xf32>
        %sub3A_231 = arith.subf %add3A_230, %gather3A_225 : vector<16xf32>
        %abs3A_232 = math.absf %sub3A_231 : vector<16xf32>
        %add3A_233 = arith.addf %add3A_210, %abs3A_232 : vector<16xf32>
        %add3A_234 = arith.addf %gather3A_227, %gather3A_221 : vector<16xf32>
        %sub3A_235 = arith.subf %add3A_234, %gather3A_229 : vector<16xf32>
        %abs3A_236 = math.absf %sub3A_235 : vector<16xf32>
        %add3A_237 = arith.addf %add3A_214, %abs3A_236 : vector<16xf32>
        %add3A_238 = arith.constant 6 : i32
        %add3A_239 = vector.broadcast %add3A_238 : i32 to vector<16xi32>
        %add3A_240 = arith.addi %iota3A, %add3A_239 : vector<16xi32>
        %and3A_241 = arith.constant 63 : i32
        %and3A_242 = vector.broadcast %and3A_241 : i32 to vector<16xi32>
        %and3A_243 = arith.andi %add3A_240, %and3A_242 : vector<16xi32>
        %gather3A_244 = tpu.vector_load_idx %arg24[%add3A_58, %and3A_243] : memref<128x128xf32, #tpu.memory_space<vmem>>[vector<16xi32>, vector<16xi32>], vector<16xf32>,
        %add3A_245 = arith.addi %and3A_243, %mul3A_72 : vector<16xi32>
        %gather3A_246 = tpu.vector_load_idx %arg20[%add3A_58, %add3A_245] : memref<128x128xf32, #tpu.memory_space<vmem>>[vector<16xi32>, vector<16xi32>], vector<16xf32>,
        %add3A_247 = arith.addi %and3A_243, %mul3A_81 : vector<16xi32>
        %gather3A_248 = tpu.vector_load_idx %arg21[%add3A_58, %add3A_247] : memref<128x128xf32, #tpu.memory_space<vmem>>[vector<16xi32>, vector<16xi32>], vector<16xf32>,
        %add3A_249 = arith.addi %and3A_243, %mul3A_90 : vector<16xi32>
        %gather3A_250 = tpu.vector_load_idx %arg22[%add3A_58, %add3A_249] : memref<128x128xf32, #tpu.memory_space<vmem>>[vector<16xi32>, vector<16xi32>], vector<16xf32>,
        %add3A_251 = arith.addi %and3A_243, %mul3A_99 : vector<16xi32>
        %gather3A_252 = tpu.vector_load_idx %arg23[%add3A_58, %add3A_251] : memref<128x128xf32, #tpu.memory_space<vmem>>[vector<16xi32>, vector<16xi32>], vector<16xf32>,
        %add3A_253 = arith.addf %gather3A_246, %gather3A_244 : vector<16xf32>
        %sub3A_254 = arith.subf %add3A_253, %gather3A_248 : vector<16xf32>
        %abs3A_255 = math.absf %sub3A_254 : vector<16xf32>
        %add3A_256 = arith.addf %add3A_233, %abs3A_255 : vector<16xf32>
        %add3A_257 = arith.addf %gather3A_250, %gather3A_244 : vector<16xf32>
        %sub3A_258 = arith.subf %add3A_257, %gather3A_252 : vector<16xf32>
        %abs3A_259 = math.absf %sub3A_258 : vector<16xf32>
        %add3A_260 = arith.addf %add3A_237, %abs3A_259 : vector<16xf32>
        %add3A_261 = arith.constant 7 : i32
        %add3A_262 = vector.broadcast %add3A_261 : i32 to vector<16xi32>
        %add3A_263 = arith.addi %iota3A, %add3A_262 : vector<16xi32>
        %and3A_264 = arith.constant 63 : i32
        %and3A_265 = vector.broadcast %and3A_264 : i32 to vector<16xi32>
        %and3A_266 = arith.andi %add3A_263, %and3A_265 : vector<16xi32>
        %gather3A_267 = tpu.vector_load_idx %arg24[%add3A_58, %and3A_266] : memref<128x128xf32, #tpu.memory_space<vmem>>[vector<16xi32>, vector<16xi32>], vector<16xf32>,
        %add3A_268 = arith.addi %and3A_266, %mul3A_72 : vector<16xi32>
        %gather3A_269 = tpu.vector_load_idx %arg20[%add3A_58, %add3A_268] : memref<128x128xf32, #tpu.memory_space<vmem>>[vector<16xi32>, vector<16xi32>], vector<16xf32>,
        %add3A_270 = arith.addi %and3A_266, %mul3A_81 : vector<16xi32>
        %gather3A_271 = tpu.vector_load_idx %arg21[%add3A_58, %add3A_270] : memref<128x128xf32, #tpu.memory_space<vmem>>[vector<16xi32>, vector<16xi32>], vector<16xf32>,
        %add3A_272 = arith.addi %and3A_266, %mul3A_90 : vector<16xi32>
        %gather3A_273 = tpu.vector_load_idx %arg22[%add3A_58, %add3A_272] : memref<128x128xf32, #tpu.memory_space<vmem>>[vector<16xi32>, vector<16xi32>], vector<16xf32>,
        %add3A_274 = arith.addi %and3A_266, %mul3A_99 : vector<16xi32>
        %gather3A_275 = tpu.vector_load_idx %arg23[%add3A_58, %add3A_274] : memref<128x128xf32, #tpu.memory_space<vmem>>[vector<16xi32>, vector<16xi32>], vector<16xf32>,
        %add3A_276 = arith.addf %gather3A_269, %gather3A_267 : vector<16xf32>
        %sub3A_277 = arith.subf %add3A_276, %gather3A_271 : vector<16xf32>
        %abs3A_278 = math.absf %sub3A_277 : vector<16xf32>
        %add3A_279 = arith.addf %add3A_256, %abs3A_278 : vector<16xf32>
        %add3A_280 = arith.addf %gather3A_273, %gather3A_267 : vector<16xf32>
        %sub3A_281 = arith.subf %add3A_280, %gather3A_275 : vector<16xf32>
        %abs3A_282 = math.absf %sub3A_281 : vector<16xf32>
        %add3A_283 = arith.addf %add3A_260, %abs3A_282 : vector<16xf32>
        %add3A_284 = arith.constant 8 : i32
        %add3A_285 = vector.broadcast %add3A_284 : i32 to vector<16xi32>
        %add3A_286 = arith.addi %iota3A, %add3A_285 : vector<16xi32>
        %and3A_287 = arith.constant 63 : i32
        %and3A_288 = vector.broadcast %and3A_287 : i32 to vector<16xi32>
        %and3A_289 = arith.andi %add3A_286, %and3A_288 : vector<16xi32>
        %gather3A_290 = tpu.vector_load_idx %arg24[%add3A_58, %and3A_289] : memref<128x128xf32, #tpu.memory_space<vmem>>[vector<16xi32>, vector<16xi32>], vector<16xf32>,
        %add3A_291 = arith.addi %and3A_289, %mul3A_72 : vector<16xi32>
        %gather3A_292 = tpu.vector_load_idx %arg20[%add3A_58, %add3A_291] : memref<128x128xf32, #tpu.memory_space<vmem>>[vector<16xi32>, vector<16xi32>], vector<16xf32>,
        %add3A_293 = arith.addi %and3A_289, %mul3A_81 : vector<16xi32>
        %gather3A_294 = tpu.vector_load_idx %arg21[%add3A_58, %add3A_293] : memref<128x128xf32, #tpu.memory_space<vmem>>[vector<16xi32>, vector<16xi32>], vector<16xf32>,
        %add3A_295 = arith.addi %and3A_289, %mul3A_90 : vector<16xi32>
        %gather3A_296 = tpu.vector_load_idx %arg22[%add3A_58, %add3A_295] : memref<128x128xf32, #tpu.memory_space<vmem>>[vector<16xi32>, vector<16xi32>], vector<16xf32>,
        %add3A_297 = arith.addi %and3A_289, %mul3A_99 : vector<16xi32>
        %gather3A_298 = tpu.vector_load_idx %arg23[%add3A_58, %add3A_297] : memref<128x128xf32, #tpu.memory_space<vmem>>[vector<16xi32>, vector<16xi32>], vector<16xf32>,
        %add3A_299 = arith.addf %gather3A_292, %gather3A_290 : vector<16xf32>
        %sub3A_300 = arith.subf %add3A_299, %gather3A_294 : vector<16xf32>
        %abs3A_301 = math.absf %sub3A_300 : vector<16xf32>
        %add3A_302 = arith.addf %add3A_279, %abs3A_301 : vector<16xf32>
        %add3A_303 = arith.addf %gather3A_296, %gather3A_290 : vector<16xf32>
        %sub3A_304 = arith.subf %add3A_303, %gather3A_298 : vector<16xf32>
        %abs3A_305 = math.absf %sub3A_304 : vector<16xf32>
        %add3A_306 = arith.addf %add3A_283, %abs3A_305 : vector<16xf32>
        %add3A_307 = arith.constant 9 : i32
        %add3A_308 = vector.broadcast %add3A_307 : i32 to vector<16xi32>
        %add3A_309 = arith.addi %iota3A, %add3A_308 : vector<16xi32>
        %and3A_310 = arith.constant 63 : i32
        %and3A_311 = vector.broadcast %and3A_310 : i32 to vector<16xi32>
        %and3A_312 = arith.andi %add3A_309, %and3A_311 : vector<16xi32>
        %gather3A_313 = tpu.vector_load_idx %arg24[%add3A_58, %and3A_312] : memref<128x128xf32, #tpu.memory_space<vmem>>[vector<16xi32>, vector<16xi32>], vector<16xf32>,
        %add3A_314 = arith.addi %and3A_312, %mul3A_72 : vector<16xi32>
        %gather3A_315 = tpu.vector_load_idx %arg20[%add3A_58, %add3A_314] : memref<128x128xf32, #tpu.memory_space<vmem>>[vector<16xi32>, vector<16xi32>], vector<16xf32>,
        %add3A_316 = arith.addi %and3A_312, %mul3A_81 : vector<16xi32>
        %gather3A_317 = tpu.vector_load_idx %arg21[%add3A_58, %add3A_316] : memref<128x128xf32, #tpu.memory_space<vmem>>[vector<16xi32>, vector<16xi32>], vector<16xf32>,
        %add3A_318 = arith.addi %and3A_312, %mul3A_90 : vector<16xi32>
        %gather3A_319 = tpu.vector_load_idx %arg22[%add3A_58, %add3A_318] : memref<128x128xf32, #tpu.memory_space<vmem>>[vector<16xi32>, vector<16xi32>], vector<16xf32>,
        %add3A_320 = arith.addi %and3A_312, %mul3A_99 : vector<16xi32>
        %gather3A_321 = tpu.vector_load_idx %arg23[%add3A_58, %add3A_320] : memref<128x128xf32, #tpu.memory_space<vmem>>[vector<16xi32>, vector<16xi32>], vector<16xf32>,
        %add3A_322 = arith.addf %gather3A_315, %gather3A_313 : vector<16xf32>
        %sub3A_323 = arith.subf %add3A_322, %gather3A_317 : vector<16xf32>
        %abs3A_324 = math.absf %sub3A_323 : vector<16xf32>
        %add3A_325 = arith.addf %add3A_302, %abs3A_324 : vector<16xf32>
        %add3A_326 = arith.addf %gather3A_319, %gather3A_313 : vector<16xf32>
        %sub3A_327 = arith.subf %add3A_326, %gather3A_321 : vector<16xf32>
        %abs3A_328 = math.absf %sub3A_327 : vector<16xf32>
        %add3A_329 = arith.addf %add3A_306, %abs3A_328 : vector<16xf32>
        %add3A_330 = arith.constant 10 : i32
        %add3A_331 = vector.broadcast %add3A_330 : i32 to vector<16xi32>
        %add3A_332 = arith.addi %iota3A, %add3A_331 : vector<16xi32>
        %and3A_333 = arith.constant 63 : i32
        %and3A_334 = vector.broadcast %and3A_333 : i32 to vector<16xi32>
        %and3A_335 = arith.andi %add3A_332, %and3A_334 : vector<16xi32>
        %gather3A_336 = tpu.vector_load_idx %arg24[%add3A_58, %and3A_335] : memref<128x128xf32, #tpu.memory_space<vmem>>[vector<16xi32>, vector<16xi32>], vector<16xf32>,
        %add3A_337 = arith.addi %and3A_335, %mul3A_72 : vector<16xi32>
        %gather3A_338 = tpu.vector_load_idx %arg20[%add3A_58, %add3A_337] : memref<128x128xf32, #tpu.memory_space<vmem>>[vector<16xi32>, vector<16xi32>], vector<16xf32>,
        %add3A_339 = arith.addi %and3A_335, %mul3A_81 : vector<16xi32>
        %gather3A_340 = tpu.vector_load_idx %arg21[%add3A_58, %add3A_339] : memref<128x128xf32, #tpu.memory_space<vmem>>[vector<16xi32>, vector<16xi32>], vector<16xf32>,
        %add3A_341 = arith.addi %and3A_335, %mul3A_90 : vector<16xi32>
        %gather3A_342 = tpu.vector_load_idx %arg22[%add3A_58, %add3A_341] : memref<128x128xf32, #tpu.memory_space<vmem>>[vector<16xi32>, vector<16xi32>], vector<16xf32>,
        %add3A_343 = arith.addi %and3A_335, %mul3A_99 : vector<16xi32>
        %gather3A_344 = tpu.vector_load_idx %arg23[%add3A_58, %add3A_343] : memref<128x128xf32, #tpu.memory_space<vmem>>[vector<16xi32>, vector<16xi32>], vector<16xf32>,
        %add3A_345 = arith.addf %gather3A_338, %gather3A_336 : vector<16xf32>
        %sub3A_346 = arith.subf %add3A_345, %gather3A_340 : vector<16xf32>
        %abs3A_347 = math.absf %sub3A_346 : vector<16xf32>
        %add3A_348 = arith.addf %add3A_325, %abs3A_347 : vector<16xf32>
        %add3A_349 = arith.addf %gather3A_342, %gather3A_336 : vector<16xf32>
        %sub3A_350 = arith.subf %add3A_349, %gather3A_344 : vector<16xf32>
        %abs3A_351 = math.absf %sub3A_350 : vector<16xf32>
        %add3A_352 = arith.addf %add3A_329, %abs3A_351 : vector<16xf32>
        %add3A_353 = arith.constant 11 : i32
        %add3A_354 = vector.broadcast %add3A_353 : i32 to vector<16xi32>
        %add3A_355 = arith.addi %iota3A, %add3A_354 : vector<16xi32>
        %and3A_356 = arith.constant 63 : i32
        %and3A_357 = vector.broadcast %and3A_356 : i32 to vector<16xi32>
        %and3A_358 = arith.andi %add3A_355, %and3A_357 : vector<16xi32>
        %gather3A_359 = tpu.vector_load_idx %arg24[%add3A_58, %and3A_358] : memref<128x128xf32, #tpu.memory_space<vmem>>[vector<16xi32>, vector<16xi32>], vector<16xf32>,
        %add3A_360 = arith.addi %and3A_358, %mul3A_72 : vector<16xi32>
        %gather3A_361 = tpu.vector_load_idx %arg20[%add3A_58, %add3A_360] : memref<128x128xf32, #tpu.memory_space<vmem>>[vector<16xi32>, vector<16xi32>], vector<16xf32>,
        %add3A_362 = arith.addi %and3A_358, %mul3A_81 : vector<16xi32>
        %gather3A_363 = tpu.vector_load_idx %arg21[%add3A_58, %add3A_362] : memref<128x128xf32, #tpu.memory_space<vmem>>[vector<16xi32>, vector<16xi32>], vector<16xf32>,
        %add3A_364 = arith.addi %and3A_358, %mul3A_90 : vector<16xi32>
        %gather3A_365 = tpu.vector_load_idx %arg22[%add3A_58, %add3A_364] : memref<128x128xf32, #tpu.memory_space<vmem>>[vector<16xi32>, vector<16xi32>], vector<16xf32>,
        %add3A_366 = arith.addi %and3A_358, %mul3A_99 : vector<16xi32>
        %gather3A_367 = tpu.vector_load_idx %arg23[%add3A_58, %add3A_366] : memref<128x128xf32, #tpu.memory_space<vmem>>[vector<16xi32>, vector<16xi32>], vector<16xf32>,
        %add3A_368 = arith.addf %gather3A_361, %gather3A_359 : vector<16xf32>
        %sub3A_369 = arith.subf %add3A_368, %gather3A_363 : vector<16xf32>
        %abs3A_370 = math.absf %sub3A_369 : vector<16xf32>
        %add3A_371 = arith.addf %add3A_348, %abs3A_370 : vector<16xf32>
        %add3A_372 = arith.addf %gather3A_365, %gather3A_359 : vector<16xf32>
        %sub3A_373 = arith.subf %add3A_372, %gather3A_367 : vector<16xf32>
        %abs3A_374 = math.absf %sub3A_373 : vector<16xf32>
        %add3A_375 = arith.addf %add3A_352, %abs3A_374 : vector<16xf32>
        %add3A_376 = arith.constant 12 : i32
        %add3A_377 = vector.broadcast %add3A_376 : i32 to vector<16xi32>
        %add3A_378 = arith.addi %iota3A, %add3A_377 : vector<16xi32>
        %and3A_379 = arith.constant 63 : i32
        %and3A_380 = vector.broadcast %and3A_379 : i32 to vector<16xi32>
        %and3A_381 = arith.andi %add3A_378, %and3A_380 : vector<16xi32>
        %gather3A_382 = tpu.vector_load_idx %arg24[%add3A_58, %and3A_381] : memref<128x128xf32, #tpu.memory_space<vmem>>[vector<16xi32>, vector<16xi32>], vector<16xf32>,
        %add3A_383 = arith.addi %and3A_381, %mul3A_72 : vector<16xi32>
        %gather3A_384 = tpu.vector_load_idx %arg20[%add3A_58, %add3A_383] : memref<128x128xf32, #tpu.memory_space<vmem>>[vector<16xi32>, vector<16xi32>], vector<16xf32>,
        %add3A_385 = arith.addi %and3A_381, %mul3A_81 : vector<16xi32>
        %gather3A_386 = tpu.vector_load_idx %arg21[%add3A_58, %add3A_385] : memref<128x128xf32, #tpu.memory_space<vmem>>[vector<16xi32>, vector<16xi32>], vector<16xf32>,
        %add3A_387 = arith.addi %and3A_381, %mul3A_90 : vector<16xi32>
        %gather3A_388 = tpu.vector_load_idx %arg22[%add3A_58, %add3A_387] : memref<128x128xf32, #tpu.memory_space<vmem>>[vector<16xi32>, vector<16xi32>], vector<16xf32>,
        %add3A_389 = arith.addi %and3A_381, %mul3A_99 : vector<16xi32>
        %gather3A_390 = tpu.vector_load_idx %arg23[%add3A_58, %add3A_389] : memref<128x128xf32, #tpu.memory_space<vmem>>[vector<16xi32>, vector<16xi32>], vector<16xf32>,
        %add3A_391 = arith.addf %gather3A_384, %gather3A_382 : vector<16xf32>
        %sub3A_392 = arith.subf %add3A_391, %gather3A_386 : vector<16xf32>
        %abs3A_393 = math.absf %sub3A_392 : vector<16xf32>
        %add3A_394 = arith.addf %add3A_371, %abs3A_393 : vector<16xf32>
        %add3A_395 = arith.addf %gather3A_388, %gather3A_382 : vector<16xf32>
        %sub3A_396 = arith.subf %add3A_395, %gather3A_390 : vector<16xf32>
        %abs3A_397 = math.absf %sub3A_396 : vector<16xf32>
        %add3A_398 = arith.addf %add3A_375, %abs3A_397 : vector<16xf32>
        %add3A_399 = arith.constant 13 : i32
        %add3A_400 = vector.broadcast %add3A_399 : i32 to vector<16xi32>
        %add3A_401 = arith.addi %iota3A, %add3A_400 : vector<16xi32>
        %and3A_402 = arith.constant 63 : i32
        %and3A_403 = vector.broadcast %and3A_402 : i32 to vector<16xi32>
        %and3A_404 = arith.andi %add3A_401, %and3A_403 : vector<16xi32>
        %gather3A_405 = tpu.vector_load_idx %arg24[%add3A_58, %and3A_404] : memref<128x128xf32, #tpu.memory_space<vmem>>[vector<16xi32>, vector<16xi32>], vector<16xf32>,
        %add3A_406 = arith.addi %and3A_404, %mul3A_72 : vector<16xi32>
        %gather3A_407 = tpu.vector_load_idx %arg20[%add3A_58, %add3A_406] : memref<128x128xf32, #tpu.memory_space<vmem>>[vector<16xi32>, vector<16xi32>], vector<16xf32>,
        %add3A_408 = arith.addi %and3A_404, %mul3A_81 : vector<16xi32>
        %gather3A_409 = tpu.vector_load_idx %arg21[%add3A_58, %add3A_408] : memref<128x128xf32, #tpu.memory_space<vmem>>[vector<16xi32>, vector<16xi32>], vector<16xf32>,
        %add3A_410 = arith.addi %and3A_404, %mul3A_90 : vector<16xi32>
        %gather3A_411 = tpu.vector_load_idx %arg22[%add3A_58, %add3A_410] : memref<128x128xf32, #tpu.memory_space<vmem>>[vector<16xi32>, vector<16xi32>], vector<16xf32>,
        %add3A_412 = arith.addi %and3A_404, %mul3A_99 : vector<16xi32>
        %gather3A_413 = tpu.vector_load_idx %arg23[%add3A_58, %add3A_412] : memref<128x128xf32, #tpu.memory_space<vmem>>[vector<16xi32>, vector<16xi32>], vector<16xf32>,
        %add3A_414 = arith.addf %gather3A_407, %gather3A_405 : vector<16xf32>
        %sub3A_415 = arith.subf %add3A_414, %gather3A_409 : vector<16xf32>
        %abs3A_416 = math.absf %sub3A_415 : vector<16xf32>
        %add3A_417 = arith.addf %add3A_394, %abs3A_416 : vector<16xf32>
        %add3A_418 = arith.addf %gather3A_411, %gather3A_405 : vector<16xf32>
        %sub3A_419 = arith.subf %add3A_418, %gather3A_413 : vector<16xf32>
        %abs3A_420 = math.absf %sub3A_419 : vector<16xf32>
        %add3A_421 = arith.addf %add3A_398, %abs3A_420 : vector<16xf32>
        %add3A_422 = arith.constant 14 : i32
        %add3A_423 = vector.broadcast %add3A_422 : i32 to vector<16xi32>
        %add3A_424 = arith.addi %iota3A, %add3A_423 : vector<16xi32>
        %and3A_425 = arith.constant 63 : i32
        %and3A_426 = vector.broadcast %and3A_425 : i32 to vector<16xi32>
        %and3A_427 = arith.andi %add3A_424, %and3A_426 : vector<16xi32>
        %gather3A_428 = tpu.vector_load_idx %arg24[%add3A_58, %and3A_427] : memref<128x128xf32, #tpu.memory_space<vmem>>[vector<16xi32>, vector<16xi32>], vector<16xf32>,
        %add3A_429 = arith.addi %and3A_427, %mul3A_72 : vector<16xi32>
        %gather3A_430 = tpu.vector_load_idx %arg20[%add3A_58, %add3A_429] : memref<128x128xf32, #tpu.memory_space<vmem>>[vector<16xi32>, vector<16xi32>], vector<16xf32>,
        %add3A_431 = arith.addi %and3A_427, %mul3A_81 : vector<16xi32>
        %gather3A_432 = tpu.vector_load_idx %arg21[%add3A_58, %add3A_431] : memref<128x128xf32, #tpu.memory_space<vmem>>[vector<16xi32>, vector<16xi32>], vector<16xf32>,
        %add3A_433 = arith.addi %and3A_427, %mul3A_90 : vector<16xi32>
        %gather3A_434 = tpu.vector_load_idx %arg22[%add3A_58, %add3A_433] : memref<128x128xf32, #tpu.memory_space<vmem>>[vector<16xi32>, vector<16xi32>], vector<16xf32>,
        %add3A_435 = arith.addi %and3A_427, %mul3A_99 : vector<16xi32>
        %gather3A_436 = tpu.vector_load_idx %arg23[%add3A_58, %add3A_435] : memref<128x128xf32, #tpu.memory_space<vmem>>[vector<16xi32>, vector<16xi32>], vector<16xf32>,
        %add3A_437 = arith.addf %gather3A_430, %gather3A_428 : vector<16xf32>
        %sub3A_438 = arith.subf %add3A_437, %gather3A_432 : vector<16xf32>
        %abs3A_439 = math.absf %sub3A_438 : vector<16xf32>
        %add3A_440 = arith.addf %add3A_417, %abs3A_439 : vector<16xf32>
        %add3A_441 = arith.addf %gather3A_434, %gather3A_428 : vector<16xf32>
        %sub3A_442 = arith.subf %add3A_441, %gather3A_436 : vector<16xf32>
        %abs3A_443 = math.absf %sub3A_442 : vector<16xf32>
        %add3A_444 = arith.addf %add3A_421, %abs3A_443 : vector<16xf32>
        %add3A_445 = arith.constant 15 : i32
        %add3A_446 = vector.broadcast %add3A_445 : i32 to vector<16xi32>
        %add3A_447 = arith.addi %iota3A, %add3A_446 : vector<16xi32>
        %and3A_448 = arith.constant 63 : i32
        %and3A_449 = vector.broadcast %and3A_448 : i32 to vector<16xi32>
        %and3A_450 = arith.andi %add3A_447, %and3A_449 : vector<16xi32>
        %gather3A_451 = tpu.vector_load_idx %arg24[%add3A_58, %and3A_450] : memref<128x128xf32, #tpu.memory_space<vmem>>[vector<16xi32>, vector<16xi32>], vector<16xf32>,
        %add3A_452 = arith.addi %and3A_450, %mul3A_72 : vector<16xi32>
        %gather3A_453 = tpu.vector_load_idx %arg20[%add3A_58, %add3A_452] : memref<128x128xf32, #tpu.memory_space<vmem>>[vector<16xi32>, vector<16xi32>], vector<16xf32>,
        %add3A_454 = arith.addi %and3A_450, %mul3A_81 : vector<16xi32>
        %gather3A_455 = tpu.vector_load_idx %arg21[%add3A_58, %add3A_454] : memref<128x128xf32, #tpu.memory_space<vmem>>[vector<16xi32>, vector<16xi32>], vector<16xf32>,
        %add3A_456 = arith.addi %and3A_450, %mul3A_90 : vector<16xi32>
        %gather3A_457 = tpu.vector_load_idx %arg22[%add3A_58, %add3A_456] : memref<128x128xf32, #tpu.memory_space<vmem>>[vector<16xi32>, vector<16xi32>], vector<16xf32>,
        %add3A_458 = arith.addi %and3A_450, %mul3A_99 : vector<16xi32>
        %gather3A_459 = tpu.vector_load_idx %arg23[%add3A_58, %add3A_458] : memref<128x128xf32, #tpu.memory_space<vmem>>[vector<16xi32>, vector<16xi32>], vector<16xf32>,
        %add3A_460 = arith.addf %gather3A_453, %gather3A_451 : vector<16xf32>
        %sub3A_461 = arith.subf %add3A_460, %gather3A_455 : vector<16xf32>
        %abs3A_462 = math.absf %sub3A_461 : vector<16xf32>
        %add3A_463 = arith.addf %add3A_440, %abs3A_462 : vector<16xf32>
        %add3A_464 = arith.addf %gather3A_457, %gather3A_451 : vector<16xf32>
        %sub3A_465 = arith.subf %add3A_464, %gather3A_459 : vector<16xf32>
        %abs3A_466 = math.absf %sub3A_465 : vector<16xf32>
        %add3A_467 = arith.addf %add3A_444, %abs3A_466 : vector<16xf32>
        %add3A_468 = arith.constant 16 : i32
        %add3A_469 = vector.broadcast %add3A_468 : i32 to vector<16xi32>
        %add3A_470 = arith.addi %iota3A, %add3A_469 : vector<16xi32>
        %and3A_471 = arith.constant 63 : i32
        %and3A_472 = vector.broadcast %and3A_471 : i32 to vector<16xi32>
        %and3A_473 = arith.andi %add3A_470, %and3A_472 : vector<16xi32>
        %gather3A_474 = tpu.vector_load_idx %arg24[%add3A_58, %and3A_473] : memref<128x128xf32, #tpu.memory_space<vmem>>[vector<16xi32>, vector<16xi32>], vector<16xf32>,
        %add3A_475 = arith.addi %and3A_473, %mul3A_72 : vector<16xi32>
        %gather3A_476 = tpu.vector_load_idx %arg20[%add3A_58, %add3A_475] : memref<128x128xf32, #tpu.memory_space<vmem>>[vector<16xi32>, vector<16xi32>], vector<16xf32>,
        %add3A_477 = arith.addi %and3A_473, %mul3A_81 : vector<16xi32>
        %gather3A_478 = tpu.vector_load_idx %arg21[%add3A_58, %add3A_477] : memref<128x128xf32, #tpu.memory_space<vmem>>[vector<16xi32>, vector<16xi32>], vector<16xf32>,
        %add3A_479 = arith.addi %and3A_473, %mul3A_90 : vector<16xi32>
        %gather3A_480 = tpu.vector_load_idx %arg22[%add3A_58, %add3A_479] : memref<128x128xf32, #tpu.memory_space<vmem>>[vector<16xi32>, vector<16xi32>], vector<16xf32>,
        %add3A_481 = arith.addi %and3A_473, %mul3A_99 : vector<16xi32>
        %gather3A_482 = tpu.vector_load_idx %arg23[%add3A_58, %add3A_481] : memref<128x128xf32, #tpu.memory_space<vmem>>[vector<16xi32>, vector<16xi32>], vector<16xf32>,
        %add3A_483 = arith.addf %gather3A_476, %gather3A_474 : vector<16xf32>
        %sub3A_484 = arith.subf %add3A_483, %gather3A_478 : vector<16xf32>
        %abs3A_485 = math.absf %sub3A_484 : vector<16xf32>
        %add3A_486 = arith.addf %add3A_463, %abs3A_485 : vector<16xf32>
        %add3A_487 = arith.addf %gather3A_480, %gather3A_474 : vector<16xf32>
        %sub3A_488 = arith.subf %add3A_487, %gather3A_482 : vector<16xf32>
        %abs3A_489 = math.absf %sub3A_488 : vector<16xf32>
        %add3A_490 = arith.addf %add3A_467, %abs3A_489 : vector<16xf32>
        %add3A_491 = arith.constant 17 : i32
        %add3A_492 = vector.broadcast %add3A_491 : i32 to vector<16xi32>
        %add3A_493 = arith.addi %iota3A, %add3A_492 : vector<16xi32>
        %and3A_494 = arith.constant 63 : i32
        %and3A_495 = vector.broadcast %and3A_494 : i32 to vector<16xi32>
        %and3A_496 = arith.andi %add3A_493, %and3A_495 : vector<16xi32>
        %gather3A_497 = tpu.vector_load_idx %arg24[%add3A_58, %and3A_496] : memref<128x128xf32, #tpu.memory_space<vmem>>[vector<16xi32>, vector<16xi32>], vector<16xf32>,
        %add3A_498 = arith.addi %and3A_496, %mul3A_72 : vector<16xi32>
        %gather3A_499 = tpu.vector_load_idx %arg20[%add3A_58, %add3A_498] : memref<128x128xf32, #tpu.memory_space<vmem>>[vector<16xi32>, vector<16xi32>], vector<16xf32>,
        %add3A_500 = arith.addi %and3A_496, %mul3A_81 : vector<16xi32>
        %gather3A_501 = tpu.vector_load_idx %arg21[%add3A_58, %add3A_500] : memref<128x128xf32, #tpu.memory_space<vmem>>[vector<16xi32>, vector<16xi32>], vector<16xf32>,
        %add3A_502 = arith.addi %and3A_496, %mul3A_90 : vector<16xi32>
        %gather3A_503 = tpu.vector_load_idx %arg22[%add3A_58, %add3A_502] : memref<128x128xf32, #tpu.memory_space<vmem>>[vector<16xi32>, vector<16xi32>], vector<16xf32>,
        %add3A_504 = arith.addi %and3A_496, %mul3A_99 : vector<16xi32>
        %gather3A_505 = tpu.vector_load_idx %arg23[%add3A_58, %add3A_504] : memref<128x128xf32, #tpu.memory_space<vmem>>[vector<16xi32>, vector<16xi32>], vector<16xf32>,
        %add3A_506 = arith.addf %gather3A_499, %gather3A_497 : vector<16xf32>
        %sub3A_507 = arith.subf %add3A_506, %gather3A_501 : vector<16xf32>
        %abs3A_508 = math.absf %sub3A_507 : vector<16xf32>
        %add3A_509 = arith.addf %add3A_486, %abs3A_508 : vector<16xf32>
        %add3A_510 = arith.addf %gather3A_503, %gather3A_497 : vector<16xf32>
        %sub3A_511 = arith.subf %add3A_510, %gather3A_505 : vector<16xf32>
        %abs3A_512 = math.absf %sub3A_511 : vector<16xf32>
        %add3A_513 = arith.addf %add3A_490, %abs3A_512 : vector<16xf32>
        %add3A_514 = arith.constant 18 : i32
        %add3A_515 = vector.broadcast %add3A_514 : i32 to vector<16xi32>
        %add3A_516 = arith.addi %iota3A, %add3A_515 : vector<16xi32>
        %and3A_517 = arith.constant 63 : i32
        %and3A_518 = vector.broadcast %and3A_517 : i32 to vector<16xi32>
        %and3A_519 = arith.andi %add3A_516, %and3A_518 : vector<16xi32>
        %gather3A_520 = tpu.vector_load_idx %arg24[%add3A_58, %and3A_519] : memref<128x128xf32, #tpu.memory_space<vmem>>[vector<16xi32>, vector<16xi32>], vector<16xf32>,
        %add3A_521 = arith.addi %and3A_519, %mul3A_72 : vector<16xi32>
        %gather3A_522 = tpu.vector_load_idx %arg20[%add3A_58, %add3A_521] : memref<128x128xf32, #tpu.memory_space<vmem>>[vector<16xi32>, vector<16xi32>], vector<16xf32>,
        %add3A_523 = arith.addi %and3A_519, %mul3A_81 : vector<16xi32>
        %gather3A_524 = tpu.vector_load_idx %arg21[%add3A_58, %add3A_523] : memref<128x128xf32, #tpu.memory_space<vmem>>[vector<16xi32>, vector<16xi32>], vector<16xf32>,
        %add3A_525 = arith.addi %and3A_519, %mul3A_90 : vector<16xi32>
        %gather3A_526 = tpu.vector_load_idx %arg22[%add3A_58, %add3A_525] : memref<128x128xf32, #tpu.memory_space<vmem>>[vector<16xi32>, vector<16xi32>], vector<16xf32>,
        %add3A_527 = arith.addi %and3A_519, %mul3A_99 : vector<16xi32>
        %gather3A_528 = tpu.vector_load_idx %arg23[%add3A_58, %add3A_527] : memref<128x128xf32, #tpu.memory_space<vmem>>[vector<16xi32>, vector<16xi32>], vector<16xf32>,
        %add3A_529 = arith.addf %gather3A_522, %gather3A_520 : vector<16xf32>
        %sub3A_530 = arith.subf %add3A_529, %gather3A_524 : vector<16xf32>
        %abs3A_531 = math.absf %sub3A_530 : vector<16xf32>
        %add3A_532 = arith.addf %add3A_509, %abs3A_531 : vector<16xf32>
        %add3A_533 = arith.addf %gather3A_526, %gather3A_520 : vector<16xf32>
        %sub3A_534 = arith.subf %add3A_533, %gather3A_528 : vector<16xf32>
        %abs3A_535 = math.absf %sub3A_534 : vector<16xf32>
        %add3A_536 = arith.addf %add3A_513, %abs3A_535 : vector<16xf32>
        %add3A_537 = arith.constant 19 : i32
        %add3A_538 = vector.broadcast %add3A_537 : i32 to vector<16xi32>
        %add3A_539 = arith.addi %iota3A, %add3A_538 : vector<16xi32>
        %and3A_540 = arith.constant 63 : i32
        %and3A_541 = vector.broadcast %and3A_540 : i32 to vector<16xi32>
        %and3A_542 = arith.andi %add3A_539, %and3A_541 : vector<16xi32>
        %gather3A_543 = tpu.vector_load_idx %arg24[%add3A_58, %and3A_542] : memref<128x128xf32, #tpu.memory_space<vmem>>[vector<16xi32>, vector<16xi32>], vector<16xf32>,
        %add3A_544 = arith.addi %and3A_542, %mul3A_72 : vector<16xi32>
        %gather3A_545 = tpu.vector_load_idx %arg20[%add3A_58, %add3A_544] : memref<128x128xf32, #tpu.memory_space<vmem>>[vector<16xi32>, vector<16xi32>], vector<16xf32>,
        %add3A_546 = arith.addi %and3A_542, %mul3A_81 : vector<16xi32>
        %gather3A_547 = tpu.vector_load_idx %arg21[%add3A_58, %add3A_546] : memref<128x128xf32, #tpu.memory_space<vmem>>[vector<16xi32>, vector<16xi32>], vector<16xf32>,
        %add3A_548 = arith.addi %and3A_542, %mul3A_90 : vector<16xi32>
        %gather3A_549 = tpu.vector_load_idx %arg22[%add3A_58, %add3A_548] : memref<128x128xf32, #tpu.memory_space<vmem>>[vector<16xi32>, vector<16xi32>], vector<16xf32>,
        %add3A_550 = arith.addi %and3A_542, %mul3A_99 : vector<16xi32>
        %gather3A_551 = tpu.vector_load_idx %arg23[%add3A_58, %add3A_550] : memref<128x128xf32, #tpu.memory_space<vmem>>[vector<16xi32>, vector<16xi32>], vector<16xf32>,
        %add3A_552 = arith.addf %gather3A_545, %gather3A_543 : vector<16xf32>
        %sub3A_553 = arith.subf %add3A_552, %gather3A_547 : vector<16xf32>
        %abs3A_554 = math.absf %sub3A_553 : vector<16xf32>
        %add3A_555 = arith.addf %add3A_532, %abs3A_554 : vector<16xf32>
        %add3A_556 = arith.addf %gather3A_549, %gather3A_543 : vector<16xf32>
        %sub3A_557 = arith.subf %add3A_556, %gather3A_551 : vector<16xf32>
        %abs3A_558 = math.absf %sub3A_557 : vector<16xf32>
        %add3A_559 = arith.addf %add3A_536, %abs3A_558 : vector<16xf32>
        %add3A_560 = arith.constant 20 : i32
        %add3A_561 = vector.broadcast %add3A_560 : i32 to vector<16xi32>
        %add3A_562 = arith.addi %iota3A, %add3A_561 : vector<16xi32>
        %and3A_563 = arith.constant 63 : i32
        %and3A_564 = vector.broadcast %and3A_563 : i32 to vector<16xi32>
        %and3A_565 = arith.andi %add3A_562, %and3A_564 : vector<16xi32>
        %gather3A_566 = tpu.vector_load_idx %arg24[%add3A_58, %and3A_565] : memref<128x128xf32, #tpu.memory_space<vmem>>[vector<16xi32>, vector<16xi32>], vector<16xf32>,
        %add3A_567 = arith.addi %and3A_565, %mul3A_72 : vector<16xi32>
        %gather3A_568 = tpu.vector_load_idx %arg20[%add3A_58, %add3A_567] : memref<128x128xf32, #tpu.memory_space<vmem>>[vector<16xi32>, vector<16xi32>], vector<16xf32>,
        %add3A_569 = arith.addi %and3A_565, %mul3A_81 : vector<16xi32>
        %gather3A_570 = tpu.vector_load_idx %arg21[%add3A_58, %add3A_569] : memref<128x128xf32, #tpu.memory_space<vmem>>[vector<16xi32>, vector<16xi32>], vector<16xf32>,
        %add3A_571 = arith.addi %and3A_565, %mul3A_90 : vector<16xi32>
        %gather3A_572 = tpu.vector_load_idx %arg22[%add3A_58, %add3A_571] : memref<128x128xf32, #tpu.memory_space<vmem>>[vector<16xi32>, vector<16xi32>], vector<16xf32>,
        %add3A_573 = arith.addi %and3A_565, %mul3A_99 : vector<16xi32>
        %gather3A_574 = tpu.vector_load_idx %arg23[%add3A_58, %add3A_573] : memref<128x128xf32, #tpu.memory_space<vmem>>[vector<16xi32>, vector<16xi32>], vector<16xf32>,
        %add3A_575 = arith.addf %gather3A_568, %gather3A_566 : vector<16xf32>
        %sub3A_576 = arith.subf %add3A_575, %gather3A_570 : vector<16xf32>
        %abs3A_577 = math.absf %sub3A_576 : vector<16xf32>
        %add3A_578 = arith.addf %add3A_555, %abs3A_577 : vector<16xf32>
        %add3A_579 = arith.addf %gather3A_572, %gather3A_566 : vector<16xf32>
        %sub3A_580 = arith.subf %add3A_579, %gather3A_574 : vector<16xf32>
        %abs3A_581 = math.absf %sub3A_580 : vector<16xf32>
        %add3A_582 = arith.addf %add3A_559, %abs3A_581 : vector<16xf32>
        %add3A_583 = arith.constant 21 : i32
        %add3A_584 = vector.broadcast %add3A_583 : i32 to vector<16xi32>
        %add3A_585 = arith.addi %iota3A, %add3A_584 : vector<16xi32>
        %and3A_586 = arith.constant 63 : i32
        %and3A_587 = vector.broadcast %and3A_586 : i32 to vector<16xi32>
        %and3A_588 = arith.andi %add3A_585, %and3A_587 : vector<16xi32>
        %gather3A_589 = tpu.vector_load_idx %arg24[%add3A_58, %and3A_588] : memref<128x128xf32, #tpu.memory_space<vmem>>[vector<16xi32>, vector<16xi32>], vector<16xf32>,
        %add3A_590 = arith.addi %and3A_588, %mul3A_72 : vector<16xi32>
        %gather3A_591 = tpu.vector_load_idx %arg20[%add3A_58, %add3A_590] : memref<128x128xf32, #tpu.memory_space<vmem>>[vector<16xi32>, vector<16xi32>], vector<16xf32>,
        %add3A_592 = arith.addi %and3A_588, %mul3A_81 : vector<16xi32>
        %gather3A_593 = tpu.vector_load_idx %arg21[%add3A_58, %add3A_592] : memref<128x128xf32, #tpu.memory_space<vmem>>[vector<16xi32>, vector<16xi32>], vector<16xf32>,
        %add3A_594 = arith.addi %and3A_588, %mul3A_90 : vector<16xi32>
        %gather3A_595 = tpu.vector_load_idx %arg22[%add3A_58, %add3A_594] : memref<128x128xf32, #tpu.memory_space<vmem>>[vector<16xi32>, vector<16xi32>], vector<16xf32>,
        %add3A_596 = arith.addi %and3A_588, %mul3A_99 : vector<16xi32>
        %gather3A_597 = tpu.vector_load_idx %arg23[%add3A_58, %add3A_596] : memref<128x128xf32, #tpu.memory_space<vmem>>[vector<16xi32>, vector<16xi32>], vector<16xf32>,
        %add3A_598 = arith.addf %gather3A_591, %gather3A_589 : vector<16xf32>
        %sub3A_599 = arith.subf %add3A_598, %gather3A_593 : vector<16xf32>
        %abs3A_600 = math.absf %sub3A_599 : vector<16xf32>
        %add3A_601 = arith.addf %add3A_578, %abs3A_600 : vector<16xf32>
        %add3A_602 = arith.addf %gather3A_595, %gather3A_589 : vector<16xf32>
        %sub3A_603 = arith.subf %add3A_602, %gather3A_597 : vector<16xf32>
        %abs3A_604 = math.absf %sub3A_603 : vector<16xf32>
        %add3A_605 = arith.addf %add3A_582, %abs3A_604 : vector<16xf32>
        %add3A_606 = arith.constant 22 : i32
        %add3A_607 = vector.broadcast %add3A_606 : i32 to vector<16xi32>
        %add3A_608 = arith.addi %iota3A, %add3A_607 : vector<16xi32>
        %and3A_609 = arith.constant 63 : i32
        %and3A_610 = vector.broadcast %and3A_609 : i32 to vector<16xi32>
        %and3A_611 = arith.andi %add3A_608, %and3A_610 : vector<16xi32>
        %gather3A_612 = tpu.vector_load_idx %arg24[%add3A_58, %and3A_611] : memref<128x128xf32, #tpu.memory_space<vmem>>[vector<16xi32>, vector<16xi32>], vector<16xf32>,
        %add3A_613 = arith.addi %and3A_611, %mul3A_72 : vector<16xi32>
        %gather3A_614 = tpu.vector_load_idx %arg20[%add3A_58, %add3A_613] : memref<128x128xf32, #tpu.memory_space<vmem>>[vector<16xi32>, vector<16xi32>], vector<16xf32>,
        %add3A_615 = arith.addi %and3A_611, %mul3A_81 : vector<16xi32>
        %gather3A_616 = tpu.vector_load_idx %arg21[%add3A_58, %add3A_615] : memref<128x128xf32, #tpu.memory_space<vmem>>[vector<16xi32>, vector<16xi32>], vector<16xf32>,
        %add3A_617 = arith.addi %and3A_611, %mul3A_90 : vector<16xi32>
        %gather3A_618 = tpu.vector_load_idx %arg22[%add3A_58, %add3A_617] : memref<128x128xf32, #tpu.memory_space<vmem>>[vector<16xi32>, vector<16xi32>], vector<16xf32>,
        %add3A_619 = arith.addi %and3A_611, %mul3A_99 : vector<16xi32>
        %gather3A_620 = tpu.vector_load_idx %arg23[%add3A_58, %add3A_619] : memref<128x128xf32, #tpu.memory_space<vmem>>[vector<16xi32>, vector<16xi32>], vector<16xf32>,
        %add3A_621 = arith.addf %gather3A_614, %gather3A_612 : vector<16xf32>
        %sub3A_622 = arith.subf %add3A_621, %gather3A_616 : vector<16xf32>
        %abs3A_623 = math.absf %sub3A_622 : vector<16xf32>
        %add3A_624 = arith.addf %add3A_601, %abs3A_623 : vector<16xf32>
        %add3A_625 = arith.addf %gather3A_618, %gather3A_612 : vector<16xf32>
        %sub3A_626 = arith.subf %add3A_625, %gather3A_620 : vector<16xf32>
        %abs3A_627 = math.absf %sub3A_626 : vector<16xf32>
        %add3A_628 = arith.addf %add3A_605, %abs3A_627 : vector<16xf32>
        %add3A_629 = arith.constant 23 : i32
        %add3A_630 = vector.broadcast %add3A_629 : i32 to vector<16xi32>
        %add3A_631 = arith.addi %iota3A, %add3A_630 : vector<16xi32>
        %and3A_632 = arith.constant 63 : i32
        %and3A_633 = vector.broadcast %and3A_632 : i32 to vector<16xi32>
        %and3A_634 = arith.andi %add3A_631, %and3A_633 : vector<16xi32>
        %gather3A_635 = tpu.vector_load_idx %arg24[%add3A_58, %and3A_634] : memref<128x128xf32, #tpu.memory_space<vmem>>[vector<16xi32>, vector<16xi32>], vector<16xf32>,
        %add3A_636 = arith.addi %and3A_634, %mul3A_72 : vector<16xi32>
        %gather3A_637 = tpu.vector_load_idx %arg20[%add3A_58, %add3A_636] : memref<128x128xf32, #tpu.memory_space<vmem>>[vector<16xi32>, vector<16xi32>], vector<16xf32>,
        %add3A_638 = arith.addi %and3A_634, %mul3A_81 : vector<16xi32>
        %gather3A_639 = tpu.vector_load_idx %arg21[%add3A_58, %add3A_638] : memref<128x128xf32, #tpu.memory_space<vmem>>[vector<16xi32>, vector<16xi32>], vector<16xf32>,
        %add3A_640 = arith.addi %and3A_634, %mul3A_90 : vector<16xi32>
        %gather3A_641 = tpu.vector_load_idx %arg22[%add3A_58, %add3A_640] : memref<128x128xf32, #tpu.memory_space<vmem>>[vector<16xi32>, vector<16xi32>], vector<16xf32>,
        %add3A_642 = arith.addi %and3A_634, %mul3A_99 : vector<16xi32>
        %gather3A_643 = tpu.vector_load_idx %arg23[%add3A_58, %add3A_642] : memref<128x128xf32, #tpu.memory_space<vmem>>[vector<16xi32>, vector<16xi32>], vector<16xf32>,
        %add3A_644 = arith.addf %gather3A_637, %gather3A_635 : vector<16xf32>
        %sub3A_645 = arith.subf %add3A_644, %gather3A_639 : vector<16xf32>
        %abs3A_646 = math.absf %sub3A_645 : vector<16xf32>
        %add3A_647 = arith.addf %add3A_624, %abs3A_646 : vector<16xf32>
        %add3A_648 = arith.addf %gather3A_641, %gather3A_635 : vector<16xf32>
        %sub3A_649 = arith.subf %add3A_648, %gather3A_643 : vector<16xf32>
        %abs3A_650 = math.absf %sub3A_649 : vector<16xf32>
        %add3A_651 = arith.addf %add3A_628, %abs3A_650 : vector<16xf32>
        %add3A_652 = arith.constant 24 : i32
        %add3A_653 = vector.broadcast %add3A_652 : i32 to vector<16xi32>
        %add3A_654 = arith.addi %iota3A, %add3A_653 : vector<16xi32>
        %and3A_655 = arith.constant 63 : i32
        %and3A_656 = vector.broadcast %and3A_655 : i32 to vector<16xi32>
        %and3A_657 = arith.andi %add3A_654, %and3A_656 : vector<16xi32>
        %gather3A_658 = tpu.vector_load_idx %arg24[%add3A_58, %and3A_657] : memref<128x128xf32, #tpu.memory_space<vmem>>[vector<16xi32>, vector<16xi32>], vector<16xf32>,
        %add3A_659 = arith.addi %and3A_657, %mul3A_72 : vector<16xi32>
        %gather3A_660 = tpu.vector_load_idx %arg20[%add3A_58, %add3A_659] : memref<128x128xf32, #tpu.memory_space<vmem>>[vector<16xi32>, vector<16xi32>], vector<16xf32>,
        %add3A_661 = arith.addi %and3A_657, %mul3A_81 : vector<16xi32>
        %gather3A_662 = tpu.vector_load_idx %arg21[%add3A_58, %add3A_661] : memref<128x128xf32, #tpu.memory_space<vmem>>[vector<16xi32>, vector<16xi32>], vector<16xf32>,
        %add3A_663 = arith.addi %and3A_657, %mul3A_90 : vector<16xi32>
        %gather3A_664 = tpu.vector_load_idx %arg22[%add3A_58, %add3A_663] : memref<128x128xf32, #tpu.memory_space<vmem>>[vector<16xi32>, vector<16xi32>], vector<16xf32>,
        %add3A_665 = arith.addi %and3A_657, %mul3A_99 : vector<16xi32>
        %gather3A_666 = tpu.vector_load_idx %arg23[%add3A_58, %add3A_665] : memref<128x128xf32, #tpu.memory_space<vmem>>[vector<16xi32>, vector<16xi32>], vector<16xf32>,
        %add3A_667 = arith.addf %gather3A_660, %gather3A_658 : vector<16xf32>
        %sub3A_668 = arith.subf %add3A_667, %gather3A_662 : vector<16xf32>
        %abs3A_669 = math.absf %sub3A_668 : vector<16xf32>
        %add3A_670 = arith.addf %add3A_647, %abs3A_669 : vector<16xf32>
        %add3A_671 = arith.addf %gather3A_664, %gather3A_658 : vector<16xf32>
        %sub3A_672 = arith.subf %add3A_671, %gather3A_666 : vector<16xf32>
        %abs3A_673 = math.absf %sub3A_672 : vector<16xf32>
        %add3A_674 = arith.addf %add3A_651, %abs3A_673 : vector<16xf32>
        %add3A_675 = arith.constant 25 : i32
        %add3A_676 = vector.broadcast %add3A_675 : i32 to vector<16xi32>
        %add3A_677 = arith.addi %iota3A, %add3A_676 : vector<16xi32>
        %and3A_678 = arith.constant 63 : i32
        %and3A_679 = vector.broadcast %and3A_678 : i32 to vector<16xi32>
        %and3A_680 = arith.andi %add3A_677, %and3A_679 : vector<16xi32>
        %gather3A_681 = tpu.vector_load_idx %arg24[%add3A_58, %and3A_680] : memref<128x128xf32, #tpu.memory_space<vmem>>[vector<16xi32>, vector<16xi32>], vector<16xf32>,
        %add3A_682 = arith.addi %and3A_680, %mul3A_72 : vector<16xi32>
        %gather3A_683 = tpu.vector_load_idx %arg20[%add3A_58, %add3A_682] : memref<128x128xf32, #tpu.memory_space<vmem>>[vector<16xi32>, vector<16xi32>], vector<16xf32>,
        %add3A_684 = arith.addi %and3A_680, %mul3A_81 : vector<16xi32>
        %gather3A_685 = tpu.vector_load_idx %arg21[%add3A_58, %add3A_684] : memref<128x128xf32, #tpu.memory_space<vmem>>[vector<16xi32>, vector<16xi32>], vector<16xf32>,
        %add3A_686 = arith.addi %and3A_680, %mul3A_90 : vector<16xi32>
        %gather3A_687 = tpu.vector_load_idx %arg22[%add3A_58, %add3A_686] : memref<128x128xf32, #tpu.memory_space<vmem>>[vector<16xi32>, vector<16xi32>], vector<16xf32>,
        %add3A_688 = arith.addi %and3A_680, %mul3A_99 : vector<16xi32>
        %gather3A_689 = tpu.vector_load_idx %arg23[%add3A_58, %add3A_688] : memref<128x128xf32, #tpu.memory_space<vmem>>[vector<16xi32>, vector<16xi32>], vector<16xf32>,
        %add3A_690 = arith.addf %gather3A_683, %gather3A_681 : vector<16xf32>
        %sub3A_691 = arith.subf %add3A_690, %gather3A_685 : vector<16xf32>
        %abs3A_692 = math.absf %sub3A_691 : vector<16xf32>
        %add3A_693 = arith.addf %add3A_670, %abs3A_692 : vector<16xf32>
        %add3A_694 = arith.addf %gather3A_687, %gather3A_681 : vector<16xf32>
        %sub3A_695 = arith.subf %add3A_694, %gather3A_689 : vector<16xf32>
        %abs3A_696 = math.absf %sub3A_695 : vector<16xf32>
        %add3A_697 = arith.addf %add3A_674, %abs3A_696 : vector<16xf32>
        %add3A_698 = arith.constant 26 : i32
        %add3A_699 = vector.broadcast %add3A_698 : i32 to vector<16xi32>
        %add3A_700 = arith.addi %iota3A, %add3A_699 : vector<16xi32>
        %and3A_701 = arith.constant 63 : i32
        %and3A_702 = vector.broadcast %and3A_701 : i32 to vector<16xi32>
        %and3A_703 = arith.andi %add3A_700, %and3A_702 : vector<16xi32>
        %gather3A_704 = tpu.vector_load_idx %arg24[%add3A_58, %and3A_703] : memref<128x128xf32, #tpu.memory_space<vmem>>[vector<16xi32>, vector<16xi32>], vector<16xf32>,
        %add3A_705 = arith.addi %and3A_703, %mul3A_72 : vector<16xi32>
        %gather3A_706 = tpu.vector_load_idx %arg20[%add3A_58, %add3A_705] : memref<128x128xf32, #tpu.memory_space<vmem>>[vector<16xi32>, vector<16xi32>], vector<16xf32>,
        %add3A_707 = arith.addi %and3A_703, %mul3A_81 : vector<16xi32>
        %gather3A_708 = tpu.vector_load_idx %arg21[%add3A_58, %add3A_707] : memref<128x128xf32, #tpu.memory_space<vmem>>[vector<16xi32>, vector<16xi32>], vector<16xf32>,
        %add3A_709 = arith.addi %and3A_703, %mul3A_90 : vector<16xi32>
        %gather3A_710 = tpu.vector_load_idx %arg22[%add3A_58, %add3A_709] : memref<128x128xf32, #tpu.memory_space<vmem>>[vector<16xi32>, vector<16xi32>], vector<16xf32>,
        %add3A_711 = arith.addi %and3A_703, %mul3A_99 : vector<16xi32>
        %gather3A_712 = tpu.vector_load_idx %arg23[%add3A_58, %add3A_711] : memref<128x128xf32, #tpu.memory_space<vmem>>[vector<16xi32>, vector<16xi32>], vector<16xf32>,
        %add3A_713 = arith.addf %gather3A_706, %gather3A_704 : vector<16xf32>
        %sub3A_714 = arith.subf %add3A_713, %gather3A_708 : vector<16xf32>
        %abs3A_715 = math.absf %sub3A_714 : vector<16xf32>
        %add3A_716 = arith.addf %add3A_693, %abs3A_715 : vector<16xf32>
        %add3A_717 = arith.addf %gather3A_710, %gather3A_704 : vector<16xf32>
        %sub3A_718 = arith.subf %add3A_717, %gather3A_712 : vector<16xf32>
        %abs3A_719 = math.absf %sub3A_718 : vector<16xf32>
        %add3A_720 = arith.addf %add3A_697, %abs3A_719 : vector<16xf32>
        %add3A_721 = arith.constant 27 : i32
        %add3A_722 = vector.broadcast %add3A_721 : i32 to vector<16xi32>
        %add3A_723 = arith.addi %iota3A, %add3A_722 : vector<16xi32>
        %and3A_724 = arith.constant 63 : i32
        %and3A_725 = vector.broadcast %and3A_724 : i32 to vector<16xi32>
        %and3A_726 = arith.andi %add3A_723, %and3A_725 : vector<16xi32>
        %gather3A_727 = tpu.vector_load_idx %arg24[%add3A_58, %and3A_726] : memref<128x128xf32, #tpu.memory_space<vmem>>[vector<16xi32>, vector<16xi32>], vector<16xf32>,
        %add3A_728 = arith.addi %and3A_726, %mul3A_72 : vector<16xi32>
        %gather3A_729 = tpu.vector_load_idx %arg20[%add3A_58, %add3A_728] : memref<128x128xf32, #tpu.memory_space<vmem>>[vector<16xi32>, vector<16xi32>], vector<16xf32>,
        %add3A_730 = arith.addi %and3A_726, %mul3A_81 : vector<16xi32>
        %gather3A_731 = tpu.vector_load_idx %arg21[%add3A_58, %add3A_730] : memref<128x128xf32, #tpu.memory_space<vmem>>[vector<16xi32>, vector<16xi32>], vector<16xf32>,
        %add3A_732 = arith.addi %and3A_726, %mul3A_90 : vector<16xi32>
        %gather3A_733 = tpu.vector_load_idx %arg22[%add3A_58, %add3A_732] : memref<128x128xf32, #tpu.memory_space<vmem>>[vector<16xi32>, vector<16xi32>], vector<16xf32>,
        %add3A_734 = arith.addi %and3A_726, %mul3A_99 : vector<16xi32>
        %gather3A_735 = tpu.vector_load_idx %arg23[%add3A_58, %add3A_734] : memref<128x128xf32, #tpu.memory_space<vmem>>[vector<16xi32>, vector<16xi32>], vector<16xf32>,
        %add3A_736 = arith.addf %gather3A_729, %gather3A_727 : vector<16xf32>
        %sub3A_737 = arith.subf %add3A_736, %gather3A_731 : vector<16xf32>
        %abs3A_738 = math.absf %sub3A_737 : vector<16xf32>
        %add3A_739 = arith.addf %add3A_716, %abs3A_738 : vector<16xf32>
        %add3A_740 = arith.addf %gather3A_733, %gather3A_727 : vector<16xf32>
        %sub3A_741 = arith.subf %add3A_740, %gather3A_735 : vector<16xf32>
        %abs3A_742 = math.absf %sub3A_741 : vector<16xf32>
        %add3A_743 = arith.addf %add3A_720, %abs3A_742 : vector<16xf32>
        %add3A_744 = arith.constant 28 : i32
        %add3A_745 = vector.broadcast %add3A_744 : i32 to vector<16xi32>
        %add3A_746 = arith.addi %iota3A, %add3A_745 : vector<16xi32>
        %and3A_747 = arith.constant 63 : i32
        %and3A_748 = vector.broadcast %and3A_747 : i32 to vector<16xi32>
        %and3A_749 = arith.andi %add3A_746, %and3A_748 : vector<16xi32>
        %gather3A_750 = tpu.vector_load_idx %arg24[%add3A_58, %and3A_749] : memref<128x128xf32, #tpu.memory_space<vmem>>[vector<16xi32>, vector<16xi32>], vector<16xf32>,
        %add3A_751 = arith.addi %and3A_749, %mul3A_72 : vector<16xi32>
        %gather3A_752 = tpu.vector_load_idx %arg20[%add3A_58, %add3A_751] : memref<128x128xf32, #tpu.memory_space<vmem>>[vector<16xi32>, vector<16xi32>], vector<16xf32>,
        %add3A_753 = arith.addi %and3A_749, %mul3A_81 : vector<16xi32>
        %gather3A_754 = tpu.vector_load_idx %arg21[%add3A_58, %add3A_753] : memref<128x128xf32, #tpu.memory_space<vmem>>[vector<16xi32>, vector<16xi32>], vector<16xf32>,
        %add3A_755 = arith.addi %and3A_749, %mul3A_90 : vector<16xi32>
        %gather3A_756 = tpu.vector_load_idx %arg22[%add3A_58, %add3A_755] : memref<128x128xf32, #tpu.memory_space<vmem>>[vector<16xi32>, vector<16xi32>], vector<16xf32>,
        %add3A_757 = arith.addi %and3A_749, %mul3A_99 : vector<16xi32>
        %gather3A_758 = tpu.vector_load_idx %arg23[%add3A_58, %add3A_757] : memref<128x128xf32, #tpu.memory_space<vmem>>[vector<16xi32>, vector<16xi32>], vector<16xf32>,
        %add3A_759 = arith.addf %gather3A_752, %gather3A_750 : vector<16xf32>
        %sub3A_760 = arith.subf %add3A_759, %gather3A_754 : vector<16xf32>
        %abs3A_761 = math.absf %sub3A_760 : vector<16xf32>
        %add3A_762 = arith.addf %add3A_739, %abs3A_761 : vector<16xf32>
        %add3A_763 = arith.addf %gather3A_756, %gather3A_750 : vector<16xf32>
        %sub3A_764 = arith.subf %add3A_763, %gather3A_758 : vector<16xf32>
        %abs3A_765 = math.absf %sub3A_764 : vector<16xf32>
        %add3A_766 = arith.addf %add3A_743, %abs3A_765 : vector<16xf32>
        %add3A_767 = arith.constant 29 : i32
        %add3A_768 = vector.broadcast %add3A_767 : i32 to vector<16xi32>
        %add3A_769 = arith.addi %iota3A, %add3A_768 : vector<16xi32>
        %and3A_770 = arith.constant 63 : i32
        %and3A_771 = vector.broadcast %and3A_770 : i32 to vector<16xi32>
        %and3A_772 = arith.andi %add3A_769, %and3A_771 : vector<16xi32>
        %gather3A_773 = tpu.vector_load_idx %arg24[%add3A_58, %and3A_772] : memref<128x128xf32, #tpu.memory_space<vmem>>[vector<16xi32>, vector<16xi32>], vector<16xf32>,
        %add3A_774 = arith.addi %and3A_772, %mul3A_72 : vector<16xi32>
        %gather3A_775 = tpu.vector_load_idx %arg20[%add3A_58, %add3A_774] : memref<128x128xf32, #tpu.memory_space<vmem>>[vector<16xi32>, vector<16xi32>], vector<16xf32>,
        %add3A_776 = arith.addi %and3A_772, %mul3A_81 : vector<16xi32>
        %gather3A_777 = tpu.vector_load_idx %arg21[%add3A_58, %add3A_776] : memref<128x128xf32, #tpu.memory_space<vmem>>[vector<16xi32>, vector<16xi32>], vector<16xf32>,
        %add3A_778 = arith.addi %and3A_772, %mul3A_90 : vector<16xi32>
        %gather3A_779 = tpu.vector_load_idx %arg22[%add3A_58, %add3A_778] : memref<128x128xf32, #tpu.memory_space<vmem>>[vector<16xi32>, vector<16xi32>], vector<16xf32>,
        %add3A_780 = arith.addi %and3A_772, %mul3A_99 : vector<16xi32>
        %gather3A_781 = tpu.vector_load_idx %arg23[%add3A_58, %add3A_780] : memref<128x128xf32, #tpu.memory_space<vmem>>[vector<16xi32>, vector<16xi32>], vector<16xf32>,
        %add3A_782 = arith.addf %gather3A_775, %gather3A_773 : vector<16xf32>
        %sub3A_783 = arith.subf %add3A_782, %gather3A_777 : vector<16xf32>
        %abs3A_784 = math.absf %sub3A_783 : vector<16xf32>
        %add3A_785 = arith.addf %add3A_762, %abs3A_784 : vector<16xf32>
        %add3A_786 = arith.addf %gather3A_779, %gather3A_773 : vector<16xf32>
        %sub3A_787 = arith.subf %add3A_786, %gather3A_781 : vector<16xf32>
        %abs3A_788 = math.absf %sub3A_787 : vector<16xf32>
        %add3A_789 = arith.addf %add3A_766, %abs3A_788 : vector<16xf32>
        %add3A_790 = arith.constant 30 : i32
        %add3A_791 = vector.broadcast %add3A_790 : i32 to vector<16xi32>
        %add3A_792 = arith.addi %iota3A, %add3A_791 : vector<16xi32>
        %and3A_793 = arith.constant 63 : i32
        %and3A_794 = vector.broadcast %and3A_793 : i32 to vector<16xi32>
        %and3A_795 = arith.andi %add3A_792, %and3A_794 : vector<16xi32>
        %gather3A_796 = tpu.vector_load_idx %arg24[%add3A_58, %and3A_795] : memref<128x128xf32, #tpu.memory_space<vmem>>[vector<16xi32>, vector<16xi32>], vector<16xf32>,
        %add3A_797 = arith.addi %and3A_795, %mul3A_72 : vector<16xi32>
        %gather3A_798 = tpu.vector_load_idx %arg20[%add3A_58, %add3A_797] : memref<128x128xf32, #tpu.memory_space<vmem>>[vector<16xi32>, vector<16xi32>], vector<16xf32>,
        %add3A_799 = arith.addi %and3A_795, %mul3A_81 : vector<16xi32>
        %gather3A_800 = tpu.vector_load_idx %arg21[%add3A_58, %add3A_799] : memref<128x128xf32, #tpu.memory_space<vmem>>[vector<16xi32>, vector<16xi32>], vector<16xf32>,
        %add3A_801 = arith.addi %and3A_795, %mul3A_90 : vector<16xi32>
        %gather3A_802 = tpu.vector_load_idx %arg22[%add3A_58, %add3A_801] : memref<128x128xf32, #tpu.memory_space<vmem>>[vector<16xi32>, vector<16xi32>], vector<16xf32>,
        %add3A_803 = arith.addi %and3A_795, %mul3A_99 : vector<16xi32>
        %gather3A_804 = tpu.vector_load_idx %arg23[%add3A_58, %add3A_803] : memref<128x128xf32, #tpu.memory_space<vmem>>[vector<16xi32>, vector<16xi32>], vector<16xf32>,
        %add3A_805 = arith.addf %gather3A_798, %gather3A_796 : vector<16xf32>
        %sub3A_806 = arith.subf %add3A_805, %gather3A_800 : vector<16xf32>
        %abs3A_807 = math.absf %sub3A_806 : vector<16xf32>
        %add3A_808 = arith.addf %add3A_785, %abs3A_807 : vector<16xf32>
        %add3A_809 = arith.addf %gather3A_802, %gather3A_796 : vector<16xf32>
        %sub3A_810 = arith.subf %add3A_809, %gather3A_804 : vector<16xf32>
        %abs3A_811 = math.absf %sub3A_810 : vector<16xf32>
        %add3A_812 = arith.addf %add3A_789, %abs3A_811 : vector<16xf32>
        %add3A_813 = arith.constant 31 : i32
        %add3A_814 = vector.broadcast %add3A_813 : i32 to vector<16xi32>
        %add3A_815 = arith.addi %iota3A, %add3A_814 : vector<16xi32>
        %and3A_816 = arith.constant 63 : i32
        %and3A_817 = vector.broadcast %and3A_816 : i32 to vector<16xi32>
        %and3A_818 = arith.andi %add3A_815, %and3A_817 : vector<16xi32>
        %gather3A_819 = tpu.vector_load_idx %arg24[%add3A_58, %and3A_818] : memref<128x128xf32, #tpu.memory_space<vmem>>[vector<16xi32>, vector<16xi32>], vector<16xf32>,
        %add3A_820 = arith.addi %and3A_818, %mul3A_72 : vector<16xi32>
        %gather3A_821 = tpu.vector_load_idx %arg20[%add3A_58, %add3A_820] : memref<128x128xf32, #tpu.memory_space<vmem>>[vector<16xi32>, vector<16xi32>], vector<16xf32>,
        %add3A_822 = arith.addi %and3A_818, %mul3A_81 : vector<16xi32>
        %gather3A_823 = tpu.vector_load_idx %arg21[%add3A_58, %add3A_822] : memref<128x128xf32, #tpu.memory_space<vmem>>[vector<16xi32>, vector<16xi32>], vector<16xf32>,
        %add3A_824 = arith.addi %and3A_818, %mul3A_90 : vector<16xi32>
        %gather3A_825 = tpu.vector_load_idx %arg22[%add3A_58, %add3A_824] : memref<128x128xf32, #tpu.memory_space<vmem>>[vector<16xi32>, vector<16xi32>], vector<16xf32>,
        %add3A_826 = arith.addi %and3A_818, %mul3A_99 : vector<16xi32>
        %gather3A_827 = tpu.vector_load_idx %arg23[%add3A_58, %add3A_826] : memref<128x128xf32, #tpu.memory_space<vmem>>[vector<16xi32>, vector<16xi32>], vector<16xf32>,
        %add3A_828 = arith.addf %gather3A_821, %gather3A_819 : vector<16xf32>
        %sub3A_829 = arith.subf %add3A_828, %gather3A_823 : vector<16xf32>
        %abs3A_830 = math.absf %sub3A_829 : vector<16xf32>
        %add3A_831 = arith.addf %add3A_808, %abs3A_830 : vector<16xf32>
        %add3A_832 = arith.addf %gather3A_825, %gather3A_819 : vector<16xf32>
        %sub3A_833 = arith.subf %add3A_832, %gather3A_827 : vector<16xf32>
        %abs3A_834 = math.absf %sub3A_833 : vector<16xf32>
        %add3A_835 = arith.addf %add3A_812, %abs3A_834 : vector<16xf32>
        %add3A_836 = arith.constant 32 : i32
        %add3A_837 = vector.broadcast %add3A_836 : i32 to vector<16xi32>
        %add3A_838 = arith.addi %iota3A, %add3A_837 : vector<16xi32>
        %and3A_839 = arith.constant 63 : i32
        %and3A_840 = vector.broadcast %and3A_839 : i32 to vector<16xi32>
        %and3A_841 = arith.andi %add3A_838, %and3A_840 : vector<16xi32>
        %gather3A_842 = tpu.vector_load_idx %arg24[%add3A_58, %and3A_841] : memref<128x128xf32, #tpu.memory_space<vmem>>[vector<16xi32>, vector<16xi32>], vector<16xf32>,
        %add3A_843 = arith.addi %and3A_841, %mul3A_72 : vector<16xi32>
        %gather3A_844 = tpu.vector_load_idx %arg20[%add3A_58, %add3A_843] : memref<128x128xf32, #tpu.memory_space<vmem>>[vector<16xi32>, vector<16xi32>], vector<16xf32>,
        %add3A_845 = arith.addi %and3A_841, %mul3A_81 : vector<16xi32>
        %gather3A_846 = tpu.vector_load_idx %arg21[%add3A_58, %add3A_845] : memref<128x128xf32, #tpu.memory_space<vmem>>[vector<16xi32>, vector<16xi32>], vector<16xf32>,
        %add3A_847 = arith.addi %and3A_841, %mul3A_90 : vector<16xi32>
        %gather3A_848 = tpu.vector_load_idx %arg22[%add3A_58, %add3A_847] : memref<128x128xf32, #tpu.memory_space<vmem>>[vector<16xi32>, vector<16xi32>], vector<16xf32>,
        %add3A_849 = arith.addi %and3A_841, %mul3A_99 : vector<16xi32>
        %gather3A_850 = tpu.vector_load_idx %arg23[%add3A_58, %add3A_849] : memref<128x128xf32, #tpu.memory_space<vmem>>[vector<16xi32>, vector<16xi32>], vector<16xf32>,
        %add3A_851 = arith.addf %gather3A_844, %gather3A_842 : vector<16xf32>
        %sub3A_852 = arith.subf %add3A_851, %gather3A_846 : vector<16xf32>
        %abs3A_853 = math.absf %sub3A_852 : vector<16xf32>
        %add3A_854 = arith.addf %add3A_831, %abs3A_853 : vector<16xf32>
        %add3A_855 = arith.addf %gather3A_848, %gather3A_842 : vector<16xf32>
        %sub3A_856 = arith.subf %add3A_855, %gather3A_850 : vector<16xf32>
        %abs3A_857 = math.absf %sub3A_856 : vector<16xf32>
        %add3A_858 = arith.addf %add3A_835, %abs3A_857 : vector<16xf32>
        %add3A_859 = arith.constant 33 : i32
        %add3A_860 = vector.broadcast %add3A_859 : i32 to vector<16xi32>
        %add3A_861 = arith.addi %iota3A, %add3A_860 : vector<16xi32>
        %and3A_862 = arith.constant 63 : i32
        %and3A_863 = vector.broadcast %and3A_862 : i32 to vector<16xi32>
        %and3A_864 = arith.andi %add3A_861, %and3A_863 : vector<16xi32>
        %gather3A_865 = tpu.vector_load_idx %arg24[%add3A_58, %and3A_864] : memref<128x128xf32, #tpu.memory_space<vmem>>[vector<16xi32>, vector<16xi32>], vector<16xf32>,
        %add3A_866 = arith.addi %and3A_864, %mul3A_72 : vector<16xi32>
        %gather3A_867 = tpu.vector_load_idx %arg20[%add3A_58, %add3A_866] : memref<128x128xf32, #tpu.memory_space<vmem>>[vector<16xi32>, vector<16xi32>], vector<16xf32>,
        %add3A_868 = arith.addi %and3A_864, %mul3A_81 : vector<16xi32>
        %gather3A_869 = tpu.vector_load_idx %arg21[%add3A_58, %add3A_868] : memref<128x128xf32, #tpu.memory_space<vmem>>[vector<16xi32>, vector<16xi32>], vector<16xf32>,
        %add3A_870 = arith.addi %and3A_864, %mul3A_90 : vector<16xi32>
        %gather3A_871 = tpu.vector_load_idx %arg22[%add3A_58, %add3A_870] : memref<128x128xf32, #tpu.memory_space<vmem>>[vector<16xi32>, vector<16xi32>], vector<16xf32>,
        %add3A_872 = arith.addi %and3A_864, %mul3A_99 : vector<16xi32>
        %gather3A_873 = tpu.vector_load_idx %arg23[%add3A_58, %add3A_872] : memref<128x128xf32, #tpu.memory_space<vmem>>[vector<16xi32>, vector<16xi32>], vector<16xf32>,
        %add3A_874 = arith.addf %gather3A_867, %gather3A_865 : vector<16xf32>
        %sub3A_875 = arith.subf %add3A_874, %gather3A_869 : vector<16xf32>
        %abs3A_876 = math.absf %sub3A_875 : vector<16xf32>
        %add3A_877 = arith.addf %add3A_854, %abs3A_876 : vector<16xf32>
        %add3A_878 = arith.addf %gather3A_871, %gather3A_865 : vector<16xf32>
        %sub3A_879 = arith.subf %add3A_878, %gather3A_873 : vector<16xf32>
        %abs3A_880 = math.absf %sub3A_879 : vector<16xf32>
        %add3A_881 = arith.addf %add3A_858, %abs3A_880 : vector<16xf32>
        %add3A_882 = arith.constant 34 : i32
        %add3A_883 = vector.broadcast %add3A_882 : i32 to vector<16xi32>
        %add3A_884 = arith.addi %iota3A, %add3A_883 : vector<16xi32>
        %and3A_885 = arith.constant 63 : i32
        %and3A_886 = vector.broadcast %and3A_885 : i32 to vector<16xi32>
        %and3A_887 = arith.andi %add3A_884, %and3A_886 : vector<16xi32>
        %gather3A_888 = tpu.vector_load_idx %arg24[%add3A_58, %and3A_887] : memref<128x128xf32, #tpu.memory_space<vmem>>[vector<16xi32>, vector<16xi32>], vector<16xf32>,
        %add3A_889 = arith.addi %and3A_887, %mul3A_72 : vector<16xi32>
        %gather3A_890 = tpu.vector_load_idx %arg20[%add3A_58, %add3A_889] : memref<128x128xf32, #tpu.memory_space<vmem>>[vector<16xi32>, vector<16xi32>], vector<16xf32>,
        %add3A_891 = arith.addi %and3A_887, %mul3A_81 : vector<16xi32>
        %gather3A_892 = tpu.vector_load_idx %arg21[%add3A_58, %add3A_891] : memref<128x128xf32, #tpu.memory_space<vmem>>[vector<16xi32>, vector<16xi32>], vector<16xf32>,
        %add3A_893 = arith.addi %and3A_887, %mul3A_90 : vector<16xi32>
        %gather3A_894 = tpu.vector_load_idx %arg22[%add3A_58, %add3A_893] : memref<128x128xf32, #tpu.memory_space<vmem>>[vector<16xi32>, vector<16xi32>], vector<16xf32>,
        %add3A_895 = arith.addi %and3A_887, %mul3A_99 : vector<16xi32>
        %gather3A_896 = tpu.vector_load_idx %arg23[%add3A_58, %add3A_895] : memref<128x128xf32, #tpu.memory_space<vmem>>[vector<16xi32>, vector<16xi32>], vector<16xf32>,
        %add3A_897 = arith.addf %gather3A_890, %gather3A_888 : vector<16xf32>
        %sub3A_898 = arith.subf %add3A_897, %gather3A_892 : vector<16xf32>
        %abs3A_899 = math.absf %sub3A_898 : vector<16xf32>
        %add3A_900 = arith.addf %add3A_877, %abs3A_899 : vector<16xf32>
        %add3A_901 = arith.addf %gather3A_894, %gather3A_888 : vector<16xf32>
        %sub3A_902 = arith.subf %add3A_901, %gather3A_896 : vector<16xf32>
        %abs3A_903 = math.absf %sub3A_902 : vector<16xf32>
        %add3A_904 = arith.addf %add3A_881, %abs3A_903 : vector<16xf32>
        %add3A_905 = arith.constant 35 : i32
        %add3A_906 = vector.broadcast %add3A_905 : i32 to vector<16xi32>
        %add3A_907 = arith.addi %iota3A, %add3A_906 : vector<16xi32>
        %and3A_908 = arith.constant 63 : i32
        %and3A_909 = vector.broadcast %and3A_908 : i32 to vector<16xi32>
        %and3A_910 = arith.andi %add3A_907, %and3A_909 : vector<16xi32>
        %gather3A_911 = tpu.vector_load_idx %arg24[%add3A_58, %and3A_910] : memref<128x128xf32, #tpu.memory_space<vmem>>[vector<16xi32>, vector<16xi32>], vector<16xf32>,
        %add3A_912 = arith.addi %and3A_910, %mul3A_72 : vector<16xi32>
        %gather3A_913 = tpu.vector_load_idx %arg20[%add3A_58, %add3A_912] : memref<128x128xf32, #tpu.memory_space<vmem>>[vector<16xi32>, vector<16xi32>], vector<16xf32>,
        %add3A_914 = arith.addi %and3A_910, %mul3A_81 : vector<16xi32>
        %gather3A_915 = tpu.vector_load_idx %arg21[%add3A_58, %add3A_914] : memref<128x128xf32, #tpu.memory_space<vmem>>[vector<16xi32>, vector<16xi32>], vector<16xf32>,
        %add3A_916 = arith.addi %and3A_910, %mul3A_90 : vector<16xi32>
        %gather3A_917 = tpu.vector_load_idx %arg22[%add3A_58, %add3A_916] : memref<128x128xf32, #tpu.memory_space<vmem>>[vector<16xi32>, vector<16xi32>], vector<16xf32>,
        %add3A_918 = arith.addi %and3A_910, %mul3A_99 : vector<16xi32>
        %gather3A_919 = tpu.vector_load_idx %arg23[%add3A_58, %add3A_918] : memref<128x128xf32, #tpu.memory_space<vmem>>[vector<16xi32>, vector<16xi32>], vector<16xf32>,
        %add3A_920 = arith.addf %gather3A_913, %gather3A_911 : vector<16xf32>
        %sub3A_921 = arith.subf %add3A_920, %gather3A_915 : vector<16xf32>
        %abs3A_922 = math.absf %sub3A_921 : vector<16xf32>
        %add3A_923 = arith.addf %add3A_900, %abs3A_922 : vector<16xf32>
        %add3A_924 = arith.addf %gather3A_917, %gather3A_911 : vector<16xf32>
        %sub3A_925 = arith.subf %add3A_924, %gather3A_919 : vector<16xf32>
        %abs3A_926 = math.absf %sub3A_925 : vector<16xf32>
        %add3A_927 = arith.addf %add3A_904, %abs3A_926 : vector<16xf32>
        %add3A_928 = arith.constant 36 : i32
        %add3A_929 = vector.broadcast %add3A_928 : i32 to vector<16xi32>
        %add3A_930 = arith.addi %iota3A, %add3A_929 : vector<16xi32>
        %and3A_931 = arith.constant 63 : i32
        %and3A_932 = vector.broadcast %and3A_931 : i32 to vector<16xi32>
        %and3A_933 = arith.andi %add3A_930, %and3A_932 : vector<16xi32>
        %gather3A_934 = tpu.vector_load_idx %arg24[%add3A_58, %and3A_933] : memref<128x128xf32, #tpu.memory_space<vmem>>[vector<16xi32>, vector<16xi32>], vector<16xf32>,
        %add3A_935 = arith.addi %and3A_933, %mul3A_72 : vector<16xi32>
        %gather3A_936 = tpu.vector_load_idx %arg20[%add3A_58, %add3A_935] : memref<128x128xf32, #tpu.memory_space<vmem>>[vector<16xi32>, vector<16xi32>], vector<16xf32>,
        %add3A_937 = arith.addi %and3A_933, %mul3A_81 : vector<16xi32>
        %gather3A_938 = tpu.vector_load_idx %arg21[%add3A_58, %add3A_937] : memref<128x128xf32, #tpu.memory_space<vmem>>[vector<16xi32>, vector<16xi32>], vector<16xf32>,
        %add3A_939 = arith.addi %and3A_933, %mul3A_90 : vector<16xi32>
        %gather3A_940 = tpu.vector_load_idx %arg22[%add3A_58, %add3A_939] : memref<128x128xf32, #tpu.memory_space<vmem>>[vector<16xi32>, vector<16xi32>], vector<16xf32>,
        %add3A_941 = arith.addi %and3A_933, %mul3A_99 : vector<16xi32>
        %gather3A_942 = tpu.vector_load_idx %arg23[%add3A_58, %add3A_941] : memref<128x128xf32, #tpu.memory_space<vmem>>[vector<16xi32>, vector<16xi32>], vector<16xf32>,
        %add3A_943 = arith.addf %gather3A_936, %gather3A_934 : vector<16xf32>
        %sub3A_944 = arith.subf %add3A_943, %gather3A_938 : vector<16xf32>
        %abs3A_945 = math.absf %sub3A_944 : vector<16xf32>
        %add3A_946 = arith.addf %add3A_923, %abs3A_945 : vector<16xf32>
        %add3A_947 = arith.addf %gather3A_940, %gather3A_934 : vector<16xf32>
        %sub3A_948 = arith.subf %add3A_947, %gather3A_942 : vector<16xf32>
        %abs3A_949 = math.absf %sub3A_948 : vector<16xf32>
        %add3A_950 = arith.addf %add3A_927, %abs3A_949 : vector<16xf32>
        %add3A_951 = arith.constant 37 : i32
        %add3A_952 = vector.broadcast %add3A_951 : i32 to vector<16xi32>
        %add3A_953 = arith.addi %iota3A, %add3A_952 : vector<16xi32>
        %and3A_954 = arith.constant 63 : i32
        %and3A_955 = vector.broadcast %and3A_954 : i32 to vector<16xi32>
        %and3A_956 = arith.andi %add3A_953, %and3A_955 : vector<16xi32>
        %gather3A_957 = tpu.vector_load_idx %arg24[%add3A_58, %and3A_956] : memref<128x128xf32, #tpu.memory_space<vmem>>[vector<16xi32>, vector<16xi32>], vector<16xf32>,
        %add3A_958 = arith.addi %and3A_956, %mul3A_72 : vector<16xi32>
        %gather3A_959 = tpu.vector_load_idx %arg20[%add3A_58, %add3A_958] : memref<128x128xf32, #tpu.memory_space<vmem>>[vector<16xi32>, vector<16xi32>], vector<16xf32>,
        %add3A_960 = arith.addi %and3A_956, %mul3A_81 : vector<16xi32>
        %gather3A_961 = tpu.vector_load_idx %arg21[%add3A_58, %add3A_960] : memref<128x128xf32, #tpu.memory_space<vmem>>[vector<16xi32>, vector<16xi32>], vector<16xf32>,
        %add3A_962 = arith.addi %and3A_956, %mul3A_90 : vector<16xi32>
        %gather3A_963 = tpu.vector_load_idx %arg22[%add3A_58, %add3A_962] : memref<128x128xf32, #tpu.memory_space<vmem>>[vector<16xi32>, vector<16xi32>], vector<16xf32>,
        %add3A_964 = arith.addi %and3A_956, %mul3A_99 : vector<16xi32>
        %gather3A_965 = tpu.vector_load_idx %arg23[%add3A_58, %add3A_964] : memref<128x128xf32, #tpu.memory_space<vmem>>[vector<16xi32>, vector<16xi32>], vector<16xf32>,
        %add3A_966 = arith.addf %gather3A_959, %gather3A_957 : vector<16xf32>
        %sub3A_967 = arith.subf %add3A_966, %gather3A_961 : vector<16xf32>
        %abs3A_968 = math.absf %sub3A_967 : vector<16xf32>
        %add3A_969 = arith.addf %add3A_946, %abs3A_968 : vector<16xf32>
        %add3A_970 = arith.addf %gather3A_963, %gather3A_957 : vector<16xf32>
        %sub3A_971 = arith.subf %add3A_970, %gather3A_965 : vector<16xf32>
        %abs3A_972 = math.absf %sub3A_971 : vector<16xf32>
        %add3A_973 = arith.addf %add3A_950, %abs3A_972 : vector<16xf32>
        %add3A_974 = arith.constant 38 : i32
        %add3A_975 = vector.broadcast %add3A_974 : i32 to vector<16xi32>
        %add3A_976 = arith.addi %iota3A, %add3A_975 : vector<16xi32>
        %and3A_977 = arith.constant 63 : i32
        %and3A_978 = vector.broadcast %and3A_977 : i32 to vector<16xi32>
        %and3A_979 = arith.andi %add3A_976, %and3A_978 : vector<16xi32>
        %gather3A_980 = tpu.vector_load_idx %arg24[%add3A_58, %and3A_979] : memref<128x128xf32, #tpu.memory_space<vmem>>[vector<16xi32>, vector<16xi32>], vector<16xf32>,
        %add3A_981 = arith.addi %and3A_979, %mul3A_72 : vector<16xi32>
        %gather3A_982 = tpu.vector_load_idx %arg20[%add3A_58, %add3A_981] : memref<128x128xf32, #tpu.memory_space<vmem>>[vector<16xi32>, vector<16xi32>], vector<16xf32>,
        %add3A_983 = arith.addi %and3A_979, %mul3A_81 : vector<16xi32>
        %gather3A_984 = tpu.vector_load_idx %arg21[%add3A_58, %add3A_983] : memref<128x128xf32, #tpu.memory_space<vmem>>[vector<16xi32>, vector<16xi32>], vector<16xf32>,
        %add3A_985 = arith.addi %and3A_979, %mul3A_90 : vector<16xi32>
        %gather3A_986 = tpu.vector_load_idx %arg22[%add3A_58, %add3A_985] : memref<128x128xf32, #tpu.memory_space<vmem>>[vector<16xi32>, vector<16xi32>], vector<16xf32>,
        %add3A_987 = arith.addi %and3A_979, %mul3A_99 : vector<16xi32>
        %gather3A_988 = tpu.vector_load_idx %arg23[%add3A_58, %add3A_987] : memref<128x128xf32, #tpu.memory_space<vmem>>[vector<16xi32>, vector<16xi32>], vector<16xf32>,
        %add3A_989 = arith.addf %gather3A_982, %gather3A_980 : vector<16xf32>
        %sub3A_990 = arith.subf %add3A_989, %gather3A_984 : vector<16xf32>
        %abs3A_991 = math.absf %sub3A_990 : vector<16xf32>
        %add3A_992 = arith.addf %add3A_969, %abs3A_991 : vector<16xf32>
        %add3A_993 = arith.addf %gather3A_986, %gather3A_980 : vector<16xf32>
        %sub3A_994 = arith.subf %add3A_993, %gather3A_988 : vector<16xf32>
        %abs3A_995 = math.absf %sub3A_994 : vector<16xf32>
        %add3A_996 = arith.addf %add3A_973, %abs3A_995 : vector<16xf32>
        %add3A_997 = arith.constant 39 : i32
        %add3A_998 = vector.broadcast %add3A_997 : i32 to vector<16xi32>
        %add3A_999 = arith.addi %iota3A, %add3A_998 : vector<16xi32>
        %and3A_1000 = arith.constant 63 : i32
        %and3A_1001 = vector.broadcast %and3A_1000 : i32 to vector<16xi32>
        %and3A_1002 = arith.andi %add3A_999, %and3A_1001 : vector<16xi32>
        %gather3A_1003 = tpu.vector_load_idx %arg24[%add3A_58, %and3A_1002] : memref<128x128xf32, #tpu.memory_space<vmem>>[vector<16xi32>, vector<16xi32>], vector<16xf32>,
        %add3A_1004 = arith.addi %and3A_1002, %mul3A_72 : vector<16xi32>
        %gather3A_1005 = tpu.vector_load_idx %arg20[%add3A_58, %add3A_1004] : memref<128x128xf32, #tpu.memory_space<vmem>>[vector<16xi32>, vector<16xi32>], vector<16xf32>,
        %add3A_1006 = arith.addi %and3A_1002, %mul3A_81 : vector<16xi32>
        %gather3A_1007 = tpu.vector_load_idx %arg21[%add3A_58, %add3A_1006] : memref<128x128xf32, #tpu.memory_space<vmem>>[vector<16xi32>, vector<16xi32>], vector<16xf32>,
        %add3A_1008 = arith.addi %and3A_1002, %mul3A_90 : vector<16xi32>
        %gather3A_1009 = tpu.vector_load_idx %arg22[%add3A_58, %add3A_1008] : memref<128x128xf32, #tpu.memory_space<vmem>>[vector<16xi32>, vector<16xi32>], vector<16xf32>,
        %add3A_1010 = arith.addi %and3A_1002, %mul3A_99 : vector<16xi32>
        %gather3A_1011 = tpu.vector_load_idx %arg23[%add3A_58, %add3A_1010] : memref<128x128xf32, #tpu.memory_space<vmem>>[vector<16xi32>, vector<16xi32>], vector<16xf32>,
        %add3A_1012 = arith.addf %gather3A_1005, %gather3A_1003 : vector<16xf32>
        %sub3A_1013 = arith.subf %add3A_1012, %gather3A_1007 : vector<16xf32>
        %abs3A_1014 = math.absf %sub3A_1013 : vector<16xf32>
        %add3A_1015 = arith.addf %add3A_992, %abs3A_1014 : vector<16xf32>
        %add3A_1016 = arith.addf %gather3A_1009, %gather3A_1003 : vector<16xf32>
        %sub3A_1017 = arith.subf %add3A_1016, %gather3A_1011 : vector<16xf32>
        %abs3A_1018 = math.absf %sub3A_1017 : vector<16xf32>
        %add3A_1019 = arith.addf %add3A_996, %abs3A_1018 : vector<16xf32>
        %add3A_1020 = arith.constant 40 : i32
        %add3A_1021 = vector.broadcast %add3A_1020 : i32 to vector<16xi32>
        %add3A_1022 = arith.addi %iota3A, %add3A_1021 : vector<16xi32>
        %and3A_1023 = arith.constant 63 : i32
        %and3A_1024 = vector.broadcast %and3A_1023 : i32 to vector<16xi32>
        %and3A_1025 = arith.andi %add3A_1022, %and3A_1024 : vector<16xi32>
        %gather3A_1026 = tpu.vector_load_idx %arg24[%add3A_58, %and3A_1025] : memref<128x128xf32, #tpu.memory_space<vmem>>[vector<16xi32>, vector<16xi32>], vector<16xf32>,
        %add3A_1027 = arith.addi %and3A_1025, %mul3A_72 : vector<16xi32>
        %gather3A_1028 = tpu.vector_load_idx %arg20[%add3A_58, %add3A_1027] : memref<128x128xf32, #tpu.memory_space<vmem>>[vector<16xi32>, vector<16xi32>], vector<16xf32>,
        %add3A_1029 = arith.addi %and3A_1025, %mul3A_81 : vector<16xi32>
        %gather3A_1030 = tpu.vector_load_idx %arg21[%add3A_58, %add3A_1029] : memref<128x128xf32, #tpu.memory_space<vmem>>[vector<16xi32>, vector<16xi32>], vector<16xf32>,
        %add3A_1031 = arith.addi %and3A_1025, %mul3A_90 : vector<16xi32>
        %gather3A_1032 = tpu.vector_load_idx %arg22[%add3A_58, %add3A_1031] : memref<128x128xf32, #tpu.memory_space<vmem>>[vector<16xi32>, vector<16xi32>], vector<16xf32>,
        %add3A_1033 = arith.addi %and3A_1025, %mul3A_99 : vector<16xi32>
        %gather3A_1034 = tpu.vector_load_idx %arg23[%add3A_58, %add3A_1033] : memref<128x128xf32, #tpu.memory_space<vmem>>[vector<16xi32>, vector<16xi32>], vector<16xf32>,
        %add3A_1035 = arith.addf %gather3A_1028, %gather3A_1026 : vector<16xf32>
        %sub3A_1036 = arith.subf %add3A_1035, %gather3A_1030 : vector<16xf32>
        %abs3A_1037 = math.absf %sub3A_1036 : vector<16xf32>
        %add3A_1038 = arith.addf %add3A_1015, %abs3A_1037 : vector<16xf32>
        %add3A_1039 = arith.addf %gather3A_1032, %gather3A_1026 : vector<16xf32>
        %sub3A_1040 = arith.subf %add3A_1039, %gather3A_1034 : vector<16xf32>
        %abs3A_1041 = math.absf %sub3A_1040 : vector<16xf32>
        %add3A_1042 = arith.addf %add3A_1019, %abs3A_1041 : vector<16xf32>
        %add3A_1043 = arith.constant 41 : i32
        %add3A_1044 = vector.broadcast %add3A_1043 : i32 to vector<16xi32>
        %add3A_1045 = arith.addi %iota3A, %add3A_1044 : vector<16xi32>
        %and3A_1046 = arith.constant 63 : i32
        %and3A_1047 = vector.broadcast %and3A_1046 : i32 to vector<16xi32>
        %and3A_1048 = arith.andi %add3A_1045, %and3A_1047 : vector<16xi32>
        %gather3A_1049 = tpu.vector_load_idx %arg24[%add3A_58, %and3A_1048] : memref<128x128xf32, #tpu.memory_space<vmem>>[vector<16xi32>, vector<16xi32>], vector<16xf32>,
        %add3A_1050 = arith.addi %and3A_1048, %mul3A_72 : vector<16xi32>
        %gather3A_1051 = tpu.vector_load_idx %arg20[%add3A_58, %add3A_1050] : memref<128x128xf32, #tpu.memory_space<vmem>>[vector<16xi32>, vector<16xi32>], vector<16xf32>,
        %add3A_1052 = arith.addi %and3A_1048, %mul3A_81 : vector<16xi32>
        %gather3A_1053 = tpu.vector_load_idx %arg21[%add3A_58, %add3A_1052] : memref<128x128xf32, #tpu.memory_space<vmem>>[vector<16xi32>, vector<16xi32>], vector<16xf32>,
        %add3A_1054 = arith.addi %and3A_1048, %mul3A_90 : vector<16xi32>
        %gather3A_1055 = tpu.vector_load_idx %arg22[%add3A_58, %add3A_1054] : memref<128x128xf32, #tpu.memory_space<vmem>>[vector<16xi32>, vector<16xi32>], vector<16xf32>,
        %add3A_1056 = arith.addi %and3A_1048, %mul3A_99 : vector<16xi32>
        %gather3A_1057 = tpu.vector_load_idx %arg23[%add3A_58, %add3A_1056] : memref<128x128xf32, #tpu.memory_space<vmem>>[vector<16xi32>, vector<16xi32>], vector<16xf32>,
        %add3A_1058 = arith.addf %gather3A_1051, %gather3A_1049 : vector<16xf32>
        %sub3A_1059 = arith.subf %add3A_1058, %gather3A_1053 : vector<16xf32>
        %abs3A_1060 = math.absf %sub3A_1059 : vector<16xf32>
        %add3A_1061 = arith.addf %add3A_1038, %abs3A_1060 : vector<16xf32>
        %add3A_1062 = arith.addf %gather3A_1055, %gather3A_1049 : vector<16xf32>
        %sub3A_1063 = arith.subf %add3A_1062, %gather3A_1057 : vector<16xf32>
        %abs3A_1064 = math.absf %sub3A_1063 : vector<16xf32>
        %add3A_1065 = arith.addf %add3A_1042, %abs3A_1064 : vector<16xf32>
        %add3A_1066 = arith.constant 42 : i32
        %add3A_1067 = vector.broadcast %add3A_1066 : i32 to vector<16xi32>
        %add3A_1068 = arith.addi %iota3A, %add3A_1067 : vector<16xi32>
        %and3A_1069 = arith.constant 63 : i32
        %and3A_1070 = vector.broadcast %and3A_1069 : i32 to vector<16xi32>
        %and3A_1071 = arith.andi %add3A_1068, %and3A_1070 : vector<16xi32>
        %gather3A_1072 = tpu.vector_load_idx %arg24[%add3A_58, %and3A_1071] : memref<128x128xf32, #tpu.memory_space<vmem>>[vector<16xi32>, vector<16xi32>], vector<16xf32>,
        %add3A_1073 = arith.addi %and3A_1071, %mul3A_72 : vector<16xi32>
        %gather3A_1074 = tpu.vector_load_idx %arg20[%add3A_58, %add3A_1073] : memref<128x128xf32, #tpu.memory_space<vmem>>[vector<16xi32>, vector<16xi32>], vector<16xf32>,
        %add3A_1075 = arith.addi %and3A_1071, %mul3A_81 : vector<16xi32>
        %gather3A_1076 = tpu.vector_load_idx %arg21[%add3A_58, %add3A_1075] : memref<128x128xf32, #tpu.memory_space<vmem>>[vector<16xi32>, vector<16xi32>], vector<16xf32>,
        %add3A_1077 = arith.addi %and3A_1071, %mul3A_90 : vector<16xi32>
        %gather3A_1078 = tpu.vector_load_idx %arg22[%add3A_58, %add3A_1077] : memref<128x128xf32, #tpu.memory_space<vmem>>[vector<16xi32>, vector<16xi32>], vector<16xf32>,
        %add3A_1079 = arith.addi %and3A_1071, %mul3A_99 : vector<16xi32>
        %gather3A_1080 = tpu.vector_load_idx %arg23[%add3A_58, %add3A_1079] : memref<128x128xf32, #tpu.memory_space<vmem>>[vector<16xi32>, vector<16xi32>], vector<16xf32>,
        %add3A_1081 = arith.addf %gather3A_1074, %gather3A_1072 : vector<16xf32>
        %sub3A_1082 = arith.subf %add3A_1081, %gather3A_1076 : vector<16xf32>
        %abs3A_1083 = math.absf %sub3A_1082 : vector<16xf32>
        %add3A_1084 = arith.addf %add3A_1061, %abs3A_1083 : vector<16xf32>
        %add3A_1085 = arith.addf %gather3A_1078, %gather3A_1072 : vector<16xf32>
        %sub3A_1086 = arith.subf %add3A_1085, %gather3A_1080 : vector<16xf32>
        %abs3A_1087 = math.absf %sub3A_1086 : vector<16xf32>
        %add3A_1088 = arith.addf %add3A_1065, %abs3A_1087 : vector<16xf32>
        %add3A_1089 = arith.constant 43 : i32
        %add3A_1090 = vector.broadcast %add3A_1089 : i32 to vector<16xi32>
        %add3A_1091 = arith.addi %iota3A, %add3A_1090 : vector<16xi32>
        %and3A_1092 = arith.constant 63 : i32
        %and3A_1093 = vector.broadcast %and3A_1092 : i32 to vector<16xi32>
        %and3A_1094 = arith.andi %add3A_1091, %and3A_1093 : vector<16xi32>
        %gather3A_1095 = tpu.vector_load_idx %arg24[%add3A_58, %and3A_1094] : memref<128x128xf32, #tpu.memory_space<vmem>>[vector<16xi32>, vector<16xi32>], vector<16xf32>,
        %add3A_1096 = arith.addi %and3A_1094, %mul3A_72 : vector<16xi32>
        %gather3A_1097 = tpu.vector_load_idx %arg20[%add3A_58, %add3A_1096] : memref<128x128xf32, #tpu.memory_space<vmem>>[vector<16xi32>, vector<16xi32>], vector<16xf32>,
        %add3A_1098 = arith.addi %and3A_1094, %mul3A_81 : vector<16xi32>
        %gather3A_1099 = tpu.vector_load_idx %arg21[%add3A_58, %add3A_1098] : memref<128x128xf32, #tpu.memory_space<vmem>>[vector<16xi32>, vector<16xi32>], vector<16xf32>,
        %add3A_1100 = arith.addi %and3A_1094, %mul3A_90 : vector<16xi32>
        %gather3A_1101 = tpu.vector_load_idx %arg22[%add3A_58, %add3A_1100] : memref<128x128xf32, #tpu.memory_space<vmem>>[vector<16xi32>, vector<16xi32>], vector<16xf32>,
        %add3A_1102 = arith.addi %and3A_1094, %mul3A_99 : vector<16xi32>
        %gather3A_1103 = tpu.vector_load_idx %arg23[%add3A_58, %add3A_1102] : memref<128x128xf32, #tpu.memory_space<vmem>>[vector<16xi32>, vector<16xi32>], vector<16xf32>,
        %add3A_1104 = arith.addf %gather3A_1097, %gather3A_1095 : vector<16xf32>
        %sub3A_1105 = arith.subf %add3A_1104, %gather3A_1099 : vector<16xf32>
        %abs3A_1106 = math.absf %sub3A_1105 : vector<16xf32>
        %add3A_1107 = arith.addf %add3A_1084, %abs3A_1106 : vector<16xf32>
        %add3A_1108 = arith.addf %gather3A_1101, %gather3A_1095 : vector<16xf32>
        %sub3A_1109 = arith.subf %add3A_1108, %gather3A_1103 : vector<16xf32>
        %abs3A_1110 = math.absf %sub3A_1109 : vector<16xf32>
        %add3A_1111 = arith.addf %add3A_1088, %abs3A_1110 : vector<16xf32>
        %add3A_1112 = arith.constant 44 : i32
        %add3A_1113 = vector.broadcast %add3A_1112 : i32 to vector<16xi32>
        %add3A_1114 = arith.addi %iota3A, %add3A_1113 : vector<16xi32>
        %and3A_1115 = arith.constant 63 : i32
        %and3A_1116 = vector.broadcast %and3A_1115 : i32 to vector<16xi32>
        %and3A_1117 = arith.andi %add3A_1114, %and3A_1116 : vector<16xi32>
        %gather3A_1118 = tpu.vector_load_idx %arg24[%add3A_58, %and3A_1117] : memref<128x128xf32, #tpu.memory_space<vmem>>[vector<16xi32>, vector<16xi32>], vector<16xf32>,
        %add3A_1119 = arith.addi %and3A_1117, %mul3A_72 : vector<16xi32>
        %gather3A_1120 = tpu.vector_load_idx %arg20[%add3A_58, %add3A_1119] : memref<128x128xf32, #tpu.memory_space<vmem>>[vector<16xi32>, vector<16xi32>], vector<16xf32>,
        %add3A_1121 = arith.addi %and3A_1117, %mul3A_81 : vector<16xi32>
        %gather3A_1122 = tpu.vector_load_idx %arg21[%add3A_58, %add3A_1121] : memref<128x128xf32, #tpu.memory_space<vmem>>[vector<16xi32>, vector<16xi32>], vector<16xf32>,
        %add3A_1123 = arith.addi %and3A_1117, %mul3A_90 : vector<16xi32>
        %gather3A_1124 = tpu.vector_load_idx %arg22[%add3A_58, %add3A_1123] : memref<128x128xf32, #tpu.memory_space<vmem>>[vector<16xi32>, vector<16xi32>], vector<16xf32>,
        %add3A_1125 = arith.addi %and3A_1117, %mul3A_99 : vector<16xi32>
        %gather3A_1126 = tpu.vector_load_idx %arg23[%add3A_58, %add3A_1125] : memref<128x128xf32, #tpu.memory_space<vmem>>[vector<16xi32>, vector<16xi32>], vector<16xf32>,
        %add3A_1127 = arith.addf %gather3A_1120, %gather3A_1118 : vector<16xf32>
        %sub3A_1128 = arith.subf %add3A_1127, %gather3A_1122 : vector<16xf32>
        %abs3A_1129 = math.absf %sub3A_1128 : vector<16xf32>
        %add3A_1130 = arith.addf %add3A_1107, %abs3A_1129 : vector<16xf32>
        %add3A_1131 = arith.addf %gather3A_1124, %gather3A_1118 : vector<16xf32>
        %sub3A_1132 = arith.subf %add3A_1131, %gather3A_1126 : vector<16xf32>
        %abs3A_1133 = math.absf %sub3A_1132 : vector<16xf32>
        %add3A_1134 = arith.addf %add3A_1111, %abs3A_1133 : vector<16xf32>
        %add3A_1135 = arith.constant 45 : i32
        %add3A_1136 = vector.broadcast %add3A_1135 : i32 to vector<16xi32>
        %add3A_1137 = arith.addi %iota3A, %add3A_1136 : vector<16xi32>
        %and3A_1138 = arith.constant 63 : i32
        %and3A_1139 = vector.broadcast %and3A_1138 : i32 to vector<16xi32>
        %and3A_1140 = arith.andi %add3A_1137, %and3A_1139 : vector<16xi32>
        %gather3A_1141 = tpu.vector_load_idx %arg24[%add3A_58, %and3A_1140] : memref<128x128xf32, #tpu.memory_space<vmem>>[vector<16xi32>, vector<16xi32>], vector<16xf32>,
        %add3A_1142 = arith.addi %and3A_1140, %mul3A_72 : vector<16xi32>
        %gather3A_1143 = tpu.vector_load_idx %arg20[%add3A_58, %add3A_1142] : memref<128x128xf32, #tpu.memory_space<vmem>>[vector<16xi32>, vector<16xi32>], vector<16xf32>,
        %add3A_1144 = arith.addi %and3A_1140, %mul3A_81 : vector<16xi32>
        %gather3A_1145 = tpu.vector_load_idx %arg21[%add3A_58, %add3A_1144] : memref<128x128xf32, #tpu.memory_space<vmem>>[vector<16xi32>, vector<16xi32>], vector<16xf32>,
        %add3A_1146 = arith.addi %and3A_1140, %mul3A_90 : vector<16xi32>
        %gather3A_1147 = tpu.vector_load_idx %arg22[%add3A_58, %add3A_1146] : memref<128x128xf32, #tpu.memory_space<vmem>>[vector<16xi32>, vector<16xi32>], vector<16xf32>,
        %add3A_1148 = arith.addi %and3A_1140, %mul3A_99 : vector<16xi32>
        %gather3A_1149 = tpu.vector_load_idx %arg23[%add3A_58, %add3A_1148] : memref<128x128xf32, #tpu.memory_space<vmem>>[vector<16xi32>, vector<16xi32>], vector<16xf32>,
        %add3A_1150 = arith.addf %gather3A_1143, %gather3A_1141 : vector<16xf32>
        %sub3A_1151 = arith.subf %add3A_1150, %gather3A_1145 : vector<16xf32>
        %abs3A_1152 = math.absf %sub3A_1151 : vector<16xf32>
        %add3A_1153 = arith.addf %add3A_1130, %abs3A_1152 : vector<16xf32>
        %add3A_1154 = arith.addf %gather3A_1147, %gather3A_1141 : vector<16xf32>
        %sub3A_1155 = arith.subf %add3A_1154, %gather3A_1149 : vector<16xf32>
        %abs3A_1156 = math.absf %sub3A_1155 : vector<16xf32>
        %add3A_1157 = arith.addf %add3A_1134, %abs3A_1156 : vector<16xf32>
        %add3A_1158 = arith.constant 46 : i32
        %add3A_1159 = vector.broadcast %add3A_1158 : i32 to vector<16xi32>
        %add3A_1160 = arith.addi %iota3A, %add3A_1159 : vector<16xi32>
        %and3A_1161 = arith.constant 63 : i32
        %and3A_1162 = vector.broadcast %and3A_1161 : i32 to vector<16xi32>
        %and3A_1163 = arith.andi %add3A_1160, %and3A_1162 : vector<16xi32>
        %gather3A_1164 = tpu.vector_load_idx %arg24[%add3A_58, %and3A_1163] : memref<128x128xf32, #tpu.memory_space<vmem>>[vector<16xi32>, vector<16xi32>], vector<16xf32>,
        %add3A_1165 = arith.addi %and3A_1163, %mul3A_72 : vector<16xi32>
        %gather3A_1166 = tpu.vector_load_idx %arg20[%add3A_58, %add3A_1165] : memref<128x128xf32, #tpu.memory_space<vmem>>[vector<16xi32>, vector<16xi32>], vector<16xf32>,
        %add3A_1167 = arith.addi %and3A_1163, %mul3A_81 : vector<16xi32>
        %gather3A_1168 = tpu.vector_load_idx %arg21[%add3A_58, %add3A_1167] : memref<128x128xf32, #tpu.memory_space<vmem>>[vector<16xi32>, vector<16xi32>], vector<16xf32>,
        %add3A_1169 = arith.addi %and3A_1163, %mul3A_90 : vector<16xi32>
        %gather3A_1170 = tpu.vector_load_idx %arg22[%add3A_58, %add3A_1169] : memref<128x128xf32, #tpu.memory_space<vmem>>[vector<16xi32>, vector<16xi32>], vector<16xf32>,
        %add3A_1171 = arith.addi %and3A_1163, %mul3A_99 : vector<16xi32>
        %gather3A_1172 = tpu.vector_load_idx %arg23[%add3A_58, %add3A_1171] : memref<128x128xf32, #tpu.memory_space<vmem>>[vector<16xi32>, vector<16xi32>], vector<16xf32>,
        %add3A_1173 = arith.addf %gather3A_1166, %gather3A_1164 : vector<16xf32>
        %sub3A_1174 = arith.subf %add3A_1173, %gather3A_1168 : vector<16xf32>
        %abs3A_1175 = math.absf %sub3A_1174 : vector<16xf32>
        %add3A_1176 = arith.addf %add3A_1153, %abs3A_1175 : vector<16xf32>
        %add3A_1177 = arith.addf %gather3A_1170, %gather3A_1164 : vector<16xf32>
        %sub3A_1178 = arith.subf %add3A_1177, %gather3A_1172 : vector<16xf32>
        %abs3A_1179 = math.absf %sub3A_1178 : vector<16xf32>
        %add3A_1180 = arith.addf %add3A_1157, %abs3A_1179 : vector<16xf32>
        %add3A_1181 = arith.constant 47 : i32
        %add3A_1182 = vector.broadcast %add3A_1181 : i32 to vector<16xi32>
        %add3A_1183 = arith.addi %iota3A, %add3A_1182 : vector<16xi32>
        %and3A_1184 = arith.constant 63 : i32
        %and3A_1185 = vector.broadcast %and3A_1184 : i32 to vector<16xi32>
        %and3A_1186 = arith.andi %add3A_1183, %and3A_1185 : vector<16xi32>
        %gather3A_1187 = tpu.vector_load_idx %arg24[%add3A_58, %and3A_1186] : memref<128x128xf32, #tpu.memory_space<vmem>>[vector<16xi32>, vector<16xi32>], vector<16xf32>,
        %add3A_1188 = arith.addi %and3A_1186, %mul3A_72 : vector<16xi32>
        %gather3A_1189 = tpu.vector_load_idx %arg20[%add3A_58, %add3A_1188] : memref<128x128xf32, #tpu.memory_space<vmem>>[vector<16xi32>, vector<16xi32>], vector<16xf32>,
        %add3A_1190 = arith.addi %and3A_1186, %mul3A_81 : vector<16xi32>
        %gather3A_1191 = tpu.vector_load_idx %arg21[%add3A_58, %add3A_1190] : memref<128x128xf32, #tpu.memory_space<vmem>>[vector<16xi32>, vector<16xi32>], vector<16xf32>,
        %add3A_1192 = arith.addi %and3A_1186, %mul3A_90 : vector<16xi32>
        %gather3A_1193 = tpu.vector_load_idx %arg22[%add3A_58, %add3A_1192] : memref<128x128xf32, #tpu.memory_space<vmem>>[vector<16xi32>, vector<16xi32>], vector<16xf32>,
        %add3A_1194 = arith.addi %and3A_1186, %mul3A_99 : vector<16xi32>
        %gather3A_1195 = tpu.vector_load_idx %arg23[%add3A_58, %add3A_1194] : memref<128x128xf32, #tpu.memory_space<vmem>>[vector<16xi32>, vector<16xi32>], vector<16xf32>,
        %add3A_1196 = arith.addf %gather3A_1189, %gather3A_1187 : vector<16xf32>
        %sub3A_1197 = arith.subf %add3A_1196, %gather3A_1191 : vector<16xf32>
        %abs3A_1198 = math.absf %sub3A_1197 : vector<16xf32>
        %add3A_1199 = arith.addf %add3A_1176, %abs3A_1198 : vector<16xf32>
        %add3A_1200 = arith.addf %gather3A_1193, %gather3A_1187 : vector<16xf32>
        %sub3A_1201 = arith.subf %add3A_1200, %gather3A_1195 : vector<16xf32>
        %abs3A_1202 = math.absf %sub3A_1201 : vector<16xf32>
        %add3A_1203 = arith.addf %add3A_1180, %abs3A_1202 : vector<16xf32>
        %add3A_1204 = arith.constant 48 : i32
        %add3A_1205 = vector.broadcast %add3A_1204 : i32 to vector<16xi32>
        %add3A_1206 = arith.addi %iota3A, %add3A_1205 : vector<16xi32>
        %and3A_1207 = arith.constant 63 : i32
        %and3A_1208 = vector.broadcast %and3A_1207 : i32 to vector<16xi32>
        %and3A_1209 = arith.andi %add3A_1206, %and3A_1208 : vector<16xi32>
        %gather3A_1210 = tpu.vector_load_idx %arg24[%add3A_58, %and3A_1209] : memref<128x128xf32, #tpu.memory_space<vmem>>[vector<16xi32>, vector<16xi32>], vector<16xf32>,
        %add3A_1211 = arith.addi %and3A_1209, %mul3A_72 : vector<16xi32>
        %gather3A_1212 = tpu.vector_load_idx %arg20[%add3A_58, %add3A_1211] : memref<128x128xf32, #tpu.memory_space<vmem>>[vector<16xi32>, vector<16xi32>], vector<16xf32>,
        %add3A_1213 = arith.addi %and3A_1209, %mul3A_81 : vector<16xi32>
        %gather3A_1214 = tpu.vector_load_idx %arg21[%add3A_58, %add3A_1213] : memref<128x128xf32, #tpu.memory_space<vmem>>[vector<16xi32>, vector<16xi32>], vector<16xf32>,
        %add3A_1215 = arith.addi %and3A_1209, %mul3A_90 : vector<16xi32>
        %gather3A_1216 = tpu.vector_load_idx %arg22[%add3A_58, %add3A_1215] : memref<128x128xf32, #tpu.memory_space<vmem>>[vector<16xi32>, vector<16xi32>], vector<16xf32>,
        %add3A_1217 = arith.addi %and3A_1209, %mul3A_99 : vector<16xi32>
        %gather3A_1218 = tpu.vector_load_idx %arg23[%add3A_58, %add3A_1217] : memref<128x128xf32, #tpu.memory_space<vmem>>[vector<16xi32>, vector<16xi32>], vector<16xf32>,
        %add3A_1219 = arith.addf %gather3A_1212, %gather3A_1210 : vector<16xf32>
        %sub3A_1220 = arith.subf %add3A_1219, %gather3A_1214 : vector<16xf32>
        %abs3A_1221 = math.absf %sub3A_1220 : vector<16xf32>
        %add3A_1222 = arith.addf %add3A_1199, %abs3A_1221 : vector<16xf32>
        %add3A_1223 = arith.addf %gather3A_1216, %gather3A_1210 : vector<16xf32>
        %sub3A_1224 = arith.subf %add3A_1223, %gather3A_1218 : vector<16xf32>
        %abs3A_1225 = math.absf %sub3A_1224 : vector<16xf32>
        %add3A_1226 = arith.addf %add3A_1203, %abs3A_1225 : vector<16xf32>
        %add3A_1227 = arith.constant 49 : i32
        %add3A_1228 = vector.broadcast %add3A_1227 : i32 to vector<16xi32>
        %add3A_1229 = arith.addi %iota3A, %add3A_1228 : vector<16xi32>
        %and3A_1230 = arith.constant 63 : i32
        %and3A_1231 = vector.broadcast %and3A_1230 : i32 to vector<16xi32>
        %and3A_1232 = arith.andi %add3A_1229, %and3A_1231 : vector<16xi32>
        %gather3A_1233 = tpu.vector_load_idx %arg24[%add3A_58, %and3A_1232] : memref<128x128xf32, #tpu.memory_space<vmem>>[vector<16xi32>, vector<16xi32>], vector<16xf32>,
        %add3A_1234 = arith.addi %and3A_1232, %mul3A_72 : vector<16xi32>
        %gather3A_1235 = tpu.vector_load_idx %arg20[%add3A_58, %add3A_1234] : memref<128x128xf32, #tpu.memory_space<vmem>>[vector<16xi32>, vector<16xi32>], vector<16xf32>,
        %add3A_1236 = arith.addi %and3A_1232, %mul3A_81 : vector<16xi32>
        %gather3A_1237 = tpu.vector_load_idx %arg21[%add3A_58, %add3A_1236] : memref<128x128xf32, #tpu.memory_space<vmem>>[vector<16xi32>, vector<16xi32>], vector<16xf32>,
        %add3A_1238 = arith.addi %and3A_1232, %mul3A_90 : vector<16xi32>
        %gather3A_1239 = tpu.vector_load_idx %arg22[%add3A_58, %add3A_1238] : memref<128x128xf32, #tpu.memory_space<vmem>>[vector<16xi32>, vector<16xi32>], vector<16xf32>,
        %add3A_1240 = arith.addi %and3A_1232, %mul3A_99 : vector<16xi32>
        %gather3A_1241 = tpu.vector_load_idx %arg23[%add3A_58, %add3A_1240] : memref<128x128xf32, #tpu.memory_space<vmem>>[vector<16xi32>, vector<16xi32>], vector<16xf32>,
        %add3A_1242 = arith.addf %gather3A_1235, %gather3A_1233 : vector<16xf32>
        %sub3A_1243 = arith.subf %add3A_1242, %gather3A_1237 : vector<16xf32>
        %abs3A_1244 = math.absf %sub3A_1243 : vector<16xf32>
        %add3A_1245 = arith.addf %add3A_1222, %abs3A_1244 : vector<16xf32>
        %add3A_1246 = arith.addf %gather3A_1239, %gather3A_1233 : vector<16xf32>
        %sub3A_1247 = arith.subf %add3A_1246, %gather3A_1241 : vector<16xf32>
        %abs3A_1248 = math.absf %sub3A_1247 : vector<16xf32>
        %add3A_1249 = arith.addf %add3A_1226, %abs3A_1248 : vector<16xf32>
        %add3A_1250 = arith.constant 50 : i32
        %add3A_1251 = vector.broadcast %add3A_1250 : i32 to vector<16xi32>
        %add3A_1252 = arith.addi %iota3A, %add3A_1251 : vector<16xi32>
        %and3A_1253 = arith.constant 63 : i32
        %and3A_1254 = vector.broadcast %and3A_1253 : i32 to vector<16xi32>
        %and3A_1255 = arith.andi %add3A_1252, %and3A_1254 : vector<16xi32>
        %gather3A_1256 = tpu.vector_load_idx %arg24[%add3A_58, %and3A_1255] : memref<128x128xf32, #tpu.memory_space<vmem>>[vector<16xi32>, vector<16xi32>], vector<16xf32>,
        %add3A_1257 = arith.addi %and3A_1255, %mul3A_72 : vector<16xi32>
        %gather3A_1258 = tpu.vector_load_idx %arg20[%add3A_58, %add3A_1257] : memref<128x128xf32, #tpu.memory_space<vmem>>[vector<16xi32>, vector<16xi32>], vector<16xf32>,
        %add3A_1259 = arith.addi %and3A_1255, %mul3A_81 : vector<16xi32>
        %gather3A_1260 = tpu.vector_load_idx %arg21[%add3A_58, %add3A_1259] : memref<128x128xf32, #tpu.memory_space<vmem>>[vector<16xi32>, vector<16xi32>], vector<16xf32>,
        %add3A_1261 = arith.addi %and3A_1255, %mul3A_90 : vector<16xi32>
        %gather3A_1262 = tpu.vector_load_idx %arg22[%add3A_58, %add3A_1261] : memref<128x128xf32, #tpu.memory_space<vmem>>[vector<16xi32>, vector<16xi32>], vector<16xf32>,
        %add3A_1263 = arith.addi %and3A_1255, %mul3A_99 : vector<16xi32>
        %gather3A_1264 = tpu.vector_load_idx %arg23[%add3A_58, %add3A_1263] : memref<128x128xf32, #tpu.memory_space<vmem>>[vector<16xi32>, vector<16xi32>], vector<16xf32>,
        %add3A_1265 = arith.addf %gather3A_1258, %gather3A_1256 : vector<16xf32>
        %sub3A_1266 = arith.subf %add3A_1265, %gather3A_1260 : vector<16xf32>
        %abs3A_1267 = math.absf %sub3A_1266 : vector<16xf32>
        %add3A_1268 = arith.addf %add3A_1245, %abs3A_1267 : vector<16xf32>
        %add3A_1269 = arith.addf %gather3A_1262, %gather3A_1256 : vector<16xf32>
        %sub3A_1270 = arith.subf %add3A_1269, %gather3A_1264 : vector<16xf32>
        %abs3A_1271 = math.absf %sub3A_1270 : vector<16xf32>
        %add3A_1272 = arith.addf %add3A_1249, %abs3A_1271 : vector<16xf32>
        %add3A_1273 = arith.constant 51 : i32
        %add3A_1274 = vector.broadcast %add3A_1273 : i32 to vector<16xi32>
        %add3A_1275 = arith.addi %iota3A, %add3A_1274 : vector<16xi32>
        %and3A_1276 = arith.constant 63 : i32
        %and3A_1277 = vector.broadcast %and3A_1276 : i32 to vector<16xi32>
        %and3A_1278 = arith.andi %add3A_1275, %and3A_1277 : vector<16xi32>
        %gather3A_1279 = tpu.vector_load_idx %arg24[%add3A_58, %and3A_1278] : memref<128x128xf32, #tpu.memory_space<vmem>>[vector<16xi32>, vector<16xi32>], vector<16xf32>,
        %add3A_1280 = arith.addi %and3A_1278, %mul3A_72 : vector<16xi32>
        %gather3A_1281 = tpu.vector_load_idx %arg20[%add3A_58, %add3A_1280] : memref<128x128xf32, #tpu.memory_space<vmem>>[vector<16xi32>, vector<16xi32>], vector<16xf32>,
        %add3A_1282 = arith.addi %and3A_1278, %mul3A_81 : vector<16xi32>
        %gather3A_1283 = tpu.vector_load_idx %arg21[%add3A_58, %add3A_1282] : memref<128x128xf32, #tpu.memory_space<vmem>>[vector<16xi32>, vector<16xi32>], vector<16xf32>,
        %add3A_1284 = arith.addi %and3A_1278, %mul3A_90 : vector<16xi32>
        %gather3A_1285 = tpu.vector_load_idx %arg22[%add3A_58, %add3A_1284] : memref<128x128xf32, #tpu.memory_space<vmem>>[vector<16xi32>, vector<16xi32>], vector<16xf32>,
        %add3A_1286 = arith.addi %and3A_1278, %mul3A_99 : vector<16xi32>
        %gather3A_1287 = tpu.vector_load_idx %arg23[%add3A_58, %add3A_1286] : memref<128x128xf32, #tpu.memory_space<vmem>>[vector<16xi32>, vector<16xi32>], vector<16xf32>,
        %add3A_1288 = arith.addf %gather3A_1281, %gather3A_1279 : vector<16xf32>
        %sub3A_1289 = arith.subf %add3A_1288, %gather3A_1283 : vector<16xf32>
        %abs3A_1290 = math.absf %sub3A_1289 : vector<16xf32>
        %add3A_1291 = arith.addf %add3A_1268, %abs3A_1290 : vector<16xf32>
        %add3A_1292 = arith.addf %gather3A_1285, %gather3A_1279 : vector<16xf32>
        %sub3A_1293 = arith.subf %add3A_1292, %gather3A_1287 : vector<16xf32>
        %abs3A_1294 = math.absf %sub3A_1293 : vector<16xf32>
        %add3A_1295 = arith.addf %add3A_1272, %abs3A_1294 : vector<16xf32>
        %add3A_1296 = arith.constant 52 : i32
        %add3A_1297 = vector.broadcast %add3A_1296 : i32 to vector<16xi32>
        %add3A_1298 = arith.addi %iota3A, %add3A_1297 : vector<16xi32>
        %and3A_1299 = arith.constant 63 : i32
        %and3A_1300 = vector.broadcast %and3A_1299 : i32 to vector<16xi32>
        %and3A_1301 = arith.andi %add3A_1298, %and3A_1300 : vector<16xi32>
        %gather3A_1302 = tpu.vector_load_idx %arg24[%add3A_58, %and3A_1301] : memref<128x128xf32, #tpu.memory_space<vmem>>[vector<16xi32>, vector<16xi32>], vector<16xf32>,
        %add3A_1303 = arith.addi %and3A_1301, %mul3A_72 : vector<16xi32>
        %gather3A_1304 = tpu.vector_load_idx %arg20[%add3A_58, %add3A_1303] : memref<128x128xf32, #tpu.memory_space<vmem>>[vector<16xi32>, vector<16xi32>], vector<16xf32>,
        %add3A_1305 = arith.addi %and3A_1301, %mul3A_81 : vector<16xi32>
        %gather3A_1306 = tpu.vector_load_idx %arg21[%add3A_58, %add3A_1305] : memref<128x128xf32, #tpu.memory_space<vmem>>[vector<16xi32>, vector<16xi32>], vector<16xf32>,
        %add3A_1307 = arith.addi %and3A_1301, %mul3A_90 : vector<16xi32>
        %gather3A_1308 = tpu.vector_load_idx %arg22[%add3A_58, %add3A_1307] : memref<128x128xf32, #tpu.memory_space<vmem>>[vector<16xi32>, vector<16xi32>], vector<16xf32>,
        %add3A_1309 = arith.addi %and3A_1301, %mul3A_99 : vector<16xi32>
        %gather3A_1310 = tpu.vector_load_idx %arg23[%add3A_58, %add3A_1309] : memref<128x128xf32, #tpu.memory_space<vmem>>[vector<16xi32>, vector<16xi32>], vector<16xf32>,
        %add3A_1311 = arith.addf %gather3A_1304, %gather3A_1302 : vector<16xf32>
        %sub3A_1312 = arith.subf %add3A_1311, %gather3A_1306 : vector<16xf32>
        %abs3A_1313 = math.absf %sub3A_1312 : vector<16xf32>
        %add3A_1314 = arith.addf %add3A_1291, %abs3A_1313 : vector<16xf32>
        %add3A_1315 = arith.addf %gather3A_1308, %gather3A_1302 : vector<16xf32>
        %sub3A_1316 = arith.subf %add3A_1315, %gather3A_1310 : vector<16xf32>
        %abs3A_1317 = math.absf %sub3A_1316 : vector<16xf32>
        %add3A_1318 = arith.addf %add3A_1295, %abs3A_1317 : vector<16xf32>
        %add3A_1319 = arith.constant 53 : i32
        %add3A_1320 = vector.broadcast %add3A_1319 : i32 to vector<16xi32>
        %add3A_1321 = arith.addi %iota3A, %add3A_1320 : vector<16xi32>
        %and3A_1322 = arith.constant 63 : i32
        %and3A_1323 = vector.broadcast %and3A_1322 : i32 to vector<16xi32>
        %and3A_1324 = arith.andi %add3A_1321, %and3A_1323 : vector<16xi32>
        %gather3A_1325 = tpu.vector_load_idx %arg24[%add3A_58, %and3A_1324] : memref<128x128xf32, #tpu.memory_space<vmem>>[vector<16xi32>, vector<16xi32>], vector<16xf32>,
        %add3A_1326 = arith.addi %and3A_1324, %mul3A_72 : vector<16xi32>
        %gather3A_1327 = tpu.vector_load_idx %arg20[%add3A_58, %add3A_1326] : memref<128x128xf32, #tpu.memory_space<vmem>>[vector<16xi32>, vector<16xi32>], vector<16xf32>,
        %add3A_1328 = arith.addi %and3A_1324, %mul3A_81 : vector<16xi32>
        %gather3A_1329 = tpu.vector_load_idx %arg21[%add3A_58, %add3A_1328] : memref<128x128xf32, #tpu.memory_space<vmem>>[vector<16xi32>, vector<16xi32>], vector<16xf32>,
        %add3A_1330 = arith.addi %and3A_1324, %mul3A_90 : vector<16xi32>
        %gather3A_1331 = tpu.vector_load_idx %arg22[%add3A_58, %add3A_1330] : memref<128x128xf32, #tpu.memory_space<vmem>>[vector<16xi32>, vector<16xi32>], vector<16xf32>,
        %add3A_1332 = arith.addi %and3A_1324, %mul3A_99 : vector<16xi32>
        %gather3A_1333 = tpu.vector_load_idx %arg23[%add3A_58, %add3A_1332] : memref<128x128xf32, #tpu.memory_space<vmem>>[vector<16xi32>, vector<16xi32>], vector<16xf32>,
        %add3A_1334 = arith.addf %gather3A_1327, %gather3A_1325 : vector<16xf32>
        %sub3A_1335 = arith.subf %add3A_1334, %gather3A_1329 : vector<16xf32>
        %abs3A_1336 = math.absf %sub3A_1335 : vector<16xf32>
        %add3A_1337 = arith.addf %add3A_1314, %abs3A_1336 : vector<16xf32>
        %add3A_1338 = arith.addf %gather3A_1331, %gather3A_1325 : vector<16xf32>
        %sub3A_1339 = arith.subf %add3A_1338, %gather3A_1333 : vector<16xf32>
        %abs3A_1340 = math.absf %sub3A_1339 : vector<16xf32>
        %add3A_1341 = arith.addf %add3A_1318, %abs3A_1340 : vector<16xf32>
        %add3A_1342 = arith.constant 54 : i32
        %add3A_1343 = vector.broadcast %add3A_1342 : i32 to vector<16xi32>
        %add3A_1344 = arith.addi %iota3A, %add3A_1343 : vector<16xi32>
        %and3A_1345 = arith.constant 63 : i32
        %and3A_1346 = vector.broadcast %and3A_1345 : i32 to vector<16xi32>
        %and3A_1347 = arith.andi %add3A_1344, %and3A_1346 : vector<16xi32>
        %gather3A_1348 = tpu.vector_load_idx %arg24[%add3A_58, %and3A_1347] : memref<128x128xf32, #tpu.memory_space<vmem>>[vector<16xi32>, vector<16xi32>], vector<16xf32>,
        %add3A_1349 = arith.addi %and3A_1347, %mul3A_72 : vector<16xi32>
        %gather3A_1350 = tpu.vector_load_idx %arg20[%add3A_58, %add3A_1349] : memref<128x128xf32, #tpu.memory_space<vmem>>[vector<16xi32>, vector<16xi32>], vector<16xf32>,
        %add3A_1351 = arith.addi %and3A_1347, %mul3A_81 : vector<16xi32>
        %gather3A_1352 = tpu.vector_load_idx %arg21[%add3A_58, %add3A_1351] : memref<128x128xf32, #tpu.memory_space<vmem>>[vector<16xi32>, vector<16xi32>], vector<16xf32>,
        %add3A_1353 = arith.addi %and3A_1347, %mul3A_90 : vector<16xi32>
        %gather3A_1354 = tpu.vector_load_idx %arg22[%add3A_58, %add3A_1353] : memref<128x128xf32, #tpu.memory_space<vmem>>[vector<16xi32>, vector<16xi32>], vector<16xf32>,
        %add3A_1355 = arith.addi %and3A_1347, %mul3A_99 : vector<16xi32>
        %gather3A_1356 = tpu.vector_load_idx %arg23[%add3A_58, %add3A_1355] : memref<128x128xf32, #tpu.memory_space<vmem>>[vector<16xi32>, vector<16xi32>], vector<16xf32>,
        %add3A_1357 = arith.addf %gather3A_1350, %gather3A_1348 : vector<16xf32>
        %sub3A_1358 = arith.subf %add3A_1357, %gather3A_1352 : vector<16xf32>
        %abs3A_1359 = math.absf %sub3A_1358 : vector<16xf32>
        %add3A_1360 = arith.addf %add3A_1337, %abs3A_1359 : vector<16xf32>
        %add3A_1361 = arith.addf %gather3A_1354, %gather3A_1348 : vector<16xf32>
        %sub3A_1362 = arith.subf %add3A_1361, %gather3A_1356 : vector<16xf32>
        %abs3A_1363 = math.absf %sub3A_1362 : vector<16xf32>
        %add3A_1364 = arith.addf %add3A_1341, %abs3A_1363 : vector<16xf32>
        %add3A_1365 = arith.constant 55 : i32
        %add3A_1366 = vector.broadcast %add3A_1365 : i32 to vector<16xi32>
        %add3A_1367 = arith.addi %iota3A, %add3A_1366 : vector<16xi32>
        %and3A_1368 = arith.constant 63 : i32
        %and3A_1369 = vector.broadcast %and3A_1368 : i32 to vector<16xi32>
        %and3A_1370 = arith.andi %add3A_1367, %and3A_1369 : vector<16xi32>
        %gather3A_1371 = tpu.vector_load_idx %arg24[%add3A_58, %and3A_1370] : memref<128x128xf32, #tpu.memory_space<vmem>>[vector<16xi32>, vector<16xi32>], vector<16xf32>,
        %add3A_1372 = arith.addi %and3A_1370, %mul3A_72 : vector<16xi32>
        %gather3A_1373 = tpu.vector_load_idx %arg20[%add3A_58, %add3A_1372] : memref<128x128xf32, #tpu.memory_space<vmem>>[vector<16xi32>, vector<16xi32>], vector<16xf32>,
        %add3A_1374 = arith.addi %and3A_1370, %mul3A_81 : vector<16xi32>
        %gather3A_1375 = tpu.vector_load_idx %arg21[%add3A_58, %add3A_1374] : memref<128x128xf32, #tpu.memory_space<vmem>>[vector<16xi32>, vector<16xi32>], vector<16xf32>,
        %add3A_1376 = arith.addi %and3A_1370, %mul3A_90 : vector<16xi32>
        %gather3A_1377 = tpu.vector_load_idx %arg22[%add3A_58, %add3A_1376] : memref<128x128xf32, #tpu.memory_space<vmem>>[vector<16xi32>, vector<16xi32>], vector<16xf32>,
        %add3A_1378 = arith.addi %and3A_1370, %mul3A_99 : vector<16xi32>
        %gather3A_1379 = tpu.vector_load_idx %arg23[%add3A_58, %add3A_1378] : memref<128x128xf32, #tpu.memory_space<vmem>>[vector<16xi32>, vector<16xi32>], vector<16xf32>,
        %add3A_1380 = arith.addf %gather3A_1373, %gather3A_1371 : vector<16xf32>
        %sub3A_1381 = arith.subf %add3A_1380, %gather3A_1375 : vector<16xf32>
        %abs3A_1382 = math.absf %sub3A_1381 : vector<16xf32>
        %add3A_1383 = arith.addf %add3A_1360, %abs3A_1382 : vector<16xf32>
        %add3A_1384 = arith.addf %gather3A_1377, %gather3A_1371 : vector<16xf32>
        %sub3A_1385 = arith.subf %add3A_1384, %gather3A_1379 : vector<16xf32>
        %abs3A_1386 = math.absf %sub3A_1385 : vector<16xf32>
        %add3A_1387 = arith.addf %add3A_1364, %abs3A_1386 : vector<16xf32>
        %add3A_1388 = arith.constant 56 : i32
        %add3A_1389 = vector.broadcast %add3A_1388 : i32 to vector<16xi32>
        %add3A_1390 = arith.addi %iota3A, %add3A_1389 : vector<16xi32>
        %and3A_1391 = arith.constant 63 : i32
        %and3A_1392 = vector.broadcast %and3A_1391 : i32 to vector<16xi32>
        %and3A_1393 = arith.andi %add3A_1390, %and3A_1392 : vector<16xi32>
        %gather3A_1394 = tpu.vector_load_idx %arg24[%add3A_58, %and3A_1393] : memref<128x128xf32, #tpu.memory_space<vmem>>[vector<16xi32>, vector<16xi32>], vector<16xf32>,
        %add3A_1395 = arith.addi %and3A_1393, %mul3A_72 : vector<16xi32>
        %gather3A_1396 = tpu.vector_load_idx %arg20[%add3A_58, %add3A_1395] : memref<128x128xf32, #tpu.memory_space<vmem>>[vector<16xi32>, vector<16xi32>], vector<16xf32>,
        %add3A_1397 = arith.addi %and3A_1393, %mul3A_81 : vector<16xi32>
        %gather3A_1398 = tpu.vector_load_idx %arg21[%add3A_58, %add3A_1397] : memref<128x128xf32, #tpu.memory_space<vmem>>[vector<16xi32>, vector<16xi32>], vector<16xf32>,
        %add3A_1399 = arith.addi %and3A_1393, %mul3A_90 : vector<16xi32>
        %gather3A_1400 = tpu.vector_load_idx %arg22[%add3A_58, %add3A_1399] : memref<128x128xf32, #tpu.memory_space<vmem>>[vector<16xi32>, vector<16xi32>], vector<16xf32>,
        %add3A_1401 = arith.addi %and3A_1393, %mul3A_99 : vector<16xi32>
        %gather3A_1402 = tpu.vector_load_idx %arg23[%add3A_58, %add3A_1401] : memref<128x128xf32, #tpu.memory_space<vmem>>[vector<16xi32>, vector<16xi32>], vector<16xf32>,
        %add3A_1403 = arith.addf %gather3A_1396, %gather3A_1394 : vector<16xf32>
        %sub3A_1404 = arith.subf %add3A_1403, %gather3A_1398 : vector<16xf32>
        %abs3A_1405 = math.absf %sub3A_1404 : vector<16xf32>
        %add3A_1406 = arith.addf %add3A_1383, %abs3A_1405 : vector<16xf32>
        %add3A_1407 = arith.addf %gather3A_1400, %gather3A_1394 : vector<16xf32>
        %sub3A_1408 = arith.subf %add3A_1407, %gather3A_1402 : vector<16xf32>
        %abs3A_1409 = math.absf %sub3A_1408 : vector<16xf32>
        %add3A_1410 = arith.addf %add3A_1387, %abs3A_1409 : vector<16xf32>
        %add3A_1411 = arith.constant 57 : i32
        %add3A_1412 = vector.broadcast %add3A_1411 : i32 to vector<16xi32>
        %add3A_1413 = arith.addi %iota3A, %add3A_1412 : vector<16xi32>
        %and3A_1414 = arith.constant 63 : i32
        %and3A_1415 = vector.broadcast %and3A_1414 : i32 to vector<16xi32>
        %and3A_1416 = arith.andi %add3A_1413, %and3A_1415 : vector<16xi32>
        %gather3A_1417 = tpu.vector_load_idx %arg24[%add3A_58, %and3A_1416] : memref<128x128xf32, #tpu.memory_space<vmem>>[vector<16xi32>, vector<16xi32>], vector<16xf32>,
        %add3A_1418 = arith.addi %and3A_1416, %mul3A_72 : vector<16xi32>
        %gather3A_1419 = tpu.vector_load_idx %arg20[%add3A_58, %add3A_1418] : memref<128x128xf32, #tpu.memory_space<vmem>>[vector<16xi32>, vector<16xi32>], vector<16xf32>,
        %add3A_1420 = arith.addi %and3A_1416, %mul3A_81 : vector<16xi32>
        %gather3A_1421 = tpu.vector_load_idx %arg21[%add3A_58, %add3A_1420] : memref<128x128xf32, #tpu.memory_space<vmem>>[vector<16xi32>, vector<16xi32>], vector<16xf32>,
        %add3A_1422 = arith.addi %and3A_1416, %mul3A_90 : vector<16xi32>
        %gather3A_1423 = tpu.vector_load_idx %arg22[%add3A_58, %add3A_1422] : memref<128x128xf32, #tpu.memory_space<vmem>>[vector<16xi32>, vector<16xi32>], vector<16xf32>,
        %add3A_1424 = arith.addi %and3A_1416, %mul3A_99 : vector<16xi32>
        %gather3A_1425 = tpu.vector_load_idx %arg23[%add3A_58, %add3A_1424] : memref<128x128xf32, #tpu.memory_space<vmem>>[vector<16xi32>, vector<16xi32>], vector<16xf32>,
        %add3A_1426 = arith.addf %gather3A_1419, %gather3A_1417 : vector<16xf32>
        %sub3A_1427 = arith.subf %add3A_1426, %gather3A_1421 : vector<16xf32>
        %abs3A_1428 = math.absf %sub3A_1427 : vector<16xf32>
        %add3A_1429 = arith.addf %add3A_1406, %abs3A_1428 : vector<16xf32>
        %add3A_1430 = arith.addf %gather3A_1423, %gather3A_1417 : vector<16xf32>
        %sub3A_1431 = arith.subf %add3A_1430, %gather3A_1425 : vector<16xf32>
        %abs3A_1432 = math.absf %sub3A_1431 : vector<16xf32>
        %add3A_1433 = arith.addf %add3A_1410, %abs3A_1432 : vector<16xf32>
        %add3A_1434 = arith.constant 58 : i32
        %add3A_1435 = vector.broadcast %add3A_1434 : i32 to vector<16xi32>
        %add3A_1436 = arith.addi %iota3A, %add3A_1435 : vector<16xi32>
        %and3A_1437 = arith.constant 63 : i32
        %and3A_1438 = vector.broadcast %and3A_1437 : i32 to vector<16xi32>
        %and3A_1439 = arith.andi %add3A_1436, %and3A_1438 : vector<16xi32>
        %gather3A_1440 = tpu.vector_load_idx %arg24[%add3A_58, %and3A_1439] : memref<128x128xf32, #tpu.memory_space<vmem>>[vector<16xi32>, vector<16xi32>], vector<16xf32>,
        %add3A_1441 = arith.addi %and3A_1439, %mul3A_72 : vector<16xi32>
        %gather3A_1442 = tpu.vector_load_idx %arg20[%add3A_58, %add3A_1441] : memref<128x128xf32, #tpu.memory_space<vmem>>[vector<16xi32>, vector<16xi32>], vector<16xf32>,
        %add3A_1443 = arith.addi %and3A_1439, %mul3A_81 : vector<16xi32>
        %gather3A_1444 = tpu.vector_load_idx %arg21[%add3A_58, %add3A_1443] : memref<128x128xf32, #tpu.memory_space<vmem>>[vector<16xi32>, vector<16xi32>], vector<16xf32>,
        %add3A_1445 = arith.addi %and3A_1439, %mul3A_90 : vector<16xi32>
        %gather3A_1446 = tpu.vector_load_idx %arg22[%add3A_58, %add3A_1445] : memref<128x128xf32, #tpu.memory_space<vmem>>[vector<16xi32>, vector<16xi32>], vector<16xf32>,
        %add3A_1447 = arith.addi %and3A_1439, %mul3A_99 : vector<16xi32>
        %gather3A_1448 = tpu.vector_load_idx %arg23[%add3A_58, %add3A_1447] : memref<128x128xf32, #tpu.memory_space<vmem>>[vector<16xi32>, vector<16xi32>], vector<16xf32>,
        %add3A_1449 = arith.addf %gather3A_1442, %gather3A_1440 : vector<16xf32>
        %sub3A_1450 = arith.subf %add3A_1449, %gather3A_1444 : vector<16xf32>
        %abs3A_1451 = math.absf %sub3A_1450 : vector<16xf32>
        %add3A_1452 = arith.addf %add3A_1429, %abs3A_1451 : vector<16xf32>
        %add3A_1453 = arith.addf %gather3A_1446, %gather3A_1440 : vector<16xf32>
        %sub3A_1454 = arith.subf %add3A_1453, %gather3A_1448 : vector<16xf32>
        %abs3A_1455 = math.absf %sub3A_1454 : vector<16xf32>
        %add3A_1456 = arith.addf %add3A_1433, %abs3A_1455 : vector<16xf32>
        %add3A_1457 = arith.constant 59 : i32
        %add3A_1458 = vector.broadcast %add3A_1457 : i32 to vector<16xi32>
        %add3A_1459 = arith.addi %iota3A, %add3A_1458 : vector<16xi32>
        %and3A_1460 = arith.constant 63 : i32
        %and3A_1461 = vector.broadcast %and3A_1460 : i32 to vector<16xi32>
        %and3A_1462 = arith.andi %add3A_1459, %and3A_1461 : vector<16xi32>
        %gather3A_1463 = tpu.vector_load_idx %arg24[%add3A_58, %and3A_1462] : memref<128x128xf32, #tpu.memory_space<vmem>>[vector<16xi32>, vector<16xi32>], vector<16xf32>,
        %add3A_1464 = arith.addi %and3A_1462, %mul3A_72 : vector<16xi32>
        %gather3A_1465 = tpu.vector_load_idx %arg20[%add3A_58, %add3A_1464] : memref<128x128xf32, #tpu.memory_space<vmem>>[vector<16xi32>, vector<16xi32>], vector<16xf32>,
        %add3A_1466 = arith.addi %and3A_1462, %mul3A_81 : vector<16xi32>
        %gather3A_1467 = tpu.vector_load_idx %arg21[%add3A_58, %add3A_1466] : memref<128x128xf32, #tpu.memory_space<vmem>>[vector<16xi32>, vector<16xi32>], vector<16xf32>,
        %add3A_1468 = arith.addi %and3A_1462, %mul3A_90 : vector<16xi32>
        %gather3A_1469 = tpu.vector_load_idx %arg22[%add3A_58, %add3A_1468] : memref<128x128xf32, #tpu.memory_space<vmem>>[vector<16xi32>, vector<16xi32>], vector<16xf32>,
        %add3A_1470 = arith.addi %and3A_1462, %mul3A_99 : vector<16xi32>
        %gather3A_1471 = tpu.vector_load_idx %arg23[%add3A_58, %add3A_1470] : memref<128x128xf32, #tpu.memory_space<vmem>>[vector<16xi32>, vector<16xi32>], vector<16xf32>,
        %add3A_1472 = arith.addf %gather3A_1465, %gather3A_1463 : vector<16xf32>
        %sub3A_1473 = arith.subf %add3A_1472, %gather3A_1467 : vector<16xf32>
        %abs3A_1474 = math.absf %sub3A_1473 : vector<16xf32>
        %add3A_1475 = arith.addf %add3A_1452, %abs3A_1474 : vector<16xf32>
        %add3A_1476 = arith.addf %gather3A_1469, %gather3A_1463 : vector<16xf32>
        %sub3A_1477 = arith.subf %add3A_1476, %gather3A_1471 : vector<16xf32>
        %abs3A_1478 = math.absf %sub3A_1477 : vector<16xf32>
        %add3A_1479 = arith.addf %add3A_1456, %abs3A_1478 : vector<16xf32>
        %add3A_1480 = arith.constant 60 : i32
        %add3A_1481 = vector.broadcast %add3A_1480 : i32 to vector<16xi32>
        %add3A_1482 = arith.addi %iota3A, %add3A_1481 : vector<16xi32>
        %and3A_1483 = arith.constant 63 : i32
        %and3A_1484 = vector.broadcast %and3A_1483 : i32 to vector<16xi32>
        %and3A_1485 = arith.andi %add3A_1482, %and3A_1484 : vector<16xi32>
        %gather3A_1486 = tpu.vector_load_idx %arg24[%add3A_58, %and3A_1485] : memref<128x128xf32, #tpu.memory_space<vmem>>[vector<16xi32>, vector<16xi32>], vector<16xf32>,
        %add3A_1487 = arith.addi %and3A_1485, %mul3A_72 : vector<16xi32>
        %gather3A_1488 = tpu.vector_load_idx %arg20[%add3A_58, %add3A_1487] : memref<128x128xf32, #tpu.memory_space<vmem>>[vector<16xi32>, vector<16xi32>], vector<16xf32>,
        %add3A_1489 = arith.addi %and3A_1485, %mul3A_81 : vector<16xi32>
        %gather3A_1490 = tpu.vector_load_idx %arg21[%add3A_58, %add3A_1489] : memref<128x128xf32, #tpu.memory_space<vmem>>[vector<16xi32>, vector<16xi32>], vector<16xf32>,
        %add3A_1491 = arith.addi %and3A_1485, %mul3A_90 : vector<16xi32>
        %gather3A_1492 = tpu.vector_load_idx %arg22[%add3A_58, %add3A_1491] : memref<128x128xf32, #tpu.memory_space<vmem>>[vector<16xi32>, vector<16xi32>], vector<16xf32>,
        %add3A_1493 = arith.addi %and3A_1485, %mul3A_99 : vector<16xi32>
        %gather3A_1494 = tpu.vector_load_idx %arg23[%add3A_58, %add3A_1493] : memref<128x128xf32, #tpu.memory_space<vmem>>[vector<16xi32>, vector<16xi32>], vector<16xf32>,
        %add3A_1495 = arith.addf %gather3A_1488, %gather3A_1486 : vector<16xf32>
        %sub3A_1496 = arith.subf %add3A_1495, %gather3A_1490 : vector<16xf32>
        %abs3A_1497 = math.absf %sub3A_1496 : vector<16xf32>
        %add3A_1498 = arith.addf %add3A_1475, %abs3A_1497 : vector<16xf32>
        %add3A_1499 = arith.addf %gather3A_1492, %gather3A_1486 : vector<16xf32>
        %sub3A_1500 = arith.subf %add3A_1499, %gather3A_1494 : vector<16xf32>
        %abs3A_1501 = math.absf %sub3A_1500 : vector<16xf32>
        %add3A_1502 = arith.addf %add3A_1479, %abs3A_1501 : vector<16xf32>
        %add3A_1503 = arith.constant 61 : i32
        %add3A_1504 = vector.broadcast %add3A_1503 : i32 to vector<16xi32>
        %add3A_1505 = arith.addi %iota3A, %add3A_1504 : vector<16xi32>
        %and3A_1506 = arith.constant 63 : i32
        %and3A_1507 = vector.broadcast %and3A_1506 : i32 to vector<16xi32>
        %and3A_1508 = arith.andi %add3A_1505, %and3A_1507 : vector<16xi32>
        %gather3A_1509 = tpu.vector_load_idx %arg24[%add3A_58, %and3A_1508] : memref<128x128xf32, #tpu.memory_space<vmem>>[vector<16xi32>, vector<16xi32>], vector<16xf32>,
        %add3A_1510 = arith.addi %and3A_1508, %mul3A_72 : vector<16xi32>
        %gather3A_1511 = tpu.vector_load_idx %arg20[%add3A_58, %add3A_1510] : memref<128x128xf32, #tpu.memory_space<vmem>>[vector<16xi32>, vector<16xi32>], vector<16xf32>,
        %add3A_1512 = arith.addi %and3A_1508, %mul3A_81 : vector<16xi32>
        %gather3A_1513 = tpu.vector_load_idx %arg21[%add3A_58, %add3A_1512] : memref<128x128xf32, #tpu.memory_space<vmem>>[vector<16xi32>, vector<16xi32>], vector<16xf32>,
        %add3A_1514 = arith.addi %and3A_1508, %mul3A_90 : vector<16xi32>
        %gather3A_1515 = tpu.vector_load_idx %arg22[%add3A_58, %add3A_1514] : memref<128x128xf32, #tpu.memory_space<vmem>>[vector<16xi32>, vector<16xi32>], vector<16xf32>,
        %add3A_1516 = arith.addi %and3A_1508, %mul3A_99 : vector<16xi32>
        %gather3A_1517 = tpu.vector_load_idx %arg23[%add3A_58, %add3A_1516] : memref<128x128xf32, #tpu.memory_space<vmem>>[vector<16xi32>, vector<16xi32>], vector<16xf32>,
        %add3A_1518 = arith.addf %gather3A_1511, %gather3A_1509 : vector<16xf32>
        %sub3A_1519 = arith.subf %add3A_1518, %gather3A_1513 : vector<16xf32>
        %abs3A_1520 = math.absf %sub3A_1519 : vector<16xf32>
        %add3A_1521 = arith.addf %add3A_1498, %abs3A_1520 : vector<16xf32>
        %add3A_1522 = arith.addf %gather3A_1515, %gather3A_1509 : vector<16xf32>
        %sub3A_1523 = arith.subf %add3A_1522, %gather3A_1517 : vector<16xf32>
        %abs3A_1524 = math.absf %sub3A_1523 : vector<16xf32>
        %add3A_1525 = arith.addf %add3A_1502, %abs3A_1524 : vector<16xf32>
        %add3A_1526 = arith.constant 62 : i32
        %add3A_1527 = vector.broadcast %add3A_1526 : i32 to vector<16xi32>
        %add3A_1528 = arith.addi %iota3A, %add3A_1527 : vector<16xi32>
        %and3A_1529 = arith.constant 63 : i32
        %and3A_1530 = vector.broadcast %and3A_1529 : i32 to vector<16xi32>
        %and3A_1531 = arith.andi %add3A_1528, %and3A_1530 : vector<16xi32>
        %gather3A_1532 = tpu.vector_load_idx %arg24[%add3A_58, %and3A_1531] : memref<128x128xf32, #tpu.memory_space<vmem>>[vector<16xi32>, vector<16xi32>], vector<16xf32>,
        %add3A_1533 = arith.addi %and3A_1531, %mul3A_72 : vector<16xi32>
        %gather3A_1534 = tpu.vector_load_idx %arg20[%add3A_58, %add3A_1533] : memref<128x128xf32, #tpu.memory_space<vmem>>[vector<16xi32>, vector<16xi32>], vector<16xf32>,
        %add3A_1535 = arith.addi %and3A_1531, %mul3A_81 : vector<16xi32>
        %gather3A_1536 = tpu.vector_load_idx %arg21[%add3A_58, %add3A_1535] : memref<128x128xf32, #tpu.memory_space<vmem>>[vector<16xi32>, vector<16xi32>], vector<16xf32>,
        %add3A_1537 = arith.addi %and3A_1531, %mul3A_90 : vector<16xi32>
        %gather3A_1538 = tpu.vector_load_idx %arg22[%add3A_58, %add3A_1537] : memref<128x128xf32, #tpu.memory_space<vmem>>[vector<16xi32>, vector<16xi32>], vector<16xf32>,
        %add3A_1539 = arith.addi %and3A_1531, %mul3A_99 : vector<16xi32>
        %gather3A_1540 = tpu.vector_load_idx %arg23[%add3A_58, %add3A_1539] : memref<128x128xf32, #tpu.memory_space<vmem>>[vector<16xi32>, vector<16xi32>], vector<16xf32>,
        %add3A_1541 = arith.addf %gather3A_1534, %gather3A_1532 : vector<16xf32>
        %sub3A_1542 = arith.subf %add3A_1541, %gather3A_1536 : vector<16xf32>
        %abs3A_1543 = math.absf %sub3A_1542 : vector<16xf32>
        %add3A_1544 = arith.addf %add3A_1521, %abs3A_1543 : vector<16xf32>
        %add3A_1545 = arith.addf %gather3A_1538, %gather3A_1532 : vector<16xf32>
        %sub3A_1546 = arith.subf %add3A_1545, %gather3A_1540 : vector<16xf32>
        %abs3A_1547 = math.absf %sub3A_1546 : vector<16xf32>
        %add3A_1548 = arith.addf %add3A_1525, %abs3A_1547 : vector<16xf32>
        %add3A_1549 = arith.constant 63 : i32
        %add3A_1550 = vector.broadcast %add3A_1549 : i32 to vector<16xi32>
        %add3A_1551 = arith.addi %iota3A, %add3A_1550 : vector<16xi32>
        %and3A_1552 = arith.constant 63 : i32
        %and3A_1553 = vector.broadcast %and3A_1552 : i32 to vector<16xi32>
        %and3A_1554 = arith.andi %add3A_1551, %and3A_1553 : vector<16xi32>
        %gather3A_1555 = tpu.vector_load_idx %arg24[%add3A_58, %and3A_1554] : memref<128x128xf32, #tpu.memory_space<vmem>>[vector<16xi32>, vector<16xi32>], vector<16xf32>,
        %add3A_1556 = arith.addi %and3A_1554, %mul3A_72 : vector<16xi32>
        %gather3A_1557 = tpu.vector_load_idx %arg20[%add3A_58, %add3A_1556] : memref<128x128xf32, #tpu.memory_space<vmem>>[vector<16xi32>, vector<16xi32>], vector<16xf32>,
        %add3A_1558 = arith.addi %and3A_1554, %mul3A_81 : vector<16xi32>
        %gather3A_1559 = tpu.vector_load_idx %arg21[%add3A_58, %add3A_1558] : memref<128x128xf32, #tpu.memory_space<vmem>>[vector<16xi32>, vector<16xi32>], vector<16xf32>,
        %add3A_1560 = arith.addi %and3A_1554, %mul3A_90 : vector<16xi32>
        %gather3A_1561 = tpu.vector_load_idx %arg22[%add3A_58, %add3A_1560] : memref<128x128xf32, #tpu.memory_space<vmem>>[vector<16xi32>, vector<16xi32>], vector<16xf32>,
        %add3A_1562 = arith.addi %and3A_1554, %mul3A_99 : vector<16xi32>
        %gather3A_1563 = tpu.vector_load_idx %arg23[%add3A_58, %add3A_1562] : memref<128x128xf32, #tpu.memory_space<vmem>>[vector<16xi32>, vector<16xi32>], vector<16xf32>,
        %add3A_1564 = arith.addf %gather3A_1557, %gather3A_1555 : vector<16xf32>
        %sub3A_1565 = arith.subf %add3A_1564, %gather3A_1559 : vector<16xf32>
        %abs3A_1566 = math.absf %sub3A_1565 : vector<16xf32>
        %add3A_1567 = arith.addf %add3A_1544, %abs3A_1566 : vector<16xf32>
        %add3A_1568 = arith.addf %gather3A_1561, %gather3A_1555 : vector<16xf32>
        %sub3A_1569 = arith.subf %add3A_1568, %gather3A_1563 : vector<16xf32>
        %abs3A_1570 = math.absf %sub3A_1569 : vector<16xf32>
        %add3A_1571 = arith.addf %add3A_1548, %abs3A_1570 : vector<16xf32>
        %mul3A_1572 = arith.constant 16 : i32
        %mul3A_1573 = arith.muli %scan3A_52, %mul3A_1572 : i32
        %swap3A = arith.index_cast %mul3A_1573 : i32 to index
        %swap3A_1574 = tpu.vector_load %arg25[%swap3A] {strides = array<i32>} : memref<128xf32, #tpu.memory_space<vmem>>, vector<16xf32>,
        tpu.vector_store %arg25[%swap3A], %add3A_1567 {strides = array<i32>} : memref<128xf32, #tpu.memory_space<vmem>>, vector<16xf32>,
        %mul3A_1575 = arith.constant 16 : i32
        %mul3A_1576 = arith.muli %scan3A_52, %mul3A_1575 : i32
        %swap3A_1577 = arith.index_cast %mul3A_1576 : i32 to index
        %swap3A_1578 = tpu.vector_load %arg26[%swap3A_1577] {strides = array<i32>} : memref<128xf32, #tpu.memory_space<vmem>>, vector<16xf32>,
        tpu.vector_store %arg26[%swap3A_1577], %add3A_1571 {strides = array<i32>} : memref<128xf32, #tpu.memory_space<vmem>>, vector<16xf32>,
      }
      %scan3A_51 = arith.constant 8 : i32
      "tpu.region"() ({
        %run_scoped3A = tpu.sem_alloc : memref<!tpu.dma_semaphore, #tpu.memory_space<semaphore_mem>>
        %dma_start3A_52 = tpu.memref_slice %arg9[%add3A_11] : memref<16384xf32, #tpu.memory_space<hbm>> -> memref<128xf32, #tpu.memory_space<hbm>>
        %dma_start3A_53 = tpu.memref_slice %arg9[%add3A_11] : memref<16384xf32, #tpu.memory_space<hbm>> -> memref<128xf32, #tpu.memory_space<hbm>>
        tpu.enqueue_dma source(%arg25 : memref<128xf32, #tpu.memory_space<vmem>>) target(%dma_start3A_53 : memref<128xf32, #tpu.memory_space<hbm>>) target_semaphore(%run_scoped3A : memref<!tpu.dma_semaphore, #tpu.memory_space<semaphore_mem>>)
        %dma_wait3A_54 = tpu.memref_slice %arg9[%add3A_11] : memref<16384xf32, #tpu.memory_space<hbm>> -> memref<128xf32, #tpu.memory_space<hbm>>
        %dma_wait3A_55 = tpu.memref_slice %arg9[%add3A_11] : memref<16384xf32, #tpu.memory_space<hbm>> -> memref<128xf32, #tpu.memory_space<hbm>>
        tpu.wait_dma2 semaphore(%run_scoped3A : memref<!tpu.dma_semaphore, #tpu.memory_space<semaphore_mem>>) src(%arg25 : memref<128xf32, #tpu.memory_space<vmem>>) dst(%dma_wait3A_55 : memref<128xf32, #tpu.memory_space<hbm>>)
        tpu.yield
      }) : () -> ()
      "tpu.region"() ({
        %run_scoped3A = tpu.sem_alloc : memref<!tpu.dma_semaphore, #tpu.memory_space<semaphore_mem>>
        %dma_start3A_52 = tpu.memref_slice %arg10[%add3A_11] : memref<16384xf32, #tpu.memory_space<hbm>> -> memref<128xf32, #tpu.memory_space<hbm>>
        %dma_start3A_53 = tpu.memref_slice %arg10[%add3A_11] : memref<16384xf32, #tpu.memory_space<hbm>> -> memref<128xf32, #tpu.memory_space<hbm>>
        tpu.enqueue_dma source(%arg26 : memref<128xf32, #tpu.memory_space<vmem>>) target(%dma_start3A_53 : memref<128xf32, #tpu.memory_space<hbm>>) target_semaphore(%run_scoped3A : memref<!tpu.dma_semaphore, #tpu.memory_space<semaphore_mem>>)
        %dma_wait3A_54 = tpu.memref_slice %arg10[%add3A_11] : memref<16384xf32, #tpu.memory_space<hbm>> -> memref<128xf32, #tpu.memory_space<hbm>>
        %dma_wait3A_55 = tpu.memref_slice %arg10[%add3A_11] : memref<16384xf32, #tpu.memory_space<hbm>> -> memref<128xf32, #tpu.memory_space<hbm>>
        tpu.wait_dma2 semaphore(%run_scoped3A : memref<!tpu.dma_semaphore, #tpu.memory_space<semaphore_mem>>) src(%arg26 : memref<128xf32, #tpu.memory_space<vmem>>) dst(%dma_wait3A_55 : memref<128xf32, #tpu.memory_space<hbm>>)
        tpu.yield
      }) : () -> ()
    }
    %scan3A_5 = arith.constant 4 : i32
    return
  }
}

module attributes {stable_mosaic.version = 14 : i64} {
  func.func @_format_tc(%arg0: i32, %arg1: memref<64x32768xf32, #tpu.memory_space<vmem>>, %arg2: memref<16384x128xf32, #tpu.memory_space<vmem>>) attributes {dimension_semantics = [#tpu.dimension_semantics<arbitrary>], iteration_bounds = array<i64: 31>, scalar_prefetch = 0 : i64, scratch_operands = 0 : i64, tpu.core_type = #tpu.core_type<tc>, window_params = [{transform_indices = @transform_0, window_bounds = array<i64: 64, 32768>}, {transform_indices = @transform_1, window_bounds = array<i64: 16384, 128>}]} {
    %get3A = arith.constant 0 : index
    %get3A_0 = arith.constant 0 : index
    %get3A_1 = vector.load %arg1[%get3A, %get3A_0] : memref<64x32768xf32, #tpu.memory_space<vmem>>, vector<64x128xf32>
    %get3A_2 = arith.constant 0 : index
    %get3A_3 = arith.constant 128 : index
    %get3A_4 = vector.load %arg1[%get3A_2, %get3A_3] : memref<64x32768xf32, #tpu.memory_space<vmem>>, vector<64x128xf32>
    %concatenate3A = tpu.concatenate %get3A_1, %get3A_4 in 0 : vector<64x128xf32>, vector<64x128xf32> -> vector<128x128xf32>
    %transpose3A = tpu.transpose %concatenate3A, [1, 0] : vector<128x128xf32> -> vector<128x128xf32>
    %swap3A = arith.constant 0 : index
    %swap3A_5 = arith.constant 0 : index
    %swap3A_6 = vector.load %arg2[%swap3A, %swap3A_5] : memref<16384x128xf32, #tpu.memory_space<vmem>>, vector<128x128xf32>
    tpu.vector_store %arg2[%swap3A, %swap3A_5], %transpose3A {strides = array<i32>} : memref<16384x128xf32, #tpu.memory_space<vmem>>, vector<128x128xf32>,
    %get3A_7 = arith.constant 0 : index
    %get3A_8 = arith.constant 256 : index
    %get3A_9 = vector.load %arg1[%get3A_7, %get3A_8] : memref<64x32768xf32, #tpu.memory_space<vmem>>, vector<64x128xf32>
    %get3A_10 = arith.constant 0 : index
    %get3A_11 = arith.constant 384 : index
    %get3A_12 = vector.load %arg1[%get3A_10, %get3A_11] : memref<64x32768xf32, #tpu.memory_space<vmem>>, vector<64x128xf32>
    %concatenate3A_13 = tpu.concatenate %get3A_9, %get3A_12 in 0 : vector<64x128xf32>, vector<64x128xf32> -> vector<128x128xf32>
    %transpose3A_14 = tpu.transpose %concatenate3A_13, [1, 0] : vector<128x128xf32> -> vector<128x128xf32>
    %swap3A_15 = arith.constant 128 : index
    %swap3A_16 = arith.constant 0 : index
    %swap3A_17 = vector.load %arg2[%swap3A_15, %swap3A_16] : memref<16384x128xf32, #tpu.memory_space<vmem>>, vector<128x128xf32>
    tpu.vector_store %arg2[%swap3A_15, %swap3A_16], %transpose3A_14 {strides = array<i32>} : memref<16384x128xf32, #tpu.memory_space<vmem>>, vector<128x128xf32>,
    %get3A_18 = arith.constant 0 : index
    %get3A_19 = arith.constant 512 : index
    %get3A_20 = vector.load %arg1[%get3A_18, %get3A_19] : memref<64x32768xf32, #tpu.memory_space<vmem>>, vector<64x128xf32>
    %get3A_21 = arith.constant 0 : index
    %get3A_22 = arith.constant 640 : index
    %get3A_23 = vector.load %arg1[%get3A_21, %get3A_22] : memref<64x32768xf32, #tpu.memory_space<vmem>>, vector<64x128xf32>
    %concatenate3A_24 = tpu.concatenate %get3A_20, %get3A_23 in 0 : vector<64x128xf32>, vector<64x128xf32> -> vector<128x128xf32>
    %transpose3A_25 = tpu.transpose %concatenate3A_24, [1, 0] : vector<128x128xf32> -> vector<128x128xf32>
    %swap3A_26 = arith.constant 256 : index
    %swap3A_27 = arith.constant 0 : index
    %swap3A_28 = vector.load %arg2[%swap3A_26, %swap3A_27] : memref<16384x128xf32, #tpu.memory_space<vmem>>, vector<128x128xf32>
    tpu.vector_store %arg2[%swap3A_26, %swap3A_27], %transpose3A_25 {strides = array<i32>} : memref<16384x128xf32, #tpu.memory_space<vmem>>, vector<128x128xf32>,
    %get3A_29 = arith.constant 0 : index
    %get3A_30 = arith.constant 768 : index
    %get3A_31 = vector.load %arg1[%get3A_29, %get3A_30] : memref<64x32768xf32, #tpu.memory_space<vmem>>, vector<64x128xf32>
    %get3A_32 = arith.constant 0 : index
    %get3A_33 = arith.constant 896 : index
    %get3A_34 = vector.load %arg1[%get3A_32, %get3A_33] : memref<64x32768xf32, #tpu.memory_space<vmem>>, vector<64x128xf32>
    %concatenate3A_35 = tpu.concatenate %get3A_31, %get3A_34 in 0 : vector<64x128xf32>, vector<64x128xf32> -> vector<128x128xf32>
    %transpose3A_36 = tpu.transpose %concatenate3A_35, [1, 0] : vector<128x128xf32> -> vector<128x128xf32>
    %swap3A_37 = arith.constant 384 : index
    %swap3A_38 = arith.constant 0 : index
    %swap3A_39 = vector.load %arg2[%swap3A_37, %swap3A_38] : memref<16384x128xf32, #tpu.memory_space<vmem>>, vector<128x128xf32>
    tpu.vector_store %arg2[%swap3A_37, %swap3A_38], %transpose3A_36 {strides = array<i32>} : memref<16384x128xf32, #tpu.memory_space<vmem>>, vector<128x128xf32>,
    %get3A_40 = arith.constant 0 : index
    %get3A_41 = arith.constant 1024 : index
    %get3A_42 = vector.load %arg1[%get3A_40, %get3A_41] : memref<64x32768xf32, #tpu.memory_space<vmem>>, vector<64x128xf32>
    %get3A_43 = arith.constant 0 : index
    %get3A_44 = arith.constant 1152 : index
    %get3A_45 = vector.load %arg1[%get3A_43, %get3A_44] : memref<64x32768xf32, #tpu.memory_space<vmem>>, vector<64x128xf32>
    %concatenate3A_46 = tpu.concatenate %get3A_42, %get3A_45 in 0 : vector<64x128xf32>, vector<64x128xf32> -> vector<128x128xf32>
    %transpose3A_47 = tpu.transpose %concatenate3A_46, [1, 0] : vector<128x128xf32> -> vector<128x128xf32>
    %swap3A_48 = arith.constant 512 : index
    %swap3A_49 = arith.constant 0 : index
    %swap3A_50 = vector.load %arg2[%swap3A_48, %swap3A_49] : memref<16384x128xf32, #tpu.memory_space<vmem>>, vector<128x128xf32>
    tpu.vector_store %arg2[%swap3A_48, %swap3A_49], %transpose3A_47 {strides = array<i32>} : memref<16384x128xf32, #tpu.memory_space<vmem>>, vector<128x128xf32>,
    %get3A_51 = arith.constant 0 : index
    %get3A_52 = arith.constant 1280 : index
    %get3A_53 = vector.load %arg1[%get3A_51, %get3A_52] : memref<64x32768xf32, #tpu.memory_space<vmem>>, vector<64x128xf32>
    %get3A_54 = arith.constant 0 : index
    %get3A_55 = arith.constant 1408 : index
    %get3A_56 = vector.load %arg1[%get3A_54, %get3A_55] : memref<64x32768xf32, #tpu.memory_space<vmem>>, vector<64x128xf32>
    %concatenate3A_57 = tpu.concatenate %get3A_53, %get3A_56 in 0 : vector<64x128xf32>, vector<64x128xf32> -> vector<128x128xf32>
    %transpose3A_58 = tpu.transpose %concatenate3A_57, [1, 0] : vector<128x128xf32> -> vector<128x128xf32>
    %swap3A_59 = arith.constant 640 : index
    %swap3A_60 = arith.constant 0 : index
    %swap3A_61 = vector.load %arg2[%swap3A_59, %swap3A_60] : memref<16384x128xf32, #tpu.memory_space<vmem>>, vector<128x128xf32>
    tpu.vector_store %arg2[%swap3A_59, %swap3A_60], %transpose3A_58 {strides = array<i32>} : memref<16384x128xf32, #tpu.memory_space<vmem>>, vector<128x128xf32>,
    %get3A_62 = arith.constant 0 : index
    %get3A_63 = arith.constant 1536 : index
    %get3A_64 = vector.load %arg1[%get3A_62, %get3A_63] : memref<64x32768xf32, #tpu.memory_space<vmem>>, vector<64x128xf32>
    %get3A_65 = arith.constant 0 : index
    %get3A_66 = arith.constant 1664 : index
    %get3A_67 = vector.load %arg1[%get3A_65, %get3A_66] : memref<64x32768xf32, #tpu.memory_space<vmem>>, vector<64x128xf32>
    %concatenate3A_68 = tpu.concatenate %get3A_64, %get3A_67 in 0 : vector<64x128xf32>, vector<64x128xf32> -> vector<128x128xf32>
    %transpose3A_69 = tpu.transpose %concatenate3A_68, [1, 0] : vector<128x128xf32> -> vector<128x128xf32>
    %swap3A_70 = arith.constant 768 : index
    %swap3A_71 = arith.constant 0 : index
    %swap3A_72 = vector.load %arg2[%swap3A_70, %swap3A_71] : memref<16384x128xf32, #tpu.memory_space<vmem>>, vector<128x128xf32>
    tpu.vector_store %arg2[%swap3A_70, %swap3A_71], %transpose3A_69 {strides = array<i32>} : memref<16384x128xf32, #tpu.memory_space<vmem>>, vector<128x128xf32>,
    %get3A_73 = arith.constant 0 : index
    %get3A_74 = arith.constant 1792 : index
    %get3A_75 = vector.load %arg1[%get3A_73, %get3A_74] : memref<64x32768xf32, #tpu.memory_space<vmem>>, vector<64x128xf32>
    %get3A_76 = arith.constant 0 : index
    %get3A_77 = arith.constant 1920 : index
    %get3A_78 = vector.load %arg1[%get3A_76, %get3A_77] : memref<64x32768xf32, #tpu.memory_space<vmem>>, vector<64x128xf32>
    %concatenate3A_79 = tpu.concatenate %get3A_75, %get3A_78 in 0 : vector<64x128xf32>, vector<64x128xf32> -> vector<128x128xf32>
    %transpose3A_80 = tpu.transpose %concatenate3A_79, [1, 0] : vector<128x128xf32> -> vector<128x128xf32>
    %swap3A_81 = arith.constant 896 : index
    %swap3A_82 = arith.constant 0 : index
    %swap3A_83 = vector.load %arg2[%swap3A_81, %swap3A_82] : memref<16384x128xf32, #tpu.memory_space<vmem>>, vector<128x128xf32>
    tpu.vector_store %arg2[%swap3A_81, %swap3A_82], %transpose3A_80 {strides = array<i32>} : memref<16384x128xf32, #tpu.memory_space<vmem>>, vector<128x128xf32>,
    %get3A_84 = arith.constant 0 : index
    %get3A_85 = arith.constant 2048 : index
    %get3A_86 = vector.load %arg1[%get3A_84, %get3A_85] : memref<64x32768xf32, #tpu.memory_space<vmem>>, vector<64x128xf32>
    %get3A_87 = arith.constant 0 : index
    %get3A_88 = arith.constant 2176 : index
    %get3A_89 = vector.load %arg1[%get3A_87, %get3A_88] : memref<64x32768xf32, #tpu.memory_space<vmem>>, vector<64x128xf32>
    %concatenate3A_90 = tpu.concatenate %get3A_86, %get3A_89 in 0 : vector<64x128xf32>, vector<64x128xf32> -> vector<128x128xf32>
    %transpose3A_91 = tpu.transpose %concatenate3A_90, [1, 0] : vector<128x128xf32> -> vector<128x128xf32>
    %swap3A_92 = arith.constant 1024 : index
    %swap3A_93 = arith.constant 0 : index
    %swap3A_94 = vector.load %arg2[%swap3A_92, %swap3A_93] : memref<16384x128xf32, #tpu.memory_space<vmem>>, vector<128x128xf32>
    tpu.vector_store %arg2[%swap3A_92, %swap3A_93], %transpose3A_91 {strides = array<i32>} : memref<16384x128xf32, #tpu.memory_space<vmem>>, vector<128x128xf32>,
    %get3A_95 = arith.constant 0 : index
    %get3A_96 = arith.constant 2304 : index
    %get3A_97 = vector.load %arg1[%get3A_95, %get3A_96] : memref<64x32768xf32, #tpu.memory_space<vmem>>, vector<64x128xf32>
    %get3A_98 = arith.constant 0 : index
    %get3A_99 = arith.constant 2432 : index
    %get3A_100 = vector.load %arg1[%get3A_98, %get3A_99] : memref<64x32768xf32, #tpu.memory_space<vmem>>, vector<64x128xf32>
    %concatenate3A_101 = tpu.concatenate %get3A_97, %get3A_100 in 0 : vector<64x128xf32>, vector<64x128xf32> -> vector<128x128xf32>
    %transpose3A_102 = tpu.transpose %concatenate3A_101, [1, 0] : vector<128x128xf32> -> vector<128x128xf32>
    %swap3A_103 = arith.constant 1152 : index
    %swap3A_104 = arith.constant 0 : index
    %swap3A_105 = vector.load %arg2[%swap3A_103, %swap3A_104] : memref<16384x128xf32, #tpu.memory_space<vmem>>, vector<128x128xf32>
    tpu.vector_store %arg2[%swap3A_103, %swap3A_104], %transpose3A_102 {strides = array<i32>} : memref<16384x128xf32, #tpu.memory_space<vmem>>, vector<128x128xf32>,
    %get3A_106 = arith.constant 0 : index
    %get3A_107 = arith.constant 2560 : index
    %get3A_108 = vector.load %arg1[%get3A_106, %get3A_107] : memref<64x32768xf32, #tpu.memory_space<vmem>>, vector<64x128xf32>
    %get3A_109 = arith.constant 0 : index
    %get3A_110 = arith.constant 2688 : index
    %get3A_111 = vector.load %arg1[%get3A_109, %get3A_110] : memref<64x32768xf32, #tpu.memory_space<vmem>>, vector<64x128xf32>
    %concatenate3A_112 = tpu.concatenate %get3A_108, %get3A_111 in 0 : vector<64x128xf32>, vector<64x128xf32> -> vector<128x128xf32>
    %transpose3A_113 = tpu.transpose %concatenate3A_112, [1, 0] : vector<128x128xf32> -> vector<128x128xf32>
    %swap3A_114 = arith.constant 1280 : index
    %swap3A_115 = arith.constant 0 : index
    %swap3A_116 = vector.load %arg2[%swap3A_114, %swap3A_115] : memref<16384x128xf32, #tpu.memory_space<vmem>>, vector<128x128xf32>
    tpu.vector_store %arg2[%swap3A_114, %swap3A_115], %transpose3A_113 {strides = array<i32>} : memref<16384x128xf32, #tpu.memory_space<vmem>>, vector<128x128xf32>,
    %get3A_117 = arith.constant 0 : index
    %get3A_118 = arith.constant 2816 : index
    %get3A_119 = vector.load %arg1[%get3A_117, %get3A_118] : memref<64x32768xf32, #tpu.memory_space<vmem>>, vector<64x128xf32>
    %get3A_120 = arith.constant 0 : index
    %get3A_121 = arith.constant 2944 : index
    %get3A_122 = vector.load %arg1[%get3A_120, %get3A_121] : memref<64x32768xf32, #tpu.memory_space<vmem>>, vector<64x128xf32>
    %concatenate3A_123 = tpu.concatenate %get3A_119, %get3A_122 in 0 : vector<64x128xf32>, vector<64x128xf32> -> vector<128x128xf32>
    %transpose3A_124 = tpu.transpose %concatenate3A_123, [1, 0] : vector<128x128xf32> -> vector<128x128xf32>
    %swap3A_125 = arith.constant 1408 : index
    %swap3A_126 = arith.constant 0 : index
    %swap3A_127 = vector.load %arg2[%swap3A_125, %swap3A_126] : memref<16384x128xf32, #tpu.memory_space<vmem>>, vector<128x128xf32>
    tpu.vector_store %arg2[%swap3A_125, %swap3A_126], %transpose3A_124 {strides = array<i32>} : memref<16384x128xf32, #tpu.memory_space<vmem>>, vector<128x128xf32>,
    %get3A_128 = arith.constant 0 : index
    %get3A_129 = arith.constant 3072 : index
    %get3A_130 = vector.load %arg1[%get3A_128, %get3A_129] : memref<64x32768xf32, #tpu.memory_space<vmem>>, vector<64x128xf32>
    %get3A_131 = arith.constant 0 : index
    %get3A_132 = arith.constant 3200 : index
    %get3A_133 = vector.load %arg1[%get3A_131, %get3A_132] : memref<64x32768xf32, #tpu.memory_space<vmem>>, vector<64x128xf32>
    %concatenate3A_134 = tpu.concatenate %get3A_130, %get3A_133 in 0 : vector<64x128xf32>, vector<64x128xf32> -> vector<128x128xf32>
    %transpose3A_135 = tpu.transpose %concatenate3A_134, [1, 0] : vector<128x128xf32> -> vector<128x128xf32>
    %swap3A_136 = arith.constant 1536 : index
    %swap3A_137 = arith.constant 0 : index
    %swap3A_138 = vector.load %arg2[%swap3A_136, %swap3A_137] : memref<16384x128xf32, #tpu.memory_space<vmem>>, vector<128x128xf32>
    tpu.vector_store %arg2[%swap3A_136, %swap3A_137], %transpose3A_135 {strides = array<i32>} : memref<16384x128xf32, #tpu.memory_space<vmem>>, vector<128x128xf32>,
    %get3A_139 = arith.constant 0 : index
    %get3A_140 = arith.constant 3328 : index
    %get3A_141 = vector.load %arg1[%get3A_139, %get3A_140] : memref<64x32768xf32, #tpu.memory_space<vmem>>, vector<64x128xf32>
    %get3A_142 = arith.constant 0 : index
    %get3A_143 = arith.constant 3456 : index
    %get3A_144 = vector.load %arg1[%get3A_142, %get3A_143] : memref<64x32768xf32, #tpu.memory_space<vmem>>, vector<64x128xf32>
    %concatenate3A_145 = tpu.concatenate %get3A_141, %get3A_144 in 0 : vector<64x128xf32>, vector<64x128xf32> -> vector<128x128xf32>
    %transpose3A_146 = tpu.transpose %concatenate3A_145, [1, 0] : vector<128x128xf32> -> vector<128x128xf32>
    %swap3A_147 = arith.constant 1664 : index
    %swap3A_148 = arith.constant 0 : index
    %swap3A_149 = vector.load %arg2[%swap3A_147, %swap3A_148] : memref<16384x128xf32, #tpu.memory_space<vmem>>, vector<128x128xf32>
    tpu.vector_store %arg2[%swap3A_147, %swap3A_148], %transpose3A_146 {strides = array<i32>} : memref<16384x128xf32, #tpu.memory_space<vmem>>, vector<128x128xf32>,
    %get3A_150 = arith.constant 0 : index
    %get3A_151 = arith.constant 3584 : index
    %get3A_152 = vector.load %arg1[%get3A_150, %get3A_151] : memref<64x32768xf32, #tpu.memory_space<vmem>>, vector<64x128xf32>
    %get3A_153 = arith.constant 0 : index
    %get3A_154 = arith.constant 3712 : index
    %get3A_155 = vector.load %arg1[%get3A_153, %get3A_154] : memref<64x32768xf32, #tpu.memory_space<vmem>>, vector<64x128xf32>
    %concatenate3A_156 = tpu.concatenate %get3A_152, %get3A_155 in 0 : vector<64x128xf32>, vector<64x128xf32> -> vector<128x128xf32>
    %transpose3A_157 = tpu.transpose %concatenate3A_156, [1, 0] : vector<128x128xf32> -> vector<128x128xf32>
    %swap3A_158 = arith.constant 1792 : index
    %swap3A_159 = arith.constant 0 : index
    %swap3A_160 = vector.load %arg2[%swap3A_158, %swap3A_159] : memref<16384x128xf32, #tpu.memory_space<vmem>>, vector<128x128xf32>
    tpu.vector_store %arg2[%swap3A_158, %swap3A_159], %transpose3A_157 {strides = array<i32>} : memref<16384x128xf32, #tpu.memory_space<vmem>>, vector<128x128xf32>,
    %get3A_161 = arith.constant 0 : index
    %get3A_162 = arith.constant 3840 : index
    %get3A_163 = vector.load %arg1[%get3A_161, %get3A_162] : memref<64x32768xf32, #tpu.memory_space<vmem>>, vector<64x128xf32>
    %get3A_164 = arith.constant 0 : index
    %get3A_165 = arith.constant 3968 : index
    %get3A_166 = vector.load %arg1[%get3A_164, %get3A_165] : memref<64x32768xf32, #tpu.memory_space<vmem>>, vector<64x128xf32>
    %concatenate3A_167 = tpu.concatenate %get3A_163, %get3A_166 in 0 : vector<64x128xf32>, vector<64x128xf32> -> vector<128x128xf32>
    %transpose3A_168 = tpu.transpose %concatenate3A_167, [1, 0] : vector<128x128xf32> -> vector<128x128xf32>
    %swap3A_169 = arith.constant 1920 : index
    %swap3A_170 = arith.constant 0 : index
    %swap3A_171 = vector.load %arg2[%swap3A_169, %swap3A_170] : memref<16384x128xf32, #tpu.memory_space<vmem>>, vector<128x128xf32>
    tpu.vector_store %arg2[%swap3A_169, %swap3A_170], %transpose3A_168 {strides = array<i32>} : memref<16384x128xf32, #tpu.memory_space<vmem>>, vector<128x128xf32>,
    %get3A_172 = arith.constant 0 : index
    %get3A_173 = arith.constant 4096 : index
    %get3A_174 = vector.load %arg1[%get3A_172, %get3A_173] : memref<64x32768xf32, #tpu.memory_space<vmem>>, vector<64x128xf32>
    %get3A_175 = arith.constant 0 : index
    %get3A_176 = arith.constant 4224 : index
    %get3A_177 = vector.load %arg1[%get3A_175, %get3A_176] : memref<64x32768xf32, #tpu.memory_space<vmem>>, vector<64x128xf32>
    %concatenate3A_178 = tpu.concatenate %get3A_174, %get3A_177 in 0 : vector<64x128xf32>, vector<64x128xf32> -> vector<128x128xf32>
    %transpose3A_179 = tpu.transpose %concatenate3A_178, [1, 0] : vector<128x128xf32> -> vector<128x128xf32>
    %swap3A_180 = arith.constant 2048 : index
    %swap3A_181 = arith.constant 0 : index
    %swap3A_182 = vector.load %arg2[%swap3A_180, %swap3A_181] : memref<16384x128xf32, #tpu.memory_space<vmem>>, vector<128x128xf32>
    tpu.vector_store %arg2[%swap3A_180, %swap3A_181], %transpose3A_179 {strides = array<i32>} : memref<16384x128xf32, #tpu.memory_space<vmem>>, vector<128x128xf32>,
    %get3A_183 = arith.constant 0 : index
    %get3A_184 = arith.constant 4352 : index
    %get3A_185 = vector.load %arg1[%get3A_183, %get3A_184] : memref<64x32768xf32, #tpu.memory_space<vmem>>, vector<64x128xf32>
    %get3A_186 = arith.constant 0 : index
    %get3A_187 = arith.constant 4480 : index
    %get3A_188 = vector.load %arg1[%get3A_186, %get3A_187] : memref<64x32768xf32, #tpu.memory_space<vmem>>, vector<64x128xf32>
    %concatenate3A_189 = tpu.concatenate %get3A_185, %get3A_188 in 0 : vector<64x128xf32>, vector<64x128xf32> -> vector<128x128xf32>
    %transpose3A_190 = tpu.transpose %concatenate3A_189, [1, 0] : vector<128x128xf32> -> vector<128x128xf32>
    %swap3A_191 = arith.constant 2176 : index
    %swap3A_192 = arith.constant 0 : index
    %swap3A_193 = vector.load %arg2[%swap3A_191, %swap3A_192] : memref<16384x128xf32, #tpu.memory_space<vmem>>, vector<128x128xf32>
    tpu.vector_store %arg2[%swap3A_191, %swap3A_192], %transpose3A_190 {strides = array<i32>} : memref<16384x128xf32, #tpu.memory_space<vmem>>, vector<128x128xf32>,
    %get3A_194 = arith.constant 0 : index
    %get3A_195 = arith.constant 4608 : index
    %get3A_196 = vector.load %arg1[%get3A_194, %get3A_195] : memref<64x32768xf32, #tpu.memory_space<vmem>>, vector<64x128xf32>
    %get3A_197 = arith.constant 0 : index
    %get3A_198 = arith.constant 4736 : index
    %get3A_199 = vector.load %arg1[%get3A_197, %get3A_198] : memref<64x32768xf32, #tpu.memory_space<vmem>>, vector<64x128xf32>
    %concatenate3A_200 = tpu.concatenate %get3A_196, %get3A_199 in 0 : vector<64x128xf32>, vector<64x128xf32> -> vector<128x128xf32>
    %transpose3A_201 = tpu.transpose %concatenate3A_200, [1, 0] : vector<128x128xf32> -> vector<128x128xf32>
    %swap3A_202 = arith.constant 2304 : index
    %swap3A_203 = arith.constant 0 : index
    %swap3A_204 = vector.load %arg2[%swap3A_202, %swap3A_203] : memref<16384x128xf32, #tpu.memory_space<vmem>>, vector<128x128xf32>
    tpu.vector_store %arg2[%swap3A_202, %swap3A_203], %transpose3A_201 {strides = array<i32>} : memref<16384x128xf32, #tpu.memory_space<vmem>>, vector<128x128xf32>,
    %get3A_205 = arith.constant 0 : index
    %get3A_206 = arith.constant 4864 : index
    %get3A_207 = vector.load %arg1[%get3A_205, %get3A_206] : memref<64x32768xf32, #tpu.memory_space<vmem>>, vector<64x128xf32>
    %get3A_208 = arith.constant 0 : index
    %get3A_209 = arith.constant 4992 : index
    %get3A_210 = vector.load %arg1[%get3A_208, %get3A_209] : memref<64x32768xf32, #tpu.memory_space<vmem>>, vector<64x128xf32>
    %concatenate3A_211 = tpu.concatenate %get3A_207, %get3A_210 in 0 : vector<64x128xf32>, vector<64x128xf32> -> vector<128x128xf32>
    %transpose3A_212 = tpu.transpose %concatenate3A_211, [1, 0] : vector<128x128xf32> -> vector<128x128xf32>
    %swap3A_213 = arith.constant 2432 : index
    %swap3A_214 = arith.constant 0 : index
    %swap3A_215 = vector.load %arg2[%swap3A_213, %swap3A_214] : memref<16384x128xf32, #tpu.memory_space<vmem>>, vector<128x128xf32>
    tpu.vector_store %arg2[%swap3A_213, %swap3A_214], %transpose3A_212 {strides = array<i32>} : memref<16384x128xf32, #tpu.memory_space<vmem>>, vector<128x128xf32>,
    %get3A_216 = arith.constant 0 : index
    %get3A_217 = arith.constant 5120 : index
    %get3A_218 = vector.load %arg1[%get3A_216, %get3A_217] : memref<64x32768xf32, #tpu.memory_space<vmem>>, vector<64x128xf32>
    %get3A_219 = arith.constant 0 : index
    %get3A_220 = arith.constant 5248 : index
    %get3A_221 = vector.load %arg1[%get3A_219, %get3A_220] : memref<64x32768xf32, #tpu.memory_space<vmem>>, vector<64x128xf32>
    %concatenate3A_222 = tpu.concatenate %get3A_218, %get3A_221 in 0 : vector<64x128xf32>, vector<64x128xf32> -> vector<128x128xf32>
    %transpose3A_223 = tpu.transpose %concatenate3A_222, [1, 0] : vector<128x128xf32> -> vector<128x128xf32>
    %swap3A_224 = arith.constant 2560 : index
    %swap3A_225 = arith.constant 0 : index
    %swap3A_226 = vector.load %arg2[%swap3A_224, %swap3A_225] : memref<16384x128xf32, #tpu.memory_space<vmem>>, vector<128x128xf32>
    tpu.vector_store %arg2[%swap3A_224, %swap3A_225], %transpose3A_223 {strides = array<i32>} : memref<16384x128xf32, #tpu.memory_space<vmem>>, vector<128x128xf32>,
    %get3A_227 = arith.constant 0 : index
    %get3A_228 = arith.constant 5376 : index
    %get3A_229 = vector.load %arg1[%get3A_227, %get3A_228] : memref<64x32768xf32, #tpu.memory_space<vmem>>, vector<64x128xf32>
    %get3A_230 = arith.constant 0 : index
    %get3A_231 = arith.constant 5504 : index
    %get3A_232 = vector.load %arg1[%get3A_230, %get3A_231] : memref<64x32768xf32, #tpu.memory_space<vmem>>, vector<64x128xf32>
    %concatenate3A_233 = tpu.concatenate %get3A_229, %get3A_232 in 0 : vector<64x128xf32>, vector<64x128xf32> -> vector<128x128xf32>
    %transpose3A_234 = tpu.transpose %concatenate3A_233, [1, 0] : vector<128x128xf32> -> vector<128x128xf32>
    %swap3A_235 = arith.constant 2688 : index
    %swap3A_236 = arith.constant 0 : index
    %swap3A_237 = vector.load %arg2[%swap3A_235, %swap3A_236] : memref<16384x128xf32, #tpu.memory_space<vmem>>, vector<128x128xf32>
    tpu.vector_store %arg2[%swap3A_235, %swap3A_236], %transpose3A_234 {strides = array<i32>} : memref<16384x128xf32, #tpu.memory_space<vmem>>, vector<128x128xf32>,
    %get3A_238 = arith.constant 0 : index
    %get3A_239 = arith.constant 5632 : index
    %get3A_240 = vector.load %arg1[%get3A_238, %get3A_239] : memref<64x32768xf32, #tpu.memory_space<vmem>>, vector<64x128xf32>
    %get3A_241 = arith.constant 0 : index
    %get3A_242 = arith.constant 5760 : index
    %get3A_243 = vector.load %arg1[%get3A_241, %get3A_242] : memref<64x32768xf32, #tpu.memory_space<vmem>>, vector<64x128xf32>
    %concatenate3A_244 = tpu.concatenate %get3A_240, %get3A_243 in 0 : vector<64x128xf32>, vector<64x128xf32> -> vector<128x128xf32>
    %transpose3A_245 = tpu.transpose %concatenate3A_244, [1, 0] : vector<128x128xf32> -> vector<128x128xf32>
    %swap3A_246 = arith.constant 2816 : index
    %swap3A_247 = arith.constant 0 : index
    %swap3A_248 = vector.load %arg2[%swap3A_246, %swap3A_247] : memref<16384x128xf32, #tpu.memory_space<vmem>>, vector<128x128xf32>
    tpu.vector_store %arg2[%swap3A_246, %swap3A_247], %transpose3A_245 {strides = array<i32>} : memref<16384x128xf32, #tpu.memory_space<vmem>>, vector<128x128xf32>,
    %get3A_249 = arith.constant 0 : index
    %get3A_250 = arith.constant 5888 : index
    %get3A_251 = vector.load %arg1[%get3A_249, %get3A_250] : memref<64x32768xf32, #tpu.memory_space<vmem>>, vector<64x128xf32>
    %get3A_252 = arith.constant 0 : index
    %get3A_253 = arith.constant 6016 : index
    %get3A_254 = vector.load %arg1[%get3A_252, %get3A_253] : memref<64x32768xf32, #tpu.memory_space<vmem>>, vector<64x128xf32>
    %concatenate3A_255 = tpu.concatenate %get3A_251, %get3A_254 in 0 : vector<64x128xf32>, vector<64x128xf32> -> vector<128x128xf32>
    %transpose3A_256 = tpu.transpose %concatenate3A_255, [1, 0] : vector<128x128xf32> -> vector<128x128xf32>
    %swap3A_257 = arith.constant 2944 : index
    %swap3A_258 = arith.constant 0 : index
    %swap3A_259 = vector.load %arg2[%swap3A_257, %swap3A_258] : memref<16384x128xf32, #tpu.memory_space<vmem>>, vector<128x128xf32>
    tpu.vector_store %arg2[%swap3A_257, %swap3A_258], %transpose3A_256 {strides = array<i32>} : memref<16384x128xf32, #tpu.memory_space<vmem>>, vector<128x128xf32>,
    %get3A_260 = arith.constant 0 : index
    %get3A_261 = arith.constant 6144 : index
    %get3A_262 = vector.load %arg1[%get3A_260, %get3A_261] : memref<64x32768xf32, #tpu.memory_space<vmem>>, vector<64x128xf32>
    %get3A_263 = arith.constant 0 : index
    %get3A_264 = arith.constant 6272 : index
    %get3A_265 = vector.load %arg1[%get3A_263, %get3A_264] : memref<64x32768xf32, #tpu.memory_space<vmem>>, vector<64x128xf32>
    %concatenate3A_266 = tpu.concatenate %get3A_262, %get3A_265 in 0 : vector<64x128xf32>, vector<64x128xf32> -> vector<128x128xf32>
    %transpose3A_267 = tpu.transpose %concatenate3A_266, [1, 0] : vector<128x128xf32> -> vector<128x128xf32>
    %swap3A_268 = arith.constant 3072 : index
    %swap3A_269 = arith.constant 0 : index
    %swap3A_270 = vector.load %arg2[%swap3A_268, %swap3A_269] : memref<16384x128xf32, #tpu.memory_space<vmem>>, vector<128x128xf32>
    tpu.vector_store %arg2[%swap3A_268, %swap3A_269], %transpose3A_267 {strides = array<i32>} : memref<16384x128xf32, #tpu.memory_space<vmem>>, vector<128x128xf32>,
    %get3A_271 = arith.constant 0 : index
    %get3A_272 = arith.constant 6400 : index
    %get3A_273 = vector.load %arg1[%get3A_271, %get3A_272] : memref<64x32768xf32, #tpu.memory_space<vmem>>, vector<64x128xf32>
    %get3A_274 = arith.constant 0 : index
    %get3A_275 = arith.constant 6528 : index
    %get3A_276 = vector.load %arg1[%get3A_274, %get3A_275] : memref<64x32768xf32, #tpu.memory_space<vmem>>, vector<64x128xf32>
    %concatenate3A_277 = tpu.concatenate %get3A_273, %get3A_276 in 0 : vector<64x128xf32>, vector<64x128xf32> -> vector<128x128xf32>
    %transpose3A_278 = tpu.transpose %concatenate3A_277, [1, 0] : vector<128x128xf32> -> vector<128x128xf32>
    %swap3A_279 = arith.constant 3200 : index
    %swap3A_280 = arith.constant 0 : index
    %swap3A_281 = vector.load %arg2[%swap3A_279, %swap3A_280] : memref<16384x128xf32, #tpu.memory_space<vmem>>, vector<128x128xf32>
    tpu.vector_store %arg2[%swap3A_279, %swap3A_280], %transpose3A_278 {strides = array<i32>} : memref<16384x128xf32, #tpu.memory_space<vmem>>, vector<128x128xf32>,
    %get3A_282 = arith.constant 0 : index
    %get3A_283 = arith.constant 6656 : index
    %get3A_284 = vector.load %arg1[%get3A_282, %get3A_283] : memref<64x32768xf32, #tpu.memory_space<vmem>>, vector<64x128xf32>
    %get3A_285 = arith.constant 0 : index
    %get3A_286 = arith.constant 6784 : index
    %get3A_287 = vector.load %arg1[%get3A_285, %get3A_286] : memref<64x32768xf32, #tpu.memory_space<vmem>>, vector<64x128xf32>
    %concatenate3A_288 = tpu.concatenate %get3A_284, %get3A_287 in 0 : vector<64x128xf32>, vector<64x128xf32> -> vector<128x128xf32>
    %transpose3A_289 = tpu.transpose %concatenate3A_288, [1, 0] : vector<128x128xf32> -> vector<128x128xf32>
    %swap3A_290 = arith.constant 3328 : index
    %swap3A_291 = arith.constant 0 : index
    %swap3A_292 = vector.load %arg2[%swap3A_290, %swap3A_291] : memref<16384x128xf32, #tpu.memory_space<vmem>>, vector<128x128xf32>
    tpu.vector_store %arg2[%swap3A_290, %swap3A_291], %transpose3A_289 {strides = array<i32>} : memref<16384x128xf32, #tpu.memory_space<vmem>>, vector<128x128xf32>,
    %get3A_293 = arith.constant 0 : index
    %get3A_294 = arith.constant 6912 : index
    %get3A_295 = vector.load %arg1[%get3A_293, %get3A_294] : memref<64x32768xf32, #tpu.memory_space<vmem>>, vector<64x128xf32>
    %get3A_296 = arith.constant 0 : index
    %get3A_297 = arith.constant 7040 : index
    %get3A_298 = vector.load %arg1[%get3A_296, %get3A_297] : memref<64x32768xf32, #tpu.memory_space<vmem>>, vector<64x128xf32>
    %concatenate3A_299 = tpu.concatenate %get3A_295, %get3A_298 in 0 : vector<64x128xf32>, vector<64x128xf32> -> vector<128x128xf32>
    %transpose3A_300 = tpu.transpose %concatenate3A_299, [1, 0] : vector<128x128xf32> -> vector<128x128xf32>
    %swap3A_301 = arith.constant 3456 : index
    %swap3A_302 = arith.constant 0 : index
    %swap3A_303 = vector.load %arg2[%swap3A_301, %swap3A_302] : memref<16384x128xf32, #tpu.memory_space<vmem>>, vector<128x128xf32>
    tpu.vector_store %arg2[%swap3A_301, %swap3A_302], %transpose3A_300 {strides = array<i32>} : memref<16384x128xf32, #tpu.memory_space<vmem>>, vector<128x128xf32>,
    %get3A_304 = arith.constant 0 : index
    %get3A_305 = arith.constant 7168 : index
    %get3A_306 = vector.load %arg1[%get3A_304, %get3A_305] : memref<64x32768xf32, #tpu.memory_space<vmem>>, vector<64x128xf32>
    %get3A_307 = arith.constant 0 : index
    %get3A_308 = arith.constant 7296 : index
    %get3A_309 = vector.load %arg1[%get3A_307, %get3A_308] : memref<64x32768xf32, #tpu.memory_space<vmem>>, vector<64x128xf32>
    %concatenate3A_310 = tpu.concatenate %get3A_306, %get3A_309 in 0 : vector<64x128xf32>, vector<64x128xf32> -> vector<128x128xf32>
    %transpose3A_311 = tpu.transpose %concatenate3A_310, [1, 0] : vector<128x128xf32> -> vector<128x128xf32>
    %swap3A_312 = arith.constant 3584 : index
    %swap3A_313 = arith.constant 0 : index
    %swap3A_314 = vector.load %arg2[%swap3A_312, %swap3A_313] : memref<16384x128xf32, #tpu.memory_space<vmem>>, vector<128x128xf32>
    tpu.vector_store %arg2[%swap3A_312, %swap3A_313], %transpose3A_311 {strides = array<i32>} : memref<16384x128xf32, #tpu.memory_space<vmem>>, vector<128x128xf32>,
    %get3A_315 = arith.constant 0 : index
    %get3A_316 = arith.constant 7424 : index
    %get3A_317 = vector.load %arg1[%get3A_315, %get3A_316] : memref<64x32768xf32, #tpu.memory_space<vmem>>, vector<64x128xf32>
    %get3A_318 = arith.constant 0 : index
    %get3A_319 = arith.constant 7552 : index
    %get3A_320 = vector.load %arg1[%get3A_318, %get3A_319] : memref<64x32768xf32, #tpu.memory_space<vmem>>, vector<64x128xf32>
    %concatenate3A_321 = tpu.concatenate %get3A_317, %get3A_320 in 0 : vector<64x128xf32>, vector<64x128xf32> -> vector<128x128xf32>
    %transpose3A_322 = tpu.transpose %concatenate3A_321, [1, 0] : vector<128x128xf32> -> vector<128x128xf32>
    %swap3A_323 = arith.constant 3712 : index
    %swap3A_324 = arith.constant 0 : index
    %swap3A_325 = vector.load %arg2[%swap3A_323, %swap3A_324] : memref<16384x128xf32, #tpu.memory_space<vmem>>, vector<128x128xf32>
    tpu.vector_store %arg2[%swap3A_323, %swap3A_324], %transpose3A_322 {strides = array<i32>} : memref<16384x128xf32, #tpu.memory_space<vmem>>, vector<128x128xf32>,
    %get3A_326 = arith.constant 0 : index
    %get3A_327 = arith.constant 7680 : index
    %get3A_328 = vector.load %arg1[%get3A_326, %get3A_327] : memref<64x32768xf32, #tpu.memory_space<vmem>>, vector<64x128xf32>
    %get3A_329 = arith.constant 0 : index
    %get3A_330 = arith.constant 7808 : index
    %get3A_331 = vector.load %arg1[%get3A_329, %get3A_330] : memref<64x32768xf32, #tpu.memory_space<vmem>>, vector<64x128xf32>
    %concatenate3A_332 = tpu.concatenate %get3A_328, %get3A_331 in 0 : vector<64x128xf32>, vector<64x128xf32> -> vector<128x128xf32>
    %transpose3A_333 = tpu.transpose %concatenate3A_332, [1, 0] : vector<128x128xf32> -> vector<128x128xf32>
    %swap3A_334 = arith.constant 3840 : index
    %swap3A_335 = arith.constant 0 : index
    %swap3A_336 = vector.load %arg2[%swap3A_334, %swap3A_335] : memref<16384x128xf32, #tpu.memory_space<vmem>>, vector<128x128xf32>
    tpu.vector_store %arg2[%swap3A_334, %swap3A_335], %transpose3A_333 {strides = array<i32>} : memref<16384x128xf32, #tpu.memory_space<vmem>>, vector<128x128xf32>,
    %get3A_337 = arith.constant 0 : index
    %get3A_338 = arith.constant 7936 : index
    %get3A_339 = vector.load %arg1[%get3A_337, %get3A_338] : memref<64x32768xf32, #tpu.memory_space<vmem>>, vector<64x128xf32>
    %get3A_340 = arith.constant 0 : index
    %get3A_341 = arith.constant 8064 : index
    %get3A_342 = vector.load %arg1[%get3A_340, %get3A_341] : memref<64x32768xf32, #tpu.memory_space<vmem>>, vector<64x128xf32>
    %concatenate3A_343 = tpu.concatenate %get3A_339, %get3A_342 in 0 : vector<64x128xf32>, vector<64x128xf32> -> vector<128x128xf32>
    %transpose3A_344 = tpu.transpose %concatenate3A_343, [1, 0] : vector<128x128xf32> -> vector<128x128xf32>
    %swap3A_345 = arith.constant 3968 : index
    %swap3A_346 = arith.constant 0 : index
    %swap3A_347 = vector.load %arg2[%swap3A_345, %swap3A_346] : memref<16384x128xf32, #tpu.memory_space<vmem>>, vector<128x128xf32>
    tpu.vector_store %arg2[%swap3A_345, %swap3A_346], %transpose3A_344 {strides = array<i32>} : memref<16384x128xf32, #tpu.memory_space<vmem>>, vector<128x128xf32>,
    %get3A_348 = arith.constant 0 : index
    %get3A_349 = arith.constant 8192 : index
    %get3A_350 = vector.load %arg1[%get3A_348, %get3A_349] : memref<64x32768xf32, #tpu.memory_space<vmem>>, vector<64x128xf32>
    %get3A_351 = arith.constant 0 : index
    %get3A_352 = arith.constant 8320 : index
    %get3A_353 = vector.load %arg1[%get3A_351, %get3A_352] : memref<64x32768xf32, #tpu.memory_space<vmem>>, vector<64x128xf32>
    %concatenate3A_354 = tpu.concatenate %get3A_350, %get3A_353 in 0 : vector<64x128xf32>, vector<64x128xf32> -> vector<128x128xf32>
    %transpose3A_355 = tpu.transpose %concatenate3A_354, [1, 0] : vector<128x128xf32> -> vector<128x128xf32>
    %swap3A_356 = arith.constant 4096 : index
    %swap3A_357 = arith.constant 0 : index
    %swap3A_358 = vector.load %arg2[%swap3A_356, %swap3A_357] : memref<16384x128xf32, #tpu.memory_space<vmem>>, vector<128x128xf32>
    tpu.vector_store %arg2[%swap3A_356, %swap3A_357], %transpose3A_355 {strides = array<i32>} : memref<16384x128xf32, #tpu.memory_space<vmem>>, vector<128x128xf32>,
    %get3A_359 = arith.constant 0 : index
    %get3A_360 = arith.constant 8448 : index
    %get3A_361 = vector.load %arg1[%get3A_359, %get3A_360] : memref<64x32768xf32, #tpu.memory_space<vmem>>, vector<64x128xf32>
    %get3A_362 = arith.constant 0 : index
    %get3A_363 = arith.constant 8576 : index
    %get3A_364 = vector.load %arg1[%get3A_362, %get3A_363] : memref<64x32768xf32, #tpu.memory_space<vmem>>, vector<64x128xf32>
    %concatenate3A_365 = tpu.concatenate %get3A_361, %get3A_364 in 0 : vector<64x128xf32>, vector<64x128xf32> -> vector<128x128xf32>
    %transpose3A_366 = tpu.transpose %concatenate3A_365, [1, 0] : vector<128x128xf32> -> vector<128x128xf32>
    %swap3A_367 = arith.constant 4224 : index
    %swap3A_368 = arith.constant 0 : index
    %swap3A_369 = vector.load %arg2[%swap3A_367, %swap3A_368] : memref<16384x128xf32, #tpu.memory_space<vmem>>, vector<128x128xf32>
    tpu.vector_store %arg2[%swap3A_367, %swap3A_368], %transpose3A_366 {strides = array<i32>} : memref<16384x128xf32, #tpu.memory_space<vmem>>, vector<128x128xf32>,
    %get3A_370 = arith.constant 0 : index
    %get3A_371 = arith.constant 8704 : index
    %get3A_372 = vector.load %arg1[%get3A_370, %get3A_371] : memref<64x32768xf32, #tpu.memory_space<vmem>>, vector<64x128xf32>
    %get3A_373 = arith.constant 0 : index
    %get3A_374 = arith.constant 8832 : index
    %get3A_375 = vector.load %arg1[%get3A_373, %get3A_374] : memref<64x32768xf32, #tpu.memory_space<vmem>>, vector<64x128xf32>
    %concatenate3A_376 = tpu.concatenate %get3A_372, %get3A_375 in 0 : vector<64x128xf32>, vector<64x128xf32> -> vector<128x128xf32>
    %transpose3A_377 = tpu.transpose %concatenate3A_376, [1, 0] : vector<128x128xf32> -> vector<128x128xf32>
    %swap3A_378 = arith.constant 4352 : index
    %swap3A_379 = arith.constant 0 : index
    %swap3A_380 = vector.load %arg2[%swap3A_378, %swap3A_379] : memref<16384x128xf32, #tpu.memory_space<vmem>>, vector<128x128xf32>
    tpu.vector_store %arg2[%swap3A_378, %swap3A_379], %transpose3A_377 {strides = array<i32>} : memref<16384x128xf32, #tpu.memory_space<vmem>>, vector<128x128xf32>,
    %get3A_381 = arith.constant 0 : index
    %get3A_382 = arith.constant 8960 : index
    %get3A_383 = vector.load %arg1[%get3A_381, %get3A_382] : memref<64x32768xf32, #tpu.memory_space<vmem>>, vector<64x128xf32>
    %get3A_384 = arith.constant 0 : index
    %get3A_385 = arith.constant 9088 : index
    %get3A_386 = vector.load %arg1[%get3A_384, %get3A_385] : memref<64x32768xf32, #tpu.memory_space<vmem>>, vector<64x128xf32>
    %concatenate3A_387 = tpu.concatenate %get3A_383, %get3A_386 in 0 : vector<64x128xf32>, vector<64x128xf32> -> vector<128x128xf32>
    %transpose3A_388 = tpu.transpose %concatenate3A_387, [1, 0] : vector<128x128xf32> -> vector<128x128xf32>
    %swap3A_389 = arith.constant 4480 : index
    %swap3A_390 = arith.constant 0 : index
    %swap3A_391 = vector.load %arg2[%swap3A_389, %swap3A_390] : memref<16384x128xf32, #tpu.memory_space<vmem>>, vector<128x128xf32>
    tpu.vector_store %arg2[%swap3A_389, %swap3A_390], %transpose3A_388 {strides = array<i32>} : memref<16384x128xf32, #tpu.memory_space<vmem>>, vector<128x128xf32>,
    %get3A_392 = arith.constant 0 : index
    %get3A_393 = arith.constant 9216 : index
    %get3A_394 = vector.load %arg1[%get3A_392, %get3A_393] : memref<64x32768xf32, #tpu.memory_space<vmem>>, vector<64x128xf32>
    %get3A_395 = arith.constant 0 : index
    %get3A_396 = arith.constant 9344 : index
    %get3A_397 = vector.load %arg1[%get3A_395, %get3A_396] : memref<64x32768xf32, #tpu.memory_space<vmem>>, vector<64x128xf32>
    %concatenate3A_398 = tpu.concatenate %get3A_394, %get3A_397 in 0 : vector<64x128xf32>, vector<64x128xf32> -> vector<128x128xf32>
    %transpose3A_399 = tpu.transpose %concatenate3A_398, [1, 0] : vector<128x128xf32> -> vector<128x128xf32>
    %swap3A_400 = arith.constant 4608 : index
    %swap3A_401 = arith.constant 0 : index
    %swap3A_402 = vector.load %arg2[%swap3A_400, %swap3A_401] : memref<16384x128xf32, #tpu.memory_space<vmem>>, vector<128x128xf32>
    tpu.vector_store %arg2[%swap3A_400, %swap3A_401], %transpose3A_399 {strides = array<i32>} : memref<16384x128xf32, #tpu.memory_space<vmem>>, vector<128x128xf32>,
    %get3A_403 = arith.constant 0 : index
    %get3A_404 = arith.constant 9472 : index
    %get3A_405 = vector.load %arg1[%get3A_403, %get3A_404] : memref<64x32768xf32, #tpu.memory_space<vmem>>, vector<64x128xf32>
    %get3A_406 = arith.constant 0 : index
    %get3A_407 = arith.constant 9600 : index
    %get3A_408 = vector.load %arg1[%get3A_406, %get3A_407] : memref<64x32768xf32, #tpu.memory_space<vmem>>, vector<64x128xf32>
    %concatenate3A_409 = tpu.concatenate %get3A_405, %get3A_408 in 0 : vector<64x128xf32>, vector<64x128xf32> -> vector<128x128xf32>
    %transpose3A_410 = tpu.transpose %concatenate3A_409, [1, 0] : vector<128x128xf32> -> vector<128x128xf32>
    %swap3A_411 = arith.constant 4736 : index
    %swap3A_412 = arith.constant 0 : index
    %swap3A_413 = vector.load %arg2[%swap3A_411, %swap3A_412] : memref<16384x128xf32, #tpu.memory_space<vmem>>, vector<128x128xf32>
    tpu.vector_store %arg2[%swap3A_411, %swap3A_412], %transpose3A_410 {strides = array<i32>} : memref<16384x128xf32, #tpu.memory_space<vmem>>, vector<128x128xf32>,
    %get3A_414 = arith.constant 0 : index
    %get3A_415 = arith.constant 9728 : index
    %get3A_416 = vector.load %arg1[%get3A_414, %get3A_415] : memref<64x32768xf32, #tpu.memory_space<vmem>>, vector<64x128xf32>
    %get3A_417 = arith.constant 0 : index
    %get3A_418 = arith.constant 9856 : index
    %get3A_419 = vector.load %arg1[%get3A_417, %get3A_418] : memref<64x32768xf32, #tpu.memory_space<vmem>>, vector<64x128xf32>
    %concatenate3A_420 = tpu.concatenate %get3A_416, %get3A_419 in 0 : vector<64x128xf32>, vector<64x128xf32> -> vector<128x128xf32>
    %transpose3A_421 = tpu.transpose %concatenate3A_420, [1, 0] : vector<128x128xf32> -> vector<128x128xf32>
    %swap3A_422 = arith.constant 4864 : index
    %swap3A_423 = arith.constant 0 : index
    %swap3A_424 = vector.load %arg2[%swap3A_422, %swap3A_423] : memref<16384x128xf32, #tpu.memory_space<vmem>>, vector<128x128xf32>
    tpu.vector_store %arg2[%swap3A_422, %swap3A_423], %transpose3A_421 {strides = array<i32>} : memref<16384x128xf32, #tpu.memory_space<vmem>>, vector<128x128xf32>,
    %get3A_425 = arith.constant 0 : index
    %get3A_426 = arith.constant 9984 : index
    %get3A_427 = vector.load %arg1[%get3A_425, %get3A_426] : memref<64x32768xf32, #tpu.memory_space<vmem>>, vector<64x128xf32>
    %get3A_428 = arith.constant 0 : index
    %get3A_429 = arith.constant 10112 : index
    %get3A_430 = vector.load %arg1[%get3A_428, %get3A_429] : memref<64x32768xf32, #tpu.memory_space<vmem>>, vector<64x128xf32>
    %concatenate3A_431 = tpu.concatenate %get3A_427, %get3A_430 in 0 : vector<64x128xf32>, vector<64x128xf32> -> vector<128x128xf32>
    %transpose3A_432 = tpu.transpose %concatenate3A_431, [1, 0] : vector<128x128xf32> -> vector<128x128xf32>
    %swap3A_433 = arith.constant 4992 : index
    %swap3A_434 = arith.constant 0 : index
    %swap3A_435 = vector.load %arg2[%swap3A_433, %swap3A_434] : memref<16384x128xf32, #tpu.memory_space<vmem>>, vector<128x128xf32>
    tpu.vector_store %arg2[%swap3A_433, %swap3A_434], %transpose3A_432 {strides = array<i32>} : memref<16384x128xf32, #tpu.memory_space<vmem>>, vector<128x128xf32>,
    %get3A_436 = arith.constant 0 : index
    %get3A_437 = arith.constant 10240 : index
    %get3A_438 = vector.load %arg1[%get3A_436, %get3A_437] : memref<64x32768xf32, #tpu.memory_space<vmem>>, vector<64x128xf32>
    %get3A_439 = arith.constant 0 : index
    %get3A_440 = arith.constant 10368 : index
    %get3A_441 = vector.load %arg1[%get3A_439, %get3A_440] : memref<64x32768xf32, #tpu.memory_space<vmem>>, vector<64x128xf32>
    %concatenate3A_442 = tpu.concatenate %get3A_438, %get3A_441 in 0 : vector<64x128xf32>, vector<64x128xf32> -> vector<128x128xf32>
    %transpose3A_443 = tpu.transpose %concatenate3A_442, [1, 0] : vector<128x128xf32> -> vector<128x128xf32>
    %swap3A_444 = arith.constant 5120 : index
    %swap3A_445 = arith.constant 0 : index
    %swap3A_446 = vector.load %arg2[%swap3A_444, %swap3A_445] : memref<16384x128xf32, #tpu.memory_space<vmem>>, vector<128x128xf32>
    tpu.vector_store %arg2[%swap3A_444, %swap3A_445], %transpose3A_443 {strides = array<i32>} : memref<16384x128xf32, #tpu.memory_space<vmem>>, vector<128x128xf32>,
    %get3A_447 = arith.constant 0 : index
    %get3A_448 = arith.constant 10496 : index
    %get3A_449 = vector.load %arg1[%get3A_447, %get3A_448] : memref<64x32768xf32, #tpu.memory_space<vmem>>, vector<64x128xf32>
    %get3A_450 = arith.constant 0 : index
    %get3A_451 = arith.constant 10624 : index
    %get3A_452 = vector.load %arg1[%get3A_450, %get3A_451] : memref<64x32768xf32, #tpu.memory_space<vmem>>, vector<64x128xf32>
    %concatenate3A_453 = tpu.concatenate %get3A_449, %get3A_452 in 0 : vector<64x128xf32>, vector<64x128xf32> -> vector<128x128xf32>
    %transpose3A_454 = tpu.transpose %concatenate3A_453, [1, 0] : vector<128x128xf32> -> vector<128x128xf32>
    %swap3A_455 = arith.constant 5248 : index
    %swap3A_456 = arith.constant 0 : index
    %swap3A_457 = vector.load %arg2[%swap3A_455, %swap3A_456] : memref<16384x128xf32, #tpu.memory_space<vmem>>, vector<128x128xf32>
    tpu.vector_store %arg2[%swap3A_455, %swap3A_456], %transpose3A_454 {strides = array<i32>} : memref<16384x128xf32, #tpu.memory_space<vmem>>, vector<128x128xf32>,
    %get3A_458 = arith.constant 0 : index
    %get3A_459 = arith.constant 10752 : index
    %get3A_460 = vector.load %arg1[%get3A_458, %get3A_459] : memref<64x32768xf32, #tpu.memory_space<vmem>>, vector<64x128xf32>
    %get3A_461 = arith.constant 0 : index
    %get3A_462 = arith.constant 10880 : index
    %get3A_463 = vector.load %arg1[%get3A_461, %get3A_462] : memref<64x32768xf32, #tpu.memory_space<vmem>>, vector<64x128xf32>
    %concatenate3A_464 = tpu.concatenate %get3A_460, %get3A_463 in 0 : vector<64x128xf32>, vector<64x128xf32> -> vector<128x128xf32>
    %transpose3A_465 = tpu.transpose %concatenate3A_464, [1, 0] : vector<128x128xf32> -> vector<128x128xf32>
    %swap3A_466 = arith.constant 5376 : index
    %swap3A_467 = arith.constant 0 : index
    %swap3A_468 = vector.load %arg2[%swap3A_466, %swap3A_467] : memref<16384x128xf32, #tpu.memory_space<vmem>>, vector<128x128xf32>
    tpu.vector_store %arg2[%swap3A_466, %swap3A_467], %transpose3A_465 {strides = array<i32>} : memref<16384x128xf32, #tpu.memory_space<vmem>>, vector<128x128xf32>,
    %get3A_469 = arith.constant 0 : index
    %get3A_470 = arith.constant 11008 : index
    %get3A_471 = vector.load %arg1[%get3A_469, %get3A_470] : memref<64x32768xf32, #tpu.memory_space<vmem>>, vector<64x128xf32>
    %get3A_472 = arith.constant 0 : index
    %get3A_473 = arith.constant 11136 : index
    %get3A_474 = vector.load %arg1[%get3A_472, %get3A_473] : memref<64x32768xf32, #tpu.memory_space<vmem>>, vector<64x128xf32>
    %concatenate3A_475 = tpu.concatenate %get3A_471, %get3A_474 in 0 : vector<64x128xf32>, vector<64x128xf32> -> vector<128x128xf32>
    %transpose3A_476 = tpu.transpose %concatenate3A_475, [1, 0] : vector<128x128xf32> -> vector<128x128xf32>
    %swap3A_477 = arith.constant 5504 : index
    %swap3A_478 = arith.constant 0 : index
    %swap3A_479 = vector.load %arg2[%swap3A_477, %swap3A_478] : memref<16384x128xf32, #tpu.memory_space<vmem>>, vector<128x128xf32>
    tpu.vector_store %arg2[%swap3A_477, %swap3A_478], %transpose3A_476 {strides = array<i32>} : memref<16384x128xf32, #tpu.memory_space<vmem>>, vector<128x128xf32>,
    %get3A_480 = arith.constant 0 : index
    %get3A_481 = arith.constant 11264 : index
    %get3A_482 = vector.load %arg1[%get3A_480, %get3A_481] : memref<64x32768xf32, #tpu.memory_space<vmem>>, vector<64x128xf32>
    %get3A_483 = arith.constant 0 : index
    %get3A_484 = arith.constant 11392 : index
    %get3A_485 = vector.load %arg1[%get3A_483, %get3A_484] : memref<64x32768xf32, #tpu.memory_space<vmem>>, vector<64x128xf32>
    %concatenate3A_486 = tpu.concatenate %get3A_482, %get3A_485 in 0 : vector<64x128xf32>, vector<64x128xf32> -> vector<128x128xf32>
    %transpose3A_487 = tpu.transpose %concatenate3A_486, [1, 0] : vector<128x128xf32> -> vector<128x128xf32>
    %swap3A_488 = arith.constant 5632 : index
    %swap3A_489 = arith.constant 0 : index
    %swap3A_490 = vector.load %arg2[%swap3A_488, %swap3A_489] : memref<16384x128xf32, #tpu.memory_space<vmem>>, vector<128x128xf32>
    tpu.vector_store %arg2[%swap3A_488, %swap3A_489], %transpose3A_487 {strides = array<i32>} : memref<16384x128xf32, #tpu.memory_space<vmem>>, vector<128x128xf32>,
    %get3A_491 = arith.constant 0 : index
    %get3A_492 = arith.constant 11520 : index
    %get3A_493 = vector.load %arg1[%get3A_491, %get3A_492] : memref<64x32768xf32, #tpu.memory_space<vmem>>, vector<64x128xf32>
    %get3A_494 = arith.constant 0 : index
    %get3A_495 = arith.constant 11648 : index
    %get3A_496 = vector.load %arg1[%get3A_494, %get3A_495] : memref<64x32768xf32, #tpu.memory_space<vmem>>, vector<64x128xf32>
    %concatenate3A_497 = tpu.concatenate %get3A_493, %get3A_496 in 0 : vector<64x128xf32>, vector<64x128xf32> -> vector<128x128xf32>
    %transpose3A_498 = tpu.transpose %concatenate3A_497, [1, 0] : vector<128x128xf32> -> vector<128x128xf32>
    %swap3A_499 = arith.constant 5760 : index
    %swap3A_500 = arith.constant 0 : index
    %swap3A_501 = vector.load %arg2[%swap3A_499, %swap3A_500] : memref<16384x128xf32, #tpu.memory_space<vmem>>, vector<128x128xf32>
    tpu.vector_store %arg2[%swap3A_499, %swap3A_500], %transpose3A_498 {strides = array<i32>} : memref<16384x128xf32, #tpu.memory_space<vmem>>, vector<128x128xf32>,
    %get3A_502 = arith.constant 0 : index
    %get3A_503 = arith.constant 11776 : index
    %get3A_504 = vector.load %arg1[%get3A_502, %get3A_503] : memref<64x32768xf32, #tpu.memory_space<vmem>>, vector<64x128xf32>
    %get3A_505 = arith.constant 0 : index
    %get3A_506 = arith.constant 11904 : index
    %get3A_507 = vector.load %arg1[%get3A_505, %get3A_506] : memref<64x32768xf32, #tpu.memory_space<vmem>>, vector<64x128xf32>
    %concatenate3A_508 = tpu.concatenate %get3A_504, %get3A_507 in 0 : vector<64x128xf32>, vector<64x128xf32> -> vector<128x128xf32>
    %transpose3A_509 = tpu.transpose %concatenate3A_508, [1, 0] : vector<128x128xf32> -> vector<128x128xf32>
    %swap3A_510 = arith.constant 5888 : index
    %swap3A_511 = arith.constant 0 : index
    %swap3A_512 = vector.load %arg2[%swap3A_510, %swap3A_511] : memref<16384x128xf32, #tpu.memory_space<vmem>>, vector<128x128xf32>
    tpu.vector_store %arg2[%swap3A_510, %swap3A_511], %transpose3A_509 {strides = array<i32>} : memref<16384x128xf32, #tpu.memory_space<vmem>>, vector<128x128xf32>,
    %get3A_513 = arith.constant 0 : index
    %get3A_514 = arith.constant 12032 : index
    %get3A_515 = vector.load %arg1[%get3A_513, %get3A_514] : memref<64x32768xf32, #tpu.memory_space<vmem>>, vector<64x128xf32>
    %get3A_516 = arith.constant 0 : index
    %get3A_517 = arith.constant 12160 : index
    %get3A_518 = vector.load %arg1[%get3A_516, %get3A_517] : memref<64x32768xf32, #tpu.memory_space<vmem>>, vector<64x128xf32>
    %concatenate3A_519 = tpu.concatenate %get3A_515, %get3A_518 in 0 : vector<64x128xf32>, vector<64x128xf32> -> vector<128x128xf32>
    %transpose3A_520 = tpu.transpose %concatenate3A_519, [1, 0] : vector<128x128xf32> -> vector<128x128xf32>
    %swap3A_521 = arith.constant 6016 : index
    %swap3A_522 = arith.constant 0 : index
    %swap3A_523 = vector.load %arg2[%swap3A_521, %swap3A_522] : memref<16384x128xf32, #tpu.memory_space<vmem>>, vector<128x128xf32>
    tpu.vector_store %arg2[%swap3A_521, %swap3A_522], %transpose3A_520 {strides = array<i32>} : memref<16384x128xf32, #tpu.memory_space<vmem>>, vector<128x128xf32>,
    %get3A_524 = arith.constant 0 : index
    %get3A_525 = arith.constant 12288 : index
    %get3A_526 = vector.load %arg1[%get3A_524, %get3A_525] : memref<64x32768xf32, #tpu.memory_space<vmem>>, vector<64x128xf32>
    %get3A_527 = arith.constant 0 : index
    %get3A_528 = arith.constant 12416 : index
    %get3A_529 = vector.load %arg1[%get3A_527, %get3A_528] : memref<64x32768xf32, #tpu.memory_space<vmem>>, vector<64x128xf32>
    %concatenate3A_530 = tpu.concatenate %get3A_526, %get3A_529 in 0 : vector<64x128xf32>, vector<64x128xf32> -> vector<128x128xf32>
    %transpose3A_531 = tpu.transpose %concatenate3A_530, [1, 0] : vector<128x128xf32> -> vector<128x128xf32>
    %swap3A_532 = arith.constant 6144 : index
    %swap3A_533 = arith.constant 0 : index
    %swap3A_534 = vector.load %arg2[%swap3A_532, %swap3A_533] : memref<16384x128xf32, #tpu.memory_space<vmem>>, vector<128x128xf32>
    tpu.vector_store %arg2[%swap3A_532, %swap3A_533], %transpose3A_531 {strides = array<i32>} : memref<16384x128xf32, #tpu.memory_space<vmem>>, vector<128x128xf32>,
    %get3A_535 = arith.constant 0 : index
    %get3A_536 = arith.constant 12544 : index
    %get3A_537 = vector.load %arg1[%get3A_535, %get3A_536] : memref<64x32768xf32, #tpu.memory_space<vmem>>, vector<64x128xf32>
    %get3A_538 = arith.constant 0 : index
    %get3A_539 = arith.constant 12672 : index
    %get3A_540 = vector.load %arg1[%get3A_538, %get3A_539] : memref<64x32768xf32, #tpu.memory_space<vmem>>, vector<64x128xf32>
    %concatenate3A_541 = tpu.concatenate %get3A_537, %get3A_540 in 0 : vector<64x128xf32>, vector<64x128xf32> -> vector<128x128xf32>
    %transpose3A_542 = tpu.transpose %concatenate3A_541, [1, 0] : vector<128x128xf32> -> vector<128x128xf32>
    %swap3A_543 = arith.constant 6272 : index
    %swap3A_544 = arith.constant 0 : index
    %swap3A_545 = vector.load %arg2[%swap3A_543, %swap3A_544] : memref<16384x128xf32, #tpu.memory_space<vmem>>, vector<128x128xf32>
    tpu.vector_store %arg2[%swap3A_543, %swap3A_544], %transpose3A_542 {strides = array<i32>} : memref<16384x128xf32, #tpu.memory_space<vmem>>, vector<128x128xf32>,
    %get3A_546 = arith.constant 0 : index
    %get3A_547 = arith.constant 12800 : index
    %get3A_548 = vector.load %arg1[%get3A_546, %get3A_547] : memref<64x32768xf32, #tpu.memory_space<vmem>>, vector<64x128xf32>
    %get3A_549 = arith.constant 0 : index
    %get3A_550 = arith.constant 12928 : index
    %get3A_551 = vector.load %arg1[%get3A_549, %get3A_550] : memref<64x32768xf32, #tpu.memory_space<vmem>>, vector<64x128xf32>
    %concatenate3A_552 = tpu.concatenate %get3A_548, %get3A_551 in 0 : vector<64x128xf32>, vector<64x128xf32> -> vector<128x128xf32>
    %transpose3A_553 = tpu.transpose %concatenate3A_552, [1, 0] : vector<128x128xf32> -> vector<128x128xf32>
    %swap3A_554 = arith.constant 6400 : index
    %swap3A_555 = arith.constant 0 : index
    %swap3A_556 = vector.load %arg2[%swap3A_554, %swap3A_555] : memref<16384x128xf32, #tpu.memory_space<vmem>>, vector<128x128xf32>
    tpu.vector_store %arg2[%swap3A_554, %swap3A_555], %transpose3A_553 {strides = array<i32>} : memref<16384x128xf32, #tpu.memory_space<vmem>>, vector<128x128xf32>,
    %get3A_557 = arith.constant 0 : index
    %get3A_558 = arith.constant 13056 : index
    %get3A_559 = vector.load %arg1[%get3A_557, %get3A_558] : memref<64x32768xf32, #tpu.memory_space<vmem>>, vector<64x128xf32>
    %get3A_560 = arith.constant 0 : index
    %get3A_561 = arith.constant 13184 : index
    %get3A_562 = vector.load %arg1[%get3A_560, %get3A_561] : memref<64x32768xf32, #tpu.memory_space<vmem>>, vector<64x128xf32>
    %concatenate3A_563 = tpu.concatenate %get3A_559, %get3A_562 in 0 : vector<64x128xf32>, vector<64x128xf32> -> vector<128x128xf32>
    %transpose3A_564 = tpu.transpose %concatenate3A_563, [1, 0] : vector<128x128xf32> -> vector<128x128xf32>
    %swap3A_565 = arith.constant 6528 : index
    %swap3A_566 = arith.constant 0 : index
    %swap3A_567 = vector.load %arg2[%swap3A_565, %swap3A_566] : memref<16384x128xf32, #tpu.memory_space<vmem>>, vector<128x128xf32>
    tpu.vector_store %arg2[%swap3A_565, %swap3A_566], %transpose3A_564 {strides = array<i32>} : memref<16384x128xf32, #tpu.memory_space<vmem>>, vector<128x128xf32>,
    %get3A_568 = arith.constant 0 : index
    %get3A_569 = arith.constant 13312 : index
    %get3A_570 = vector.load %arg1[%get3A_568, %get3A_569] : memref<64x32768xf32, #tpu.memory_space<vmem>>, vector<64x128xf32>
    %get3A_571 = arith.constant 0 : index
    %get3A_572 = arith.constant 13440 : index
    %get3A_573 = vector.load %arg1[%get3A_571, %get3A_572] : memref<64x32768xf32, #tpu.memory_space<vmem>>, vector<64x128xf32>
    %concatenate3A_574 = tpu.concatenate %get3A_570, %get3A_573 in 0 : vector<64x128xf32>, vector<64x128xf32> -> vector<128x128xf32>
    %transpose3A_575 = tpu.transpose %concatenate3A_574, [1, 0] : vector<128x128xf32> -> vector<128x128xf32>
    %swap3A_576 = arith.constant 6656 : index
    %swap3A_577 = arith.constant 0 : index
    %swap3A_578 = vector.load %arg2[%swap3A_576, %swap3A_577] : memref<16384x128xf32, #tpu.memory_space<vmem>>, vector<128x128xf32>
    tpu.vector_store %arg2[%swap3A_576, %swap3A_577], %transpose3A_575 {strides = array<i32>} : memref<16384x128xf32, #tpu.memory_space<vmem>>, vector<128x128xf32>,
    %get3A_579 = arith.constant 0 : index
    %get3A_580 = arith.constant 13568 : index
    %get3A_581 = vector.load %arg1[%get3A_579, %get3A_580] : memref<64x32768xf32, #tpu.memory_space<vmem>>, vector<64x128xf32>
    %get3A_582 = arith.constant 0 : index
    %get3A_583 = arith.constant 13696 : index
    %get3A_584 = vector.load %arg1[%get3A_582, %get3A_583] : memref<64x32768xf32, #tpu.memory_space<vmem>>, vector<64x128xf32>
    %concatenate3A_585 = tpu.concatenate %get3A_581, %get3A_584 in 0 : vector<64x128xf32>, vector<64x128xf32> -> vector<128x128xf32>
    %transpose3A_586 = tpu.transpose %concatenate3A_585, [1, 0] : vector<128x128xf32> -> vector<128x128xf32>
    %swap3A_587 = arith.constant 6784 : index
    %swap3A_588 = arith.constant 0 : index
    %swap3A_589 = vector.load %arg2[%swap3A_587, %swap3A_588] : memref<16384x128xf32, #tpu.memory_space<vmem>>, vector<128x128xf32>
    tpu.vector_store %arg2[%swap3A_587, %swap3A_588], %transpose3A_586 {strides = array<i32>} : memref<16384x128xf32, #tpu.memory_space<vmem>>, vector<128x128xf32>,
    %get3A_590 = arith.constant 0 : index
    %get3A_591 = arith.constant 13824 : index
    %get3A_592 = vector.load %arg1[%get3A_590, %get3A_591] : memref<64x32768xf32, #tpu.memory_space<vmem>>, vector<64x128xf32>
    %get3A_593 = arith.constant 0 : index
    %get3A_594 = arith.constant 13952 : index
    %get3A_595 = vector.load %arg1[%get3A_593, %get3A_594] : memref<64x32768xf32, #tpu.memory_space<vmem>>, vector<64x128xf32>
    %concatenate3A_596 = tpu.concatenate %get3A_592, %get3A_595 in 0 : vector<64x128xf32>, vector<64x128xf32> -> vector<128x128xf32>
    %transpose3A_597 = tpu.transpose %concatenate3A_596, [1, 0] : vector<128x128xf32> -> vector<128x128xf32>
    %swap3A_598 = arith.constant 6912 : index
    %swap3A_599 = arith.constant 0 : index
    %swap3A_600 = vector.load %arg2[%swap3A_598, %swap3A_599] : memref<16384x128xf32, #tpu.memory_space<vmem>>, vector<128x128xf32>
    tpu.vector_store %arg2[%swap3A_598, %swap3A_599], %transpose3A_597 {strides = array<i32>} : memref<16384x128xf32, #tpu.memory_space<vmem>>, vector<128x128xf32>,
    %get3A_601 = arith.constant 0 : index
    %get3A_602 = arith.constant 14080 : index
    %get3A_603 = vector.load %arg1[%get3A_601, %get3A_602] : memref<64x32768xf32, #tpu.memory_space<vmem>>, vector<64x128xf32>
    %get3A_604 = arith.constant 0 : index
    %get3A_605 = arith.constant 14208 : index
    %get3A_606 = vector.load %arg1[%get3A_604, %get3A_605] : memref<64x32768xf32, #tpu.memory_space<vmem>>, vector<64x128xf32>
    %concatenate3A_607 = tpu.concatenate %get3A_603, %get3A_606 in 0 : vector<64x128xf32>, vector<64x128xf32> -> vector<128x128xf32>
    %transpose3A_608 = tpu.transpose %concatenate3A_607, [1, 0] : vector<128x128xf32> -> vector<128x128xf32>
    %swap3A_609 = arith.constant 7040 : index
    %swap3A_610 = arith.constant 0 : index
    %swap3A_611 = vector.load %arg2[%swap3A_609, %swap3A_610] : memref<16384x128xf32, #tpu.memory_space<vmem>>, vector<128x128xf32>
    tpu.vector_store %arg2[%swap3A_609, %swap3A_610], %transpose3A_608 {strides = array<i32>} : memref<16384x128xf32, #tpu.memory_space<vmem>>, vector<128x128xf32>,
    %get3A_612 = arith.constant 0 : index
    %get3A_613 = arith.constant 14336 : index
    %get3A_614 = vector.load %arg1[%get3A_612, %get3A_613] : memref<64x32768xf32, #tpu.memory_space<vmem>>, vector<64x128xf32>
    %get3A_615 = arith.constant 0 : index
    %get3A_616 = arith.constant 14464 : index
    %get3A_617 = vector.load %arg1[%get3A_615, %get3A_616] : memref<64x32768xf32, #tpu.memory_space<vmem>>, vector<64x128xf32>
    %concatenate3A_618 = tpu.concatenate %get3A_614, %get3A_617 in 0 : vector<64x128xf32>, vector<64x128xf32> -> vector<128x128xf32>
    %transpose3A_619 = tpu.transpose %concatenate3A_618, [1, 0] : vector<128x128xf32> -> vector<128x128xf32>
    %swap3A_620 = arith.constant 7168 : index
    %swap3A_621 = arith.constant 0 : index
    %swap3A_622 = vector.load %arg2[%swap3A_620, %swap3A_621] : memref<16384x128xf32, #tpu.memory_space<vmem>>, vector<128x128xf32>
    tpu.vector_store %arg2[%swap3A_620, %swap3A_621], %transpose3A_619 {strides = array<i32>} : memref<16384x128xf32, #tpu.memory_space<vmem>>, vector<128x128xf32>,
    %get3A_623 = arith.constant 0 : index
    %get3A_624 = arith.constant 14592 : index
    %get3A_625 = vector.load %arg1[%get3A_623, %get3A_624] : memref<64x32768xf32, #tpu.memory_space<vmem>>, vector<64x128xf32>
    %get3A_626 = arith.constant 0 : index
    %get3A_627 = arith.constant 14720 : index
    %get3A_628 = vector.load %arg1[%get3A_626, %get3A_627] : memref<64x32768xf32, #tpu.memory_space<vmem>>, vector<64x128xf32>
    %concatenate3A_629 = tpu.concatenate %get3A_625, %get3A_628 in 0 : vector<64x128xf32>, vector<64x128xf32> -> vector<128x128xf32>
    %transpose3A_630 = tpu.transpose %concatenate3A_629, [1, 0] : vector<128x128xf32> -> vector<128x128xf32>
    %swap3A_631 = arith.constant 7296 : index
    %swap3A_632 = arith.constant 0 : index
    %swap3A_633 = vector.load %arg2[%swap3A_631, %swap3A_632] : memref<16384x128xf32, #tpu.memory_space<vmem>>, vector<128x128xf32>
    tpu.vector_store %arg2[%swap3A_631, %swap3A_632], %transpose3A_630 {strides = array<i32>} : memref<16384x128xf32, #tpu.memory_space<vmem>>, vector<128x128xf32>,
    %get3A_634 = arith.constant 0 : index
    %get3A_635 = arith.constant 14848 : index
    %get3A_636 = vector.load %arg1[%get3A_634, %get3A_635] : memref<64x32768xf32, #tpu.memory_space<vmem>>, vector<64x128xf32>
    %get3A_637 = arith.constant 0 : index
    %get3A_638 = arith.constant 14976 : index
    %get3A_639 = vector.load %arg1[%get3A_637, %get3A_638] : memref<64x32768xf32, #tpu.memory_space<vmem>>, vector<64x128xf32>
    %concatenate3A_640 = tpu.concatenate %get3A_636, %get3A_639 in 0 : vector<64x128xf32>, vector<64x128xf32> -> vector<128x128xf32>
    %transpose3A_641 = tpu.transpose %concatenate3A_640, [1, 0] : vector<128x128xf32> -> vector<128x128xf32>
    %swap3A_642 = arith.constant 7424 : index
    %swap3A_643 = arith.constant 0 : index
    %swap3A_644 = vector.load %arg2[%swap3A_642, %swap3A_643] : memref<16384x128xf32, #tpu.memory_space<vmem>>, vector<128x128xf32>
    tpu.vector_store %arg2[%swap3A_642, %swap3A_643], %transpose3A_641 {strides = array<i32>} : memref<16384x128xf32, #tpu.memory_space<vmem>>, vector<128x128xf32>,
    %get3A_645 = arith.constant 0 : index
    %get3A_646 = arith.constant 15104 : index
    %get3A_647 = vector.load %arg1[%get3A_645, %get3A_646] : memref<64x32768xf32, #tpu.memory_space<vmem>>, vector<64x128xf32>
    %get3A_648 = arith.constant 0 : index
    %get3A_649 = arith.constant 15232 : index
    %get3A_650 = vector.load %arg1[%get3A_648, %get3A_649] : memref<64x32768xf32, #tpu.memory_space<vmem>>, vector<64x128xf32>
    %concatenate3A_651 = tpu.concatenate %get3A_647, %get3A_650 in 0 : vector<64x128xf32>, vector<64x128xf32> -> vector<128x128xf32>
    %transpose3A_652 = tpu.transpose %concatenate3A_651, [1, 0] : vector<128x128xf32> -> vector<128x128xf32>
    %swap3A_653 = arith.constant 7552 : index
    %swap3A_654 = arith.constant 0 : index
    %swap3A_655 = vector.load %arg2[%swap3A_653, %swap3A_654] : memref<16384x128xf32, #tpu.memory_space<vmem>>, vector<128x128xf32>
    tpu.vector_store %arg2[%swap3A_653, %swap3A_654], %transpose3A_652 {strides = array<i32>} : memref<16384x128xf32, #tpu.memory_space<vmem>>, vector<128x128xf32>,
    %get3A_656 = arith.constant 0 : index
    %get3A_657 = arith.constant 15360 : index
    %get3A_658 = vector.load %arg1[%get3A_656, %get3A_657] : memref<64x32768xf32, #tpu.memory_space<vmem>>, vector<64x128xf32>
    %get3A_659 = arith.constant 0 : index
    %get3A_660 = arith.constant 15488 : index
    %get3A_661 = vector.load %arg1[%get3A_659, %get3A_660] : memref<64x32768xf32, #tpu.memory_space<vmem>>, vector<64x128xf32>
    %concatenate3A_662 = tpu.concatenate %get3A_658, %get3A_661 in 0 : vector<64x128xf32>, vector<64x128xf32> -> vector<128x128xf32>
    %transpose3A_663 = tpu.transpose %concatenate3A_662, [1, 0] : vector<128x128xf32> -> vector<128x128xf32>
    %swap3A_664 = arith.constant 7680 : index
    %swap3A_665 = arith.constant 0 : index
    %swap3A_666 = vector.load %arg2[%swap3A_664, %swap3A_665] : memref<16384x128xf32, #tpu.memory_space<vmem>>, vector<128x128xf32>
    tpu.vector_store %arg2[%swap3A_664, %swap3A_665], %transpose3A_663 {strides = array<i32>} : memref<16384x128xf32, #tpu.memory_space<vmem>>, vector<128x128xf32>,
    %get3A_667 = arith.constant 0 : index
    %get3A_668 = arith.constant 15616 : index
    %get3A_669 = vector.load %arg1[%get3A_667, %get3A_668] : memref<64x32768xf32, #tpu.memory_space<vmem>>, vector<64x128xf32>
    %get3A_670 = arith.constant 0 : index
    %get3A_671 = arith.constant 15744 : index
    %get3A_672 = vector.load %arg1[%get3A_670, %get3A_671] : memref<64x32768xf32, #tpu.memory_space<vmem>>, vector<64x128xf32>
    %concatenate3A_673 = tpu.concatenate %get3A_669, %get3A_672 in 0 : vector<64x128xf32>, vector<64x128xf32> -> vector<128x128xf32>
    %transpose3A_674 = tpu.transpose %concatenate3A_673, [1, 0] : vector<128x128xf32> -> vector<128x128xf32>
    %swap3A_675 = arith.constant 7808 : index
    %swap3A_676 = arith.constant 0 : index
    %swap3A_677 = vector.load %arg2[%swap3A_675, %swap3A_676] : memref<16384x128xf32, #tpu.memory_space<vmem>>, vector<128x128xf32>
    tpu.vector_store %arg2[%swap3A_675, %swap3A_676], %transpose3A_674 {strides = array<i32>} : memref<16384x128xf32, #tpu.memory_space<vmem>>, vector<128x128xf32>,
    %get3A_678 = arith.constant 0 : index
    %get3A_679 = arith.constant 15872 : index
    %get3A_680 = vector.load %arg1[%get3A_678, %get3A_679] : memref<64x32768xf32, #tpu.memory_space<vmem>>, vector<64x128xf32>
    %get3A_681 = arith.constant 0 : index
    %get3A_682 = arith.constant 16000 : index
    %get3A_683 = vector.load %arg1[%get3A_681, %get3A_682] : memref<64x32768xf32, #tpu.memory_space<vmem>>, vector<64x128xf32>
    %concatenate3A_684 = tpu.concatenate %get3A_680, %get3A_683 in 0 : vector<64x128xf32>, vector<64x128xf32> -> vector<128x128xf32>
    %transpose3A_685 = tpu.transpose %concatenate3A_684, [1, 0] : vector<128x128xf32> -> vector<128x128xf32>
    %swap3A_686 = arith.constant 7936 : index
    %swap3A_687 = arith.constant 0 : index
    %swap3A_688 = vector.load %arg2[%swap3A_686, %swap3A_687] : memref<16384x128xf32, #tpu.memory_space<vmem>>, vector<128x128xf32>
    tpu.vector_store %arg2[%swap3A_686, %swap3A_687], %transpose3A_685 {strides = array<i32>} : memref<16384x128xf32, #tpu.memory_space<vmem>>, vector<128x128xf32>,
    %get3A_689 = arith.constant 0 : index
    %get3A_690 = arith.constant 16128 : index
    %get3A_691 = vector.load %arg1[%get3A_689, %get3A_690] : memref<64x32768xf32, #tpu.memory_space<vmem>>, vector<64x128xf32>
    %get3A_692 = arith.constant 0 : index
    %get3A_693 = arith.constant 16256 : index
    %get3A_694 = vector.load %arg1[%get3A_692, %get3A_693] : memref<64x32768xf32, #tpu.memory_space<vmem>>, vector<64x128xf32>
    %concatenate3A_695 = tpu.concatenate %get3A_691, %get3A_694 in 0 : vector<64x128xf32>, vector<64x128xf32> -> vector<128x128xf32>
    %transpose3A_696 = tpu.transpose %concatenate3A_695, [1, 0] : vector<128x128xf32> -> vector<128x128xf32>
    %swap3A_697 = arith.constant 8064 : index
    %swap3A_698 = arith.constant 0 : index
    %swap3A_699 = vector.load %arg2[%swap3A_697, %swap3A_698] : memref<16384x128xf32, #tpu.memory_space<vmem>>, vector<128x128xf32>
    tpu.vector_store %arg2[%swap3A_697, %swap3A_698], %transpose3A_696 {strides = array<i32>} : memref<16384x128xf32, #tpu.memory_space<vmem>>, vector<128x128xf32>,
    %get3A_700 = arith.constant 0 : index
    %get3A_701 = arith.constant 16384 : index
    %get3A_702 = vector.load %arg1[%get3A_700, %get3A_701] : memref<64x32768xf32, #tpu.memory_space<vmem>>, vector<64x128xf32>
    %get3A_703 = arith.constant 0 : index
    %get3A_704 = arith.constant 16512 : index
    %get3A_705 = vector.load %arg1[%get3A_703, %get3A_704] : memref<64x32768xf32, #tpu.memory_space<vmem>>, vector<64x128xf32>
    %concatenate3A_706 = tpu.concatenate %get3A_702, %get3A_705 in 0 : vector<64x128xf32>, vector<64x128xf32> -> vector<128x128xf32>
    %transpose3A_707 = tpu.transpose %concatenate3A_706, [1, 0] : vector<128x128xf32> -> vector<128x128xf32>
    %swap3A_708 = arith.constant 8192 : index
    %swap3A_709 = arith.constant 0 : index
    %swap3A_710 = vector.load %arg2[%swap3A_708, %swap3A_709] : memref<16384x128xf32, #tpu.memory_space<vmem>>, vector<128x128xf32>
    tpu.vector_store %arg2[%swap3A_708, %swap3A_709], %transpose3A_707 {strides = array<i32>} : memref<16384x128xf32, #tpu.memory_space<vmem>>, vector<128x128xf32>,
    %get3A_711 = arith.constant 0 : index
    %get3A_712 = arith.constant 16640 : index
    %get3A_713 = vector.load %arg1[%get3A_711, %get3A_712] : memref<64x32768xf32, #tpu.memory_space<vmem>>, vector<64x128xf32>
    %get3A_714 = arith.constant 0 : index
    %get3A_715 = arith.constant 16768 : index
    %get3A_716 = vector.load %arg1[%get3A_714, %get3A_715] : memref<64x32768xf32, #tpu.memory_space<vmem>>, vector<64x128xf32>
    %concatenate3A_717 = tpu.concatenate %get3A_713, %get3A_716 in 0 : vector<64x128xf32>, vector<64x128xf32> -> vector<128x128xf32>
    %transpose3A_718 = tpu.transpose %concatenate3A_717, [1, 0] : vector<128x128xf32> -> vector<128x128xf32>
    %swap3A_719 = arith.constant 8320 : index
    %swap3A_720 = arith.constant 0 : index
    %swap3A_721 = vector.load %arg2[%swap3A_719, %swap3A_720] : memref<16384x128xf32, #tpu.memory_space<vmem>>, vector<128x128xf32>
    tpu.vector_store %arg2[%swap3A_719, %swap3A_720], %transpose3A_718 {strides = array<i32>} : memref<16384x128xf32, #tpu.memory_space<vmem>>, vector<128x128xf32>,
    %get3A_722 = arith.constant 0 : index
    %get3A_723 = arith.constant 16896 : index
    %get3A_724 = vector.load %arg1[%get3A_722, %get3A_723] : memref<64x32768xf32, #tpu.memory_space<vmem>>, vector<64x128xf32>
    %get3A_725 = arith.constant 0 : index
    %get3A_726 = arith.constant 17024 : index
    %get3A_727 = vector.load %arg1[%get3A_725, %get3A_726] : memref<64x32768xf32, #tpu.memory_space<vmem>>, vector<64x128xf32>
    %concatenate3A_728 = tpu.concatenate %get3A_724, %get3A_727 in 0 : vector<64x128xf32>, vector<64x128xf32> -> vector<128x128xf32>
    %transpose3A_729 = tpu.transpose %concatenate3A_728, [1, 0] : vector<128x128xf32> -> vector<128x128xf32>
    %swap3A_730 = arith.constant 8448 : index
    %swap3A_731 = arith.constant 0 : index
    %swap3A_732 = vector.load %arg2[%swap3A_730, %swap3A_731] : memref<16384x128xf32, #tpu.memory_space<vmem>>, vector<128x128xf32>
    tpu.vector_store %arg2[%swap3A_730, %swap3A_731], %transpose3A_729 {strides = array<i32>} : memref<16384x128xf32, #tpu.memory_space<vmem>>, vector<128x128xf32>,
    %get3A_733 = arith.constant 0 : index
    %get3A_734 = arith.constant 17152 : index
    %get3A_735 = vector.load %arg1[%get3A_733, %get3A_734] : memref<64x32768xf32, #tpu.memory_space<vmem>>, vector<64x128xf32>
    %get3A_736 = arith.constant 0 : index
    %get3A_737 = arith.constant 17280 : index
    %get3A_738 = vector.load %arg1[%get3A_736, %get3A_737] : memref<64x32768xf32, #tpu.memory_space<vmem>>, vector<64x128xf32>
    %concatenate3A_739 = tpu.concatenate %get3A_735, %get3A_738 in 0 : vector<64x128xf32>, vector<64x128xf32> -> vector<128x128xf32>
    %transpose3A_740 = tpu.transpose %concatenate3A_739, [1, 0] : vector<128x128xf32> -> vector<128x128xf32>
    %swap3A_741 = arith.constant 8576 : index
    %swap3A_742 = arith.constant 0 : index
    %swap3A_743 = vector.load %arg2[%swap3A_741, %swap3A_742] : memref<16384x128xf32, #tpu.memory_space<vmem>>, vector<128x128xf32>
    tpu.vector_store %arg2[%swap3A_741, %swap3A_742], %transpose3A_740 {strides = array<i32>} : memref<16384x128xf32, #tpu.memory_space<vmem>>, vector<128x128xf32>,
    %get3A_744 = arith.constant 0 : index
    %get3A_745 = arith.constant 17408 : index
    %get3A_746 = vector.load %arg1[%get3A_744, %get3A_745] : memref<64x32768xf32, #tpu.memory_space<vmem>>, vector<64x128xf32>
    %get3A_747 = arith.constant 0 : index
    %get3A_748 = arith.constant 17536 : index
    %get3A_749 = vector.load %arg1[%get3A_747, %get3A_748] : memref<64x32768xf32, #tpu.memory_space<vmem>>, vector<64x128xf32>
    %concatenate3A_750 = tpu.concatenate %get3A_746, %get3A_749 in 0 : vector<64x128xf32>, vector<64x128xf32> -> vector<128x128xf32>
    %transpose3A_751 = tpu.transpose %concatenate3A_750, [1, 0] : vector<128x128xf32> -> vector<128x128xf32>
    %swap3A_752 = arith.constant 8704 : index
    %swap3A_753 = arith.constant 0 : index
    %swap3A_754 = vector.load %arg2[%swap3A_752, %swap3A_753] : memref<16384x128xf32, #tpu.memory_space<vmem>>, vector<128x128xf32>
    tpu.vector_store %arg2[%swap3A_752, %swap3A_753], %transpose3A_751 {strides = array<i32>} : memref<16384x128xf32, #tpu.memory_space<vmem>>, vector<128x128xf32>,
    %get3A_755 = arith.constant 0 : index
    %get3A_756 = arith.constant 17664 : index
    %get3A_757 = vector.load %arg1[%get3A_755, %get3A_756] : memref<64x32768xf32, #tpu.memory_space<vmem>>, vector<64x128xf32>
    %get3A_758 = arith.constant 0 : index
    %get3A_759 = arith.constant 17792 : index
    %get3A_760 = vector.load %arg1[%get3A_758, %get3A_759] : memref<64x32768xf32, #tpu.memory_space<vmem>>, vector<64x128xf32>
    %concatenate3A_761 = tpu.concatenate %get3A_757, %get3A_760 in 0 : vector<64x128xf32>, vector<64x128xf32> -> vector<128x128xf32>
    %transpose3A_762 = tpu.transpose %concatenate3A_761, [1, 0] : vector<128x128xf32> -> vector<128x128xf32>
    %swap3A_763 = arith.constant 8832 : index
    %swap3A_764 = arith.constant 0 : index
    %swap3A_765 = vector.load %arg2[%swap3A_763, %swap3A_764] : memref<16384x128xf32, #tpu.memory_space<vmem>>, vector<128x128xf32>
    tpu.vector_store %arg2[%swap3A_763, %swap3A_764], %transpose3A_762 {strides = array<i32>} : memref<16384x128xf32, #tpu.memory_space<vmem>>, vector<128x128xf32>,
    %get3A_766 = arith.constant 0 : index
    %get3A_767 = arith.constant 17920 : index
    %get3A_768 = vector.load %arg1[%get3A_766, %get3A_767] : memref<64x32768xf32, #tpu.memory_space<vmem>>, vector<64x128xf32>
    %get3A_769 = arith.constant 0 : index
    %get3A_770 = arith.constant 18048 : index
    %get3A_771 = vector.load %arg1[%get3A_769, %get3A_770] : memref<64x32768xf32, #tpu.memory_space<vmem>>, vector<64x128xf32>
    %concatenate3A_772 = tpu.concatenate %get3A_768, %get3A_771 in 0 : vector<64x128xf32>, vector<64x128xf32> -> vector<128x128xf32>
    %transpose3A_773 = tpu.transpose %concatenate3A_772, [1, 0] : vector<128x128xf32> -> vector<128x128xf32>
    %swap3A_774 = arith.constant 8960 : index
    %swap3A_775 = arith.constant 0 : index
    %swap3A_776 = vector.load %arg2[%swap3A_774, %swap3A_775] : memref<16384x128xf32, #tpu.memory_space<vmem>>, vector<128x128xf32>
    tpu.vector_store %arg2[%swap3A_774, %swap3A_775], %transpose3A_773 {strides = array<i32>} : memref<16384x128xf32, #tpu.memory_space<vmem>>, vector<128x128xf32>,
    %get3A_777 = arith.constant 0 : index
    %get3A_778 = arith.constant 18176 : index
    %get3A_779 = vector.load %arg1[%get3A_777, %get3A_778] : memref<64x32768xf32, #tpu.memory_space<vmem>>, vector<64x128xf32>
    %get3A_780 = arith.constant 0 : index
    %get3A_781 = arith.constant 18304 : index
    %get3A_782 = vector.load %arg1[%get3A_780, %get3A_781] : memref<64x32768xf32, #tpu.memory_space<vmem>>, vector<64x128xf32>
    %concatenate3A_783 = tpu.concatenate %get3A_779, %get3A_782 in 0 : vector<64x128xf32>, vector<64x128xf32> -> vector<128x128xf32>
    %transpose3A_784 = tpu.transpose %concatenate3A_783, [1, 0] : vector<128x128xf32> -> vector<128x128xf32>
    %swap3A_785 = arith.constant 9088 : index
    %swap3A_786 = arith.constant 0 : index
    %swap3A_787 = vector.load %arg2[%swap3A_785, %swap3A_786] : memref<16384x128xf32, #tpu.memory_space<vmem>>, vector<128x128xf32>
    tpu.vector_store %arg2[%swap3A_785, %swap3A_786], %transpose3A_784 {strides = array<i32>} : memref<16384x128xf32, #tpu.memory_space<vmem>>, vector<128x128xf32>,
    %get3A_788 = arith.constant 0 : index
    %get3A_789 = arith.constant 18432 : index
    %get3A_790 = vector.load %arg1[%get3A_788, %get3A_789] : memref<64x32768xf32, #tpu.memory_space<vmem>>, vector<64x128xf32>
    %get3A_791 = arith.constant 0 : index
    %get3A_792 = arith.constant 18560 : index
    %get3A_793 = vector.load %arg1[%get3A_791, %get3A_792] : memref<64x32768xf32, #tpu.memory_space<vmem>>, vector<64x128xf32>
    %concatenate3A_794 = tpu.concatenate %get3A_790, %get3A_793 in 0 : vector<64x128xf32>, vector<64x128xf32> -> vector<128x128xf32>
    %transpose3A_795 = tpu.transpose %concatenate3A_794, [1, 0] : vector<128x128xf32> -> vector<128x128xf32>
    %swap3A_796 = arith.constant 9216 : index
    %swap3A_797 = arith.constant 0 : index
    %swap3A_798 = vector.load %arg2[%swap3A_796, %swap3A_797] : memref<16384x128xf32, #tpu.memory_space<vmem>>, vector<128x128xf32>
    tpu.vector_store %arg2[%swap3A_796, %swap3A_797], %transpose3A_795 {strides = array<i32>} : memref<16384x128xf32, #tpu.memory_space<vmem>>, vector<128x128xf32>,
    %get3A_799 = arith.constant 0 : index
    %get3A_800 = arith.constant 18688 : index
    %get3A_801 = vector.load %arg1[%get3A_799, %get3A_800] : memref<64x32768xf32, #tpu.memory_space<vmem>>, vector<64x128xf32>
    %get3A_802 = arith.constant 0 : index
    %get3A_803 = arith.constant 18816 : index
    %get3A_804 = vector.load %arg1[%get3A_802, %get3A_803] : memref<64x32768xf32, #tpu.memory_space<vmem>>, vector<64x128xf32>
    %concatenate3A_805 = tpu.concatenate %get3A_801, %get3A_804 in 0 : vector<64x128xf32>, vector<64x128xf32> -> vector<128x128xf32>
    %transpose3A_806 = tpu.transpose %concatenate3A_805, [1, 0] : vector<128x128xf32> -> vector<128x128xf32>
    %swap3A_807 = arith.constant 9344 : index
    %swap3A_808 = arith.constant 0 : index
    %swap3A_809 = vector.load %arg2[%swap3A_807, %swap3A_808] : memref<16384x128xf32, #tpu.memory_space<vmem>>, vector<128x128xf32>
    tpu.vector_store %arg2[%swap3A_807, %swap3A_808], %transpose3A_806 {strides = array<i32>} : memref<16384x128xf32, #tpu.memory_space<vmem>>, vector<128x128xf32>,
    %get3A_810 = arith.constant 0 : index
    %get3A_811 = arith.constant 18944 : index
    %get3A_812 = vector.load %arg1[%get3A_810, %get3A_811] : memref<64x32768xf32, #tpu.memory_space<vmem>>, vector<64x128xf32>
    %get3A_813 = arith.constant 0 : index
    %get3A_814 = arith.constant 19072 : index
    %get3A_815 = vector.load %arg1[%get3A_813, %get3A_814] : memref<64x32768xf32, #tpu.memory_space<vmem>>, vector<64x128xf32>
    %concatenate3A_816 = tpu.concatenate %get3A_812, %get3A_815 in 0 : vector<64x128xf32>, vector<64x128xf32> -> vector<128x128xf32>
    %transpose3A_817 = tpu.transpose %concatenate3A_816, [1, 0] : vector<128x128xf32> -> vector<128x128xf32>
    %swap3A_818 = arith.constant 9472 : index
    %swap3A_819 = arith.constant 0 : index
    %swap3A_820 = vector.load %arg2[%swap3A_818, %swap3A_819] : memref<16384x128xf32, #tpu.memory_space<vmem>>, vector<128x128xf32>
    tpu.vector_store %arg2[%swap3A_818, %swap3A_819], %transpose3A_817 {strides = array<i32>} : memref<16384x128xf32, #tpu.memory_space<vmem>>, vector<128x128xf32>,
    %get3A_821 = arith.constant 0 : index
    %get3A_822 = arith.constant 19200 : index
    %get3A_823 = vector.load %arg1[%get3A_821, %get3A_822] : memref<64x32768xf32, #tpu.memory_space<vmem>>, vector<64x128xf32>
    %get3A_824 = arith.constant 0 : index
    %get3A_825 = arith.constant 19328 : index
    %get3A_826 = vector.load %arg1[%get3A_824, %get3A_825] : memref<64x32768xf32, #tpu.memory_space<vmem>>, vector<64x128xf32>
    %concatenate3A_827 = tpu.concatenate %get3A_823, %get3A_826 in 0 : vector<64x128xf32>, vector<64x128xf32> -> vector<128x128xf32>
    %transpose3A_828 = tpu.transpose %concatenate3A_827, [1, 0] : vector<128x128xf32> -> vector<128x128xf32>
    %swap3A_829 = arith.constant 9600 : index
    %swap3A_830 = arith.constant 0 : index
    %swap3A_831 = vector.load %arg2[%swap3A_829, %swap3A_830] : memref<16384x128xf32, #tpu.memory_space<vmem>>, vector<128x128xf32>
    tpu.vector_store %arg2[%swap3A_829, %swap3A_830], %transpose3A_828 {strides = array<i32>} : memref<16384x128xf32, #tpu.memory_space<vmem>>, vector<128x128xf32>,
    %get3A_832 = arith.constant 0 : index
    %get3A_833 = arith.constant 19456 : index
    %get3A_834 = vector.load %arg1[%get3A_832, %get3A_833] : memref<64x32768xf32, #tpu.memory_space<vmem>>, vector<64x128xf32>
    %get3A_835 = arith.constant 0 : index
    %get3A_836 = arith.constant 19584 : index
    %get3A_837 = vector.load %arg1[%get3A_835, %get3A_836] : memref<64x32768xf32, #tpu.memory_space<vmem>>, vector<64x128xf32>
    %concatenate3A_838 = tpu.concatenate %get3A_834, %get3A_837 in 0 : vector<64x128xf32>, vector<64x128xf32> -> vector<128x128xf32>
    %transpose3A_839 = tpu.transpose %concatenate3A_838, [1, 0] : vector<128x128xf32> -> vector<128x128xf32>
    %swap3A_840 = arith.constant 9728 : index
    %swap3A_841 = arith.constant 0 : index
    %swap3A_842 = vector.load %arg2[%swap3A_840, %swap3A_841] : memref<16384x128xf32, #tpu.memory_space<vmem>>, vector<128x128xf32>
    tpu.vector_store %arg2[%swap3A_840, %swap3A_841], %transpose3A_839 {strides = array<i32>} : memref<16384x128xf32, #tpu.memory_space<vmem>>, vector<128x128xf32>,
    %get3A_843 = arith.constant 0 : index
    %get3A_844 = arith.constant 19712 : index
    %get3A_845 = vector.load %arg1[%get3A_843, %get3A_844] : memref<64x32768xf32, #tpu.memory_space<vmem>>, vector<64x128xf32>
    %get3A_846 = arith.constant 0 : index
    %get3A_847 = arith.constant 19840 : index
    %get3A_848 = vector.load %arg1[%get3A_846, %get3A_847] : memref<64x32768xf32, #tpu.memory_space<vmem>>, vector<64x128xf32>
    %concatenate3A_849 = tpu.concatenate %get3A_845, %get3A_848 in 0 : vector<64x128xf32>, vector<64x128xf32> -> vector<128x128xf32>
    %transpose3A_850 = tpu.transpose %concatenate3A_849, [1, 0] : vector<128x128xf32> -> vector<128x128xf32>
    %swap3A_851 = arith.constant 9856 : index
    %swap3A_852 = arith.constant 0 : index
    %swap3A_853 = vector.load %arg2[%swap3A_851, %swap3A_852] : memref<16384x128xf32, #tpu.memory_space<vmem>>, vector<128x128xf32>
    tpu.vector_store %arg2[%swap3A_851, %swap3A_852], %transpose3A_850 {strides = array<i32>} : memref<16384x128xf32, #tpu.memory_space<vmem>>, vector<128x128xf32>,
    %get3A_854 = arith.constant 0 : index
    %get3A_855 = arith.constant 19968 : index
    %get3A_856 = vector.load %arg1[%get3A_854, %get3A_855] : memref<64x32768xf32, #tpu.memory_space<vmem>>, vector<64x128xf32>
    %get3A_857 = arith.constant 0 : index
    %get3A_858 = arith.constant 20096 : index
    %get3A_859 = vector.load %arg1[%get3A_857, %get3A_858] : memref<64x32768xf32, #tpu.memory_space<vmem>>, vector<64x128xf32>
    %concatenate3A_860 = tpu.concatenate %get3A_856, %get3A_859 in 0 : vector<64x128xf32>, vector<64x128xf32> -> vector<128x128xf32>
    %transpose3A_861 = tpu.transpose %concatenate3A_860, [1, 0] : vector<128x128xf32> -> vector<128x128xf32>
    %swap3A_862 = arith.constant 9984 : index
    %swap3A_863 = arith.constant 0 : index
    %swap3A_864 = vector.load %arg2[%swap3A_862, %swap3A_863] : memref<16384x128xf32, #tpu.memory_space<vmem>>, vector<128x128xf32>
    tpu.vector_store %arg2[%swap3A_862, %swap3A_863], %transpose3A_861 {strides = array<i32>} : memref<16384x128xf32, #tpu.memory_space<vmem>>, vector<128x128xf32>,
    %get3A_865 = arith.constant 0 : index
    %get3A_866 = arith.constant 20224 : index
    %get3A_867 = vector.load %arg1[%get3A_865, %get3A_866] : memref<64x32768xf32, #tpu.memory_space<vmem>>, vector<64x128xf32>
    %get3A_868 = arith.constant 0 : index
    %get3A_869 = arith.constant 20352 : index
    %get3A_870 = vector.load %arg1[%get3A_868, %get3A_869] : memref<64x32768xf32, #tpu.memory_space<vmem>>, vector<64x128xf32>
    %concatenate3A_871 = tpu.concatenate %get3A_867, %get3A_870 in 0 : vector<64x128xf32>, vector<64x128xf32> -> vector<128x128xf32>
    %transpose3A_872 = tpu.transpose %concatenate3A_871, [1, 0] : vector<128x128xf32> -> vector<128x128xf32>
    %swap3A_873 = arith.constant 10112 : index
    %swap3A_874 = arith.constant 0 : index
    %swap3A_875 = vector.load %arg2[%swap3A_873, %swap3A_874] : memref<16384x128xf32, #tpu.memory_space<vmem>>, vector<128x128xf32>
    tpu.vector_store %arg2[%swap3A_873, %swap3A_874], %transpose3A_872 {strides = array<i32>} : memref<16384x128xf32, #tpu.memory_space<vmem>>, vector<128x128xf32>,
    %get3A_876 = arith.constant 0 : index
    %get3A_877 = arith.constant 20480 : index
    %get3A_878 = vector.load %arg1[%get3A_876, %get3A_877] : memref<64x32768xf32, #tpu.memory_space<vmem>>, vector<64x128xf32>
    %get3A_879 = arith.constant 0 : index
    %get3A_880 = arith.constant 20608 : index
    %get3A_881 = vector.load %arg1[%get3A_879, %get3A_880] : memref<64x32768xf32, #tpu.memory_space<vmem>>, vector<64x128xf32>
    %concatenate3A_882 = tpu.concatenate %get3A_878, %get3A_881 in 0 : vector<64x128xf32>, vector<64x128xf32> -> vector<128x128xf32>
    %transpose3A_883 = tpu.transpose %concatenate3A_882, [1, 0] : vector<128x128xf32> -> vector<128x128xf32>
    %swap3A_884 = arith.constant 10240 : index
    %swap3A_885 = arith.constant 0 : index
    %swap3A_886 = vector.load %arg2[%swap3A_884, %swap3A_885] : memref<16384x128xf32, #tpu.memory_space<vmem>>, vector<128x128xf32>
    tpu.vector_store %arg2[%swap3A_884, %swap3A_885], %transpose3A_883 {strides = array<i32>} : memref<16384x128xf32, #tpu.memory_space<vmem>>, vector<128x128xf32>,
    %get3A_887 = arith.constant 0 : index
    %get3A_888 = arith.constant 20736 : index
    %get3A_889 = vector.load %arg1[%get3A_887, %get3A_888] : memref<64x32768xf32, #tpu.memory_space<vmem>>, vector<64x128xf32>
    %get3A_890 = arith.constant 0 : index
    %get3A_891 = arith.constant 20864 : index
    %get3A_892 = vector.load %arg1[%get3A_890, %get3A_891] : memref<64x32768xf32, #tpu.memory_space<vmem>>, vector<64x128xf32>
    %concatenate3A_893 = tpu.concatenate %get3A_889, %get3A_892 in 0 : vector<64x128xf32>, vector<64x128xf32> -> vector<128x128xf32>
    %transpose3A_894 = tpu.transpose %concatenate3A_893, [1, 0] : vector<128x128xf32> -> vector<128x128xf32>
    %swap3A_895 = arith.constant 10368 : index
    %swap3A_896 = arith.constant 0 : index
    %swap3A_897 = vector.load %arg2[%swap3A_895, %swap3A_896] : memref<16384x128xf32, #tpu.memory_space<vmem>>, vector<128x128xf32>
    tpu.vector_store %arg2[%swap3A_895, %swap3A_896], %transpose3A_894 {strides = array<i32>} : memref<16384x128xf32, #tpu.memory_space<vmem>>, vector<128x128xf32>,
    %get3A_898 = arith.constant 0 : index
    %get3A_899 = arith.constant 20992 : index
    %get3A_900 = vector.load %arg1[%get3A_898, %get3A_899] : memref<64x32768xf32, #tpu.memory_space<vmem>>, vector<64x128xf32>
    %get3A_901 = arith.constant 0 : index
    %get3A_902 = arith.constant 21120 : index
    %get3A_903 = vector.load %arg1[%get3A_901, %get3A_902] : memref<64x32768xf32, #tpu.memory_space<vmem>>, vector<64x128xf32>
    %concatenate3A_904 = tpu.concatenate %get3A_900, %get3A_903 in 0 : vector<64x128xf32>, vector<64x128xf32> -> vector<128x128xf32>
    %transpose3A_905 = tpu.transpose %concatenate3A_904, [1, 0] : vector<128x128xf32> -> vector<128x128xf32>
    %swap3A_906 = arith.constant 10496 : index
    %swap3A_907 = arith.constant 0 : index
    %swap3A_908 = vector.load %arg2[%swap3A_906, %swap3A_907] : memref<16384x128xf32, #tpu.memory_space<vmem>>, vector<128x128xf32>
    tpu.vector_store %arg2[%swap3A_906, %swap3A_907], %transpose3A_905 {strides = array<i32>} : memref<16384x128xf32, #tpu.memory_space<vmem>>, vector<128x128xf32>,
    %get3A_909 = arith.constant 0 : index
    %get3A_910 = arith.constant 21248 : index
    %get3A_911 = vector.load %arg1[%get3A_909, %get3A_910] : memref<64x32768xf32, #tpu.memory_space<vmem>>, vector<64x128xf32>
    %get3A_912 = arith.constant 0 : index
    %get3A_913 = arith.constant 21376 : index
    %get3A_914 = vector.load %arg1[%get3A_912, %get3A_913] : memref<64x32768xf32, #tpu.memory_space<vmem>>, vector<64x128xf32>
    %concatenate3A_915 = tpu.concatenate %get3A_911, %get3A_914 in 0 : vector<64x128xf32>, vector<64x128xf32> -> vector<128x128xf32>
    %transpose3A_916 = tpu.transpose %concatenate3A_915, [1, 0] : vector<128x128xf32> -> vector<128x128xf32>
    %swap3A_917 = arith.constant 10624 : index
    %swap3A_918 = arith.constant 0 : index
    %swap3A_919 = vector.load %arg2[%swap3A_917, %swap3A_918] : memref<16384x128xf32, #tpu.memory_space<vmem>>, vector<128x128xf32>
    tpu.vector_store %arg2[%swap3A_917, %swap3A_918], %transpose3A_916 {strides = array<i32>} : memref<16384x128xf32, #tpu.memory_space<vmem>>, vector<128x128xf32>,
    %get3A_920 = arith.constant 0 : index
    %get3A_921 = arith.constant 21504 : index
    %get3A_922 = vector.load %arg1[%get3A_920, %get3A_921] : memref<64x32768xf32, #tpu.memory_space<vmem>>, vector<64x128xf32>
    %get3A_923 = arith.constant 0 : index
    %get3A_924 = arith.constant 21632 : index
    %get3A_925 = vector.load %arg1[%get3A_923, %get3A_924] : memref<64x32768xf32, #tpu.memory_space<vmem>>, vector<64x128xf32>
    %concatenate3A_926 = tpu.concatenate %get3A_922, %get3A_925 in 0 : vector<64x128xf32>, vector<64x128xf32> -> vector<128x128xf32>
    %transpose3A_927 = tpu.transpose %concatenate3A_926, [1, 0] : vector<128x128xf32> -> vector<128x128xf32>
    %swap3A_928 = arith.constant 10752 : index
    %swap3A_929 = arith.constant 0 : index
    %swap3A_930 = vector.load %arg2[%swap3A_928, %swap3A_929] : memref<16384x128xf32, #tpu.memory_space<vmem>>, vector<128x128xf32>
    tpu.vector_store %arg2[%swap3A_928, %swap3A_929], %transpose3A_927 {strides = array<i32>} : memref<16384x128xf32, #tpu.memory_space<vmem>>, vector<128x128xf32>,
    %get3A_931 = arith.constant 0 : index
    %get3A_932 = arith.constant 21760 : index
    %get3A_933 = vector.load %arg1[%get3A_931, %get3A_932] : memref<64x32768xf32, #tpu.memory_space<vmem>>, vector<64x128xf32>
    %get3A_934 = arith.constant 0 : index
    %get3A_935 = arith.constant 21888 : index
    %get3A_936 = vector.load %arg1[%get3A_934, %get3A_935] : memref<64x32768xf32, #tpu.memory_space<vmem>>, vector<64x128xf32>
    %concatenate3A_937 = tpu.concatenate %get3A_933, %get3A_936 in 0 : vector<64x128xf32>, vector<64x128xf32> -> vector<128x128xf32>
    %transpose3A_938 = tpu.transpose %concatenate3A_937, [1, 0] : vector<128x128xf32> -> vector<128x128xf32>
    %swap3A_939 = arith.constant 10880 : index
    %swap3A_940 = arith.constant 0 : index
    %swap3A_941 = vector.load %arg2[%swap3A_939, %swap3A_940] : memref<16384x128xf32, #tpu.memory_space<vmem>>, vector<128x128xf32>
    tpu.vector_store %arg2[%swap3A_939, %swap3A_940], %transpose3A_938 {strides = array<i32>} : memref<16384x128xf32, #tpu.memory_space<vmem>>, vector<128x128xf32>,
    %get3A_942 = arith.constant 0 : index
    %get3A_943 = arith.constant 22016 : index
    %get3A_944 = vector.load %arg1[%get3A_942, %get3A_943] : memref<64x32768xf32, #tpu.memory_space<vmem>>, vector<64x128xf32>
    %get3A_945 = arith.constant 0 : index
    %get3A_946 = arith.constant 22144 : index
    %get3A_947 = vector.load %arg1[%get3A_945, %get3A_946] : memref<64x32768xf32, #tpu.memory_space<vmem>>, vector<64x128xf32>
    %concatenate3A_948 = tpu.concatenate %get3A_944, %get3A_947 in 0 : vector<64x128xf32>, vector<64x128xf32> -> vector<128x128xf32>
    %transpose3A_949 = tpu.transpose %concatenate3A_948, [1, 0] : vector<128x128xf32> -> vector<128x128xf32>
    %swap3A_950 = arith.constant 11008 : index
    %swap3A_951 = arith.constant 0 : index
    %swap3A_952 = vector.load %arg2[%swap3A_950, %swap3A_951] : memref<16384x128xf32, #tpu.memory_space<vmem>>, vector<128x128xf32>
    tpu.vector_store %arg2[%swap3A_950, %swap3A_951], %transpose3A_949 {strides = array<i32>} : memref<16384x128xf32, #tpu.memory_space<vmem>>, vector<128x128xf32>,
    %get3A_953 = arith.constant 0 : index
    %get3A_954 = arith.constant 22272 : index
    %get3A_955 = vector.load %arg1[%get3A_953, %get3A_954] : memref<64x32768xf32, #tpu.memory_space<vmem>>, vector<64x128xf32>
    %get3A_956 = arith.constant 0 : index
    %get3A_957 = arith.constant 22400 : index
    %get3A_958 = vector.load %arg1[%get3A_956, %get3A_957] : memref<64x32768xf32, #tpu.memory_space<vmem>>, vector<64x128xf32>
    %concatenate3A_959 = tpu.concatenate %get3A_955, %get3A_958 in 0 : vector<64x128xf32>, vector<64x128xf32> -> vector<128x128xf32>
    %transpose3A_960 = tpu.transpose %concatenate3A_959, [1, 0] : vector<128x128xf32> -> vector<128x128xf32>
    %swap3A_961 = arith.constant 11136 : index
    %swap3A_962 = arith.constant 0 : index
    %swap3A_963 = vector.load %arg2[%swap3A_961, %swap3A_962] : memref<16384x128xf32, #tpu.memory_space<vmem>>, vector<128x128xf32>
    tpu.vector_store %arg2[%swap3A_961, %swap3A_962], %transpose3A_960 {strides = array<i32>} : memref<16384x128xf32, #tpu.memory_space<vmem>>, vector<128x128xf32>,
    %get3A_964 = arith.constant 0 : index
    %get3A_965 = arith.constant 22528 : index
    %get3A_966 = vector.load %arg1[%get3A_964, %get3A_965] : memref<64x32768xf32, #tpu.memory_space<vmem>>, vector<64x128xf32>
    %get3A_967 = arith.constant 0 : index
    %get3A_968 = arith.constant 22656 : index
    %get3A_969 = vector.load %arg1[%get3A_967, %get3A_968] : memref<64x32768xf32, #tpu.memory_space<vmem>>, vector<64x128xf32>
    %concatenate3A_970 = tpu.concatenate %get3A_966, %get3A_969 in 0 : vector<64x128xf32>, vector<64x128xf32> -> vector<128x128xf32>
    %transpose3A_971 = tpu.transpose %concatenate3A_970, [1, 0] : vector<128x128xf32> -> vector<128x128xf32>
    %swap3A_972 = arith.constant 11264 : index
    %swap3A_973 = arith.constant 0 : index
    %swap3A_974 = vector.load %arg2[%swap3A_972, %swap3A_973] : memref<16384x128xf32, #tpu.memory_space<vmem>>, vector<128x128xf32>
    tpu.vector_store %arg2[%swap3A_972, %swap3A_973], %transpose3A_971 {strides = array<i32>} : memref<16384x128xf32, #tpu.memory_space<vmem>>, vector<128x128xf32>,
    %get3A_975 = arith.constant 0 : index
    %get3A_976 = arith.constant 22784 : index
    %get3A_977 = vector.load %arg1[%get3A_975, %get3A_976] : memref<64x32768xf32, #tpu.memory_space<vmem>>, vector<64x128xf32>
    %get3A_978 = arith.constant 0 : index
    %get3A_979 = arith.constant 22912 : index
    %get3A_980 = vector.load %arg1[%get3A_978, %get3A_979] : memref<64x32768xf32, #tpu.memory_space<vmem>>, vector<64x128xf32>
    %concatenate3A_981 = tpu.concatenate %get3A_977, %get3A_980 in 0 : vector<64x128xf32>, vector<64x128xf32> -> vector<128x128xf32>
    %transpose3A_982 = tpu.transpose %concatenate3A_981, [1, 0] : vector<128x128xf32> -> vector<128x128xf32>
    %swap3A_983 = arith.constant 11392 : index
    %swap3A_984 = arith.constant 0 : index
    %swap3A_985 = vector.load %arg2[%swap3A_983, %swap3A_984] : memref<16384x128xf32, #tpu.memory_space<vmem>>, vector<128x128xf32>
    tpu.vector_store %arg2[%swap3A_983, %swap3A_984], %transpose3A_982 {strides = array<i32>} : memref<16384x128xf32, #tpu.memory_space<vmem>>, vector<128x128xf32>,
    %get3A_986 = arith.constant 0 : index
    %get3A_987 = arith.constant 23040 : index
    %get3A_988 = vector.load %arg1[%get3A_986, %get3A_987] : memref<64x32768xf32, #tpu.memory_space<vmem>>, vector<64x128xf32>
    %get3A_989 = arith.constant 0 : index
    %get3A_990 = arith.constant 23168 : index
    %get3A_991 = vector.load %arg1[%get3A_989, %get3A_990] : memref<64x32768xf32, #tpu.memory_space<vmem>>, vector<64x128xf32>
    %concatenate3A_992 = tpu.concatenate %get3A_988, %get3A_991 in 0 : vector<64x128xf32>, vector<64x128xf32> -> vector<128x128xf32>
    %transpose3A_993 = tpu.transpose %concatenate3A_992, [1, 0] : vector<128x128xf32> -> vector<128x128xf32>
    %swap3A_994 = arith.constant 11520 : index
    %swap3A_995 = arith.constant 0 : index
    %swap3A_996 = vector.load %arg2[%swap3A_994, %swap3A_995] : memref<16384x128xf32, #tpu.memory_space<vmem>>, vector<128x128xf32>
    tpu.vector_store %arg2[%swap3A_994, %swap3A_995], %transpose3A_993 {strides = array<i32>} : memref<16384x128xf32, #tpu.memory_space<vmem>>, vector<128x128xf32>,
    %get3A_997 = arith.constant 0 : index
    %get3A_998 = arith.constant 23296 : index
    %get3A_999 = vector.load %arg1[%get3A_997, %get3A_998] : memref<64x32768xf32, #tpu.memory_space<vmem>>, vector<64x128xf32>
    %get3A_1000 = arith.constant 0 : index
    %get3A_1001 = arith.constant 23424 : index
    %get3A_1002 = vector.load %arg1[%get3A_1000, %get3A_1001] : memref<64x32768xf32, #tpu.memory_space<vmem>>, vector<64x128xf32>
    %concatenate3A_1003 = tpu.concatenate %get3A_999, %get3A_1002 in 0 : vector<64x128xf32>, vector<64x128xf32> -> vector<128x128xf32>
    %transpose3A_1004 = tpu.transpose %concatenate3A_1003, [1, 0] : vector<128x128xf32> -> vector<128x128xf32>
    %swap3A_1005 = arith.constant 11648 : index
    %swap3A_1006 = arith.constant 0 : index
    %swap3A_1007 = vector.load %arg2[%swap3A_1005, %swap3A_1006] : memref<16384x128xf32, #tpu.memory_space<vmem>>, vector<128x128xf32>
    tpu.vector_store %arg2[%swap3A_1005, %swap3A_1006], %transpose3A_1004 {strides = array<i32>} : memref<16384x128xf32, #tpu.memory_space<vmem>>, vector<128x128xf32>,
    %get3A_1008 = arith.constant 0 : index
    %get3A_1009 = arith.constant 23552 : index
    %get3A_1010 = vector.load %arg1[%get3A_1008, %get3A_1009] : memref<64x32768xf32, #tpu.memory_space<vmem>>, vector<64x128xf32>
    %get3A_1011 = arith.constant 0 : index
    %get3A_1012 = arith.constant 23680 : index
    %get3A_1013 = vector.load %arg1[%get3A_1011, %get3A_1012] : memref<64x32768xf32, #tpu.memory_space<vmem>>, vector<64x128xf32>
    %concatenate3A_1014 = tpu.concatenate %get3A_1010, %get3A_1013 in 0 : vector<64x128xf32>, vector<64x128xf32> -> vector<128x128xf32>
    %transpose3A_1015 = tpu.transpose %concatenate3A_1014, [1, 0] : vector<128x128xf32> -> vector<128x128xf32>
    %swap3A_1016 = arith.constant 11776 : index
    %swap3A_1017 = arith.constant 0 : index
    %swap3A_1018 = vector.load %arg2[%swap3A_1016, %swap3A_1017] : memref<16384x128xf32, #tpu.memory_space<vmem>>, vector<128x128xf32>
    tpu.vector_store %arg2[%swap3A_1016, %swap3A_1017], %transpose3A_1015 {strides = array<i32>} : memref<16384x128xf32, #tpu.memory_space<vmem>>, vector<128x128xf32>,
    %get3A_1019 = arith.constant 0 : index
    %get3A_1020 = arith.constant 23808 : index
    %get3A_1021 = vector.load %arg1[%get3A_1019, %get3A_1020] : memref<64x32768xf32, #tpu.memory_space<vmem>>, vector<64x128xf32>
    %get3A_1022 = arith.constant 0 : index
    %get3A_1023 = arith.constant 23936 : index
    %get3A_1024 = vector.load %arg1[%get3A_1022, %get3A_1023] : memref<64x32768xf32, #tpu.memory_space<vmem>>, vector<64x128xf32>
    %concatenate3A_1025 = tpu.concatenate %get3A_1021, %get3A_1024 in 0 : vector<64x128xf32>, vector<64x128xf32> -> vector<128x128xf32>
    %transpose3A_1026 = tpu.transpose %concatenate3A_1025, [1, 0] : vector<128x128xf32> -> vector<128x128xf32>
    %swap3A_1027 = arith.constant 11904 : index
    %swap3A_1028 = arith.constant 0 : index
    %swap3A_1029 = vector.load %arg2[%swap3A_1027, %swap3A_1028] : memref<16384x128xf32, #tpu.memory_space<vmem>>, vector<128x128xf32>
    tpu.vector_store %arg2[%swap3A_1027, %swap3A_1028], %transpose3A_1026 {strides = array<i32>} : memref<16384x128xf32, #tpu.memory_space<vmem>>, vector<128x128xf32>,
    %get3A_1030 = arith.constant 0 : index
    %get3A_1031 = arith.constant 24064 : index
    %get3A_1032 = vector.load %arg1[%get3A_1030, %get3A_1031] : memref<64x32768xf32, #tpu.memory_space<vmem>>, vector<64x128xf32>
    %get3A_1033 = arith.constant 0 : index
    %get3A_1034 = arith.constant 24192 : index
    %get3A_1035 = vector.load %arg1[%get3A_1033, %get3A_1034] : memref<64x32768xf32, #tpu.memory_space<vmem>>, vector<64x128xf32>
    %concatenate3A_1036 = tpu.concatenate %get3A_1032, %get3A_1035 in 0 : vector<64x128xf32>, vector<64x128xf32> -> vector<128x128xf32>
    %transpose3A_1037 = tpu.transpose %concatenate3A_1036, [1, 0] : vector<128x128xf32> -> vector<128x128xf32>
    %swap3A_1038 = arith.constant 12032 : index
    %swap3A_1039 = arith.constant 0 : index
    %swap3A_1040 = vector.load %arg2[%swap3A_1038, %swap3A_1039] : memref<16384x128xf32, #tpu.memory_space<vmem>>, vector<128x128xf32>
    tpu.vector_store %arg2[%swap3A_1038, %swap3A_1039], %transpose3A_1037 {strides = array<i32>} : memref<16384x128xf32, #tpu.memory_space<vmem>>, vector<128x128xf32>,
    %get3A_1041 = arith.constant 0 : index
    %get3A_1042 = arith.constant 24320 : index
    %get3A_1043 = vector.load %arg1[%get3A_1041, %get3A_1042] : memref<64x32768xf32, #tpu.memory_space<vmem>>, vector<64x128xf32>
    %get3A_1044 = arith.constant 0 : index
    %get3A_1045 = arith.constant 24448 : index
    %get3A_1046 = vector.load %arg1[%get3A_1044, %get3A_1045] : memref<64x32768xf32, #tpu.memory_space<vmem>>, vector<64x128xf32>
    %concatenate3A_1047 = tpu.concatenate %get3A_1043, %get3A_1046 in 0 : vector<64x128xf32>, vector<64x128xf32> -> vector<128x128xf32>
    %transpose3A_1048 = tpu.transpose %concatenate3A_1047, [1, 0] : vector<128x128xf32> -> vector<128x128xf32>
    %swap3A_1049 = arith.constant 12160 : index
    %swap3A_1050 = arith.constant 0 : index
    %swap3A_1051 = vector.load %arg2[%swap3A_1049, %swap3A_1050] : memref<16384x128xf32, #tpu.memory_space<vmem>>, vector<128x128xf32>
    tpu.vector_store %arg2[%swap3A_1049, %swap3A_1050], %transpose3A_1048 {strides = array<i32>} : memref<16384x128xf32, #tpu.memory_space<vmem>>, vector<128x128xf32>,
    %get3A_1052 = arith.constant 0 : index
    %get3A_1053 = arith.constant 24576 : index
    %get3A_1054 = vector.load %arg1[%get3A_1052, %get3A_1053] : memref<64x32768xf32, #tpu.memory_space<vmem>>, vector<64x128xf32>
    %get3A_1055 = arith.constant 0 : index
    %get3A_1056 = arith.constant 24704 : index
    %get3A_1057 = vector.load %arg1[%get3A_1055, %get3A_1056] : memref<64x32768xf32, #tpu.memory_space<vmem>>, vector<64x128xf32>
    %concatenate3A_1058 = tpu.concatenate %get3A_1054, %get3A_1057 in 0 : vector<64x128xf32>, vector<64x128xf32> -> vector<128x128xf32>
    %transpose3A_1059 = tpu.transpose %concatenate3A_1058, [1, 0] : vector<128x128xf32> -> vector<128x128xf32>
    %swap3A_1060 = arith.constant 12288 : index
    %swap3A_1061 = arith.constant 0 : index
    %swap3A_1062 = vector.load %arg2[%swap3A_1060, %swap3A_1061] : memref<16384x128xf32, #tpu.memory_space<vmem>>, vector<128x128xf32>
    tpu.vector_store %arg2[%swap3A_1060, %swap3A_1061], %transpose3A_1059 {strides = array<i32>} : memref<16384x128xf32, #tpu.memory_space<vmem>>, vector<128x128xf32>,
    %get3A_1063 = arith.constant 0 : index
    %get3A_1064 = arith.constant 24832 : index
    %get3A_1065 = vector.load %arg1[%get3A_1063, %get3A_1064] : memref<64x32768xf32, #tpu.memory_space<vmem>>, vector<64x128xf32>
    %get3A_1066 = arith.constant 0 : index
    %get3A_1067 = arith.constant 24960 : index
    %get3A_1068 = vector.load %arg1[%get3A_1066, %get3A_1067] : memref<64x32768xf32, #tpu.memory_space<vmem>>, vector<64x128xf32>
    %concatenate3A_1069 = tpu.concatenate %get3A_1065, %get3A_1068 in 0 : vector<64x128xf32>, vector<64x128xf32> -> vector<128x128xf32>
    %transpose3A_1070 = tpu.transpose %concatenate3A_1069, [1, 0] : vector<128x128xf32> -> vector<128x128xf32>
    %swap3A_1071 = arith.constant 12416 : index
    %swap3A_1072 = arith.constant 0 : index
    %swap3A_1073 = vector.load %arg2[%swap3A_1071, %swap3A_1072] : memref<16384x128xf32, #tpu.memory_space<vmem>>, vector<128x128xf32>
    tpu.vector_store %arg2[%swap3A_1071, %swap3A_1072], %transpose3A_1070 {strides = array<i32>} : memref<16384x128xf32, #tpu.memory_space<vmem>>, vector<128x128xf32>,
    %get3A_1074 = arith.constant 0 : index
    %get3A_1075 = arith.constant 25088 : index
    %get3A_1076 = vector.load %arg1[%get3A_1074, %get3A_1075] : memref<64x32768xf32, #tpu.memory_space<vmem>>, vector<64x128xf32>
    %get3A_1077 = arith.constant 0 : index
    %get3A_1078 = arith.constant 25216 : index
    %get3A_1079 = vector.load %arg1[%get3A_1077, %get3A_1078] : memref<64x32768xf32, #tpu.memory_space<vmem>>, vector<64x128xf32>
    %concatenate3A_1080 = tpu.concatenate %get3A_1076, %get3A_1079 in 0 : vector<64x128xf32>, vector<64x128xf32> -> vector<128x128xf32>
    %transpose3A_1081 = tpu.transpose %concatenate3A_1080, [1, 0] : vector<128x128xf32> -> vector<128x128xf32>
    %swap3A_1082 = arith.constant 12544 : index
    %swap3A_1083 = arith.constant 0 : index
    %swap3A_1084 = vector.load %arg2[%swap3A_1082, %swap3A_1083] : memref<16384x128xf32, #tpu.memory_space<vmem>>, vector<128x128xf32>
    tpu.vector_store %arg2[%swap3A_1082, %swap3A_1083], %transpose3A_1081 {strides = array<i32>} : memref<16384x128xf32, #tpu.memory_space<vmem>>, vector<128x128xf32>,
    %get3A_1085 = arith.constant 0 : index
    %get3A_1086 = arith.constant 25344 : index
    %get3A_1087 = vector.load %arg1[%get3A_1085, %get3A_1086] : memref<64x32768xf32, #tpu.memory_space<vmem>>, vector<64x128xf32>
    %get3A_1088 = arith.constant 0 : index
    %get3A_1089 = arith.constant 25472 : index
    %get3A_1090 = vector.load %arg1[%get3A_1088, %get3A_1089] : memref<64x32768xf32, #tpu.memory_space<vmem>>, vector<64x128xf32>
    %concatenate3A_1091 = tpu.concatenate %get3A_1087, %get3A_1090 in 0 : vector<64x128xf32>, vector<64x128xf32> -> vector<128x128xf32>
    %transpose3A_1092 = tpu.transpose %concatenate3A_1091, [1, 0] : vector<128x128xf32> -> vector<128x128xf32>
    %swap3A_1093 = arith.constant 12672 : index
    %swap3A_1094 = arith.constant 0 : index
    %swap3A_1095 = vector.load %arg2[%swap3A_1093, %swap3A_1094] : memref<16384x128xf32, #tpu.memory_space<vmem>>, vector<128x128xf32>
    tpu.vector_store %arg2[%swap3A_1093, %swap3A_1094], %transpose3A_1092 {strides = array<i32>} : memref<16384x128xf32, #tpu.memory_space<vmem>>, vector<128x128xf32>,
    %get3A_1096 = arith.constant 0 : index
    %get3A_1097 = arith.constant 25600 : index
    %get3A_1098 = vector.load %arg1[%get3A_1096, %get3A_1097] : memref<64x32768xf32, #tpu.memory_space<vmem>>, vector<64x128xf32>
    %get3A_1099 = arith.constant 0 : index
    %get3A_1100 = arith.constant 25728 : index
    %get3A_1101 = vector.load %arg1[%get3A_1099, %get3A_1100] : memref<64x32768xf32, #tpu.memory_space<vmem>>, vector<64x128xf32>
    %concatenate3A_1102 = tpu.concatenate %get3A_1098, %get3A_1101 in 0 : vector<64x128xf32>, vector<64x128xf32> -> vector<128x128xf32>
    %transpose3A_1103 = tpu.transpose %concatenate3A_1102, [1, 0] : vector<128x128xf32> -> vector<128x128xf32>
    %swap3A_1104 = arith.constant 12800 : index
    %swap3A_1105 = arith.constant 0 : index
    %swap3A_1106 = vector.load %arg2[%swap3A_1104, %swap3A_1105] : memref<16384x128xf32, #tpu.memory_space<vmem>>, vector<128x128xf32>
    tpu.vector_store %arg2[%swap3A_1104, %swap3A_1105], %transpose3A_1103 {strides = array<i32>} : memref<16384x128xf32, #tpu.memory_space<vmem>>, vector<128x128xf32>,
    %get3A_1107 = arith.constant 0 : index
    %get3A_1108 = arith.constant 25856 : index
    %get3A_1109 = vector.load %arg1[%get3A_1107, %get3A_1108] : memref<64x32768xf32, #tpu.memory_space<vmem>>, vector<64x128xf32>
    %get3A_1110 = arith.constant 0 : index
    %get3A_1111 = arith.constant 25984 : index
    %get3A_1112 = vector.load %arg1[%get3A_1110, %get3A_1111] : memref<64x32768xf32, #tpu.memory_space<vmem>>, vector<64x128xf32>
    %concatenate3A_1113 = tpu.concatenate %get3A_1109, %get3A_1112 in 0 : vector<64x128xf32>, vector<64x128xf32> -> vector<128x128xf32>
    %transpose3A_1114 = tpu.transpose %concatenate3A_1113, [1, 0] : vector<128x128xf32> -> vector<128x128xf32>
    %swap3A_1115 = arith.constant 12928 : index
    %swap3A_1116 = arith.constant 0 : index
    %swap3A_1117 = vector.load %arg2[%swap3A_1115, %swap3A_1116] : memref<16384x128xf32, #tpu.memory_space<vmem>>, vector<128x128xf32>
    tpu.vector_store %arg2[%swap3A_1115, %swap3A_1116], %transpose3A_1114 {strides = array<i32>} : memref<16384x128xf32, #tpu.memory_space<vmem>>, vector<128x128xf32>,
    %get3A_1118 = arith.constant 0 : index
    %get3A_1119 = arith.constant 26112 : index
    %get3A_1120 = vector.load %arg1[%get3A_1118, %get3A_1119] : memref<64x32768xf32, #tpu.memory_space<vmem>>, vector<64x128xf32>
    %get3A_1121 = arith.constant 0 : index
    %get3A_1122 = arith.constant 26240 : index
    %get3A_1123 = vector.load %arg1[%get3A_1121, %get3A_1122] : memref<64x32768xf32, #tpu.memory_space<vmem>>, vector<64x128xf32>
    %concatenate3A_1124 = tpu.concatenate %get3A_1120, %get3A_1123 in 0 : vector<64x128xf32>, vector<64x128xf32> -> vector<128x128xf32>
    %transpose3A_1125 = tpu.transpose %concatenate3A_1124, [1, 0] : vector<128x128xf32> -> vector<128x128xf32>
    %swap3A_1126 = arith.constant 13056 : index
    %swap3A_1127 = arith.constant 0 : index
    %swap3A_1128 = vector.load %arg2[%swap3A_1126, %swap3A_1127] : memref<16384x128xf32, #tpu.memory_space<vmem>>, vector<128x128xf32>
    tpu.vector_store %arg2[%swap3A_1126, %swap3A_1127], %transpose3A_1125 {strides = array<i32>} : memref<16384x128xf32, #tpu.memory_space<vmem>>, vector<128x128xf32>,
    %get3A_1129 = arith.constant 0 : index
    %get3A_1130 = arith.constant 26368 : index
    %get3A_1131 = vector.load %arg1[%get3A_1129, %get3A_1130] : memref<64x32768xf32, #tpu.memory_space<vmem>>, vector<64x128xf32>
    %get3A_1132 = arith.constant 0 : index
    %get3A_1133 = arith.constant 26496 : index
    %get3A_1134 = vector.load %arg1[%get3A_1132, %get3A_1133] : memref<64x32768xf32, #tpu.memory_space<vmem>>, vector<64x128xf32>
    %concatenate3A_1135 = tpu.concatenate %get3A_1131, %get3A_1134 in 0 : vector<64x128xf32>, vector<64x128xf32> -> vector<128x128xf32>
    %transpose3A_1136 = tpu.transpose %concatenate3A_1135, [1, 0] : vector<128x128xf32> -> vector<128x128xf32>
    %swap3A_1137 = arith.constant 13184 : index
    %swap3A_1138 = arith.constant 0 : index
    %swap3A_1139 = vector.load %arg2[%swap3A_1137, %swap3A_1138] : memref<16384x128xf32, #tpu.memory_space<vmem>>, vector<128x128xf32>
    tpu.vector_store %arg2[%swap3A_1137, %swap3A_1138], %transpose3A_1136 {strides = array<i32>} : memref<16384x128xf32, #tpu.memory_space<vmem>>, vector<128x128xf32>,
    %get3A_1140 = arith.constant 0 : index
    %get3A_1141 = arith.constant 26624 : index
    %get3A_1142 = vector.load %arg1[%get3A_1140, %get3A_1141] : memref<64x32768xf32, #tpu.memory_space<vmem>>, vector<64x128xf32>
    %get3A_1143 = arith.constant 0 : index
    %get3A_1144 = arith.constant 26752 : index
    %get3A_1145 = vector.load %arg1[%get3A_1143, %get3A_1144] : memref<64x32768xf32, #tpu.memory_space<vmem>>, vector<64x128xf32>
    %concatenate3A_1146 = tpu.concatenate %get3A_1142, %get3A_1145 in 0 : vector<64x128xf32>, vector<64x128xf32> -> vector<128x128xf32>
    %transpose3A_1147 = tpu.transpose %concatenate3A_1146, [1, 0] : vector<128x128xf32> -> vector<128x128xf32>
    %swap3A_1148 = arith.constant 13312 : index
    %swap3A_1149 = arith.constant 0 : index
    %swap3A_1150 = vector.load %arg2[%swap3A_1148, %swap3A_1149] : memref<16384x128xf32, #tpu.memory_space<vmem>>, vector<128x128xf32>
    tpu.vector_store %arg2[%swap3A_1148, %swap3A_1149], %transpose3A_1147 {strides = array<i32>} : memref<16384x128xf32, #tpu.memory_space<vmem>>, vector<128x128xf32>,
    %get3A_1151 = arith.constant 0 : index
    %get3A_1152 = arith.constant 26880 : index
    %get3A_1153 = vector.load %arg1[%get3A_1151, %get3A_1152] : memref<64x32768xf32, #tpu.memory_space<vmem>>, vector<64x128xf32>
    %get3A_1154 = arith.constant 0 : index
    %get3A_1155 = arith.constant 27008 : index
    %get3A_1156 = vector.load %arg1[%get3A_1154, %get3A_1155] : memref<64x32768xf32, #tpu.memory_space<vmem>>, vector<64x128xf32>
    %concatenate3A_1157 = tpu.concatenate %get3A_1153, %get3A_1156 in 0 : vector<64x128xf32>, vector<64x128xf32> -> vector<128x128xf32>
    %transpose3A_1158 = tpu.transpose %concatenate3A_1157, [1, 0] : vector<128x128xf32> -> vector<128x128xf32>
    %swap3A_1159 = arith.constant 13440 : index
    %swap3A_1160 = arith.constant 0 : index
    %swap3A_1161 = vector.load %arg2[%swap3A_1159, %swap3A_1160] : memref<16384x128xf32, #tpu.memory_space<vmem>>, vector<128x128xf32>
    tpu.vector_store %arg2[%swap3A_1159, %swap3A_1160], %transpose3A_1158 {strides = array<i32>} : memref<16384x128xf32, #tpu.memory_space<vmem>>, vector<128x128xf32>,
    %get3A_1162 = arith.constant 0 : index
    %get3A_1163 = arith.constant 27136 : index
    %get3A_1164 = vector.load %arg1[%get3A_1162, %get3A_1163] : memref<64x32768xf32, #tpu.memory_space<vmem>>, vector<64x128xf32>
    %get3A_1165 = arith.constant 0 : index
    %get3A_1166 = arith.constant 27264 : index
    %get3A_1167 = vector.load %arg1[%get3A_1165, %get3A_1166] : memref<64x32768xf32, #tpu.memory_space<vmem>>, vector<64x128xf32>
    %concatenate3A_1168 = tpu.concatenate %get3A_1164, %get3A_1167 in 0 : vector<64x128xf32>, vector<64x128xf32> -> vector<128x128xf32>
    %transpose3A_1169 = tpu.transpose %concatenate3A_1168, [1, 0] : vector<128x128xf32> -> vector<128x128xf32>
    %swap3A_1170 = arith.constant 13568 : index
    %swap3A_1171 = arith.constant 0 : index
    %swap3A_1172 = vector.load %arg2[%swap3A_1170, %swap3A_1171] : memref<16384x128xf32, #tpu.memory_space<vmem>>, vector<128x128xf32>
    tpu.vector_store %arg2[%swap3A_1170, %swap3A_1171], %transpose3A_1169 {strides = array<i32>} : memref<16384x128xf32, #tpu.memory_space<vmem>>, vector<128x128xf32>,
    %get3A_1173 = arith.constant 0 : index
    %get3A_1174 = arith.constant 27392 : index
    %get3A_1175 = vector.load %arg1[%get3A_1173, %get3A_1174] : memref<64x32768xf32, #tpu.memory_space<vmem>>, vector<64x128xf32>
    %get3A_1176 = arith.constant 0 : index
    %get3A_1177 = arith.constant 27520 : index
    %get3A_1178 = vector.load %arg1[%get3A_1176, %get3A_1177] : memref<64x32768xf32, #tpu.memory_space<vmem>>, vector<64x128xf32>
    %concatenate3A_1179 = tpu.concatenate %get3A_1175, %get3A_1178 in 0 : vector<64x128xf32>, vector<64x128xf32> -> vector<128x128xf32>
    %transpose3A_1180 = tpu.transpose %concatenate3A_1179, [1, 0] : vector<128x128xf32> -> vector<128x128xf32>
    %swap3A_1181 = arith.constant 13696 : index
    %swap3A_1182 = arith.constant 0 : index
    %swap3A_1183 = vector.load %arg2[%swap3A_1181, %swap3A_1182] : memref<16384x128xf32, #tpu.memory_space<vmem>>, vector<128x128xf32>
    tpu.vector_store %arg2[%swap3A_1181, %swap3A_1182], %transpose3A_1180 {strides = array<i32>} : memref<16384x128xf32, #tpu.memory_space<vmem>>, vector<128x128xf32>,
    %get3A_1184 = arith.constant 0 : index
    %get3A_1185 = arith.constant 27648 : index
    %get3A_1186 = vector.load %arg1[%get3A_1184, %get3A_1185] : memref<64x32768xf32, #tpu.memory_space<vmem>>, vector<64x128xf32>
    %get3A_1187 = arith.constant 0 : index
    %get3A_1188 = arith.constant 27776 : index
    %get3A_1189 = vector.load %arg1[%get3A_1187, %get3A_1188] : memref<64x32768xf32, #tpu.memory_space<vmem>>, vector<64x128xf32>
    %concatenate3A_1190 = tpu.concatenate %get3A_1186, %get3A_1189 in 0 : vector<64x128xf32>, vector<64x128xf32> -> vector<128x128xf32>
    %transpose3A_1191 = tpu.transpose %concatenate3A_1190, [1, 0] : vector<128x128xf32> -> vector<128x128xf32>
    %swap3A_1192 = arith.constant 13824 : index
    %swap3A_1193 = arith.constant 0 : index
    %swap3A_1194 = vector.load %arg2[%swap3A_1192, %swap3A_1193] : memref<16384x128xf32, #tpu.memory_space<vmem>>, vector<128x128xf32>
    tpu.vector_store %arg2[%swap3A_1192, %swap3A_1193], %transpose3A_1191 {strides = array<i32>} : memref<16384x128xf32, #tpu.memory_space<vmem>>, vector<128x128xf32>,
    %get3A_1195 = arith.constant 0 : index
    %get3A_1196 = arith.constant 27904 : index
    %get3A_1197 = vector.load %arg1[%get3A_1195, %get3A_1196] : memref<64x32768xf32, #tpu.memory_space<vmem>>, vector<64x128xf32>
    %get3A_1198 = arith.constant 0 : index
    %get3A_1199 = arith.constant 28032 : index
    %get3A_1200 = vector.load %arg1[%get3A_1198, %get3A_1199] : memref<64x32768xf32, #tpu.memory_space<vmem>>, vector<64x128xf32>
    %concatenate3A_1201 = tpu.concatenate %get3A_1197, %get3A_1200 in 0 : vector<64x128xf32>, vector<64x128xf32> -> vector<128x128xf32>
    %transpose3A_1202 = tpu.transpose %concatenate3A_1201, [1, 0] : vector<128x128xf32> -> vector<128x128xf32>
    %swap3A_1203 = arith.constant 13952 : index
    %swap3A_1204 = arith.constant 0 : index
    %swap3A_1205 = vector.load %arg2[%swap3A_1203, %swap3A_1204] : memref<16384x128xf32, #tpu.memory_space<vmem>>, vector<128x128xf32>
    tpu.vector_store %arg2[%swap3A_1203, %swap3A_1204], %transpose3A_1202 {strides = array<i32>} : memref<16384x128xf32, #tpu.memory_space<vmem>>, vector<128x128xf32>,
    %get3A_1206 = arith.constant 0 : index
    %get3A_1207 = arith.constant 28160 : index
    %get3A_1208 = vector.load %arg1[%get3A_1206, %get3A_1207] : memref<64x32768xf32, #tpu.memory_space<vmem>>, vector<64x128xf32>
    %get3A_1209 = arith.constant 0 : index
    %get3A_1210 = arith.constant 28288 : index
    %get3A_1211 = vector.load %arg1[%get3A_1209, %get3A_1210] : memref<64x32768xf32, #tpu.memory_space<vmem>>, vector<64x128xf32>
    %concatenate3A_1212 = tpu.concatenate %get3A_1208, %get3A_1211 in 0 : vector<64x128xf32>, vector<64x128xf32> -> vector<128x128xf32>
    %transpose3A_1213 = tpu.transpose %concatenate3A_1212, [1, 0] : vector<128x128xf32> -> vector<128x128xf32>
    %swap3A_1214 = arith.constant 14080 : index
    %swap3A_1215 = arith.constant 0 : index
    %swap3A_1216 = vector.load %arg2[%swap3A_1214, %swap3A_1215] : memref<16384x128xf32, #tpu.memory_space<vmem>>, vector<128x128xf32>
    tpu.vector_store %arg2[%swap3A_1214, %swap3A_1215], %transpose3A_1213 {strides = array<i32>} : memref<16384x128xf32, #tpu.memory_space<vmem>>, vector<128x128xf32>,
    %get3A_1217 = arith.constant 0 : index
    %get3A_1218 = arith.constant 28416 : index
    %get3A_1219 = vector.load %arg1[%get3A_1217, %get3A_1218] : memref<64x32768xf32, #tpu.memory_space<vmem>>, vector<64x128xf32>
    %get3A_1220 = arith.constant 0 : index
    %get3A_1221 = arith.constant 28544 : index
    %get3A_1222 = vector.load %arg1[%get3A_1220, %get3A_1221] : memref<64x32768xf32, #tpu.memory_space<vmem>>, vector<64x128xf32>
    %concatenate3A_1223 = tpu.concatenate %get3A_1219, %get3A_1222 in 0 : vector<64x128xf32>, vector<64x128xf32> -> vector<128x128xf32>
    %transpose3A_1224 = tpu.transpose %concatenate3A_1223, [1, 0] : vector<128x128xf32> -> vector<128x128xf32>
    %swap3A_1225 = arith.constant 14208 : index
    %swap3A_1226 = arith.constant 0 : index
    %swap3A_1227 = vector.load %arg2[%swap3A_1225, %swap3A_1226] : memref<16384x128xf32, #tpu.memory_space<vmem>>, vector<128x128xf32>
    tpu.vector_store %arg2[%swap3A_1225, %swap3A_1226], %transpose3A_1224 {strides = array<i32>} : memref<16384x128xf32, #tpu.memory_space<vmem>>, vector<128x128xf32>,
    %get3A_1228 = arith.constant 0 : index
    %get3A_1229 = arith.constant 28672 : index
    %get3A_1230 = vector.load %arg1[%get3A_1228, %get3A_1229] : memref<64x32768xf32, #tpu.memory_space<vmem>>, vector<64x128xf32>
    %get3A_1231 = arith.constant 0 : index
    %get3A_1232 = arith.constant 28800 : index
    %get3A_1233 = vector.load %arg1[%get3A_1231, %get3A_1232] : memref<64x32768xf32, #tpu.memory_space<vmem>>, vector<64x128xf32>
    %concatenate3A_1234 = tpu.concatenate %get3A_1230, %get3A_1233 in 0 : vector<64x128xf32>, vector<64x128xf32> -> vector<128x128xf32>
    %transpose3A_1235 = tpu.transpose %concatenate3A_1234, [1, 0] : vector<128x128xf32> -> vector<128x128xf32>
    %swap3A_1236 = arith.constant 14336 : index
    %swap3A_1237 = arith.constant 0 : index
    %swap3A_1238 = vector.load %arg2[%swap3A_1236, %swap3A_1237] : memref<16384x128xf32, #tpu.memory_space<vmem>>, vector<128x128xf32>
    tpu.vector_store %arg2[%swap3A_1236, %swap3A_1237], %transpose3A_1235 {strides = array<i32>} : memref<16384x128xf32, #tpu.memory_space<vmem>>, vector<128x128xf32>,
    %get3A_1239 = arith.constant 0 : index
    %get3A_1240 = arith.constant 28928 : index
    %get3A_1241 = vector.load %arg1[%get3A_1239, %get3A_1240] : memref<64x32768xf32, #tpu.memory_space<vmem>>, vector<64x128xf32>
    %get3A_1242 = arith.constant 0 : index
    %get3A_1243 = arith.constant 29056 : index
    %get3A_1244 = vector.load %arg1[%get3A_1242, %get3A_1243] : memref<64x32768xf32, #tpu.memory_space<vmem>>, vector<64x128xf32>
    %concatenate3A_1245 = tpu.concatenate %get3A_1241, %get3A_1244 in 0 : vector<64x128xf32>, vector<64x128xf32> -> vector<128x128xf32>
    %transpose3A_1246 = tpu.transpose %concatenate3A_1245, [1, 0] : vector<128x128xf32> -> vector<128x128xf32>
    %swap3A_1247 = arith.constant 14464 : index
    %swap3A_1248 = arith.constant 0 : index
    %swap3A_1249 = vector.load %arg2[%swap3A_1247, %swap3A_1248] : memref<16384x128xf32, #tpu.memory_space<vmem>>, vector<128x128xf32>
    tpu.vector_store %arg2[%swap3A_1247, %swap3A_1248], %transpose3A_1246 {strides = array<i32>} : memref<16384x128xf32, #tpu.memory_space<vmem>>, vector<128x128xf32>,
    %get3A_1250 = arith.constant 0 : index
    %get3A_1251 = arith.constant 29184 : index
    %get3A_1252 = vector.load %arg1[%get3A_1250, %get3A_1251] : memref<64x32768xf32, #tpu.memory_space<vmem>>, vector<64x128xf32>
    %get3A_1253 = arith.constant 0 : index
    %get3A_1254 = arith.constant 29312 : index
    %get3A_1255 = vector.load %arg1[%get3A_1253, %get3A_1254] : memref<64x32768xf32, #tpu.memory_space<vmem>>, vector<64x128xf32>
    %concatenate3A_1256 = tpu.concatenate %get3A_1252, %get3A_1255 in 0 : vector<64x128xf32>, vector<64x128xf32> -> vector<128x128xf32>
    %transpose3A_1257 = tpu.transpose %concatenate3A_1256, [1, 0] : vector<128x128xf32> -> vector<128x128xf32>
    %swap3A_1258 = arith.constant 14592 : index
    %swap3A_1259 = arith.constant 0 : index
    %swap3A_1260 = vector.load %arg2[%swap3A_1258, %swap3A_1259] : memref<16384x128xf32, #tpu.memory_space<vmem>>, vector<128x128xf32>
    tpu.vector_store %arg2[%swap3A_1258, %swap3A_1259], %transpose3A_1257 {strides = array<i32>} : memref<16384x128xf32, #tpu.memory_space<vmem>>, vector<128x128xf32>,
    %get3A_1261 = arith.constant 0 : index
    %get3A_1262 = arith.constant 29440 : index
    %get3A_1263 = vector.load %arg1[%get3A_1261, %get3A_1262] : memref<64x32768xf32, #tpu.memory_space<vmem>>, vector<64x128xf32>
    %get3A_1264 = arith.constant 0 : index
    %get3A_1265 = arith.constant 29568 : index
    %get3A_1266 = vector.load %arg1[%get3A_1264, %get3A_1265] : memref<64x32768xf32, #tpu.memory_space<vmem>>, vector<64x128xf32>
    %concatenate3A_1267 = tpu.concatenate %get3A_1263, %get3A_1266 in 0 : vector<64x128xf32>, vector<64x128xf32> -> vector<128x128xf32>
    %transpose3A_1268 = tpu.transpose %concatenate3A_1267, [1, 0] : vector<128x128xf32> -> vector<128x128xf32>
    %swap3A_1269 = arith.constant 14720 : index
    %swap3A_1270 = arith.constant 0 : index
    %swap3A_1271 = vector.load %arg2[%swap3A_1269, %swap3A_1270] : memref<16384x128xf32, #tpu.memory_space<vmem>>, vector<128x128xf32>
    tpu.vector_store %arg2[%swap3A_1269, %swap3A_1270], %transpose3A_1268 {strides = array<i32>} : memref<16384x128xf32, #tpu.memory_space<vmem>>, vector<128x128xf32>,
    %get3A_1272 = arith.constant 0 : index
    %get3A_1273 = arith.constant 29696 : index
    %get3A_1274 = vector.load %arg1[%get3A_1272, %get3A_1273] : memref<64x32768xf32, #tpu.memory_space<vmem>>, vector<64x128xf32>
    %get3A_1275 = arith.constant 0 : index
    %get3A_1276 = arith.constant 29824 : index
    %get3A_1277 = vector.load %arg1[%get3A_1275, %get3A_1276] : memref<64x32768xf32, #tpu.memory_space<vmem>>, vector<64x128xf32>
    %concatenate3A_1278 = tpu.concatenate %get3A_1274, %get3A_1277 in 0 : vector<64x128xf32>, vector<64x128xf32> -> vector<128x128xf32>
    %transpose3A_1279 = tpu.transpose %concatenate3A_1278, [1, 0] : vector<128x128xf32> -> vector<128x128xf32>
    %swap3A_1280 = arith.constant 14848 : index
    %swap3A_1281 = arith.constant 0 : index
    %swap3A_1282 = vector.load %arg2[%swap3A_1280, %swap3A_1281] : memref<16384x128xf32, #tpu.memory_space<vmem>>, vector<128x128xf32>
    tpu.vector_store %arg2[%swap3A_1280, %swap3A_1281], %transpose3A_1279 {strides = array<i32>} : memref<16384x128xf32, #tpu.memory_space<vmem>>, vector<128x128xf32>,
    %get3A_1283 = arith.constant 0 : index
    %get3A_1284 = arith.constant 29952 : index
    %get3A_1285 = vector.load %arg1[%get3A_1283, %get3A_1284] : memref<64x32768xf32, #tpu.memory_space<vmem>>, vector<64x128xf32>
    %get3A_1286 = arith.constant 0 : index
    %get3A_1287 = arith.constant 30080 : index
    %get3A_1288 = vector.load %arg1[%get3A_1286, %get3A_1287] : memref<64x32768xf32, #tpu.memory_space<vmem>>, vector<64x128xf32>
    %concatenate3A_1289 = tpu.concatenate %get3A_1285, %get3A_1288 in 0 : vector<64x128xf32>, vector<64x128xf32> -> vector<128x128xf32>
    %transpose3A_1290 = tpu.transpose %concatenate3A_1289, [1, 0] : vector<128x128xf32> -> vector<128x128xf32>
    %swap3A_1291 = arith.constant 14976 : index
    %swap3A_1292 = arith.constant 0 : index
    %swap3A_1293 = vector.load %arg2[%swap3A_1291, %swap3A_1292] : memref<16384x128xf32, #tpu.memory_space<vmem>>, vector<128x128xf32>
    tpu.vector_store %arg2[%swap3A_1291, %swap3A_1292], %transpose3A_1290 {strides = array<i32>} : memref<16384x128xf32, #tpu.memory_space<vmem>>, vector<128x128xf32>,
    %get3A_1294 = arith.constant 0 : index
    %get3A_1295 = arith.constant 30208 : index
    %get3A_1296 = vector.load %arg1[%get3A_1294, %get3A_1295] : memref<64x32768xf32, #tpu.memory_space<vmem>>, vector<64x128xf32>
    %get3A_1297 = arith.constant 0 : index
    %get3A_1298 = arith.constant 30336 : index
    %get3A_1299 = vector.load %arg1[%get3A_1297, %get3A_1298] : memref<64x32768xf32, #tpu.memory_space<vmem>>, vector<64x128xf32>
    %concatenate3A_1300 = tpu.concatenate %get3A_1296, %get3A_1299 in 0 : vector<64x128xf32>, vector<64x128xf32> -> vector<128x128xf32>
    %transpose3A_1301 = tpu.transpose %concatenate3A_1300, [1, 0] : vector<128x128xf32> -> vector<128x128xf32>
    %swap3A_1302 = arith.constant 15104 : index
    %swap3A_1303 = arith.constant 0 : index
    %swap3A_1304 = vector.load %arg2[%swap3A_1302, %swap3A_1303] : memref<16384x128xf32, #tpu.memory_space<vmem>>, vector<128x128xf32>
    tpu.vector_store %arg2[%swap3A_1302, %swap3A_1303], %transpose3A_1301 {strides = array<i32>} : memref<16384x128xf32, #tpu.memory_space<vmem>>, vector<128x128xf32>,
    %get3A_1305 = arith.constant 0 : index
    %get3A_1306 = arith.constant 30464 : index
    %get3A_1307 = vector.load %arg1[%get3A_1305, %get3A_1306] : memref<64x32768xf32, #tpu.memory_space<vmem>>, vector<64x128xf32>
    %get3A_1308 = arith.constant 0 : index
    %get3A_1309 = arith.constant 30592 : index
    %get3A_1310 = vector.load %arg1[%get3A_1308, %get3A_1309] : memref<64x32768xf32, #tpu.memory_space<vmem>>, vector<64x128xf32>
    %concatenate3A_1311 = tpu.concatenate %get3A_1307, %get3A_1310 in 0 : vector<64x128xf32>, vector<64x128xf32> -> vector<128x128xf32>
    %transpose3A_1312 = tpu.transpose %concatenate3A_1311, [1, 0] : vector<128x128xf32> -> vector<128x128xf32>
    %swap3A_1313 = arith.constant 15232 : index
    %swap3A_1314 = arith.constant 0 : index
    %swap3A_1315 = vector.load %arg2[%swap3A_1313, %swap3A_1314] : memref<16384x128xf32, #tpu.memory_space<vmem>>, vector<128x128xf32>
    tpu.vector_store %arg2[%swap3A_1313, %swap3A_1314], %transpose3A_1312 {strides = array<i32>} : memref<16384x128xf32, #tpu.memory_space<vmem>>, vector<128x128xf32>,
    %get3A_1316 = arith.constant 0 : index
    %get3A_1317 = arith.constant 30720 : index
    %get3A_1318 = vector.load %arg1[%get3A_1316, %get3A_1317] : memref<64x32768xf32, #tpu.memory_space<vmem>>, vector<64x128xf32>
    %get3A_1319 = arith.constant 0 : index
    %get3A_1320 = arith.constant 30848 : index
    %get3A_1321 = vector.load %arg1[%get3A_1319, %get3A_1320] : memref<64x32768xf32, #tpu.memory_space<vmem>>, vector<64x128xf32>
    %concatenate3A_1322 = tpu.concatenate %get3A_1318, %get3A_1321 in 0 : vector<64x128xf32>, vector<64x128xf32> -> vector<128x128xf32>
    %transpose3A_1323 = tpu.transpose %concatenate3A_1322, [1, 0] : vector<128x128xf32> -> vector<128x128xf32>
    %swap3A_1324 = arith.constant 15360 : index
    %swap3A_1325 = arith.constant 0 : index
    %swap3A_1326 = vector.load %arg2[%swap3A_1324, %swap3A_1325] : memref<16384x128xf32, #tpu.memory_space<vmem>>, vector<128x128xf32>
    tpu.vector_store %arg2[%swap3A_1324, %swap3A_1325], %transpose3A_1323 {strides = array<i32>} : memref<16384x128xf32, #tpu.memory_space<vmem>>, vector<128x128xf32>,
    %get3A_1327 = arith.constant 0 : index
    %get3A_1328 = arith.constant 30976 : index
    %get3A_1329 = vector.load %arg1[%get3A_1327, %get3A_1328] : memref<64x32768xf32, #tpu.memory_space<vmem>>, vector<64x128xf32>
    %get3A_1330 = arith.constant 0 : index
    %get3A_1331 = arith.constant 31104 : index
    %get3A_1332 = vector.load %arg1[%get3A_1330, %get3A_1331] : memref<64x32768xf32, #tpu.memory_space<vmem>>, vector<64x128xf32>
    %concatenate3A_1333 = tpu.concatenate %get3A_1329, %get3A_1332 in 0 : vector<64x128xf32>, vector<64x128xf32> -> vector<128x128xf32>
    %transpose3A_1334 = tpu.transpose %concatenate3A_1333, [1, 0] : vector<128x128xf32> -> vector<128x128xf32>
    %swap3A_1335 = arith.constant 15488 : index
    %swap3A_1336 = arith.constant 0 : index
    %swap3A_1337 = vector.load %arg2[%swap3A_1335, %swap3A_1336] : memref<16384x128xf32, #tpu.memory_space<vmem>>, vector<128x128xf32>
    tpu.vector_store %arg2[%swap3A_1335, %swap3A_1336], %transpose3A_1334 {strides = array<i32>} : memref<16384x128xf32, #tpu.memory_space<vmem>>, vector<128x128xf32>,
    %get3A_1338 = arith.constant 0 : index
    %get3A_1339 = arith.constant 31232 : index
    %get3A_1340 = vector.load %arg1[%get3A_1338, %get3A_1339] : memref<64x32768xf32, #tpu.memory_space<vmem>>, vector<64x128xf32>
    %get3A_1341 = arith.constant 0 : index
    %get3A_1342 = arith.constant 31360 : index
    %get3A_1343 = vector.load %arg1[%get3A_1341, %get3A_1342] : memref<64x32768xf32, #tpu.memory_space<vmem>>, vector<64x128xf32>
    %concatenate3A_1344 = tpu.concatenate %get3A_1340, %get3A_1343 in 0 : vector<64x128xf32>, vector<64x128xf32> -> vector<128x128xf32>
    %transpose3A_1345 = tpu.transpose %concatenate3A_1344, [1, 0] : vector<128x128xf32> -> vector<128x128xf32>
    %swap3A_1346 = arith.constant 15616 : index
    %swap3A_1347 = arith.constant 0 : index
    %swap3A_1348 = vector.load %arg2[%swap3A_1346, %swap3A_1347] : memref<16384x128xf32, #tpu.memory_space<vmem>>, vector<128x128xf32>
    tpu.vector_store %arg2[%swap3A_1346, %swap3A_1347], %transpose3A_1345 {strides = array<i32>} : memref<16384x128xf32, #tpu.memory_space<vmem>>, vector<128x128xf32>,
    %get3A_1349 = arith.constant 0 : index
    %get3A_1350 = arith.constant 31488 : index
    %get3A_1351 = vector.load %arg1[%get3A_1349, %get3A_1350] : memref<64x32768xf32, #tpu.memory_space<vmem>>, vector<64x128xf32>
    %get3A_1352 = arith.constant 0 : index
    %get3A_1353 = arith.constant 31616 : index
    %get3A_1354 = vector.load %arg1[%get3A_1352, %get3A_1353] : memref<64x32768xf32, #tpu.memory_space<vmem>>, vector<64x128xf32>
    %concatenate3A_1355 = tpu.concatenate %get3A_1351, %get3A_1354 in 0 : vector<64x128xf32>, vector<64x128xf32> -> vector<128x128xf32>
    %transpose3A_1356 = tpu.transpose %concatenate3A_1355, [1, 0] : vector<128x128xf32> -> vector<128x128xf32>
    %swap3A_1357 = arith.constant 15744 : index
    %swap3A_1358 = arith.constant 0 : index
    %swap3A_1359 = vector.load %arg2[%swap3A_1357, %swap3A_1358] : memref<16384x128xf32, #tpu.memory_space<vmem>>, vector<128x128xf32>
    tpu.vector_store %arg2[%swap3A_1357, %swap3A_1358], %transpose3A_1356 {strides = array<i32>} : memref<16384x128xf32, #tpu.memory_space<vmem>>, vector<128x128xf32>,
    %get3A_1360 = arith.constant 0 : index
    %get3A_1361 = arith.constant 31744 : index
    %get3A_1362 = vector.load %arg1[%get3A_1360, %get3A_1361] : memref<64x32768xf32, #tpu.memory_space<vmem>>, vector<64x128xf32>
    %get3A_1363 = arith.constant 0 : index
    %get3A_1364 = arith.constant 31872 : index
    %get3A_1365 = vector.load %arg1[%get3A_1363, %get3A_1364] : memref<64x32768xf32, #tpu.memory_space<vmem>>, vector<64x128xf32>
    %concatenate3A_1366 = tpu.concatenate %get3A_1362, %get3A_1365 in 0 : vector<64x128xf32>, vector<64x128xf32> -> vector<128x128xf32>
    %transpose3A_1367 = tpu.transpose %concatenate3A_1366, [1, 0] : vector<128x128xf32> -> vector<128x128xf32>
    %swap3A_1368 = arith.constant 15872 : index
    %swap3A_1369 = arith.constant 0 : index
    %swap3A_1370 = vector.load %arg2[%swap3A_1368, %swap3A_1369] : memref<16384x128xf32, #tpu.memory_space<vmem>>, vector<128x128xf32>
    tpu.vector_store %arg2[%swap3A_1368, %swap3A_1369], %transpose3A_1367 {strides = array<i32>} : memref<16384x128xf32, #tpu.memory_space<vmem>>, vector<128x128xf32>,
    %get3A_1371 = arith.constant 0 : index
    %get3A_1372 = arith.constant 32000 : index
    %get3A_1373 = vector.load %arg1[%get3A_1371, %get3A_1372] : memref<64x32768xf32, #tpu.memory_space<vmem>>, vector<64x128xf32>
    %get3A_1374 = arith.constant 0 : index
    %get3A_1375 = arith.constant 32128 : index
    %get3A_1376 = vector.load %arg1[%get3A_1374, %get3A_1375] : memref<64x32768xf32, #tpu.memory_space<vmem>>, vector<64x128xf32>
    %concatenate3A_1377 = tpu.concatenate %get3A_1373, %get3A_1376 in 0 : vector<64x128xf32>, vector<64x128xf32> -> vector<128x128xf32>
    %transpose3A_1378 = tpu.transpose %concatenate3A_1377, [1, 0] : vector<128x128xf32> -> vector<128x128xf32>
    %swap3A_1379 = arith.constant 16000 : index
    %swap3A_1380 = arith.constant 0 : index
    %swap3A_1381 = vector.load %arg2[%swap3A_1379, %swap3A_1380] : memref<16384x128xf32, #tpu.memory_space<vmem>>, vector<128x128xf32>
    tpu.vector_store %arg2[%swap3A_1379, %swap3A_1380], %transpose3A_1378 {strides = array<i32>} : memref<16384x128xf32, #tpu.memory_space<vmem>>, vector<128x128xf32>,
    %get3A_1382 = arith.constant 0 : index
    %get3A_1383 = arith.constant 32256 : index
    %get3A_1384 = vector.load %arg1[%get3A_1382, %get3A_1383] : memref<64x32768xf32, #tpu.memory_space<vmem>>, vector<64x128xf32>
    %get3A_1385 = arith.constant 0 : index
    %get3A_1386 = arith.constant 32384 : index
    %get3A_1387 = vector.load %arg1[%get3A_1385, %get3A_1386] : memref<64x32768xf32, #tpu.memory_space<vmem>>, vector<64x128xf32>
    %concatenate3A_1388 = tpu.concatenate %get3A_1384, %get3A_1387 in 0 : vector<64x128xf32>, vector<64x128xf32> -> vector<128x128xf32>
    %transpose3A_1389 = tpu.transpose %concatenate3A_1388, [1, 0] : vector<128x128xf32> -> vector<128x128xf32>
    %swap3A_1390 = arith.constant 16128 : index
    %swap3A_1391 = arith.constant 0 : index
    %swap3A_1392 = vector.load %arg2[%swap3A_1390, %swap3A_1391] : memref<16384x128xf32, #tpu.memory_space<vmem>>, vector<128x128xf32>
    tpu.vector_store %arg2[%swap3A_1390, %swap3A_1391], %transpose3A_1389 {strides = array<i32>} : memref<16384x128xf32, #tpu.memory_space<vmem>>, vector<128x128xf32>,
    %get3A_1393 = arith.constant 0 : index
    %get3A_1394 = arith.constant 32512 : index
    %get3A_1395 = vector.load %arg1[%get3A_1393, %get3A_1394] : memref<64x32768xf32, #tpu.memory_space<vmem>>, vector<64x128xf32>
    %get3A_1396 = arith.constant 0 : index
    %get3A_1397 = arith.constant 32640 : index
    %get3A_1398 = vector.load %arg1[%get3A_1396, %get3A_1397] : memref<64x32768xf32, #tpu.memory_space<vmem>>, vector<64x128xf32>
    %concatenate3A_1399 = tpu.concatenate %get3A_1395, %get3A_1398 in 0 : vector<64x128xf32>, vector<64x128xf32> -> vector<128x128xf32>
    %transpose3A_1400 = tpu.transpose %concatenate3A_1399, [1, 0] : vector<128x128xf32> -> vector<128x128xf32>
    %swap3A_1401 = arith.constant 16256 : index
    %swap3A_1402 = arith.constant 0 : index
    %swap3A_1403 = vector.load %arg2[%swap3A_1401, %swap3A_1402] : memref<16384x128xf32, #tpu.memory_space<vmem>>, vector<128x128xf32>
    tpu.vector_store %arg2[%swap3A_1401, %swap3A_1402], %transpose3A_1400 {strides = array<i32>} : memref<16384x128xf32, #tpu.memory_space<vmem>>, vector<128x128xf32>,
    return
  }
  func.func @transform_0(%arg0: i32) -> (i32, i32) {
    %c0_i32 = arith.constant 0 : i32
    %c0_i32_0 = arith.constant 0 : i32
    return %c0_i32, %arg0 : i32, i32
  }
  func.func @transform_1(%arg0: i32) -> (i32, i32) {
    %c0_i32 = arith.constant 0 : i32
    %c0_i32_0 = arith.constant 0 : i32
    return %arg0, %c0_i32 : i32, i32
  }
}

</mosaic_0001>

<sc_bundles>
// kernel: kernel.4.cloned.1.call-start
scs
__scs_entry_jumppad:
0x0: {  	(pc) =	sbr.rel $0x88, $3  }
0x1: {  	(tag) =	ssettag $0x0;
	lr =	simm.s32 $0x1  }
0x2: {  	[smem:$0x3F9D] =	sst lr;
	_ =	strace $0xD0000000  }
0x3: {  	_ = 	snop  }
0x4: {  	_ = 	snop  }
0x5: {  	_ = 	snop  }
0x6: {  	_ = 	snop  }
0x7: {  	_ = 	snop  }
__scs_overlays_trampoline_lowered:
0x8: {  	[smem:$0x3FAC] =	sst s0  }
0x9: {  	[smem:$0x3FAD] =	sst s1  }
0xa: {  	[smem:$0x3FAE] =	sst s2  }
0xb: {  	[smem:$0x3FAF] =	sst s3  }
0xc: {  	[smem:$0x3FB0] =	sst s4  }
0xd: {  	[smem:$0x3FB1] =	sst s5  }
0xe: {  	[smem:$0x3FB2] =	sst s6  }
0xf: {  	[smem:$0x3FB3] =	sst s7  }
0x10: {  	[smem:$0x3FB4] =	sst s8  }
0x11: {  	[smem:$0x3FB5] =	sst s9;
	s0 =	simm.s32 @!p0 $0x0  }
0x12: {  	s1 =	sld [smem:$0x3F9B];
	s0 =	simm.s32 @p0 $0x1  }
0x13: {  	[smem:$0x3FB6] =	sst s0;
	s0 =	simm.s32 @!p1 $0x0  }
0x14: {  	s2 =	sld [smem:$0x3F9A];
	s0 =	simm.s32 @p1 $0x1  }
0x15: {  	[smem:$0x3FB7] =	sst s0;
	s0 =	simm.s32 @!p2 $0x0  }
0x16: {  	s3 =	sld [smem:$0x3FDB];
	s0 =	simm.s32 @p2 $0x1  }
0x17: {  	s4 =	simm.s32 $0x1BF5;
	[smem:$0x3FB9] =	sst s0  }
0x18: {  	s0 =	sld [smem:$0x3F9C];
	_ =	swait.ge [sflag:s4], $0x0  }
0x19: {  	s7 =	sld [smem:$0x3F9D]  }
0x1a: {  	s8 =	sadd.s32 $0xFFFFE003, lr  }
0x1b: {  	s9 =	sadd.s32 $0xFFFFFEF7, lr;
	s5 =	simm.s32 $0xFFFFFFFF;
	p2 =	slt.u32 s8, $0xFFFFF086  }
0x1c: {  	p1 =	slt.u32 s9, $0xF7A;
	s5 =	simm.s32 @!p2 $0x0  }
0x1d: {  	s5 =	simm.s32 @p1 $0x1;
	p0 =	seq.s32 s7, s2  }
0x1e: {  	s7 =	smul.u32 @!p0 $0xF7A, s2;
	p2 =	seq.s32 @!p0 s5, $0x0  }
0x1f: {  	s9 =	smul.u32 $0xF7A, s1;
	s8 =	simm.s32 @!p0 $0x1BF5;
	p2 =	por !p2, p0  }
0x20: {  	[sflag:s8] =	ssyncset.s32 @!p0 $0xFFFFF086;
	s6 =	sadd.s32 @!p0 s3, s7;
	s7 =	simm.s32 @!p0 $0x108  }
0x21: {  	s3 =	sadd.s32 s3, s9;
	s6 =	sadd.s32 @!p0 $0x88, s6;
	s7 =	simm.s32 @p2 $0x1082  }
0x22: {  	[simem:s7], [sflag:s8] =	dma.local @!p0 [hbm:s6], $0xF7A  }
0x23: {  	s9 =	sor.u32 $0xD0000000, s2;
	s6 =	simm.s32 $0x108;
	_ =	swait.ge @!p0 [sflag:s8], $0x0  }
0x24: {  	s3 =	sadd.s32 $0x88, s3;
	s6 =	simm.s32 @!p1 $0x1082;
	[sflag:s4] =	ssyncset.s32 $0xFFFFF086  }
0x25: {  	[simem:s6], [sflag:s4] =	dma.local [hbm:s3], $0xF7A  }
0x26: {  	[smem:$0x3F9D] =	sst s1;
	(tag) =	ssettag s2;
	_ =	strace s9  }
0x27: {  	s1 =	sld [smem:$0x3FAD]  }
0x28: {  	s2 =	sld [smem:$0x3FAE]  }
0x29: {  	s4 =	sld [smem:$0x3FB0]  }
0x2a: {  	p0 =	seq.s32 s5, $0x0;
	s5 =	sld [smem:$0x3FB1]  }
0x2b: {  	s6 =	sld [smem:$0x3FB2]  }
0x2c: {  	s7 =	sld [smem:$0x3FB3]  }
0x2d: {  	s3 =	simm.s32 $0x108;
	s8 =	sld [smem:$0x3FB4]  }
0x2e: {  	s3 =	simm.s32 @!p0 $0x1082;
	s9 =	sld [smem:$0x3FB5]  }
0x2f: {  	lr =	sadd.s32 s0, s3;
	s0 =	sld [smem:$0x3FAC]  }
0x30: {  	s3 =	sld [smem:$0x3FAF]  }
0x31: {  	[smem:$0x3FB8] =	sst s10  }
0x32: {  	s10 =	sld [smem:$0x3FB6];
	_ =	sdelay $0x3  }
0x33: {  	p0 =	seq.s32 s10, $0x1;
	s10 =	sld [smem:$0x3FB8];
	_ =	sdelay $0x3  }
0x34: {  	[smem:$0x3FB8] =	sst s10  }
0x35: {  	s10 =	sld [smem:$0x3FB7];
	_ =	sdelay $0x3  }
0x36: {  	p1 =	seq.s32 s10, $0x1;
	s10 =	sld [smem:$0x3FB8];
	_ =	sdelay $0x3  }
0x37: {  	[smem:$0x3FB8] =	sst s10  }
0x38: {  	s10 =	sld [smem:$0x3FB9]  }
0x39: {  	_ = 	snop;
	(pc) =	sbr.ind lr, $3  }
0x3a: {  	_ = 	snop  }
0x3b: {  	_ = 	snop  }
0x3c: {  	p2 =	seq.s32 s10, $0x1;
	s10 =	sld [smem:$0x3FB8]  }
0x3d: {  	_ =	shalt  }
0x3e: {  	_ =	shalt  }
0x3f: {  	_ =	shalt  }
0x40: {  	_ =	shalt  }
0x41: {  	_ =	shalt  }
0x42: {  	_ =	shalt  }
0x43: {  	_ =	shalt  }
0x44: {  	_ =	shalt  }
0x45: {  	_ =	shalt  }
0x46: {  	_ =	shalt  }
0x47: {  	_ =	shalt  }
0x48: {  	_ =	shalt  }
0x49: {  	_ =	shalt  }
0x4a: {  	_ =	shalt  }
0x4b: {  	_ =	shalt  }
0x4c: {  	_ =	shalt  }
0x4d: {  	_ =	shalt  }
0x4e: {  	_ =	shalt  }
0x4f: {  	_ =	shalt  }
0x50: {  	_ =	shalt  }
0x51: {  	_ =	shalt  }
0x52: {  	_ =	shalt  }
0x53: {  	_ =	shalt  }
0x54: {  	_ =	shalt  }
0x55: {  	_ =	shalt  }
0x56: {  	_ =	shalt  }
0x57: {  	_ =	shalt  }
0x58: {  	_ =	shalt  }
0x59: {  	_ =	shalt  }
0x5a: {  	_ =	shalt  }
0x5b: {  	_ =	shalt  }
0x5c: {  	_ =	shalt  }
0x5d: {  	_ =	shalt  }
0x5e: {  	_ =	shalt  }
0x5f: {  	_ =	shalt  }
0x60: {  	_ =	shalt  }
0x61: {  	_ =	shalt  }
0x62: {  	_ =	shalt  }
0x63: {  	_ =	shalt  }
0x64: {  	_ =	shalt  }
0x65: {  	_ =	shalt  }
0x66: {  	_ =	shalt  }
0x67: {  	_ =	shalt  }
0x68: {  	_ =	shalt  }
0x69: {  	_ =	shalt  }
0x6a: {  	_ =	shalt  }
0x6b: {  	_ =	shalt  }
0x6c: {  	_ =	shalt  }
0x6d: {  	_ =	shalt  }
0x6e: {  	_ =	shalt  }
0x6f: {  	_ =	shalt  }
0x70: {  	_ =	shalt  }
0x71: {  	_ =	shalt  }
0x72: {  	_ =	shalt  }
0x73: {  	_ =	shalt  }
0x74: {  	_ =	shalt  }
0x75: {  	_ =	shalt  }
0x76: {  	_ =	shalt  }
0x77: {  	_ =	shalt  }
0x78: {  	_ =	shalt  }
0x79: {  	_ =	shalt  }
0x7a: {  	_ =	shalt  }
0x7b: {  	_ =	shalt  }
0x7c: {  	_ =	shalt  }
0x7d: {  	_ =	shalt  }
0x7e: {  	_ =	shalt  }
0x7f: {  	_ =	shalt  }
0x80: {  	_ =	shalt  }
0x81: {  	_ =	shalt  }
0x82: {  	_ =	shalt  }
0x83: {  	_ =	shalt  }
0x84: {  	_ =	shalt  }
0x85: {  	_ =	shalt  }
0x86: {  	_ =	shalt  }
0x87: {  	_ =	shalt  }
.Lfunc_end0:
.L_simem_size_0:
called_computation_lowered:
.L_overlay_start_0:
0x88: {  	s2 =	sld [smem:$0x3FD9]  }
0x89: {  	s3 =	sld [smem:$0x3FFE];
	_ =	sdelay $0x1  }
0x8a: {  	s1 =	srdreg.scid  }
0x8b: {  	s0 =	sand.u32 $0x1, s1  }
0x8c: {  	s14 =	sshll.u32 s0, $0xA;
	s2 =	sadd.s32 s3, s2  }
0x8d: {  	s2 =	sadd.s32 s2, s14  }
0x8e: {  	[smem:$0x3FC4] =	sst s2  }
0x8f: {  	_ = 	snop  }
0x90: {  	s2 =	sld [smem:$0x3FD0];
	_ =	sdelay $0x2  }
0x91: {  	s15 =	simm.s32 $0xA;
	s4 =	simm.s32 $0x10  }
0x92: {  	[smem:s4], [sflag:s15] =	dma.local [hbm:s2], $0x1  }
0x93: {  	_ =	swait.eq [sflag:s15], $0x1  }
0x94: {  	[sflag:s15] =	ssyncset.done $0x0  }
0x95: {  	s16 =	sld [smem:$0x10];
	[sflag:s15] =	ssyncadd.s32 $0xFFFFFFFF  }
0x96: {  	s17 =	sld [smem:$0x11];
	(tm) =	ssettm $0x1  }
0x97: {  	s18 =	sld [smem:$0x3FFB];
	_ =	sdelay $0x3  }
0x98: {  	_ =	strace s18  }
0x99: {  	s4 =	sld [smem:$0x3FFC];
	_ =	sdelay $0x3  }
0x9a: {  	_ =	strace s4  }
0x9b: {  	s4 =	sld [smem:$0x3FFD];
	_ =	sdelay $0x3  }
0x9c: {  	_ =	strace s4  }
0x9d: {  	_ =	strace $0x8FFFFFFF  }
0x9e: {  	s19 =	sld [smem:$0x3FDB];
	_ =	sdelay $0x1  }
0x9f: {  	s5 =	simm.s32 $_scs_section_size  }
0xa0: {  	s6 =	simm.s32 $_size__tile_overlayer_lowered;
	s7 =	simm.s32 $_tile_overlayer_lowered  }
0xa1: {  	s22 =	simm.s32 $0x1BFF;
	s21 =	sshll.u32 s7, $0x1;
	s4 =	sadd.s32 s5, s19  }
0xa2: {  	s8 =	simm.s32 $0x0;
	s20 =	sshll.u32 s6, $0x1;
	s6 =	sadd.s32 s21, s4  }
0xa3: {  	[timem:s8], [sflag:s22] =	dma.local [hbm:s6], s20  }
0xa4: {  	_ =	swait.ge [sflag:s22], s20  }
0xa5: {  	s5 =	ssub.s32 $0x0, s20;
	[sflag:s22] =	ssyncset.done $0x0  }
0xa6: {  	[sflag:s22] =	ssyncadd.s32 s5;
	_ =	sdelay $0x1  }
0xa7: {  	s23 =	simm.s32 $0x1B8B  }
0xa8: {  	_ =	swait.ge [sflag:s23], $0x1  }
0xa9: {  	[sflag:s23] =	ssyncset.done $0x0  }
0xaa: {  	s25 =	simm.s32 $0x1B8E;
	s24 =	sld [smem:$0x3FFE];
	[sflag:s23] =	ssyncadd.s32 $0xFFFFFFFF  }
0xab: {  	s26 =	simm.s32 $execute0_lowered;
	[smem:$0x3FD2] =	sst s25  }
0xac: {  	s6 =	sshll.u32 s26, $0x1;
	_ =	strace $0x80000046;
	[dreg:$0x1] =	wrdreg $0xFFFFFFFF  }
0xad: {  	s28 =	simm.s32 $_size_execute0_lowered;
	s4 =	sadd.s32 s4, s6;
	[dreg:$0x0] =	wrdreg $0x0  }
0xae: {  	s6 =	sshll.u32 s28, $0x1;
	[dreg:$0x2] =	wrdreg s4  }
0xaf: {  	[dreg:$0x3] =	wrdreg s6  }
0xb0: {  	[dreg:$0x4] =	wrdreg $0xC0  }
0xb1: {  	_ =	task [dreg:s8], $0x5FFFF  }
0xb2: {  	[dreg:$0x1] =	wrdreg $0xFFFFFFFF  }
0xb3: {  	[dreg:$0x0] =	wrdreg $0x60  }
0xb4: {  	[dreg:$0x2] =	wrdreg s24  }
0xb5: {  	[dreg:$0x3] =	wrdreg s16  }
0xb6: {  	[dreg:$0x4] =	wrdreg s17  }
0xb7: {  	[dreg:$0x5] =	wrdreg $0x9  }
0xb8: {  	_ =	task.clear_ibuf [dreg:s8], $0x6FFFF;
	_ =	strace $0x90000046  }
0xb9: {  	s29 =	simm.s32 $0x9;
	_ =	strace $0x80000048  }
0xba: {  	_ =	swait.ge [sflag:s29], $0x1  }
0xbb: {  	[sflag:s29] =	ssyncadd.s32 $0xFFFFFFFF  }
0xbc: {  	_ =	strace $0x90000048  }
0xbd: {  	_ =	sfence  }
0xbe: {  	s30 =	sld [smem:$0x0];
	_ =	sdelay $0x2  }
0xbf: {  	s31 =	sshll.u32 s1, $0xD;
	s1 =	sshrl.u32 s1, $0x2  }
0xc0: {  	s3 =	sand.u32 $0x4000, s31;
	s1 =	sadd.s32 s1, s30  }
0xc1: {  	s0 =	sor.u32 s3, s0;
	s1 =	sshll.u32 s1, $0x11  }
0xc2: {  	s0 =	sor.u32 s1, s0  }
0xc3: {  	s0 =	sadd.s32 $0x8F2B, s0  }
0xc4: {  	[sflag:s0] =	ssyncadd.remote.s32 $0x1  }
0xc5: {  	_ =	sfence.sel $0xFFFF  }
0xc6: {  	[dreg:$0x0] =	wrdreg $0xFFFFFFFF;
	(pc) =	sbr.abs _section_cstart, $3  }
0xc7: {  	[dreg:$0x1] =	wrdreg $0xFFFFFFFF  }
0xc8: {  	_ =	task.clear_ibuf [dreg:s8], $0x2FFFF;
	_ =	strace $0x9FFFFFFF  }
0xc9: {  	(tm) =	ssettm $0x7FFFFFFF  }
tec
execute0_lowered:
.L_overlay_start_1:
0x0: {  	(tag) =	ssettag $0x1  }
0x1: {  	v36 =	vlaneseq.u32  }
0x2: {  	v1 =	vadd.s32 $0xA, v36  }
0x3: {  	[tilespmem:$0x1FC70] =	vst v1;
	v1 =	vadd.s32 $0xC, v36  }
0x4: {  	[tilespmem:$0x1FC80] =	vst v1;
	v1 =	vadd.s32 $0xD, v36  }
0x5: {  	[tilespmem:$0x1FC90] =	vst v1;
	v1 =	vadd.s32 $0xE, v36  }
0x6: {  	[tilespmem:$0x1FCA0] =	vst v1;
	v1 =	vadd.s32 $0xF, v36  }
0x7: {  	[tilespmem:$0x1FCB0] =	vst v1;
	v1 =	vor.u32 $0x10, v36  }
0x8: {  	[tilespmem:$0x1FCC0] =	vst v1;
	v1 =	vadd.s32 $0x11, v36  }
0x9: {  	[tilespmem:$0x1FCD0] =	vst v1;
	v1 =	vadd.s32 $0x12, v36  }
0xa: {  	[tilespmem:$0x1FCE0] =	vst v1;
	v1 =	vadd.s32 $0x13, v36  }
0xb: {  	[tilespmem:$0x1FCF0] =	vst v1;
	v1 =	vadd.s32 $0x14, v36  }
0xc: {  	[tilespmem:$0x1FD00] =	vst v1;
	v1 =	vadd.s32 $0x15, v36  }
0xd: {  	v2 =	vimm.s32 $0x38373635;
	[tilespmem:$0x1FD10] =	vst v1;
	v1 =	vimm.s32 $0x34333231  }
0xe: {  	v35 =	vunpack.c.0.s8.s32 v2;
	v1 =	vunpack.c.0.s8.s32 v1  }
0xf: {  	vm0 =	vcmask $0x1F10  }
0x10: {  	v1 =	vsel vm0, v35, v1  }
0x11: {  	[tilespmem:$0x1FD20] =	vst v1;
	v1 =	vimm.s32 $0x3C3B3A39  }
0x12: {  	v2 =	vimm.s32 $0x35343332;
	v38 =	vunpack.c.0.s8.s32 v1;
	v1 =	vimm.s32 $0x3F3E3D  }
0x13: {  	v10 =	vunpack.c.0.s8.s32 v1;
	v1 =	vunpack.c.0.s8.s32 v2;
	v2 =	vimm.s32 $0x39383736  }
0x14: {  	v5 =	vunpack.c.0.s8.s32 v2  }
0x15: {  	v3 =	vimm.s32 $0x3A393837;
	v4 =	vimm.s32 $0x3D3C3B3A  }
0x16: {  	v32 =	vimm.s32 $0x3B3A3938;
	v2 =	vimm.s32 $0x36353433;
	v1 =	vsel vm0, v5, v1  }
0x17: {  	v3 =	vunpack.c.0.s8.s32 v3;
	v2 =	vunpack.c.0.s8.s32 v2;
	[tilespmem:$0x1FD30] =	vst v1;
	v1 =	vimm.s32 $0x1003F3E  }
0x18: {  	v42 =	vunpack.c.0.s8.s32 v4;
	v4 =	vunpack.c.0.s8.s32 v32;
	v11 =	vunpack.c.0.s8.s32 v1  }
0x19: {  	v51 =	vmovc v3;
	v1 =	vsel vm0, v3, v2;
	v2 =	vimm.s32 $0x3E3D3C3B;
	v3 =	vimm.s32 $0x3F3E3D3C  }
0x1a: {  	[tilespmem:$0x1FD40] =	vst v1;
	v1 =	vimm.s32 $0x3020100;
	v8 =	vunpack.c.0.s8.s32 v3;
	v3 =	vimm.s32 $0x37363534  }
0x1b: {  	v2 =	vunpack.c.0.s8.s32 v2;
	v1 =	vunpack.c.0.s8.s32 v1;
	v3 =	vunpack.c.0.s8.s32 v3;
	_ =	sdelay $0x1  }
0x1c: {  	[tilespmem:$0x1FD50] =	vst v2;
	v1 =	vsel vm0, v1, v8;
	v2 =	vsel vm0, v4, v3;
	v3 =	vimm.s32 $0x4030201  }
0x1d: {  	v34 =	vimm.s32 $0x5040302;
	v3 =	vunpack.c.0.s8.s32 v3;
	v1 =	vcombine.low v2, v1  }
0x1e: {  	v53 =	vmov v4;
	v4 =	vunpack.c.0.s8.s32 v34  }
0x1f: {  	v33 =	vimm.s32 $0x201003F;
	[tilespmem:$0x1FD60] =	vst v1;
	v3 =	vsel vm0, v3, v10  }
0x20: {  	s3 =	simm.s32 $0x0;
	v9 =	vunpack.c.0.s8.s32 v33;
	[tilespmem:$0x1FD70] =	vst v3;
	v3 =	vsel vm0, v4, v11  }
0x21: {  	v0 =	vmul.u32 $0x80, v36;
	[smem:$0x7FF] =	sst s3;
	[tilespmem:$0x1FD80] =	vst v3  }
0x22: {  	s0 =	rddreg [dreg:$0x0];
	_ =	strace $0x80000047;
	[tilespmem:$0x1FD90] =	vst v9  }
0x23: {  	v17 =	vadd.s32 $0x1, v36;
	[tilespmem:$0x1FDC0] =	vst v0  }
0x24: {  	v18 =	vadd.s32 $0x2, v36;
	[tilespmem:$0x1FDD0] =	vst v17  }
0x25: {  	v19 =	vadd.s32 $0x3, v36;
	[tilespmem:$0x1FDE0] =	vst v18  }
0x26: {  	v20 =	vadd.s32 $0x4, v36;
	[tilespmem:$0x1FDF0] =	vst v19  }
0x27: {  	v21 =	vadd.s32 $0x5, v36;
	[tilespmem:$0x1FE00] =	vst v20  }
0x28: {  	v22 =	vadd.s32 $0x6, v36;
	[tilespmem:$0x1FE10] =	vst v21  }
0x29: {  	v24 =	vadd.s32 $0x7, v36;
	[tilespmem:$0x1FE20] =	vst v22  }
0x2a: {  	v26 =	vadd.s32 $0x8, v36;
	[tilespmem:$0x1FE30] =	vst v24  }
0x2b: {  	v41 =	vadd.s32 $0x9, v36;
	[tilespmem:$0x1FE40] =	vst v26  }
0x2c: {  	v63 =	vadd.s32 $0xB, v36;
	[tilespmem:$0x1FE50] =	vst v41  }
0x2d: {  	v52 =	vadd.s32 $0x16, v36;
	[tilespmem:$0x1FE60] =	vst v63  }
0x2e: {  	v54 =	vadd.s32 $0x17, v36;
	[tilespmem:$0x1FE70] =	vst v52  }
0x2f: {  	v56 =	vadd.s32 $0x18, v36;
	[tilespmem:$0x1FE80] =	vst v54  }
0x30: {  	v50 =	vadd.s32 $0x19, v36;
	[tilespmem:$0x1FE90] =	vst v56  }
0x31: {  	v44 =	vadd.s32 $0x1A, v36;
	[tilespmem:$0x1FEA0] =	vst v50  }
0x32: {  	v48 =	vadd.s32 $0x1B, v36;
	[tilespmem:$0x1FEB0] =	vst v44  }
0x33: {  	v37 =	vimm.s32 $0x32107654;
	[tilespmem:$0x1FEC0] =	vst v48  }
0x34: {  	v39 =	vimm.s32 $0x43218765;
	v40 =	vimm.s32 $0x87654321;
	v49 =	vadd.s32 $0x1C, v36;
	[tilespmem:$0x1FED0] =	vst v35  }
0x35: {  	vm2 =	vcmask $0x2F10;
	v6 =	vimm.s32 $0xB0A0908;
	v43 =	vadd.s32 $0x1D, v36;
	[tilespmem:$0x1FEE0] =	vst v49  }
0x36: {  	v7 =	vimm.s32 $0x54329876;
	v45 =	vimm.s32 $0xC0B0A09;
	v46 =	vadd.s32 $0x1E, v36;
	[tilespmem:$0x1FEF0] =	vst v43  }
0x37: {  	vm1 =	vcmask $0x3F30;
	v58 =	vimm.s32 $0x6543A987;
	v59 =	vimm.s32 $0xD0C0B0A;
	[tilespmem:$0x1FF00] =	vst v46  }
0x38: {  	v61 =	vimm.s32 $0x98765432;
	v7 =	vunpack.c.l.s4.s8 v7;
	v47 =	vmovc v5;
	v5 =	vunpack.c.l.s4.s8 v40;
	[tilespmem:$0x1FF10] =	vst v38  }
0x39: {  	v62 =	vimm.s32 $0xE0D0C0B;
	v6 =	vunpack.c.0.s8.s32 v6;
	v2 =	vunpack.c.l.s4.s8 v37;
	[tilespmem:$0x1FF20] =	vst v10  }
0x3a: {  	v57 =	vunpack.c.0.s8.s32 v7;
	v7 =	vunpack.c.l.s4.s8 v58;
	v5 =	vunpack.c.0.s8.s32 v5;
	[tilespmem:$0x1FF30] =	vst v47  }
0x3b: {  	v1 =	vimm.s32 $0x6050403;
	v2 =	vunpack.c.0.s8.s32 v2;
	v4 =	vunpack.c.l.s4.s8 v39;
	[tilespmem:$0x1FF40] =	vst v51  }
0x3c: {  	v60 =	vunpack.c.0.s8.s32 v7;
	v32 =	vand.u32 $0xF, v5;
	v1 =	vunpack.c.0.s8.s32 v1;
	[tilespmem:$0x1FF50] =	vst v42  }
0x3d: {  	v55 =	vmovc v8;
	v3 =	vimm.s32 $0x76543210;
	v2 =	vand.u32 $0xF, v2;
	v4 =	vunpack.c.0.s8.s32 v4;
	[tilespmem:$0x1FF60] =	vst v11  }
0x3e: {  	s1 =	srdreg.scid;
	s11 =	stileid.u32;
	v3 =	vunpack.c.l.s4.s8 v3;
	v2 =	vsel vm2, v2, v8;
	v8 =	vunpack.c.0.s8.s32 v59;
	[tilespmem:$0x1FF70] =	vst v55  }
0x3f: {  	s14 =	simm.s32 $0x2;
	s15 =	simm.s32 $0x80;
	s17 =	simm.s32 $0x480;
	[tilespmem:$0x1FF80] =	vst v53;
	v27 =	vsel vm1, v6, v2;
	v2 =	vand.u32 $0xF, v4;
	v4 =	vunpack.c.0.s8.s32 v45  }
0x40: {  	s18 =	simm.s32 $0x300;
	s19 =	simm.s32 $0x4480;
	s20 =	simm.s32 $0x380;
	v1 =	vsel vm0, v1, v9;
	[tilespmem:$0x1FFC0] =	vst v32;
	v6 =	vand.u32 $0xF, v57;
	v2 =	vsel vm2, v2, v10  }
0x41: {  	s21 =	simm.s32 $0x8480;
	s22 =	simm.s32 $0x400;
	s23 =	simm.s32 $0xC480;
	[tilespmem:$0x1FDA0] =	vst v1;
	v1 =	vunpack.c.0.s8.s32 v3;
	v25 =	vsel vm1, v4, v2;
	v2 =	vsel vm2, v6, v11  }
0x42: {  	s24 =	simm.s32 $0x10480;
	s25 =	simm.s32 $0x1;
	s26 =	simm.s32 $0x14480;
	[tilespmem:$0x1FF90] =	vst v27;
	v6 =	vunpack.c.l.s4.s8 v61;
	v28 =	vsel vm1, v8, v2;
	v2 =	vimm.s32 $0xA9876543  }
0x43: {  	s28 =	simm.s32 $0x14500;
	s4 =	sadd.s32 $0x2A00, s0;
	s1 =	sand.u32 $0x1, s1;
	v7 =	vunpack.c.0.s8.s32 v62;
	v4 =	vand.u32 $0xF, v60;
	[tilespmem:$0x1FDB0] =	vst v1;
	v2 =	vunpack.c.l.s4.s8 v2  }
0x44: {  	s5 =	sadd.s32 $0x2200, s0;
	s6 =	sadd.s32 $0x1A00, s0;
	s2 =	ssub.s32 $0x2, s1;
	v4 =	vsel vm2, v4, v9;
	[tilespmem:$0x1FFA0] =	vst v25;
	v6 =	vunpack.c.0.s8.s32 v6  }
0x45: {  	s7 =	sadd.s32 $0x1200, s0;
	s8 =	sadd.s32 $0xA00, s0;
	s9 =	sshrl.u32 s2, $0x1;
	v23 =	vsel vm1, v7, v4;
	[tilespmem:$0x1FFB0] =	vst v28;
	v2 =	vunpack.c.0.s8.s32 v2  }
0x46: {  	s10 =	sadd.s32 $0x3200, s0;
	s30 =	sshll.u32 s11, $0x7;
	s2 =	ssub.s32 s2, s9;
	[tilespmem:$0x1FFF0] =	vst v23;
	v31 =	vand.u32 $0xF, v6  }
0x47: {  	s11 =	sadd.s32 $0x7C3200, s0;
	s1 =	sshll.u32 s1, $0x6;
	s31 =	smax.u32 s2, $0x1;
	[tilespmem:$0x1FFD0] =	vst v31;
	v30 =	vand.u32 $0xF, v2  }
0x48: {  	s12 =	sor.u32 s1, s30;
	s1 =	simm.s32 $0x0;
	[dreg:$0x4] =	wrdreg s31;
	[tilespmem:$0x1FFE0] =	vst v30  }
.LBB2_1:
0x49: {  	[dreg:$0x5] =	wrdreg s1;
	s30 =	simm.s32 $0x0  }
.LBB2_2:
0x4a: {  	s0 =	sshll.u32 s30, $0x4  }
0x4b: {  	s31 =	sadd.s32 s12, s0  }
0x4c: {  	s1 =	simm.s32 $0x0;
	s0 =	sadd.s32 s4, s31  }
0x4d: {  	[tilespmem:s1], [sflag:$0x2] =	stream.linear.gather [hbm4b:s0+s1], $0x80, $0x38;
	[tilespmem:$0x14580] =	vst v63  }
0x4e: {  	_ =	swait.ge [sflag:s14], $0x80  }
0x4f: {  	[sflag:s14] =	ssyncset.done $0x0  }
0x50: {  	s9 =	sadd.s32 s5, s31;
	[sflag:s14] =	ssyncadd.s32 $0xFFFFFF80  }
0x51: {  	[tilespmem:s15], [sflag:$0x2] =	stream.linear.gather [hbm4b:s9+s1], $0x80, $0x38;
	[tilespmem:$0x14580] =	vst v63  }
0x52: {  	_ =	swait.ge [sflag:s14], $0x80  }
0x53: {  	[sflag:s14] =	ssyncset.done $0x0  }
0x54: {  	s13 =	sadd.s32 s6, s31;
	s9 =	simm.s32 $0x100;
	[sflag:s14] =	ssyncadd.s32 $0xFFFFFF80  }
0x55: {  	[tilespmem:s9], [sflag:$0x2] =	stream.linear.gather [hbm4b:s13+s1], $0x80, $0x38;
	[tilespmem:$0x14580] =	vst v63  }
0x56: {  	_ =	swait.ge [sflag:s14], $0x80  }
0x57: {  	[sflag:s14] =	ssyncset.done $0x0  }
0x58: {  	s16 =	sadd.s32 s7, s31;
	s13 =	simm.s32 $0x180;
	[sflag:s14] =	ssyncadd.s32 $0xFFFFFF80  }
0x59: {  	[tilespmem:s13], [sflag:$0x2] =	stream.linear.gather [hbm4b:s16+s1], $0x80, $0x38;
	[tilespmem:$0x14580] =	vst v63  }
0x5a: {  	_ =	swait.ge [sflag:s14], $0x80  }
0x5b: {  	[sflag:s14] =	ssyncset.done $0x0  }
0x5c: {  	s29 =	simm.s32 $0x200;
	s2 =	sadd.s32 s8, s31;
	[sflag:s14] =	ssyncadd.s32 $0xFFFFFF80  }
0x5d: {  	[tilespmem:s29], [sflag:$0x2] =	stream.linear.gather [hbm4b:s2+s1], $0x80, $0x38;
	[tilespmem:$0x14580] =	vst v63  }
0x5e: {  	_ =	swait.ge [sflag:s14], $0x80  }
0x5f: {  	[sflag:s14] =	ssyncset.done $0x0  }
0x60: {  	[sflag:s14] =	ssyncadd.s32 $0xFFFFFF80  }
0x61: {  	v1 =	vld [tilespmem:$0x0]  }
0x62: {  	v2 =	vld [tilespmem:$0x100]  }
0x63: {  	v3 =	vld [tilespmem:$0x180]  }
0x64: {  	v4 =	vld [tilespmem:$0x200]  }
0x65: {  	v6 =	vld [tilespmem:$0x10]  }
0x66: {  	v8 =	vld [tilespmem:$0x110]  }
0x67: {  	v9 =	vld [tilespmem:$0x190]  }
0x68: {  	v56 =	vld [tilespmem:$0x210]  }
0x69: {  	v11 =	vld [tilespmem:$0x20]  }
0x6a: {  	v12 =	vld [tilespmem:$0x120]  }
0x6b: {  	v61 =	vld [tilespmem:$0x1A0];
	v5 =	vshra.s32 v1, $0x1  }
0x6c: {  	v14 =	vld [tilespmem:$0x220];
	v1 =	vand.u32 $0x7F, v1;
	v7 =	vshra.s32 v2, $0x1;
	v54 =	vshra.s32 v3, $0x1  }
0x6d: {  	v15 =	vld [tilespmem:$0x30];
	v2 =	vand.u32 $0x7F, v2;
	v3 =	vand.u32 $0x7F, v3;
	v55 =	vshra.s32 v4, $0x1  }
0x6e: {  	v31 =	vld [tilespmem:$0x130];
	v4 =	vand.u32 $0x7F, v4;
	v10 =	vshra.s32 v6, $0x1;
	v58 =	vshra.s32 v8, $0x1  }
0x6f: {  	v16 =	vld [tilespmem:$0x1B0];
	v6 =	vand.u32 $0x7F, v6;
	v8 =	vand.u32 $0x7F, v8;
	v60 =	vshra.s32 v9, $0x1  }
0x70: {  	v38 =	vld [tilespmem:$0x230];
	v9 =	vand.u32 $0x7F, v9;
	v13 =	vshra.s32 v56, $0x1;
	v28 =	vshra.s32 v11, $0x1  }
0x71: {  	v11 =	vand.u32 $0x7F, v11;
	v30 =	vshra.s32 v12, $0x1;
	v32 =	vand.u32 $0x7F, v12  }
0x72: {  	v33 =	vshra.s32 v61, $0x1;
	v34 =	vshra.s32 v14, $0x1;
	v37 =	vand.u32 $0x7F, v14  }
0x73: {  	v39 =	vshra.s32 v15, $0x1;
	v42 =	vand.u32 $0x7F, v15;
	v43 =	vshra.s32 v31, $0x1  }
0x74: {  	v51 =	vld [tilespmem:$0x240];
	v46 =	vshra.s32 v16, $0x1;
	v47 =	vand.u32 $0x7F, v31;
	v48 =	vand.u32 $0x7F, v16  }
0x75: {  	v50 =	vshra.s32 v38, $0x1;
	v52 =	vand.u32 $0x7F, v38;
	v5 =	vand.u32 $0xFFFFFF80, v5  }
0x76: {  	v40 =	vld [tilespmem:$0x40];
	v53 =	vand.u32 $0xFFFFFF80, v7;
	v7 =	vand.u32 $0xFFFFFF80, v54;
	v57 =	vand.u32 $0xFFFFFF80, v10  }
0x77: {  	v44 =	vld [tilespmem:$0x140];
	v10 =	vand.u32 $0xFFFFFF80, v58;
	v62 =	vand.u32 $0xFFFFFF80, v13;
	v1 =	vor.u32 v1, v5  }
0x78: {  	v13 =	vand.u32 $0xFFFFFF80, v28;
	v35 =	vand.u32 $0xFFFFFF80, v34;
	v2 =	vor.u32 v2, v53;
	[tilespmem:$0x280] =	vst v1  }
0x79: {  	v45 =	vand.u32 $0xFFFFFF80, v43;
	v28 =	vshra.s32 v51, $0x1;
	v3 =	vor.u32 v3, v7;
	[tilespmem:$0x300] =	vst v2  }
0x7a: {  	v5 =	vand.u32 $0xFFFFFF80, v55;
	v59 =	vor.u32 v8, v10;
	v8 =	vand.u32 $0xFFFFFF80, v60;
	[tilespmem:$0x380] =	vst v3  }
0x7b: {  	v49 =	vld [tilespmem:$0x1C0];
	v7 =	vand.u32 $0x7F, v56;
	v29 =	vor.u32 v11, v13;
	v53 =	vshra.s32 v40, $0x1;
	[tilespmem:$0x310] =	vst v59  }
0x7c: {  	v56 =	vshra.s32 v44, $0x1;
	v4 =	vor.u32 v4, v5;
	v5 =	vor.u32 v6, v57;
	[tilespmem:$0x2A0] =	vst v29  }
0x7d: {  	v8 =	vor.u32 v9, v8;
	v7 =	vor.u32 v7, v62;
	v1 =	vand.u32 $0xFFFFFF80, v30;
	[tilespmem:$0x400] =	vst v4  }
0x7e: {  	v2 =	vand.u32 $0xFFFFFF80, v33;
	v3 =	vand.u32 $0x7F, v61;
	v6 =	vand.u32 $0xFFFFFF80, v46;
	[tilespmem:$0x290] =	vst v5  }
0x7f: {  	v55 =	vand.u32 $0xFFFFFF80, v53;
	v9 =	vand.u32 $0xFFFFFF80, v56;
	v57 =	vand.u32 $0x7F, v44;
	[tilespmem:$0x390] =	vst v8  }
0x80: {  	v38 =	vld [tilespmem:$0x160];
	v59 =	vshra.s32 v49, $0x1;
	v62 =	vand.u32 $0x7F, v49;
	v1 =	vor.u32 v32, v1;
	[tilespmem:$0x410] =	vst v7  }
0x81: {  	v54 =	vld [tilespmem:$0x50];
	v30 =	vand.u32 $0xFFFFFF80, v28;
	v2 =	vor.u32 v3, v2;
	v3 =	vor.u32 v37, v35;
	[tilespmem:$0x320] =	vst v1  }
0x82: {  	v58 =	vld [tilespmem:$0x150];
	v4 =	vand.u32 $0xFFFFFF80, v39;
	v5 =	vor.u32 v47, v45;
	v6 =	vor.u32 v48, v6;
	[tilespmem:$0x3A0] =	vst v2  }
0x83: {  	v34 =	vld [tilespmem:$0x60];
	v7 =	vand.u32 $0xFFFFFF80, v50;
	v61 =	vand.u32 $0xFFFFFF80, v59;
	v32 =	vand.u32 $0x7F, v51;
	[tilespmem:$0x420] =	vst v3  }
0x84: {  	v60 =	vld [tilespmem:$0x1D0];
	v4 =	vor.u32 v42, v4;
	v1 =	vor.u32 v52, v7;
	v2 =	vand.u32 $0x7F, v40;
	[tilespmem:$0x330] =	vst v5  }
0x85: {  	v3 =	vor.u32 v57, v9;
	[tilespmem:$0x3B0] =	vst v6;
	v50 =	vshra.s32 v38, $0x1;
	v2 =	vor.u32 v2, v55  }
0x86: {  	v29 =	vld [tilespmem:$0x250];
	[tilespmem:$0x2B0] =	vst v4;
	v4 =	vor.u32 v62, v61;
	v31 =	vshra.s32 v54, $0x1;
	v33 =	vand.u32 $0x7F, v54  }
0x87: {  	v46 =	vld [tilespmem:$0x260];
	[tilespmem:$0x430] =	vst v1;
	v1 =	vor.u32 v32, v30;
	v37 =	vshra.s32 v58, $0x1;
	v39 =	vand.u32 $0x7F, v58  }
0x88: {  	v48 =	vld [tilespmem:$0x70];
	[tilespmem:$0x340] =	vst v3;
	v47 =	vshra.s32 v34, $0x1;
	v49 =	vand.u32 $0x7F, v34;
	v52 =	vand.u32 $0xFFFFFF80, v50  }
0x89: {  	v51 =	vld [tilespmem:$0x170];
	v7 =	vand.u32 $0xFFFFFF80, v31;
	[tilespmem:$0x2C0] =	vst v2;
	v2 =	vand.u32 $0xFFFFFF80, v37;
	v40 =	vshra.s32 v60, $0x1  }
0x8a: {  	v42 =	vld [tilespmem:$0x1E0];
	[tilespmem:$0x3C0] =	vst v4;
	v44 =	vand.u32 $0x7F, v60;
	v4 =	vand.u32 $0xFFFFFF80, v47;
	v35 =	vor.u32 v33, v7  }
0x8b: {  	[tilespmem:$0x440] =	vst v1;
	v2 =	vor.u32 v39, v2;
	v3 =	vand.u32 $0xFFFFFF80, v40;
	v43 =	vshra.s32 v29, $0x1  }
0x8c: {  	v45 =	vand.u32 $0x7F, v29;
	v56 =	vshra.s32 v46, $0x1;
	v58 =	vand.u32 $0x7F, v46;
	[tilespmem:$0x2D0] =	vst v35  }
0x8d: {  	v57 =	vld [tilespmem:$0x270];
	v6 =	vand.u32 $0xFFFFFF80, v43;
	v1 =	vor.u32 v44, v3;
	[tilespmem:$0x350] =	vst v2;
	v2 =	vor.u32 v49, v4  }
0x8e: {  	v55 =	vld [tilespmem:$0x1F0];
	v59 =	vshra.s32 v48, $0x1;
	v60 =	vshra.s32 v51, $0x1;
	v61 =	vand.u32 $0x7F, v51;
	[tilespmem:$0x3D0] =	vst v1  }
0x8f: {  	v3 =	vor.u32 v45, v6;
	v53 =	vshra.s32 v42, $0x1;
	v1 =	vand.u32 $0x7F, v38;
	[tilespmem:$0x2E0] =	vst v2  }
0x90: {  	v54 =	vand.u32 $0x7F, v42;
	v5 =	vand.u32 $0xFFFFFF80, v53;
	[tilespmem:$0x450] =	vst v3;
	v1 =	vor.u32 v1, v52  }
0x91: {  	v2 =	vand.u32 $0xFFFFFF80, v56;
	v4 =	vand.u32 $0xFFFFFF80, v60;
	v3 =	vor.u32 v54, v5;
	[tilespmem:$0x360] =	vst v1  }
0x92: {  	v1 =	vor.u32 v58, v2;
	v2 =	vand.u32 $0xFFFFFF80, v59;
	[tilespmem:$0x3E0] =	vst v3;
	v3 =	vand.u32 $0x7F, v48  }
0x93: {  	v62 =	vshra.s32 v57, $0x1;
	[tilespmem:$0x460] =	vst v1;
	v1 =	vor.u32 v3, v2;
	v3 =	vshra.s32 v55, $0x1  }
0x94: {  	v2 =	vor.u32 v61, v4;
	[tilespmem:$0x2F0] =	vst v1;
	v1 =	vand.u32 $0xFFFFFF80, v3;
	v3 =	vand.u32 $0x7F, v55  }
0x95: {  	[tilespmem:$0x370] =	vst v2;
	v2 =	vand.u32 $0xFFFFFF80, v62;
	v1 =	vor.u32 v3, v1;
	v3 =	vand.u32 $0x7F, v57  }
0x96: {  	[tilespmem:$0x3F0] =	vst v1;
	v1 =	vor.u32 v3, v2  }
0x97: {  	s16 =	simm.s32 $0x280;
	[tilespmem:$0x470] =	vst v1  }
0x98: {  	[tilespmem:s17], [sflag:$0x1] =	stream.indirect.gather [hbm4b:s10+s15], $0x80, s16, s15, $0xb8;
	[tilespmem:$0x14580] =	vst v63  }
0x99: {  	_ = 	snop  }
0x9a: {  	[tilespmem:s19], [sflag:$0x1] =	stream.indirect.gather [hbm4b:s10+s15], $0x80, s18, s15, $0xb8;
	[tilespmem:$0x14580] =	vst v63  }
0x9b: {  	_ = 	snop  }
0x9c: {  	[tilespmem:s21], [sflag:$0x1] =	stream.indirect.gather [hbm4b:s10+s15], $0x80, s20, s15, $0xb8;
	[tilespmem:$0x14580] =	vst v63  }
0x9d: {  	_ = 	snop  }
0x9e: {  	[tilespmem:s23], [sflag:$0x1] =	stream.indirect.gather [hbm4b:s10+s15], $0x80, s22, s15, $0xb8;
	[tilespmem:$0x14580] =	vst v63  }
0x9f: {  	_ = 	snop  }
0xa0: {  	[tilespmem:s24], [sflag:$0x1] =	stream.indirect.gather [hbm4b:s11+s15], $0x80, s15, s15, $0xb8;
	[tilespmem:$0x14580] =	vst v63  }
0xa1: {  	_ =	swait.ge [sflag:s25], $0x4000  }
0xa2: {  	[sflag:s25] =	ssyncset.done $0x0  }
0xa3: {  	[sflag:s25] =	ssyncadd.s32 $0xFFFFC000  }
0xa4: {  	_ =	swait.ge [sflag:s25], $0x4000  }
0xa5: {  	[sflag:s25] =	ssyncset.done $0x0  }
0xa6: {  	[sflag:s25] =	ssyncadd.s32 $0xFFFFC000  }
0xa7: {  	_ =	swait.ge [sflag:s25], $0x4000  }
0xa8: {  	[sflag:s25] =	ssyncset.done $0x0  }
0xa9: {  	[sflag:s25] =	ssyncadd.s32 $0xFFFFC000  }
0xaa: {  	_ =	swait.ge [sflag:s25], $0x4000  }
0xab: {  	[sflag:s25] =	ssyncset.done $0x0  }
0xac: {  	[sflag:s25] =	ssyncadd.s32 $0xFFFFC000  }
0xad: {  	_ =	swait.ge [sflag:s25], $0x4000  }
0xae: {  	s0 =	simm.s32 $0x14480;
	[sflag:s25] =	ssyncset.done $0x0  }
0xaf: {  	s2 =	simm.s32 $0x14500;
	s16 =	simm.s32 $0x0;
	[sflag:s25] =	ssyncadd.s32 $0xFFFFC000  }
.LBB2_3:
0xb0: {  	v1 =	vld [tilespmem:s1+$0x0]  }
0xb1: {  	v2 =	vld [tilespmem:s9+$0x0]  }
0xb2: {  	v3 =	vld [tilespmem:s13+$0x0];
	v5 =	vmov s16  }
0xb3: {  	v5 =	vshll.u32 v5, $0x7  }
0xb4: {  	v61 =	vor.u32 v0, v5  }
0xb5: {  	v5 =	vor.u32 v36, v61  }
0xb6: {  	v1 =	vshrl.u32 v1, $0x1;
	v2 =	vshrl.u32 v2, $0x1;
	v57 =	vor.u32 v17, v61  }
0xb7: {  	v3 =	vshrl.u32 v3, $0x1;
	v10 =	vor.u32 v18, v61;
	v2 =	vand.u32 $0x40, v2  }
0xb8: {  	v55 =	vld [tilespmem:$0x1FC70];
	v30 =	vor.u32 v20, v61;
	v3 =	vand.u32 $0x40, v3;
	v58 =	vor.u32 v61, v2  }
0xb9: {  	v4 =	vld [tilespmem:s29+$0x0];
	v1 =	vand.u32 $0x40, v1;
	v62 =	vor.u32 v61, v3;
	v2 =	vor.u32 v36, v58  }
0xba: {  	v60 =	vor.u32 v61, v1;
	v3 =	vor.u32 v36, v62;
	v8 =	vld.idx.msk [tilespmem:v5+s24+$0x0], $0xffff  }
0xbb: {  	v54 =	vor.u32 v36, v60;
	v37 =	vld.idx.msk [tilespmem:v57+s24+$0x0], $0xffff  }
0xbc: {  	v9 =	vor.u32 v17, v60;
	v52 =	vld.idx.msk [tilespmem:v10+s24+$0x0], $0xffff  }
0xbd: {  	v11 =	vor.u32 v18, v60;
	v15 =	vld.idx.msk [tilespmem:v30+s24+$0x0], $0xffff  }
0xbe: {  	v33 =	vld.idx.msk [tilespmem:v2+s19+$0x0], $0xffff;
	v2 =	vor.u32 v17, v58  }
0xbf: {  	v1 =	vshrl.u32 v4, $0x1;
	v34 =	vld.idx.msk [tilespmem:v3+s21+$0x0], $0xffff;
	v3 =	vor.u32 v17, v62  }
0xc0: {  	v13 =	vor.u32 v19, v61;
	v1 =	vand.u32 $0x40, v1;
	v29 =	vld.idx.msk [tilespmem:v54+s17+$0x0], $0xffff  }
0xc1: {  	v14 =	vor.u32 v19, v60;
	v59 =	vor.u32 v61, v1;
	v38 =	vld.idx.msk [tilespmem:v9+s17+$0x0], $0xffff  }
0xc2: {  	v35 =	vor.u32 v20, v59;
	v32 =	vld.idx.msk [tilespmem:v11+s17+$0x0], $0xffff  }
0xc3: {  	v39 =	vld.idx.msk [tilespmem:v2+s19+$0x0], $0xffff;
	v2 =	vor.u32 v18, v58  }
0xc4: {  	v47 =	vld.idx.msk [tilespmem:v3+s21+$0x0], $0xffff;
	v3 =	vor.u32 v18, v62  }
0xc5: {  	v31 =	vor.u32 v20, v60;
	v9 =	vld.idx.msk [tilespmem:v13+s24+$0x0], $0xffff  }
0xc6: {  	v40 =	vor.u32 v21, v60;
	v51 =	vld.idx.msk [tilespmem:v14+s17+$0x0], $0xffff  }
0xc7: {  	v23 =	vld.idx.msk [tilespmem:v35+s23+$0x0], $0xffff;
	v35 =	vor.u32 v24, v59  }
0xc8: {  	v46 =	vld.idx.msk [tilespmem:v2+s19+$0x0], $0xffff;
	v2 =	vor.u32 v19, v58  }
0xc9: {  	v49 =	vld.idx.msk [tilespmem:v3+s21+$0x0], $0xffff;
	v3 =	vor.u32 v19, v62  }
0xca: {  	v45 =	vor.u32 v22, v60;
	v6 =	vor.u32 v17, v59;
	v17 =	vld.idx.msk [tilespmem:v31+s17+$0x0], $0xffff  }
0xcb: {  	v4 =	vor.u32 v55, v60;
	v31 =	vld.idx.msk [tilespmem:v40+s17+$0x0], $0xffff  }
0xcc: {  	v1 =	vor.u32 v36, v59;
	v0 =	vld.idx.msk [tilespmem:v35+s23+$0x0], $0xffff  }
0xcd: {  	v57 =	vld.idx.msk [tilespmem:v2+s19+$0x0], $0xffff  }
0xce: {  	v2 =	vor.u32 v20, v58;
	v16 =	vld.idx.msk [tilespmem:v3+s21+$0x0], $0xffff;
	v3 =	vor.u32 v20, v62;
	v20 =	vor.u32 v26, v62  }
0xcf: {  	v12 =	vor.u32 v18, v59;
	v30 =	vld.idx.msk [tilespmem:v45+s17+$0x0], $0xffff  }
0xd0: {  	v43 =	vor.u32 v22, v61;
	v4 =	vld.idx.msk [tilespmem:v4+s17+$0x0], $0xffff  }
0xd1: {  	v54 =	vor.u32 v22, v59;
	v7 =	vld.idx.msk [tilespmem:v1+s23+$0x0], $0xffff  }
0xd2: {  	v13 =	vor.u32 v24, v58;
	v48 =	vld.idx.msk [tilespmem:v6+s23+$0x0], $0xffff  }
0xd3: {  	v45 =	vor.u32 v26, v59;
	[tilespmem:$0x1FBE0] =	vst v0;
	v0 =	vld.idx.msk [tilespmem:v20+s21+$0x0], $0xffff  }
0xd4: {  	v50 =	vld.idx.msk [tilespmem:v12+s23+$0x0], $0xffff;
	v12 =	vor.u32 v22, v58  }
0xd5: {  	v56 =	vor.u32 v24, v61;
	v18 =	vld.idx.msk [tilespmem:v43+s24+$0x0], $0xffff  }
0xd6: {  	v43 =	vld.idx.msk [tilespmem:v54+s23+$0x0], $0xffff  }
0xd7: {  	v11 =	vor.u32 v21, v58;
	v13 =	vld.idx.msk [tilespmem:v13+s19+$0x0], $0xffff  }
0xd8: {  	[tilespmem:$0x1FBF0] =	vst v0;
	v0 =	vld.idx.msk [tilespmem:v45+s23+$0x0], $0xffff  }
0xd9: {  	v28 =	vor.u32 v19, v59;
	v27 =	vld.idx.msk [tilespmem:v12+s19+$0x0], $0xffff  }
0xda: {  	v12 =	vld.idx.msk [tilespmem:v56+s24+$0x0], $0xffff  }
0xdb: {  	v36 =	vor.u32 v21, v61;
	v44 =	vld.idx.msk [tilespmem:v3+s21+$0x0], $0xffff  }
0xdc: {  	v42 =	vor.u32 v21, v59;
	v3 =	vor.u32 v21, v62;
	v21 =	vld.idx.msk [tilespmem:v11+s19+$0x0], $0xffff;
	v11 =	vor.u32 v24, v60  }
0xdd: {  	v40 =	vor.u32 v26, v61;
	[tilespmem:$0x1FC00] =	vst v0;
	v0 =	vld [tilespmem:$0x1FE50]  }
0xde: {  	v19 =	vld.idx.msk [tilespmem:v28+s23+$0x0], $0xffff  }
0xdf: {  	v35 =	vor.u32 v41, v58;
	v53 =	vld.idx.msk [tilespmem:v2+s19+$0x0], $0xffff  }
0xe0: {  	v56 =	vor.u32 v41, v60;
	v2 =	vld.idx.msk [tilespmem:v36+s24+$0x0], $0xffff  }
0xe1: {  	v28 =	vld.idx.msk [tilespmem:v11+s17+$0x0], $0xffff  }
0xe2: {  	v54 =	vor.u32 v41, v61;
	v11 =	vld.idx.msk [tilespmem:v40+s24+$0x0], $0xffff;
	v40 =	vor.u32 v41, v62;
	v41 =	vor.u32 v0, v59  }
0xe3: {  	v36 =	vld.idx.msk [tilespmem:v42+s23+$0x0], $0xffff;
	v42 =	vor.u32 v26, v60  }
0xe4: {  	v6 =	vld.idx.msk [tilespmem:v35+s19+$0x0], $0xffff  }
0xe5: {  	v20 =	vld.idx.msk [tilespmem:v56+s17+$0x0], $0xffff  }
0xe6: {  	v56 =	vor.u32 v63, v60;
	v25 =	vld.idx.msk [tilespmem:v3+s21+$0x0], $0xffff  }
0xe7: {  	v45 =	vor.u32 v55, v61;
	v0 =	vld.idx.msk [tilespmem:v41+s23+$0x0], $0xffff  }
0xe8: {  	v14 =	vor.u32 v26, v58;
	v26 =	vld.idx.msk [tilespmem:v42+s17+$0x0], $0xffff;
	v41 =	vor.u32 v55, v59  }
0xe9: {  	v5 =	vld.idx.msk [tilespmem:v40+s21+$0x0], $0xffff;
	v40 =	vor.u32 v55, v62  }
0xea: {  	v42 =	vld.idx.msk [tilespmem:v54+s24+$0x0], $0xffff;
	v54 =	vor.u32 v55, v58;
	v55 =	vor.u32 v63, v61  }
0xeb: {  	v56 =	vld.idx.msk [tilespmem:v56+s17+$0x0], $0xffff  }
0xec: {  	v35 =	vld.idx.msk [tilespmem:v45+s24+$0x0], $0xffff;
	[tilespmem:$0x1FC10] =	vst v0;
	v0 =	vor.u32 v63, v58  }
0xed: {  	v1 =	vld.idx.msk [tilespmem:v41+s23+$0x0], $0xffff;
	v41 =	vor.u32 v63, v59  }
0xee: {  	v3 =	vor.u32 v22, v62;
	v45 =	vld.idx.msk [tilespmem:v40+s21+$0x0], $0xffff  }
0xef: {  	v40 =	vor.u32 v63, v62;
	v63 =	vld.idx.msk [tilespmem:v55+s24+$0x0], $0xffff  }
0xf0: {  	v55 =	vld [tilespmem:$0x1FC80]  }
0xf1: {  	v0 =	vld.idx.msk [tilespmem:v0+s19+$0x0], $0xffff  }
0xf2: {  	v41 =	vld.idx.msk [tilespmem:v41+s23+$0x0], $0xffff  }
0xf3: {  	v22 =	vld.idx.msk [tilespmem:v3+s21+$0x0], $0xffff;
	v3 =	vor.u32 v24, v62  }
0xf4: {  	v14 =	vld.idx.msk [tilespmem:v14+s19+$0x0], $0xffff;
	v29 =	vadd.f32 v29, v8;
	v8 =	vadd.f32 v34, v8;
	[tilespmem:$0x1FC20] =	vst v56  }
0xf5: {  	v10 =	vld [tilespmem:$0x1FCB0];
	v34 =	vadd.f32 v38, v37;
	v32 =	vadd.f32 v32, v52;
	[tilespmem:$0x1FC30] =	vst v1;
	v56 =	vor.u32 v55, v60  }
0xf6: {  	v33 =	vsub.f32 v29, v33;
	v54 =	vld.idx.msk [tilespmem:v54+s19+$0x0], $0xffff;
	v38 =	vor.u32 v55, v62;
	[tilespmem:$0x1FC40] =	vst v0  }
0xf7: {  	v1 =	vor.u32 v55, v61;
	v0 =	vor.u32 v55, v58;
	[tilespmem:$0x1FC50] =	vst v41;
	v41 =	vor.u32 v55, v59;
	v55 =	vld [tilespmem:$0x1FC90]  }
0xf8: {  	v7 =	vsub.f32 v8, v7;
	v8 =	vsub.f32 v34, v39;
	v24 =	vld.idx.msk [tilespmem:v3+s21+$0x0], $0xffff  }
0xf9: {  	v51 =	vadd.f32 v51, v9;
	v37 =	vadd.f32 v47, v37;
	v3 =	vld [tilespmem:$0x1FD10]  }
0xfa: {  	v33 =	vand.u32 $0x7FFFFFFF, v33;
	v8 =	vand.u32 $0x7FFFFFFF, v8;
	v49 =	vadd.f32 v49, v52;
	v29 =	vld.idx.msk [tilespmem:v56+s17+$0x0], $0xffff  }
0xfb: {  	v7 =	vand.u32 $0x7FFFFFFF, v7;
	v8 =	vadd.f32 v8, v33;
	v56 =	vsub.f32 v37, v48;
	v48 =	vld.idx.msk [tilespmem:v38+s21+$0x0], $0xffff  }
0xfc: {  	v46 =	vsub.f32 v32, v46;
	v49 =	vsub.f32 v49, v50;
	v34 =	vor.u32 v55, v61;
	v47 =	vld.idx.msk [tilespmem:v0+s19+$0x0], $0xffff  }
0xfd: {  	v9 =	vadd.f32 v16, v9;
	v32 =	vand.u32 $0x7FFFFFFF, v56;
	v0 =	vor.u32 v55, v58;
	v37 =	vld.idx.msk [tilespmem:v41+s23+$0x0], $0xffff  }
0xfe: {  	v39 =	vor.u32 v55, v60;
	v38 =	vor.u32 v55, v62;
	v41 =	vor.u32 v55, v59;
	v55 =	vld [tilespmem:$0x1FCA0]  }
0xff: {  	v20 =	vadd.f32 v20, v42;
	v40 =	vld.idx.msk [tilespmem:v40+s21+$0x0], $0xffff;
	v7 =	vadd.f32 v32, v7  }
0x100: {  	v16 =	vand.u32 $0x7FFFFFFF, v49;
	v5 =	vadd.f32 v5, v42;
	v4 =	vadd.f32 v4, v35;
	v42 =	vld [tilespmem:$0x1FC10]  }
0x101: {  	v7 =	vadd.f32 v16, v7;
	v16 =	vadd.f32 v17, v15;
	v33 =	vld.idx.msk [tilespmem:v34+s24+$0x0], $0xffff  }
0x102: {  	v56 =	vand.u32 $0x7FFFFFFF, v46;
	v17 =	vsub.f32 v9, v19;
	v9 =	vadd.f32 v44, v15;
	v46 =	vld.idx.msk [tilespmem:v0+s19+$0x0], $0xffff  }
0x103: {  	v4 =	vsub.f32 v4, v54;
	v34 =	vor.u32 v55, v60;
	v0 =	vld.idx.msk [tilespmem:v41+s23+$0x0], $0xffff  }
0x104: {  	v54 =	vld [tilespmem:$0x1FC30];
	v17 =	vand.u32 $0x7FFFFFFF, v17;
	v19 =	vsub.f32 v9, v23;
	v50 =	vor.u32 v55, v58  }
0x105: {  	v9 =	vld [tilespmem:$0x1FCC0];
	v7 =	vadd.f32 v17, v7;
	v17 =	vadd.f32 v31, v2;
	v31 =	vor.u32 v10, v59  }
0x106: {  	v51 =	vsub.f32 v51, v57;
	v52 =	vor.u32 v55, v61;
	v32 =	vld.idx.msk [tilespmem:v39+s17+$0x0], $0xffff  }
0x107: {  	v8 =	vadd.f32 v56, v8;
	v39 =	vld.idx.msk [tilespmem:v38+s21+$0x0], $0xffff;
	v41 =	vor.u32 v55, v59  }
0x108: {  	v56 =	vand.u32 $0x7FFFFFFF, v51;
	[tilespmem:$0x1FC60] =	vst v0;
	v0 =	vld.idx.msk [tilespmem:v34+s17+$0x0], $0xffff;
	v34 =	vor.u32 v10, v60  }
0x109: {  	v8 =	vadd.f32 v56, v8;
	v56 =	vld.idx.msk [tilespmem:v50+s19+$0x0], $0xffff;
	v50 =	vor.u32 v10, v58  }
0x10a: {  	v16 =	vsub.f32 v16, v53;
	v57 =	vor.u32 v55, v62;
	v55 =	vld.idx.msk [tilespmem:v31+s23+$0x0], $0xffff  }
0x10b: {  	v38 =	vld.idx.msk [tilespmem:v52+s24+$0x0], $0xffff  }
0x10c: {  	v49 =	vor.u32 v10, v61;
	v16 =	vand.u32 $0x7FFFFFFF, v16;
	v44 =	vld.idx.msk [tilespmem:v41+s23+$0x0], $0xffff  }
0x10d: {  	v8 =	vadd.f32 v16, v8;
	v52 =	vor.u32 v10, v62;
	v10 =	vsub.f32 v17, v21;
	v21 =	vld.idx.msk [tilespmem:v34+s17+$0x0], $0xffff  }
0x10e: {  	v31 =	vor.u32 v9, v59;
	v41 =	vor.u32 v9, v61;
	v17 =	vand.u32 $0x7FFFFFFF, v19;
	v16 =	vld.idx.msk [tilespmem:v50+s19+$0x0], $0xffff  }
0x10f: {  	v19 =	vor.u32 v9, v58;
	v34 =	vor.u32 v9, v60;
	v50 =	vor.u32 v9, v62;
	v9 =	vld [tilespmem:$0x1FCD0]  }
0x110: {  	v1 =	vld.idx.msk [tilespmem:v1+s24+$0x0], $0xffff  }
0x111: {  	v30 =	vadd.f32 v30, v18;
	v18 =	vadd.f32 v22, v18;
	v53 =	vld.idx.msk [tilespmem:v49+s24+$0x0], $0xffff  }
0x112: {  	v2 =	vadd.f32 v25, v2;
	v57 =	vld.idx.msk [tilespmem:v57+s21+$0x0], $0xffff  }
0x113: {  	v30 =	vsub.f32 v30, v27;
	v43 =	vsub.f32 v18, v43;
	v49 =	vand.u32 $0x7FFFFFFF, v10;
	v10 =	vld [tilespmem:$0x1FC40]  }
0x114: {  	v23 =	vsub.f32 v2, v36;
	v7 =	vadd.f32 v17, v7;
	v17 =	vld.idx.msk [tilespmem:v52+s21+$0x0], $0xffff;
	v52 =	vor.u32 v9, v60  }
0x115: {  	v8 =	vadd.f32 v49, v8;
	v18 =	vld.idx.msk [tilespmem:v31+s23+$0x0], $0xffff  }
0x116: {  	v30 =	vand.u32 $0x7FFFFFFF, v30;
	v25 =	vand.u32 $0x7FFFFFFF, v43;
	v23 =	vand.u32 $0x7FFFFFFF, v23;
	v2 =	vld.idx.msk [tilespmem:v41+s24+$0x0], $0xffff  }
0x117: {  	v7 =	vadd.f32 v23, v7;
	v22 =	vld.idx.msk [tilespmem:v19+s19+$0x0], $0xffff;
	v8 =	vadd.f32 v30, v8;
	v41 =	vor.u32 v9, v61  }
0x118: {  	v19 =	vor.u32 v9, v58;
	v49 =	vor.u32 v9, v62;
	v30 =	vor.u32 v9, v59;
	v9 =	vld [tilespmem:$0x1FCE0]  }
0x119: {  	v7 =	vadd.f32 v25, v7;
	v25 =	vld.idx.msk [tilespmem:v52+s17+$0x0], $0xffff  }
0x11a: {  	v52 =	vld [tilespmem:$0x1FBE0]  }
0x11b: {  	v27 =	vld.idx.msk [tilespmem:v34+s17+$0x0], $0xffff  }
0x11c: {  	v23 =	vld.idx.msk [tilespmem:v50+s21+$0x0], $0xffff  }
0x11d: {  	v28 =	vadd.f32 v28, v12;
	v24 =	vadd.f32 v24, v12;
	v50 =	vld [tilespmem:$0x1FBF0]  }
0x11e: {  	v12 =	vld.idx.msk [tilespmem:v41+s24+$0x0], $0xffff  }
0x11f: {  	v28 =	vsub.f32 v28, v13;
	v34 =	vor.u32 v9, v60;
	v13 =	vsub.f32 v24, v52;
	v24 =	vld.idx.msk [tilespmem:v19+s19+$0x0], $0xffff  }
0x120: {  	v41 =	vor.u32 v9, v58;
	v19 =	vld.idx.msk [tilespmem:v49+s21+$0x0], $0xffff  }
0x121: {  	v52 =	vld [tilespmem:$0x1FCF0];
	v49 =	vand.u32 $0x7FFFFFFF, v13  }
0x122: {  	v26 =	vadd.f32 v26, v11;
	v31 =	vor.u32 v9, v61;
	v7 =	vadd.f32 v49, v7;
	v49 =	vld [tilespmem:$0x1FC00]  }
0x123: {  	v28 =	vand.u32 $0x7FFFFFFF, v28;
	v15 =	vadd.f32 v0, v38;
	v0 =	vld [tilespmem:$0x1FC60];
	v43 =	vor.u32 v9, v62  }
0x124: {  	v8 =	vadd.f32 v28, v8;
	v28 =	vld.idx.msk [tilespmem:v34+s17+$0x0], $0xffff  }
0x125: {  	v26 =	vsub.f32 v26, v14;
	v51 =	vadd.f32 v50, v11;
	v14 =	vld.idx.msk [tilespmem:v41+s19+$0x0], $0xffff  }
0x126: {  	v13 =	vld.idx.msk [tilespmem:v30+s23+$0x0], $0xffff;
	v30 =	vor.u32 v9, v59  }
0x127: {  	v26 =	vand.u32 $0x7FFFFFFF, v26;
	v9 =	vld.idx.msk [tilespmem:v31+s24+$0x0], $0xffff;
	v31 =	vor.u32 v52, v61;
	v50 =	vsub.f32 v51, v49  }
0x128: {  	v8 =	vadd.f32 v26, v8;
	v26 =	vsub.f32 v20, v6;
	v20 =	vld.idx.msk [tilespmem:v43+s21+$0x0], $0xffff;
	v34 =	vor.u32 v52, v60  }
0x129: {  	v36 =	vor.u32 v52, v62;
	v51 =	vand.u32 $0x7FFFFFFF, v50;
	v50 =	vld [tilespmem:$0x1FD00]  }
0x12a: {  	v41 =	vor.u32 v52, v58;
	v43 =	vadd.f32 v51, v7;
	v51 =	vld [tilespmem:$0x1FC20]  }
0x12b: {  	v6 =	vld.idx.msk [tilespmem:v30+s23+$0x0], $0xffff;
	v49 =	vor.u32 v52, v59  }
0x12c: {  	v35 =	vadd.f32 v45, v35;
	v52 =	vand.u32 $0x7FFFFFFF, v26;
	v26 =	vsub.f32 v5, v42;
	v5 =	vld.idx.msk [tilespmem:v31+s24+$0x0], $0xffff  }
0x12d: {  	v4 =	vand.u32 $0x7FFFFFFF, v4;
	v42 =	vld.idx.msk [tilespmem:v34+s17+$0x0], $0xffff  }
0x12e: {  	v35 =	vsub.f32 v35, v54;
	v8 =	vadd.f32 v52, v8;
	v30 =	vld.idx.msk [tilespmem:v36+s21+$0x0], $0xffff;
	v31 =	vor.u32 v50, v61  }
0x12f: {  	v26 =	vand.u32 $0x7FFFFFFF, v26;
	v7 =	vld.idx.msk [tilespmem:v41+s19+$0x0], $0xffff;
	v34 =	vor.u32 v50, v60;
	v52 =	vadd.f32 v51, v63  }
0x130: {  	v35 =	vand.u32 $0x7FFFFFFF, v35;
	v26 =	vadd.f32 v26, v43;
	v36 =	vld.idx.msk [tilespmem:v49+s23+$0x0], $0xffff;
	v45 =	vor.u32 v50, v58  }
0x131: {  	v49 =	vor.u32 v50, v59;
	v51 =	vadd.f32 v40, v63;
	v63 =	vld [tilespmem:$0x1FE60];
	v11 =	vsub.f32 v52, v10  }
0x132: {  	v43 =	vor.u32 v50, v62;
	v52 =	vadd.f32 v35, v26;
	v26 =	vadd.f32 v29, v1;
	v29 =	vld [tilespmem:$0x1FC50]  }
0x133: {  	v8 =	vadd.f32 v4, v8;
	v4 =	vld.idx.msk [tilespmem:v31+s24+$0x0], $0xffff  }
0x134: {  	v41 =	vld.idx.msk [tilespmem:v34+s17+$0x0], $0xffff  }
0x135: {  	v31 =	vor.u32 v3, v61;
	v40 =	vld.idx.msk [tilespmem:v45+s19+$0x0], $0xffff;
	v54 =	vand.u32 $0x7FFFFFFF, v11  }
0x136: {  	v34 =	vor.u32 v3, v60;
	v54 =	vadd.f32 v54, v8;
	v8 =	vsub.f32 v26, v47;
	v26 =	vld.idx.msk [tilespmem:v49+s23+$0x0], $0xffff  }
0x137: {  	v45 =	vor.u32 v3, v58;
	v50 =	vsub.f32 v51, v29;
	v29 =	vld.idx.msk [tilespmem:v43+s21+$0x0], $0xffff  }
0x138: {  	v47 =	vor.u32 v3, v59;
	v51 =	vor.u32 v3, v62;
	v3 =	vld [tilespmem:$0x1FE70];
	v49 =	vand.u32 $0x7FFFFFFF, v8  }
0x139: {  	v32 =	vadd.f32 v32, v33;
	v11 =	vadd.f32 v49, v54;
	v54 =	vld [tilespmem:$0x1FE80]  }
0x13a: {  	v39 =	vadd.f32 v39, v33;
	v1 =	vadd.f32 v48, v1;
	v35 =	vld.idx.msk [tilespmem:v31+s24+$0x0], $0xffff  }
0x13b: {  	v32 =	vsub.f32 v32, v46;
	v43 =	vld.idx.msk [tilespmem:v34+s17+$0x0], $0xffff  }
0x13c: {  	v0 =	vsub.f32 v39, v0;
	v1 =	vsub.f32 v1, v37;
	v50 =	vand.u32 $0x7FFFFFFF, v50;
	v8 =	vld.idx.msk [tilespmem:v45+s19+$0x0], $0xffff  }
0x13d: {  	v32 =	vand.u32 $0x7FFFFFFF, v32;
	v45 =	vsub.f32 v15, v56;
	v56 =	vld [tilespmem:$0x1FE90];
	v48 =	vadd.f32 v50, v52  }
0x13e: {  	v21 =	vadd.f32 v21, v53;
	v1 =	vand.u32 $0x7FFFFFFF, v1;
	v52 =	vld [tilespmem:$0x1FE70];
	v31 =	vor.u32 v3, v61  }
0x13f: {  	v0 =	vand.u32 $0x7FFFFFFF, v0;
	v33 =	vld.idx.msk [tilespmem:v47+s23+$0x0], $0xffff;
	v48 =	vadd.f32 v1, v48;
	v39 =	vor.u32 v54, v60  }
0x140: {  	v42 =	vadd.f32 v42, v5;
	v46 =	vld.idx.msk [tilespmem:v51+s21+$0x0], $0xffff;
	v3 =	vadd.f32 v20, v9;
	v50 =	vor.u32 v54, v58  }
0x141: {  	v32 =	vadd.f32 v32, v11;
	v0 =	vadd.f32 v0, v48;
	v48 =	vld [tilespmem:$0x1FEC0]  }
0x142: {  	v11 =	vor.u32 v56, v61;
	v3 =	vsub.f32 v3, v6;
	v6 =	vsub.f32 v42, v7;
	v42 =	vld [tilespmem:$0x1FF20]  }
0x143: {  	v34 =	vor.u32 v52, v60;
	v1 =	vld.idx.msk [tilespmem:v31+s24+$0x0], $0xffff  }
0x144: {  	v16 =	vsub.f32 v21, v16;
	v45 =	vand.u32 $0x7FFFFFFF, v45;
	v10 =	vor.u32 v52, v58;
	v21 =	vld.idx.msk [tilespmem:v39+s17+$0x0], $0xffff  }
0x145: {  	v32 =	vadd.f32 v45, v32;
	v49 =	vor.u32 v52, v62;
	v45 =	vld.idx.msk [tilespmem:v50+s19+$0x0], $0xffff  }
0x146: {  	v52 =	vor.u32 v52, v59;
	v50 =	vld [tilespmem:$0x1FEA0]  }
0x147: {  	v11 =	vld.idx.msk [tilespmem:v11+s24+$0x0], $0xffff  }
0x148: {  	v31 =	vor.u32 v54, v61;
	v34 =	vld.idx.msk [tilespmem:v34+s17+$0x0], $0xffff  }
0x149: {  	v37 =	vld.idx.msk [tilespmem:v10+s19+$0x0], $0xffff;
	v10 =	vadd.f32 v57, v38;
	v38 =	vor.u32 v54, v62  }
0x14a: {  	v17 =	vadd.f32 v17, v53;
	v15 =	vld.idx.msk [tilespmem:v49+s21+$0x0], $0xffff;
	v57 =	vor.u32 v54, v59  }
0x14b: {  	v51 =	vld.idx.msk [tilespmem:v52+s23+$0x0], $0xffff;
	v52 =	vor.u32 v56, v60  }
0x14c: {  	v17 =	vsub.f32 v17, v55;
	v54 =	vor.u32 v56, v62;
	v49 =	vld [tilespmem:$0x1FEE0]  }
0x14d: {  	v27 =	vadd.f32 v27, v2;
	v44 =	vsub.f32 v10, v44;
	v10 =	vld.idx.msk [tilespmem:v31+s24+$0x0], $0xffff  }
0x14e: {  	v16 =	vand.u32 $0x7FFFFFFF, v16;
	v2 =	vadd.f32 v23, v2;
	v53 =	vor.u32 v56, v58;
	v38 =	vld.idx.msk [tilespmem:v38+s21+$0x0], $0xffff  }
0x14f: {  	v17 =	vand.u32 $0x7FFFFFFF, v17;
	v22 =	vsub.f32 v27, v22;
	v27 =	vor.u32 v50, v61;
	v47 =	vld.idx.msk [tilespmem:v57+s23+$0x0], $0xffff  }
0x150: {  	v2 =	vsub.f32 v2, v18;
	v44 =	vand.u32 $0x7FFFFFFF, v44;
	v57 =	vor.u32 v56, v59;
	v23 =	vld.idx.msk [tilespmem:v52+s17+$0x0], $0xffff  }
0x151: {  	v22 =	vand.u32 $0x7FFFFFFF, v22;
	v0 =	vadd.f32 v44, v0;
	v52 =	vor.u32 v50, v60;
	v18 =	vld.idx.msk [tilespmem:v54+s21+$0x0], $0xffff  }
0x152: {  	v5 =	vadd.f32 v30, v5;
	v16 =	vadd.f32 v16, v32;
	v54 =	vld [tilespmem:$0x1FEB0];
	v44 =	vor.u32 v48, v60  }
0x153: {  	v55 =	vor.u32 v50, v62;
	v0 =	vadd.f32 v17, v0;
	v17 =	vadd.f32 v25, v12;
	v25 =	vld.idx.msk [tilespmem:v53+s19+$0x0], $0xffff  }
0x154: {  	v5 =	vsub.f32 v5, v36;
	v53 =	vor.u32 v50, v58;
	v12 =	vadd.f32 v19, v12;
	v19 =	vld.idx.msk [tilespmem:v27+s24+$0x0], $0xffff  }
0x155: {  	v2 =	vand.u32 $0x7FFFFFFF, v2;
	v16 =	vadd.f32 v22, v16;
	v17 =	vsub.f32 v17, v24;
	v22 =	vld.idx.msk [tilespmem:v57+s23+$0x0], $0xffff  }
0x156: {  	v24 =	vor.u32 v50, v59;
	v0 =	vadd.f32 v2, v0;
	v2 =	vadd.f32 v28, v9;
	v28 =	vld.idx.msk [tilespmem:v52+s17+$0x0], $0xffff  }
0x157: {  	v12 =	vsub.f32 v12, v13;
	v27 =	vor.u32 v54, v61;
	v52 =	vadd.f32 v41, v4;
	v39 =	vld.idx.msk [tilespmem:v44+s17+$0x0], $0xffff  }
0x158: {  	v56 =	vor.u32 v54, v60;
	v4 =	vadd.f32 v29, v4;
	v2 =	vsub.f32 v2, v14;
	v14 =	vld.idx.msk [tilespmem:v55+s21+$0x0], $0xffff  }
0x159: {  	v3 =	vand.u32 $0x7FFFFFFF, v3;
	v50 =	vor.u32 v48, v58;
	v57 =	vor.u32 v54, v58;
	v13 =	vld.idx.msk [tilespmem:v53+s19+$0x0], $0xffff  }
0x15a: {  	v12 =	vand.u32 $0x7FFFFFFF, v12;
	v4 =	vsub.f32 v4, v26;
	v26 =	vadd.f32 v46, v35;
	v46 =	vld [tilespmem:$0x1FF00]  }
0x15b: {  	v17 =	vand.u32 $0x7FFFFFFF, v17;
	v55 =	vor.u32 v49, v58;
	v0 =	vadd.f32 v12, v0;
	v20 =	vld.idx.msk [tilespmem:v24+s23+$0x0], $0xffff  }
0x15c: {  	v16 =	vadd.f32 v17, v16;
	v17 =	vor.u32 v54, v62;
	v9 =	vand.u32 $0x7FFFFFFF, v2;
	v2 =	vld.idx.msk [tilespmem:v27+s24+$0x0], $0xffff  }
0x15d: {  	v5 =	vand.u32 $0x7FFFFFFF, v5;
	v23 =	vadd.f32 v23, v11;
	v0 =	vadd.f32 v3, v0;
	v31 =	vld.idx.msk [tilespmem:v56+s17+$0x0], $0xffff  }
0x15e: {  	v11 =	vadd.f32 v18, v11;
	v53 =	vor.u32 v48, v59;
	v12 =	vadd.f32 v9, v16;
	v16 =	vld.idx.msk [tilespmem:v57+s19+$0x0], $0xffff  }
0x15f: {  	v24 =	vor.u32 v54, v59;
	v3 =	vand.u32 $0x7FFFFFFF, v6;
	v0 =	vadd.f32 v5, v0;
	v5 =	vld.idx.msk [tilespmem:v50+s19+$0x0], $0xffff  }
0x160: {  	v32 =	vsub.f32 v52, v40;
	v54 =	vor.u32 v49, v60;
	v3 =	vadd.f32 v3, v12;
	v12 =	vld.idx.msk [tilespmem:v55+s19+$0x0], $0xffff  }
0x161: {  	v23 =	vsub.f32 v23, v25;
	v9 =	vadd.f32 v43, v35;
	v4 =	vand.u32 $0x7FFFFFFF, v4;
	v7 =	vld.idx.msk [tilespmem:v17+s21+$0x0], $0xffff  }
0x162: {  	v26 =	vsub.f32 v26, v33;
	v27 =	vor.u32 v48, v61;
	v17 =	vor.u32 v48, v62;
	v48 =	vld [tilespmem:$0x1FEF0]  }
0x163: {  	v56 =	vand.u32 $0x7FFFFFFF, v32;
	v11 =	vsub.f32 v11, v22;
	v22 =	vadd.f32 v28, v19;
	v32 =	vld.idx.msk [tilespmem:v53+s23+$0x0], $0xffff  }
0x164: {  	v57 =	vor.u32 v49, v62;
	v8 =	vsub.f32 v9, v8;
	v53 =	vadd.f32 v34, v1;
	v24 =	vld.idx.msk [tilespmem:v24+s23+$0x0], $0xffff  }
0x165: {  	v50 =	vor.u32 v49, v59;
	v1 =	vadd.f32 v15, v1;
	v15 =	vadd.f32 v21, v10;
	v34 =	vld.idx.msk [tilespmem:v54+s17+$0x0], $0xffff  }
0x166: {  	v26 =	vand.u32 $0x7FFFFFFF, v26;
	v10 =	vadd.f32 v38, v10;
	v30 =	vsub.f32 v53, v37;
	v53 =	vld [tilespmem:$0x1FF60]  }
0x167: {  	v40 =	vor.u32 v46, v60;
	v3 =	vadd.f32 v56, v3;
	v1 =	vsub.f32 v1, v51;
	v51 =	vld [tilespmem:$0x1FD30]  }
0x168: {  	v44 =	vsub.f32 v15, v45;
	v45 =	vlaneseq.u32;
	v6 =	vld.idx.msk [tilespmem:v27+s24+$0x0], $0xffff;
	v27 =	vor.u32 v49, v61  }
0x169: {  	v0 =	vadd.f32 v4, v0;
	v29 =	vld.idx.msk [tilespmem:v57+s21+$0x0], $0xffff;
	v57 =	vor.u32 v46, v61;
	v38 =	vadd.s32 $0x1F, v45  }
0x16a: {  	v8 =	vand.u32 $0x7FFFFFFF, v8;
	v10 =	vsub.f32 v10, v47;
	v4 =	vld.idx.msk [tilespmem:v50+s23+$0x0], $0xffff;
	v47 =	vor.u32 v38, v60  }
0x16b: {  	v3 =	vadd.f32 v8, v3;
	v0 =	vadd.f32 v26, v0;
	v49 =	vor.u32 v38, v62;
	v17 =	vld.idx.msk [tilespmem:v17+s21+$0x0], $0xffff  }
0x16c: {  	v31 =	vadd.f32 v31, v2;
	v30 =	vand.u32 $0x7FFFFFFF, v30;
	v50 =	vor.u32 v38, v59;
	v40 =	vld.idx.msk [tilespmem:v40+s17+$0x0], $0xffff  }
0x16d: {  	v1 =	vand.u32 $0x7FFFFFFF, v1;
	v9 =	vand.u32 $0x7FFFFFFF, v44;
	v52 =	vor.u32 v48, v61;
	v27 =	vld.idx.msk [tilespmem:v27+s24+$0x0], $0xffff  }
0x16e: {  	v10 =	vand.u32 $0x7FFFFFFF, v10;
	v44 =	vadd.f32 v14, v19;
	v54 =	vor.u32 v48, v60;
	v36 =	vld.idx.msk [tilespmem:v57+s24+$0x0], $0xffff  }
0x16f: {  	v55 =	vor.u32 v48, v58;
	v37 =	vor.u32 v48, v62;
	v0 =	vadd.f32 v1, v0;
	v28 =	vld.idx.msk [tilespmem:v47+s17+$0x0], $0xffff  }
0x170: {  	v56 =	vor.u32 v48, v59;
	v3 =	vadd.f32 v30, v3;
	v2 =	vadd.f32 v7, v2;
	v19 =	vld.idx.msk [tilespmem:v49+s21+$0x0], $0xffff  }
0x171: {  	v48 =	vor.u32 v38, v58;
	v0 =	vadd.f32 v10, v0;
	v10 =	vsub.f32 v44, v20;
	v20 =	vld.idx.msk [tilespmem:v50+s23+$0x0], $0xffff  }
0x172: {  	v43 =	vlaneseq.u32;
	v11 =	vand.u32 $0x7FFFFFFF, v11;
	v13 =	vsub.f32 v22, v13;
	v35 =	vld.idx.msk [tilespmem:v52+s24+$0x0], $0xffff  }
0x173: {  	v30 =	vor.u32 v46, v58;
	v1 =	vadd.f32 v9, v3;
	v2 =	vsub.f32 v2, v24;
	v21 =	vld.idx.msk [tilespmem:v54+s17+$0x0], $0xffff  }
0x174: {  	v0 =	vadd.f32 v11, v0;
	v49 =	vand.u32 $0x7FFFFFFF, v13;
	v26 =	vld.idx.msk [tilespmem:v55+s19+$0x0], $0xffff;
	v54 =	vor.u32 v46, v62  }
0x175: {  	v10 =	vand.u32 $0x7FFFFFFF, v10;
	v15 =	vld.idx.msk [tilespmem:v37+s21+$0x0], $0xffff;
	v55 =	vor.u32 v46, v59;
	v52 =	vlaneseq.u32  }
0x176: {  	v46 =	vor.u32 v38, v61;
	v9 =	vld.idx.msk [tilespmem:v48+s19+$0x0], $0xffff;
	v48 =	vlaneseq.u32;
	v37 =	vor.u32 $0x20, v52  }
0x177: {  	v2 =	vand.u32 $0x7FFFFFFF, v2;
	v8 =	vld.idx.msk [tilespmem:v56+s23+$0x0], $0xffff;
	v33 =	vadd.s32 $0x21, v48;
	v56 =	vor.u32 v37, v60  }
0x178: {  	v3 =	vld.idx.msk [tilespmem:v30+s19+$0x0], $0xffff;
	v0 =	vadd.f32 v10, v0;
	v48 =	vlaneseq.u32;
	v22 =	vor.u32 v37, v62  }
0x179: {  	v47 =	vor.u32 v37, v59;
	v52 =	vor.u32 v33, v60;
	v34 =	vadd.f32 v34, v27;
	v25 =	vld.idx.msk [tilespmem:v54+s21+$0x0], $0xffff  }
0x17a: {  	v50 =	vor.u32 v33, v61;
	v0 =	vadd.f32 v2, v0;
	v18 =	vld.idx.msk [tilespmem:v55+s23+$0x0], $0xffff;
	v54 =	vand.u32 $0x7FFFFFFF, v23  }
0x17b: {  	v23 =	vld.idx.msk [tilespmem:v46+s24+$0x0], $0xffff;
	v55 =	vor.u32 v37, v61;
	v12 =	vsub.f32 v34, v12;
	v21 =	vadd.f32 v21, v35  }
0x17c: {  	v46 =	vor.u32 v37, v58;
	v15 =	vadd.f32 v15, v35;
	v1 =	vadd.f32 v54, v1;
	v38 =	vld.idx.msk [tilespmem:v56+s17+$0x0], $0xffff  }
0x17d: {  	v54 =	vor.u32 v33, v58;
	v7 =	vld.idx.msk [tilespmem:v22+s21+$0x0], $0xffff;
	v22 =	vadd.f32 v39, v6;
	v56 =	vor.u32 v33, v59  }
0x17e: {  	v6 =	vadd.f32 v17, v6;
	v17 =	vld.idx.msk [tilespmem:v52+s17+$0x0], $0xffff;
	v39 =	vadd.s32 $0x23, v48;
	v52 =	vadd.f32 v29, v27  }
0x17f: {  	v45 =	vld [tilespmem:$0x1FF40];
	v12 =	vand.u32 $0x7FFFFFFF, v12;
	v8 =	vsub.f32 v15, v8;
	v15 =	vadd.f32 v40, v36  }
0x180: {  	v57 =	vld [tilespmem:$0x1FF50];
	v48 =	vlaneseq.u32;
	v1 =	vadd.f32 v49, v1;
	v49 =	vor.u32 v39, v61  }
0x181: {  	v24 =	vld.idx.msk [tilespmem:v50+s24+$0x0], $0xffff;
	v50 =	vor.u32 v39, v60;
	v27 =	vor.u32 v39, v58;
	v5 =	vsub.f32 v22, v5  }
0x182: {  	v30 =	vld.idx.msk [tilespmem:v47+s23+$0x0], $0xffff;
	v6 =	vsub.f32 v6, v32;
	v4 =	vsub.f32 v52, v4;
	v8 =	vand.u32 $0x7FFFFFFF, v8  }
0x183: {  	v3 =	vsub.f32 v15, v3;
	v13 =	vld.idx.msk [tilespmem:v55+s24+$0x0], $0xffff;
	v55 =	vsub.f32 v31, v16;
	v16 =	vor.u32 v33, v62  }
0x184: {  	v10 =	vld.idx.msk [tilespmem:v46+s19+$0x0], $0xffff;
	v33 =	vadd.s32 $0x22, v43;
	v25 =	vadd.f32 v25, v36;
	v28 =	vadd.f32 v28, v23  }
0x185: {  	v19 =	vadd.f32 v19, v23;
	v44 =	vor.u32 v33, v61;
	v22 =	vor.u32 v33, v60;
	v11 =	vld.idx.msk [tilespmem:v54+s19+$0x0], $0xffff  }
0x186: {  	v46 =	vor.u32 v33, v58;
	v54 =	vor.u32 v39, v62;
	v14 =	vand.u32 $0x7FFFFFFF, v55;
	v31 =	vld.idx.msk [tilespmem:v56+s23+$0x0], $0xffff  }
0x187: {  	v55 =	vor.u32 v39, v59;
	v39 =	vsub.f32 v21, v26;
	v1 =	vadd.f32 v14, v1;
	v26 =	vld.idx.msk [tilespmem:v50+s17+$0x0], $0xffff  }
0x188: {  	v5 =	vand.u32 $0x7FFFFFFF, v5;
	v47 =	vor.u32 v33, v62;
	v33 =	vor.u32 v33, v59;
	v16 =	vld.idx.msk [tilespmem:v16+s21+$0x0], $0xffff  }
0x189: {  	v6 =	vand.u32 $0x7FFFFFFF, v6;
	v4 =	vand.u32 $0x7FFFFFFF, v4;
	v1 =	vadd.f32 v5, v1;
	v5 =	vld.idx.msk [tilespmem:v49+s24+$0x0], $0xffff  }
0x18a: {  	v3 =	vand.u32 $0x7FFFFFFF, v3;
	v0 =	vadd.f32 v6, v0;
	v23 =	vadd.f32 v38, v13;
	v38 =	vld [tilespmem:$0x1FF10]  }
0x18b: {  	v56 =	vlaneseq.u32;
	v18 =	vsub.f32 v25, v18;
	v9 =	vsub.f32 v28, v9;
	v2 =	vld.idx.msk [tilespmem:v44+s24+$0x0], $0xffff  }
0x18c: {  	v19 =	vsub.f32 v19, v20;
	v17 =	vadd.f32 v17, v24;
	v37 =	vadd.s32 $0x24, v56;
	v22 =	vld.idx.msk [tilespmem:v22+s17+$0x0], $0xffff  }
0x18d: {  	v21 =	vor.u32 v37, v61;
	v43 =	vor.u32 v37, v60;
	v0 =	vadd.f32 v4, v0;
	v14 =	vld.idx.msk [tilespmem:v46+s19+$0x0], $0xffff  }
0x18e: {  	v18 =	vand.u32 $0x7FFFFFFF, v18;
	v9 =	vand.u32 $0x7FFFFFFF, v9;
	v19 =	vand.u32 $0x7FFFFFFF, v19;
	v29 =	vld.idx.msk [tilespmem:v47+s21+$0x0], $0xffff  }
0x18f: {  	v7 =	vadd.f32 v7, v13;
	v6 =	vld.idx.msk [tilespmem:v33+s23+$0x0], $0xffff;
	v44 =	vand.u32 $0x7FFFFFFF, v39;
	v46 =	vor.u32 v37, v62  }
0x190: {  	v32 =	vld.idx.msk [tilespmem:v54+s21+$0x0], $0xffff;
	v47 =	vor.u32 v37, v59;
	v0 =	vadd.f32 v8, v0;
	v54 =	vlaneseq.u32  }
0x191: {  	v11 =	vsub.f32 v17, v11;
	v1 =	vadd.f32 v12, v1;
	v12 =	vld.idx.msk [tilespmem:v27+s19+$0x0], $0xffff;
	v27 =	vor.u32 v37, v58  }
0x192: {  	v39 =	vld [tilespmem:$0x1FF30];
	v37 =	vadd.s32 $0x25, v48;
	v35 =	vadd.s32 $0x26, v54;
	v10 =	vsub.f32 v23, v10  }
0x193: {  	v4 =	vld.idx.msk [tilespmem:v55+s23+$0x0], $0xffff;
	v7 =	vsub.f32 v7, v30;
	v49 =	vor.u32 v37, v60;
	v50 =	vor.u32 v37, v62  }
0x194: {  	v52 =	vor.u32 v37, v59;
	v55 =	vor.u32 v35, v61;
	v0 =	vadd.f32 v18, v0;
	v15 =	vld.idx.msk [tilespmem:v21+s24+$0x0], $0xffff  }
0x195: {  	v56 =	vor.u32 v35, v60;
	v18 =	vor.u32 v35, v58;
	v1 =	vadd.f32 v44, v1;
	v34 =	vld.idx.msk [tilespmem:v43+s17+$0x0], $0xffff  }
0x196: {  	v23 =	vor.u32 v35, v62;
	v0 =	vadd.f32 v19, v0;
	v16 =	vadd.f32 v16, v24;
	v25 =	vld.idx.msk [tilespmem:v46+s21+$0x0], $0xffff  }
0x197: {  	v21 =	vor.u32 v37, v61;
	v26 =	vadd.f32 v26, v5;
	v1 =	vadd.f32 v3, v1;
	v3 =	vld.idx.msk [tilespmem:v47+s23+$0x0], $0xffff  }
0x198: {  	v7 =	vand.u32 $0x7FFFFFFF, v7;
	v22 =	vadd.f32 v22, v2;
	v2 =	vadd.f32 v29, v2;
	v8 =	vld.idx.msk [tilespmem:v27+s19+$0x0], $0xffff  }
0x199: {  	v10 =	vand.u32 $0x7FFFFFFF, v10;
	v5 =	vadd.f32 v32, v5;
	v0 =	vadd.f32 v7, v0;
	v36 =	vld.idx.msk [tilespmem:v49+s17+$0x0], $0xffff  }
0x19a: {  	v44 =	vand.u32 $0x7FFFFFFF, v11;
	v16 =	vsub.f32 v16, v31;
	v12 =	vsub.f32 v26, v12;
	v20 =	vld.idx.msk [tilespmem:v50+s21+$0x0], $0xffff  }
0x19b: {  	v27 =	vor.u32 v37, v58;
	v1 =	vadd.f32 v9, v1;
	v13 =	vld.idx.msk [tilespmem:v52+s23+$0x0], $0xffff;
	v14 =	vsub.f32 v22, v14  }
0x19c: {  	v33 =	vld.idx.msk [tilespmem:v55+s24+$0x0], $0xffff;
	v2 =	vsub.f32 v2, v6;
	v52 =	vlaneseq.u32;
	v4 =	vsub.f32 v5, v4  }
0x19d: {  	v30 =	vld.idx.msk [tilespmem:v56+s17+$0x0], $0xffff;
	v16 =	vand.u32 $0x7FFFFFFF, v16;
	v26 =	vadd.f32 v34, v15;
	v32 =	vadd.s32 $0x2A, v52  }
0x19e: {  	v17 =	vld.idx.msk [tilespmem:v23+s21+$0x0], $0xffff;
	v1 =	vadd.f32 v10, v1;
	v0 =	vadd.f32 v16, v0;
	v54 =	vor.u32 v32, v61  }
0x19f: {  	v21 =	vld.idx.msk [tilespmem:v21+s24+$0x0], $0xffff;
	v2 =	vand.u32 $0x7FFFFFFF, v2;
	v4 =	vand.u32 $0x7FFFFFFF, v4;
	v55 =	vor.u32 v32, v58  }
0x1a0: {  	v9 =	vld.idx.msk [tilespmem:v27+s19+$0x0], $0xffff;
	v27 =	vor.u32 v35, v59;
	v35 =	vlaneseq.u32;
	v0 =	vadd.f32 v2, v0  }
0x1a1: {  	v10 =	vld.idx.msk [tilespmem:v18+s19+$0x0], $0xffff;
	v8 =	vsub.f32 v26, v8;
	v26 =	vor.u32 v32, v60;
	v28 =	vadd.s32 $0x27, v35  }
0x1a2: {  	v15 =	vadd.f32 v25, v15;
	v1 =	vadd.f32 v44, v1;
	v35 =	vld [tilespmem:$0x1FF70];
	v40 =	vor.u32 v28, v61  }
0x1a3: {  	v14 =	vand.u32 $0x7FFFFFFF, v14;
	v43 =	vor.u32 v28, v60;
	v0 =	vadd.f32 v4, v0;
	v4 =	vld.idx.msk [tilespmem:v54+s24+$0x0], $0xffff  }
0x1a4: {  	v12 =	vand.u32 $0x7FFFFFFF, v12;
	v3 =	vsub.f32 v15, v3;
	v1 =	vadd.f32 v14, v1;
	v14 =	vld.idx.msk [tilespmem:v55+s19+$0x0], $0xffff  }
0x1a5: {  	v18 =	vor.u32 v28, v58;
	v19 =	vor.u32 v28, v62;
	v24 =	vor.u32 v28, v59;
	v23 =	vld.idx.msk [tilespmem:v27+s23+$0x0], $0xffff  }
0x1a6: {  	v56 =	vadd.f32 v36, v21;
	v36 =	vlaneseq.u32;
	v3 =	vand.u32 $0x7FFFFFFF, v3;
	v26 =	vld.idx.msk [tilespmem:v26+s17+$0x0], $0xffff  }
0x1a7: {  	v37 =	vadd.s32 $0x2B, v36;
	v0 =	vadd.f32 v3, v0;
	v27 =	vlaneseq.u32;
	v11 =	vld.idx.msk [tilespmem:v40+s24+$0x0], $0xffff  }
0x1a8: {  	v3 =	vadd.f32 v20, v21;
	v20 =	vor.u32 v37, v58;
	v27 =	vadd.s32 $0x28, v27;
	v31 =	vld.idx.msk [tilespmem:v43+s17+$0x0], $0xffff  }
0x1a9: {  	v1 =	vadd.f32 v12, v1;
	v46 =	vor.u32 v27, v61;
	v40 =	vld [tilespmem:$0x1FD20]  }
0x1aa: {  	v8 =	vand.u32 $0x7FFFFFFF, v8;
	v9 =	vsub.f32 v56, v9;
	v47 =	vor.u32 v27, v60;
	v7 =	vld.idx.msk [tilespmem:v18+s19+$0x0], $0xffff  }
0x1ab: {  	v1 =	vadd.f32 v8, v1;
	v18 =	vor.u32 v27, v58;
	v19 =	vld.idx.msk [tilespmem:v19+s21+$0x0], $0xffff  }
0x1ac: {  	v22 =	vor.u32 v27, v62;
	v6 =	vld.idx.msk [tilespmem:v24+s23+$0x0], $0xffff;
	v9 =	vand.u32 $0x7FFFFFFF, v9  }
0x1ad: {  	v24 =	vor.u32 v27, v59;
	v27 =	vlaneseq.u32;
	v1 =	vadd.f32 v9, v1;
	v9 =	vld.idx.msk [tilespmem:v20+s19+$0x0], $0xffff  }
0x1ae: {  	v43 =	vor.u32 v37, v61;
	v27 =	vadd.s32 $0x29, v27;
	v16 =	vld.idx.msk [tilespmem:v46+s24+$0x0], $0xffff  }
0x1af: {  	v48 =	vor.u32 v27, v61;
	v29 =	vld.idx.msk [tilespmem:v47+s17+$0x0], $0xffff  }
0x1b0: {  	v49 =	vor.u32 v27, v60;
	v2 =	vld.idx.msk [tilespmem:v18+s19+$0x0], $0xffff  }
0x1b1: {  	v50 =	vor.u32 v27, v58;
	v18 =	vld.idx.msk [tilespmem:v22+s21+$0x0], $0xffff  }
0x1b2: {  	v44 =	vor.u32 v37, v60;
	v24 =	vld.idx.msk [tilespmem:v24+s23+$0x0], $0xffff  }
0x1b3: {  	v22 =	vor.u32 v27, v62;
	v8 =	vld.idx.msk [tilespmem:v43+s24+$0x0], $0xffff  }
0x1b4: {  	v17 =	vadd.f32 v17, v33;
	v27 =	vor.u32 v27, v59;
	v5 =	vld.idx.msk [tilespmem:v48+s24+$0x0], $0xffff  }
0x1b5: {  	v21 =	vadd.f32 v30, v33;
	v46 =	vor.u32 v37, v62;
	v25 =	vld.idx.msk [tilespmem:v49+s17+$0x0], $0xffff  }
0x1b6: {  	v17 =	vsub.f32 v17, v23;
	v47 =	vor.u32 v37, v59;
	v23 =	vadd.f32 v31, v11;
	v12 =	vld.idx.msk [tilespmem:v50+s19+$0x0], $0xffff  }
0x1b7: {  	v56 =	vadd.s32 $0x2D, v36;
	v3 =	vsub.f32 v3, v13;
	v49 =	vsub.f32 v21, v10;
	v21 =	vld.idx.msk [tilespmem:v44+s17+$0x0], $0xffff  }
0x1b8: {  	v7 =	vsub.f32 v23, v7;
	v23 =	vor.u32 v56, v61;
	v15 =	vld.idx.msk [tilespmem:v22+s21+$0x0], $0xffff  }
0x1b9: {  	v3 =	vand.u32 $0x7FFFFFFF, v3;
	v37 =	vor.u32 v56, v60;
	v48 =	vadd.s32 $0x2C, v36;
	v27 =	vld.idx.msk [tilespmem:v27+s23+$0x0], $0xffff  }
0x1ba: {  	v0 =	vadd.f32 v3, v0;
	v50 =	vor.u32 v48, v61;
	v3 =	vand.u32 $0x7FFFFFFF, v49;
	v30 =	vld.idx.msk [tilespmem:v46+s21+$0x0], $0xffff  }
0x1bb: {  	v11 =	vadd.f32 v19, v11;
	v52 =	vor.u32 v48, v60;
	v1 =	vadd.f32 v3, v1;
	v3 =	vld.idx.msk [tilespmem:v47+s23+$0x0], $0xffff  }
0x1bc: {  	v20 =	vor.u32 v48, v58;
	v19 =	vadd.f32 v29, v16;
	v29 =	vsel vm0, v53, v57;
	v53 =	vld [tilespmem:$0x1FD50]  }
0x1bd: {  	v44 =	vadd.s32 $0x2E, v36;
	v54 =	vor.u32 v48, v62;
	v23 =	vld.idx.msk [tilespmem:v23+s24+$0x0], $0xffff  }
0x1be: {  	v55 =	vor.u32 v48, v59;
	v16 =	vadd.f32 v18, v16;
	v18 =	vadd.f32 v25, v5;
	v25 =	vld.idx.msk [tilespmem:v37+s17+$0x0], $0xffff  }
0x1bf: {  	v48 =	vor.u32 v44, v58;
	v10 =	vld.idx.msk [tilespmem:v50+s24+$0x0], $0xffff  }
0x1c0: {  	v17 =	vand.u32 $0x7FFFFFFF, v17;
	v22 =	vor.u32 v32, v62;
	v28 =	vld.idx.msk [tilespmem:v52+s17+$0x0], $0xffff  }
0x1c1: {  	v0 =	vadd.f32 v17, v0;
	v6 =	vsub.f32 v11, v6;
	v32 =	vor.u32 v32, v59;
	v17 =	vld.idx.msk [tilespmem:v20+s19+$0x0], $0xffff  }
0x1c2: {  	v43 =	vor.u32 v56, v59;
	v7 =	vand.u32 $0x7FFFFFFF, v7;
	v11 =	vld.idx.msk [tilespmem:v54+s21+$0x0], $0xffff  }
0x1c3: {  	v6 =	vand.u32 $0x7FFFFFFF, v6;
	v46 =	vor.u32 v44, v61;
	v1 =	vadd.f32 v7, v1;
	v7 =	vld.idx.msk [tilespmem:v55+s23+$0x0], $0xffff  }
0x1c4: {  	v0 =	vadd.f32 v6, v0;
	v2 =	vsub.f32 v19, v2;
	v19 =	vor.u32 v56, v62;
	v6 =	vld.idx.msk [tilespmem:v48+s19+$0x0], $0xffff  }
0x1c5: {  	v26 =	vadd.f32 v26, v4;
	v47 =	vor.u32 v44, v60;
	v22 =	vld.idx.msk [tilespmem:v22+s21+$0x0], $0xffff  }
0x1c6: {  	v16 =	vsub.f32 v16, v24;
	v24 =	vadd.s32 $0x2F, v36;
	v20 =	vor.u32 v56, v58;
	v13 =	vld.idx.msk [tilespmem:v32+s23+$0x0], $0xffff  }
0x1c7: {  	v14 =	vsub.f32 v26, v14;
	v49 =	vor.u32 v24, v61;
	v5 =	vadd.f32 v15, v5;
	v15 =	vld.idx.msk [tilespmem:v43+s23+$0x0], $0xffff  }
0x1c8: {  	v21 =	vadd.f32 v21, v8;
	v50 =	vor.u32 v24, v60;
	v52 =	vor.u32 v24, v58;
	v31 =	vld.idx.msk [tilespmem:v46+s24+$0x0], $0xffff  }
0x1c9: {  	v2 =	vand.u32 $0x7FFFFFFF, v2;
	v12 =	vsub.f32 v18, v12;
	v16 =	vand.u32 $0x7FFFFFFF, v16;
	v18 =	vld.idx.msk [tilespmem:v19+s21+$0x0], $0xffff  }
0x1ca: {  	v1 =	vadd.f32 v2, v1;
	v19 =	vor.u32 v44, v62;
	v5 =	vsub.f32 v5, v27;
	v27 =	vld.idx.msk [tilespmem:v47+s17+$0x0], $0xffff  }
0x1cb: {  	v54 =	vand.u32 $0x7FFFFFFF, v14;
	v0 =	vadd.f32 v16, v0;
	v12 =	vand.u32 $0x7FFFFFFF, v12;
	v2 =	vld.idx.msk [tilespmem:v20+s19+$0x0], $0xffff  }
0x1cc: {  	v1 =	vadd.f32 v12, v1;
	v47 =	vcombine.low v51, v29;
	v20 =	vor.u32 v44, v59;
	v14 =	vld.idx.msk [tilespmem:v49+s24+$0x0], $0xffff  }
0x1cd: {  	v12 =	vld.idx.msk [tilespmem:v52+s19+$0x0], $0xffff;
	v5 =	vand.u32 $0x7FFFFFFF, v5;
	v4 =	vadd.f32 v22, v4;
	v22 =	vor.u32 v24, v59  }
0x1ce: {  	v0 =	vadd.f32 v5, v0;
	v5 =	vadd.f32 v54, v1;
	v1 =	vsel vm0, v42, v38;
	v54 =	vld [tilespmem:$0x1FFE0]  }
0x1cf: {  	v9 =	vsub.f32 v21, v9;
	v49 =	vor.u32 v47, v61;
	v40 =	vcombine.low v40, v1;
	v16 =	vld.idx.msk [tilespmem:v19+s21+$0x0], $0xffff  }
0x1d0: {  	v19 =	vor.u32 v24, v62;
	v24 =	vor.u32 $0x30, v36;
	v4 =	vsub.f32 v4, v13;
	v13 =	vld.idx.msk [tilespmem:v50+s17+$0x0], $0xffff  }
0x1d1: {  	v20 =	vld.idx.msk [tilespmem:v20+s23+$0x0], $0xffff;
	v26 =	vor.u32 v24, v61;
	v42 =	vor.u32 v40, v61;
	v43 =	vor.u32 v40, v60  }
0x1d2: {  	v44 =	vor.u32 v40, v58;
	v46 =	vor.u32 v40, v62;
	v48 =	vor.u32 v40, v59;
	v40 =	vld [tilespmem:$0x1FD40]  }
0x1d3: {  	v55 =	vor.u32 v24, v60;
	v56 =	vor.u32 v24, v58;
	v37 =	vor.u32 v24, v62;
	v21 =	vld.idx.msk [tilespmem:v22+s23+$0x0], $0xffff  }
0x1d4: {  	v22 =	vor.u32 v24, v59;
	v24 =	vadd.f32 v28, v10;
	v10 =	vadd.f32 v11, v10;
	v11 =	vld.idx.msk [tilespmem:v49+s24+$0x0], $0xffff  }
0x1d5: {  	v49 =	vld [tilespmem:$0x1FD60]  }
0x1d6: {  	v4 =	vand.u32 $0x7FFFFFFF, v4;
	v19 =	vld.idx.msk [tilespmem:v19+s21+$0x0], $0xffff  }
0x1d7: {  	v0 =	vadd.f32 v4, v0;
	v4 =	vld.idx.msk [tilespmem:v26+s24+$0x0], $0xffff  }
0x1d8: {  	v26 =	vld.idx.msk [tilespmem:v55+s17+$0x0], $0xffff  }
0x1d9: {  	v8 =	vadd.f32 v30, v8;
	v32 =	vld.idx.msk [tilespmem:v56+s19+$0x0], $0xffff  }
0x1da: {  	v17 =	vsub.f32 v24, v17;
	v24 =	vld.idx.msk [tilespmem:v37+s21+$0x0], $0xffff  }
0x1db: {  	v3 =	vsub.f32 v8, v3;
	v50 =	vor.u32 v47, v58;
	v8 =	vld.idx.msk [tilespmem:v42+s24+$0x0], $0xffff  }
0x1dc: {  	v7 =	vsub.f32 v10, v7;
	v10 =	vld.idx.msk [tilespmem:v44+s19+$0x0], $0xffff  }
0x1dd: {  	v9 =	vand.u32 $0x7FFFFFFF, v9;
	v56 =	vld [tilespmem:$0x1FD90]  }
0x1de: {  	v5 =	vadd.f32 v9, v5;
	v18 =	vadd.f32 v18, v23;
	v9 =	vld.idx.msk [tilespmem:v48+s23+$0x0], $0xffff  }
0x1df: {  	v42 =	vld [tilespmem:$0x1FED0]  }
0x1e0: {  	v3 =	vand.u32 $0x7FFFFFFF, v3;
	v15 =	vsub.f32 v18, v15;
	v44 =	vadd.f32 v16, v31;
	v16 =	vld.idx.msk [tilespmem:v50+s19+$0x0], $0xffff  }
0x1e1: {  	v0 =	vadd.f32 v3, v0;
	v37 =	vor.u32 v47, v62;
	v17 =	vand.u32 $0x7FFFFFFF, v17;
	v3 =	vld.idx.msk [tilespmem:v22+s23+$0x0], $0xffff  }
0x1e2: {  	v7 =	vand.u32 $0x7FFFFFFF, v7;
	v5 =	vadd.f32 v17, v5;
	v17 =	vadd.f32 v25, v23;
	v22 =	vld.idx.msk [tilespmem:v43+s17+$0x0], $0xffff  }
0x1e3: {  	v0 =	vadd.f32 v7, v0;
	v7 =	vsub.f32 v44, v20;
	v44 =	vsel vm0, v57, v39;
	v57 =	vld [tilespmem:$0x1FF80]  }
0x1e4: {  	v25 =	vor.u32 v47, v60;
	v39 =	vld [tilespmem:$0x1FDB0]  }
0x1e5: {  	v23 =	vor.u32 v47, v59;
	v47 =	vand.u32 $0x7FFFFFFF, v15;
	v2 =	vsub.f32 v17, v2;
	v17 =	vld.idx.msk [tilespmem:v46+s21+$0x0], $0xffff  }
0x1e6: {  	v51 =	vor.u32 v49, v58;
	v0 =	vadd.f32 v47, v0;
	v47 =	vld [tilespmem:$0x1FD80]  }
0x1e7: {  	v43 =	vadd.f32 v27, v31;
	v50 =	vor.u32 v49, v61;
	v33 =	vsel vm0, v56, v53;
	v15 =	vld.idx.msk [tilespmem:v37+s21+$0x0], $0xffff  }
0x1e8: {  	v13 =	vadd.f32 v13, v14;
	v14 =	vadd.f32 v19, v14;
	v34 =	vcombine.low v40, v33;
	v40 =	vld [tilespmem:$0x1FD70]  }
0x1e9: {  	v6 =	vsub.f32 v43, v6;
	v37 =	vsel vm0, v38, v42;
	v2 =	vand.u32 $0x7FFFFFFF, v2;
	v18 =	vld.idx.msk [tilespmem:v25+s17+$0x0], $0xffff  }
0x1ea: {  	v42 =	vsub.f32 v14, v21;
	v21 =	vor.u32 v49, v59;
	v2 =	vadd.f32 v2, v5;
	v20 =	vld.idx.msk [tilespmem:v23+s23+$0x0], $0xffff  }
0x1eb: {  	v6 =	vand.u32 $0x7FFFFFFF, v6;
	v28 =	vld.idx.msk [tilespmem:v51+s19+$0x0], $0xffff;
	v27 =	vor.u32 v34, v61  }
0x1ec: {  	v25 =	vor.u32 v34, v60;
	v2 =	vadd.f32 v6, v2;
	v6 =	vld.idx.msk [tilespmem:v50+s24+$0x0], $0xffff  }
0x1ed: {  	v46 =	vor.u32 v34, v58;
	v50 =	vld [tilespmem:$0x1FDA0]  }
0x1ee: {  	v48 =	vor.u32 v34, v62;
	v23 =	vor.u32 v34, v59;
	v34 =	vcombine.low v44, v47;
	v44 =	vld [tilespmem:$0x1FFC0]  }
0x1ef: {  	v21 =	vld.idx.msk [tilespmem:v21+s23+$0x0], $0xffff  }
0x1f0: {  	v38 =	vor.u32 v49, v62;
	v5 =	vld.idx.msk [tilespmem:v27+s24+$0x0], $0xffff  }
0x1f1: {  	v12 =	vsub.f32 v13, v12;
	v25 =	vld.idx.msk [tilespmem:v25+s17+$0x0], $0xffff  }
0x1f2: {  	v22 =	vadd.f32 v22, v8;
	v31 =	vcombine.low v37, v40;
	v55 =	vor.u32 v34, v59;
	v19 =	vld.idx.msk [tilespmem:v46+s19+$0x0], $0xffff  }
0x1f3: {  	v7 =	vand.u32 $0x7FFFFFFF, v7;
	v27 =	vor.u32 v49, v60;
	v14 =	vld.idx.msk [tilespmem:v23+s23+$0x0], $0xffff;
	v23 =	vadd.f32 v26, v4  }
0x1f4: {  	v13 =	vld.idx.msk [tilespmem:v48+s21+$0x0], $0xffff;
	v26 =	vor.u32 v31, v61;
	v4 =	vadd.f32 v24, v4;
	v48 =	vsub.f32 v22, v10  }
0x1f5: {  	v12 =	vand.u32 $0x7FFFFFFF, v12;
	v0 =	vadd.f32 v7, v0;
	v43 =	vor.u32 v31, v58;
	v24 =	vld.idx.msk [tilespmem:v38+s21+$0x0], $0xffff  }
0x1f6: {  	v46 =	vor.u32 v31, v62;
	v3 =	vsub.f32 v4, v3;
	v4 =	vand.u32 $0x7FFFFFFF, v48;
	v48 =	vld [tilespmem:$0x1FFD0]  }
0x1f7: {  	v7 =	vand.u32 $0x7FFFFFFF, v42;
	v8 =	vadd.f32 v17, v8;
	v22 =	vor.u32 v34, v60;
	v42 =	vld.idx.msk [tilespmem:v55+s23+$0x0], $0xffff  }
0x1f8: {  	v2 =	vadd.f32 v12, v2;
	v23 =	vsub.f32 v23, v32;
	v12 =	vld.idx.msk [tilespmem:v27+s17+$0x0], $0xffff;
	v27 =	vor.u32 v31, v60  }
0x1f9: {  	v0 =	vadd.f32 v7, v0;
	v8 =	vsub.f32 v8, v9;
	v49 =	vor.u32 v34, v62;
	v7 =	vld.idx.msk [tilespmem:v26+s24+$0x0], $0xffff  }
0x1fa: {  	v18 =	vadd.f32 v18, v11;
	v11 =	vadd.f32 v15, v11;
	v23 =	vand.u32 $0x7FFFFFFF, v23;
	v17 =	vld.idx.msk [tilespmem:v43+s19+$0x0], $0xffff  }
0x1fb: {  	v31 =	vor.u32 v31, v59;
	v2 =	vadd.f32 v23, v2;
	v23 =	vor.u32 v34, v61;
	v30 =	vld.idx.msk [tilespmem:v46+s21+$0x0], $0xffff  }
0x1fc: {  	v26 =	vor.u32 v34, v58;
	v22 =	vld.idx.msk [tilespmem:v22+s17+$0x0], $0xffff;
	v34 =	vsel vm0, v35, v57;
	v57 =	vcombine.low v33, v54  }
0x1fd: {  	v25 =	vadd.f32 v25, v5;
	v34 =	vcombine.low v34, v39;
	v10 =	vld.idx.msk [tilespmem:v27+s17+$0x0], $0xffff;
	v27 =	vsel vm0, v53, v45  }
0x1fe: {  	v16 =	vsub.f32 v18, v16;
	v18 =	vld.idx.msk [tilespmem:v49+s21+$0x0], $0xffff;
	v33 =	vor.u32 v57, v60;
	v27 =	vcombine.low v27, v50  }
0x1ff: {  	v3 =	vand.u32 $0x7FFFFFFF, v3;
	v35 =	vld [tilespmem:$0x1FFB0];
	v19 =	vsub.f32 v25, v19;
	v25 =	vor.u32 v34, v58  }
0x200: {  	v40 =	vsub.f32 v11, v20;
	v0 =	vadd.f32 v3, v0;
	v3 =	vld.idx.msk [tilespmem:v23+s24+$0x0], $0xffff;
	v23 =	vor.u32 v27, v60  }
0x201: {  	v16 =	vand.u32 $0x7FFFFFFF, v16;
	v2 =	vadd.f32 v4, v2;
	v47 =	vor.u32 v34, v59;
	v9 =	vld.idx.msk [tilespmem:v31+s23+$0x0], $0xffff  }
0x202: {  	v29 =	vcombine.low v29, v48;
	v15 =	vld.idx.msk [tilespmem:v26+s19+$0x0], $0xffff;
	v56 =	vor.u32 v27, v61;
	v20 =	vor.u32 v27, v59  }
0x203: {  	v37 =	vld.idx.msk [tilespmem:v33+s17+$0x0], $0xffff;
	v26 =	vor.u32 v27, v58;
	v38 =	vor.u32 v27, v62;
	v27 =	vor.u32 v34, v61  }
0x204: {  	v52 =	vor.u32 v29, v61;
	v12 =	vadd.f32 v12, v6;
	v6 =	vadd.f32 v24, v6;
	v24 =	vld.idx.msk [tilespmem:v25+s19+$0x0], $0xffff  }
0x205: {  	v1 =	vcombine.low v1, v44;
	v2 =	vadd.f32 v16, v2;
	v16 =	vld.idx.msk [tilespmem:v23+s17+$0x0], $0xffff;
	v23 =	vor.u32 v34, v60  }
0x206: {  	v50 =	vld.idx.msk [tilespmem:v47+s23+$0x0], $0xffff  }
0x207: {  	v5 =	vadd.f32 v13, v5;
	v25 =	vor.u32 v1, v58;
	v46 =	vld.idx.msk [tilespmem:v20+s23+$0x0], $0xffff  }
0x208: {  	v20 =	vld.idx.msk [tilespmem:v27+s24+$0x0], $0xffff;
	v27 =	vor.u32 v1, v61  }
0x209: {  	v5 =	vsub.f32 v5, v14;
	v19 =	vand.u32 $0x7FFFFFFF, v19;
	v45 =	vor.u32 v34, v62;
	v14 =	vld.idx.msk [tilespmem:v52+s24+$0x0], $0xffff  }
0x20a: {  	v2 =	vadd.f32 v19, v2;
	v10 =	vadd.f32 v10, v7;
	v19 =	vld.idx.msk [tilespmem:v23+s17+$0x0], $0xffff;
	v23 =	vor.u32 v1, v60  }
0x20b: {  	v8 =	vand.u32 $0x7FFFFFFF, v8;
	v12 =	vsub.f32 v12, v28;
	v4 =	vld.idx.msk [tilespmem:v56+s24+$0x0], $0xffff  }
0x20c: {  	v10 =	vsub.f32 v10, v17;
	v17 =	vadd.f32 v22, v3;
	v22 =	vld.idx.msk [tilespmem:v25+s19+$0x0], $0xffff;
	v25 =	vor.u32 v29, v58  }
0x20d: {  	v0 =	vadd.f32 v8, v0;
	v12 =	vand.u32 $0x7FFFFFFF, v12;
	v51 =	vld.idx.msk [tilespmem:v27+s24+$0x0], $0xffff;
	v27 =	vor.u32 v29, v62  }
0x20e: {  	v6 =	vsub.f32 v6, v21;
	v21 =	vld.idx.msk [tilespmem:v45+s21+$0x0], $0xffff;
	v2 =	vadd.f32 v12, v2  }
0x20f: {  	v15 =	vsub.f32 v17, v15;
	v10 =	vand.u32 $0x7FFFFFFF, v10;
	v55 =	vld.idx.msk [tilespmem:v23+s17+$0x0], $0xffff;
	v23 =	vor.u32 v29, v60  }
0x210: {  	v49 =	vor.u32 v1, v62;
	v8 =	vand.u32 $0x7FFFFFFF, v40;
	v43 =	vld.idx.msk [tilespmem:v26+s19+$0x0], $0xffff;
	v2 =	vadd.f32 v10, v2  }
0x211: {  	v0 =	vadd.f32 v8, v0;
	v5 =	vand.u32 $0x7FFFFFFF, v5;
	v15 =	vand.u32 $0x7FFFFFFF, v15;
	v34 =	vld.idx.msk [tilespmem:v25+s19+$0x0], $0xffff  }
0x212: {  	v2 =	vadd.f32 v15, v2;
	v15 =	vadd.f32 v16, v4;
	v25 =	vor.u32 v57, v62;
	v16 =	vld.idx.msk [tilespmem:v27+s21+$0x0], $0xffff  }
0x213: {  	v53 =	vadd.f32 v30, v7;
	v0 =	vadd.f32 v5, v0;
	v27 =	vld [tilespmem:$0x1FF90]  }
0x214: {  	v6 =	vand.u32 $0x7FFFFFFF, v6;
	v32 =	vld.idx.msk [tilespmem:v23+s17+$0x0], $0xffff;
	v23 =	vor.u32 v57, v58  }
0x215: {  	v48 =	vor.u32 v35, v61;
	v0 =	vadd.f32 v6, v0;
	v6 =	vsub.f32 v53, v9;
	v26 =	vld.idx.msk [tilespmem:v38+s21+$0x0], $0xffff  }
0x216: {  	v3 =	vadd.f32 v18, v3;
	v56 =	vld.idx.msk [tilespmem:v49+s21+$0x0], $0xffff;
	v1 =	vor.u32 v1, v59;
	v13 =	vsub.f32 v15, v43  }
0x217: {  	v18 =	vor.u32 v57, v61;
	v15 =	vadd.f32 v19, v20;
	v20 =	vadd.f32 v21, v20;
	v21 =	vld.idx.msk [tilespmem:v25+s21+$0x0], $0xffff  }
0x218: {  	v6 =	vand.u32 $0x7FFFFFFF, v6;
	v17 =	vor.u32 v29, v59;
	v25 =	vld [tilespmem:$0x1FFA0]  }
0x219: {  	v3 =	vsub.f32 v3, v42;
	v40 =	vsub.f32 v15, v24;
	v15 =	vld.idx.msk [tilespmem:v23+s19+$0x0], $0xffff;
	v23 =	vor.u32 v27, v58  }
0x21a: {  	v11 =	vld.idx.msk [tilespmem:v48+s24+$0x0], $0xffff;
	v0 =	vadd.f32 v6, v0;
	v4 =	vadd.f32 v26, v4;
	v26 =	vor.u32 v57, v59  }
0x21b: {  	v3 =	vand.u32 $0x7FFFFFFF, v3;
	v1 =	vld.idx.msk [tilespmem:v1+s23+$0x0], $0xffff;
	v19 =	vor.u32 v27, v61  }
0x21c: {  	v18 =	vld.idx.msk [tilespmem:v18+s24+$0x0], $0xffff;
	v0 =	vadd.f32 v3, v0;
	v3 =	vsub.f32 v4, v46;
	v38 =	vor.u32 v27, v60  }
0x21d: {  	v17 =	vld.idx.msk [tilespmem:v17+s23+$0x0], $0xffff;
	v5 =	vsub.f32 v20, v50;
	v24 =	vor.u32 v27, v62  }
0x21e: {  	v3 =	vand.u32 $0x7FFFFFFF, v3;
	v9 =	vadd.f32 v56, v51;
	v44 =	vld.idx.msk [tilespmem:v23+s19+$0x0], $0xffff;
	v23 =	vor.u32 v25, v58  }
0x21f: {  	v39 =	vand.u32 $0x7FFFFFFF, v13;
	v0 =	vadd.f32 v3, v0;
	v3 =	vld.idx.msk [tilespmem:v26+s23+$0x0], $0xffff;
	v5 =	vand.u32 $0x7FFFFFFF, v5  }
0x220: {  	v42 =	vor.u32 v27, v59;
	v7 =	vadd.f32 v55, v51;
	v1 =	vsub.f32 v9, v1;
	v19 =	vld.idx.msk [tilespmem:v19+s24+$0x0], $0xffff  }
0x221: {  	v2 =	vadd.f32 v39, v2;
	v20 =	vor.u32 v25, v61;
	v0 =	vadd.f32 v5, v0;
	v8 =	vld.idx.msk [tilespmem:v38+s17+$0x0], $0xffff  }
0x222: {  	v43 =	vor.u32 v25, v60;
	v7 =	vsub.f32 v7, v22;
	v1 =	vand.u32 $0x7FFFFFFF, v1;
	v22 =	vld.idx.msk [tilespmem:v24+s21+$0x0], $0xffff  }
0x223: {  	v13 =	vand.u32 $0x7FFFFFFF, v40;
	v46 =	vor.u32 v25, v59;
	v0 =	vadd.f32 v1, v0;
	v1 =	vld.idx.msk [tilespmem:v23+s19+$0x0], $0xffff  }
0x224: {  	v49 =	vor.u32 v35, v58;
	v4 =	vadd.f32 v37, v18;
	v2 =	vadd.f32 v13, v2;
	v23 =	vld [tilespmem:$0x1FFF0]  }
0x225: {  	v6 =	vadd.f32 v32, v14;
	v45 =	vld.idx.msk [tilespmem:v42+s23+$0x0], $0xffff;
	v14 =	vadd.f32 v16, v14;
	v16 =	vor.u32 v35, v60  }
0x226: {  	v51 =	vor.u32 v35, v59;
	v18 =	vadd.f32 v21, v18;
	v7 =	vand.u32 $0x7FFFFFFF, v7;
	v47 =	vld.idx.msk [tilespmem:v20+s24+$0x0], $0xffff  }
0x227: {  	v24 =	vor.u32 v25, v62;
	v13 =	vld.idx.msk [tilespmem:v43+s17+$0x0], $0xffff;
	v6 =	vsub.f32 v6, v34;
	v14 =	vsub.f32 v14, v17  }
0x228: {  	v3 =	vsub.f32 v18, v3;
	v2 =	vadd.f32 v7, v2;
	v20 =	vor.u32 v35, v62;
	v50 =	vld.idx.msk [tilespmem:v46+s23+$0x0], $0xffff  }
0x229: {  	v7 =	vld.idx.msk [tilespmem:v49+s19+$0x0], $0xffff;
	v6 =	vand.u32 $0x7FFFFFFF, v6;
	v14 =	vand.u32 $0x7FFFFFFF, v14;
	v21 =	vor.u32 v23, v61  }
0x22a: {  	v2 =	vadd.f32 v6, v2;
	v0 =	vadd.f32 v14, v0;
	v52 =	vld.idx.msk [tilespmem:v16+s17+$0x0], $0xffff;
	v16 =	vor.u32 v23, v60  }
0x22b: {  	v9 =	vld.idx.msk [tilespmem:v51+s23+$0x0], $0xffff;
	v8 =	vadd.f32 v8, v19;
	v4 =	vsub.f32 v4, v15;
	v15 =	vor.u32 v23, v62  }
0x22c: {  	v17 =	vld.idx.msk [tilespmem:v24+s21+$0x0], $0xffff;
	v53 =	vadd.f32 v22, v19;
	v13 =	vadd.f32 v13, v47;
	v19 =	vor.u32 v23, v58  }
0x22d: {  	v18 =	vld.idx.msk [tilespmem:v20+s21+$0x0], $0xffff;
	v4 =	vand.u32 $0x7FFFFFFF, v4;
	v8 =	vsub.f32 v8, v44;
	v20 =	vor.u32 v23, v59  }
0x22e: {  	v3 =	vand.u32 $0x7FFFFFFF, v3;
	v54 =	vsub.f32 v53, v45;
	v2 =	vadd.f32 v4, v2;
	v55 =	vld.idx.msk [tilespmem:v21+s24+$0x0], $0xffff  }
0x22f: {  	v0 =	vadd.f32 v3, v0;
	v3 =	vand.u32 $0x7FFFFFFF, v8;
	v1 =	vsub.f32 v13, v1;
	v56 =	vld.idx.msk [tilespmem:v16+s17+$0x0], $0xffff  }
0x230: {  	v2 =	vadd.f32 v3, v2;
	v3 =	vand.u32 $0x7FFFFFFF, v54;
	v57 =	vld.idx.msk [tilespmem:v15+s21+$0x0], $0xffff  }
0x231: {  	v0 =	vadd.f32 v3, v0;
	v3 =	vadd.f32 v17, v47;
	v1 =	vand.u32 $0x7FFFFFFF, v1;
	v58 =	vld.idx.msk [tilespmem:v19+s19+$0x0], $0xffff  }
0x232: {  	v1 =	vadd.f32 v1, v2;
	v2 =	vadd.f32 v52, v11;
	v59 =	vld.idx.msk [tilespmem:v20+s23+$0x0], $0xffff  }
0x233: {  	v41 =	vld [tilespmem:$0x1FE50];
	v60 =	vadd.f32 v18, v11;
	v3 =	vsub.f32 v3, v50  }
0x234: {  	v26 =	vld [tilespmem:$0x1FE40];
	v2 =	vsub.f32 v2, v7;
	v61 =	vadd.f32 v56, v55  }
0x235: {  	v24 =	vld [tilespmem:$0x1FE30];
	v6 =	vsub.f32 v60, v9;
	v3 =	vand.u32 $0x7FFFFFFF, v3;
	v4 =	vadd.f32 v57, v55  }
0x236: {  	v22 =	vld [tilespmem:$0x1FE20];
	v0 =	vadd.f32 v3, v0;
	v2 =	vand.u32 $0x7FFFFFFF, v2;
	v3 =	vsub.f32 v61, v58  }
0x237: {  	p0 =	sne.s32 s16, $0x70;
	v17 =	vld [tilespmem:$0x1FDD0];
	v62 =	vand.u32 $0x7FFFFFFF, v6;
	v1 =	vadd.f32 v2, v1;
	v2 =	vsub.f32 v4, v59  }
.Ltmp0:
0x238: {  	v18 =	vld [tilespmem:$0x1FDE0];
	v0 =	vadd.f32 v62, v0;
	v3 =	vand.u32 $0x7FFFFFFF, v3;
	(pc) =	sbr.rel @p0 .LBB2_3-.Ltmp0, $4  }
0x239: {  	v21 =	vld [tilespmem:$0x1FE10];
	v2 =	vand.u32 $0x7FFFFFFF, v2;
	v1 =	vadd.f32 v3, v1  }
0x23a: {  	s1 =	sadd.s32 $0x10, s1;
	v19 =	vld [tilespmem:$0x1FDF0];
	v0 =	vadd.f32 v2, v0  }
0x23b: {  	s9 =	sadd.s32 $0x10, s9;
	s13 =	sadd.s32 $0x10, s13;
	s29 =	sadd.s32 $0x10, s29;
	v20 =	vld [tilespmem:$0x1FE00];
	[tilespmem:s0+$0x0] =	vst v1  }
0x23c: {  	s16 =	sadd.s32 $0x10, s16;
	s0 =	sadd.s32 $0x10, s0;
	[tilespmem:s2+$0x0] =	vst v0;
	v0 =	vld [tilespmem:$0x1FDC0];
	s2 =	sadd.s32 $0x10, s2  }
0x23d: {  	s0 =	rddreg [dreg:$0x1]  }
0x23e: {  	s0 =	sadd.s32 s0, s31  }
0x23f: {  	[hbm4b:s0+s3] =	stream.linear.scatter [tilespmem:s26], [sflag:$0x2], $0x80, $0x38;
	[tilespmem:$0x14580] =	vst v63  }
0x240: {  	_ =	swait.ge [sflag:s14], $0x80  }
0x241: {  	[sflag:s14] =	ssyncset.done $0x0  }
0x242: {  	s30 =	sadd.s32 $0x1, s30;
	[sflag:s14] =	ssyncadd.s32 $0xFFFFFF80  }
0x243: {  	p0 =	sne.s32 s30, $0x4;
	s29 =	rddreg [dreg:$0x2]  }
.Ltmp1:
0x244: {  	s0 =	sadd.s32 s29, s31;
	(pc) =	sbr.rel @p0 .LBB2_2-.Ltmp1, $4  }
0x245: {  	[hbm4b:s0+s3] =	stream.linear.scatter [tilespmem:s28], [sflag:$0x2], $0x80, $0x38;
	[tilespmem:$0x14580] =	vst v63  }
0x246: {  	_ =	swait.ge [sflag:s14], $0x80  }
0x247: {  	[sflag:s14] =	ssyncset.done $0x0  }
0x248: {  	[sflag:s14] =	ssyncadd.s32 $0xFFFFFF80  }
0x249: {  	s1 =	rddreg [dreg:$0x5]  }
0x24a: {  	s0 =	rddreg [dreg:$0x4];
	s1 =	sadd.s32 $0x1, s1  }
0x24b: {  	p0 =	sne.s32 s1, s0  }
.Ltmp2:
0x24c: {  	_ = 	snop;
	(pc) =	sbr.rel @p0 .LBB2_1-.Ltmp2, $1  }
0x24d: {  	_ =	sdelay $0x3  }
0x24e: {  	_ =	sfence.sel $0x180000  }
0x24f: {  	[bflag:$0x0] =	sbarrier.arrive $0xFFFF  }
0x250: {  	_ =	strace $0x90000047  }
0x251: {  	s0 =	stileid.u32;
	[bflag:$0x2] =	sbarrier.arrive $0xFFFF  }
0x252: {  	p0 =	sne.s32 s0, $0x0;
	s0 =	rddreg [dreg:$0x3]  }
0x253: {  	s0 =	sadd.s32 @!p0 $0x100000, s0  }
0x254: {  	[sflag:s0] =	ssyncadd.tile.s32 @!p0 $0x1;
	_ =	shalt  }
.Lfunc_end2:
_tile_overlayer_lowered:
.L_overlay_start_2:
0x255: {  	(tag) =	ssettag $0x2  }
0x256: {  	s0 =	rddreg [dreg:$0x0];
	s2 =	stileid.u32  }
0x257: {  	s1 =	rddreg [dreg:$0x1];
	p0 =	sne.s32 s2, $0x0  }
0x258: {  	s3 =	rddreg [dreg:$0x2];
	[bflag:$0x3] =	sbarrier.arrive $0xFFFF;
	s2 =	simm.s32 @!p0 $0x1C02  }
0x259: {  	[timem:s3], [sflag:s2] =	dma.local @!p0 [hbm:s0], s1  }
0x25a: {  	s0 =	simm.s32 @!p0 $0x2  }
0x25b: {  	_ =	swait.ge @!p0 [sflag:s0], s1  }
0x25c: {  	s1 =	ssub.s32 @!p0 $0x0, s1;
	[sflag:s0] =	ssyncset.done @!p0 $0x0  }
0x25d: {  	[sflag:s0] =	ssyncadd.s32 @!p0 s1  }
0x25e: {  	[bflag:$0x3] =	sbarrier.arrive $0xFFFF  }
0x25f: {  	_ =	shalt  }

</sc_bundles>
